<compile_context>
chip_gen: v7x
topology: tpu7x:2x2x1
jax: 0.10.2.dev20260603
libtpu: 0.0.44.dev20260713+nightly
codegen_flags: <defaults>
</compile_context>

<pallas_src>
import functools

import jax
import jax.numpy as jnp
from jax import lax
from jax.experimental import pallas as pl
from jax.experimental.pallas import tpu as pltpu
from jax.experimental.pallas import tpu_sc as plsc

N = 10000
E = 320000
D = 128

NUM_CORES = 2
NUM_SUBCORES = 16
NW = NUM_CORES * NUM_SUBCORES
BLK = 80
NB = 128
G = 8
NG = NB // G
E_PAD = NW * NB * BLK
PAD_ROWS = 128
N_PAD = 10240
ROWS_PER_TILE = N_PAD // NUM_SUBCORES

_mesh = plsc.VectorSubcoreMesh(core_axis_name="c", subcore_axis_name="s")


NR = N_PAD // 128


@functools.partial(
    pl.kernel,
    out_type=jax.ShapeDtypeStruct((NUM_CORES, NR, 128), jnp.float32),
    mesh=_mesh,
    compiler_params=pltpu.CompilerParams(needs_layout_passes=False),
    scratch_types=[
        pltpu.VMEM((NB, BLK), jnp.int32),
        pltpu.VMEM((NR, 128), jnp.float32),
        pltpu.VMEM((1, NR), jnp.int32),
        pltpu.VMEM_SHARED((NR, 128), jnp.float32),
    ],
)
def _sc_degree(dst2d, zeros_hbm, iota_hbm, deg_out, dst_v, hist_v, iota_v,
               deg_sp):
    c = lax.axis_index("c")
    s = lax.axis_index("s")
    wid = c * NUM_SUBCORES + s
    pltpu.sync_copy(dst2d.at[wid], dst_v)
    pltpu.sync_copy(zeros_hbm.at[pl.ds(0, NR)], hist_v)
    pltpu.sync_copy(iota_hbm, iota_v)

    @pl.when(s == 0)
    def _():
        pltpu.sync_copy(zeros_hbm.at[pl.ds(0, NR)], deg_sp)

    def row(r, carry):
        for k in range(BLK // 16):
            idx = dst_v[r, pl.ds(k * 16, 16)]
            cnt, last = plsc.scan_count(idx)
            plsc.addupdate_scatter(
                hist_v,
                [lax.shift_right_logical(idx, 7), lax.bitwise_and(idx, 127)],
                cnt.astype(jnp.float32), mask=last)
        return carry

    lax.fori_loop(0, NB, row, 0)
    plsc.subcore_barrier()
    pltpu.sync_copy(hist_v, deg_sp.at[iota_v.at[0]], add=True)
    plsc.subcore_barrier()

    @pl.when(s == 0)
    def _():
        pltpu.sync_copy(deg_sp, deg_out.at[c])


@functools.partial(
    pl.kernel,
    out_type=jax.ShapeDtypeStruct((NUM_CORES, N_PAD, D), jnp.float32),
    mesh=_mesh,
    scratch_types=[
        pltpu.VMEM((G, BLK), jnp.int32),
        pltpu.VMEM((G, BLK), jnp.int32),
        pltpu.VMEM((G, BLK), jnp.int32),
        pltpu.VMEM((G, BLK), jnp.int32),
        pltpu.VMEM((BLK, D), jnp.float32),
        pltpu.VMEM((BLK, D), jnp.float32),
        pltpu.VMEM((BLK, D), jnp.float32),
        pltpu.VMEM((BLK, D), jnp.float32),
        pltpu.VMEM_SHARED((N_PAD, D), jnp.float32),
        pltpu.SemaphoreType.DMA,
        pltpu.SemaphoreType.DMA,
        pltpu.SemaphoreType.DMA,
        pltpu.SemaphoreType.DMA,
        pltpu.SemaphoreType.DMA,
        pltpu.SemaphoreType.DMA,
        pltpu.SemaphoreType.DMA,
        pltpu.SemaphoreType.DMA,
        pltpu.SemaphoreType.DMA,
        pltpu.SemaphoreType.DMA,
    ],
)
def _sc_aggregate(h_hbm, src2d, dst2d, zeros_hbm, part_out,
                  sidx0, sidx1, didx0, didx1, rows0, rows1, rows2, rows3,
                  acc_sp, gt0, gt1, gt2, gt3, st0, st1, st2, st3, ix0, ix1):
    c = lax.axis_index("c")
    s = lax.axis_index("s")
    wid = c * NUM_SUBCORES + s
    sidx = (sidx0, sidx1)
    didx = (didx0, didx1)
    rows = (rows0, rows1, rows2, rows3)
    gts = (gt0, gt1, gt2, gt3)
    sts = (st0, st1, st2, st3)
    ixs = (ix0, ix1)

    def idx_start(g, slot):
        pltpu.async_copy(src2d.at[wid, pl.ds(g * G, G)], sidx[slot], ixs[slot])
        pltpu.async_copy(dst2d.at[wid, pl.ds(g * G, G)], didx[slot], ixs[slot])

    def idx_wait(g, slot):
        pltpu.make_async_copy(src2d.at[wid, pl.ds(g * G, G)], sidx[slot],
                              ixs[slot]).wait()
        pltpu.make_async_copy(dst2d.at[wid, pl.ds(g * G, G)], didx[slot],
                              ixs[slot]).wait()

    def gth_start(idx_row, p):
        pltpu.async_copy(h_hbm.at[idx_row], rows[p], gts[p])

    def gth_wait(idx_row, p):
        pltpu.make_async_copy(h_hbm.at[idx_row], rows[p], gts[p]).wait()

    def sct_start(idx_row, p):
        pltpu.async_copy(rows[p], acc_sp.at[idx_row], sts[p], add=True)

    def sct_wait(idx_row, p):
        pltpu.make_async_copy(rows[p], acc_sp.at[idx_row], sts[p]).wait()

    pltpu.sync_copy(src2d.at[wid, pl.ds(0, G)], sidx0)
    pltpu.sync_copy(dst2d.at[wid, pl.ds(0, G)], didx0)
    gth_start(sidx0.at[0], 0)
    gth_start(sidx0.at[1], 1)
    gth_start(sidx0.at[2], 2)
    row0 = s * ROWS_PER_TILE
    pltpu.sync_copy(zeros_hbm.at[pl.ds(row0, ROWS_PER_TILE)],
                    acc_sp.at[pl.ds(row0, ROWS_PER_TILE)])
    plsc.subcore_barrier()

    def pair(t, carry):
        for gg in (0, 1):
            g = 2 * t + gg
            slot, oslot = gg, 1 - gg
            for b in range(G):
                j = g * G + b
                p, p3 = b % 4, (b + 3) % 4
                pre = j + 3 < NB
                if b == 0:
                    @pl.when(pre & (j >= 1))
                    def _():
                        sct_wait(didx[oslot].at[G - 1], p3)

                    @pl.when(g + 1 < NG)
                    def _():
                        idx_start(g + 1, oslot)
                else:
                    @pl.when(pre)
                    def _():
                        sct_wait(didx[slot].at[b - 1], p3)

                @pl.when(pre)
                def _():
                    if b == G - 3:
                        idx_wait(g + 1, oslot)
                        gth_start(sidx[oslot].at[0], p3)
                    elif b == G - 2:
                        gth_start(sidx[oslot].at[1], p3)
                    elif b == G - 1:
                        gth_start(sidx[oslot].at[2], p3)
                    else:
                        gth_start(sidx[slot].at[b + 3], p3)

                gth_wait(sidx[slot].at[b], p)
                sct_start(didx[slot].at[b], p)
        return carry

    lax.fori_loop(0, NG // 2, pair, 0)
    sct_wait(didx[1].at[G - 4], 0)
    sct_wait(didx[1].at[G - 3], 1)
    sct_wait(didx[1].at[G - 2], 2)
    sct_wait(didx[1].at[G - 1], 3)
    plsc.subcore_barrier()
    pltpu.sync_copy(acc_sp.at[pl.ds(row0, ROWS_PER_TILE)],
                    part_out.at[c, pl.ds(row0, ROWS_PER_TILE)])


def _dis_from_deg(deg_ref):
    deg = deg_ref[0] + deg_ref[1] + 1.0
    return lax.rsqrt(deg)


def _tc_mm1_body(x_ref, w1_ref, h1_ref):
    h1_ref[...] = jnp.dot(x_ref[...], w1_ref[...],
                          preferred_element_type=jnp.float32)


def _tc_scale_body(deg_ref, h1_ref, h1p_ref):
    deg = deg_ref[0, pl.ds(0, N)] + deg_ref[1, pl.ds(0, N)] + 1.0
    h1p_ref[pl.ds(0, N)] = h1_ref[...] * lax.rsqrt(deg)
    h1p_ref[pl.ds(N, N_PAD - N)] = jnp.zeros((N_PAD - N, D), jnp.float32)


def _tc_mid_body(deg_ref, p_ref, h1p_ref, b1_ref, w2_ref, h2p_ref):
    dis = _dis_from_deg(deg_ref)
    t = (p_ref[0] + p_ref[1] + h1p_ref[...]) * dis + b1_ref[...]
    r = jnp.maximum(t, 0.0)
    h2 = jnp.dot(r, w2_ref[...], preferred_element_type=jnp.float32)
    h2p_ref[...] = h2 * dis


def _tc_post_body(deg_ref, p_ref, h2p_ref, b2_ref, out_ref):
    deg = deg_ref[0, pl.ds(0, N)] + deg_ref[1, pl.ds(0, N)] + 1.0
    dis = lax.rsqrt(deg)
    out_ref[...] = (p_ref[0, pl.ds(0, N)] + p_ref[1, pl.ds(0, N)]
                    + h2p_ref[pl.ds(0, N)]) * dis + b2_ref[...]


_f32 = jnp.float32


def kernel(x, edge_index, W1, b1, W2, b2):
    pad = E_PAD - E
    pad_idx = N + (jnp.arange(pad, dtype=jnp.int32) % PAD_ROWS)
    src2d = jnp.concatenate([edge_index[0], pad_idx]).reshape(NW, NB, BLK)
    dst2d = jnp.concatenate([edge_index[1], pad_idx]).reshape(NW, NB, BLK)
    zeros_big = jnp.zeros((N_PAD, D), _f32)
    iota_nr = jnp.arange(NR, dtype=jnp.int32).reshape(1, NR)
    b1r = b1.reshape(1, D)
    b2r = b2.reshape(1, D)

    deg_parts = _sc_degree(dst2d, zeros_big, iota_nr)
    deg_parts = deg_parts.reshape(NUM_CORES, N_PAD, 1)

    h1 = pl.pallas_call(
        _tc_mm1_body,
        out_shape=jax.ShapeDtypeStruct((N, D), _f32),
    )(x, W1)

    h1p = pl.pallas_call(
        _tc_scale_body,
        out_shape=jax.ShapeDtypeStruct((N_PAD, D), _f32),
    )(deg_parts, h1)

    p1 = _sc_aggregate(h1p, src2d, dst2d, zeros_big)

    h2p = pl.pallas_call(
        _tc_mid_body,
        out_shape=jax.ShapeDtypeStruct((N_PAD, D), _f32),
    )(deg_parts, p1, h1p, b1r, W2)

    p2 = _sc_aggregate(h2p, src2d, dst2d, zeros_big)

    out = pl.pallas_call(
        _tc_post_body,
        out_shape=jax.ShapeDtypeStruct((N, D), _f32),
    )(deg_parts, p2, h2p, b2r)

    return out

# --- scband reference (transcript-rebuilt; emitter-appended) ---
"""Pipeline reference for scband-online-anomaly-detector-14431090114609 (READ-ONLY COPY).

The authoritative reference and input builder live on the scoring server;
editing this copy changes nothing except your own understanding.
"""

import jax, jax.numpy as jnp
import numpy as np

N = 10000
E = 320000
D_IN = 128
D_H = 128
D_OUT = 128


def setup_inputs(seed: int = 0) -> dict:
    key = jax.random.key(seed)
    ks = jax.random.split(key, 6)
    x = jax.random.normal(ks[0], (N, D_IN), dtype=jnp.float32)
    edge_index = jax.random.randint(ks[1], (2, E), 0, N, dtype=jnp.int32)
    W1 = jax.random.normal(ks[2], (D_IN, D_H), dtype=jnp.float32) * (1.0 / np.sqrt(D_IN))
    b1 = jnp.zeros((D_H,), dtype=jnp.float32)
    W2 = jax.random.normal(ks[3], (D_H, D_OUT), dtype=jnp.float32) * (1.0 / np.sqrt(D_H))
    b2 = jnp.zeros((D_OUT,), dtype=jnp.float32)
    return {"x": x, "edge_index": edge_index, "W1": W1, "b1": b1, "W2": W2, "b2": b2}


def _gcn_conv(x, edge_index, W, b):
    # Faithful PyG GCNConv: add self-loops, symmetric deg^{-1/2} normalization,
    # linear transform, scatter-add aggregation src -> dst, bias.
    n = x.shape[0]
    loop = jnp.arange(n, dtype=edge_index.dtype)
    src = jnp.concatenate([edge_index[0], loop])
    dst = jnp.concatenate([edge_index[1], loop])
    deg = jnp.zeros((n,), dtype=jnp.float32).at[dst].add(1.0)
    deg_inv_sqrt = jnp.where(deg > 0, 1.0 / jnp.sqrt(deg), 0.0)
    norm = deg_inv_sqrt[src] * deg_inv_sqrt[dst]
    h = x @ W
    msg = h[src] * norm[:, None]
    out = jnp.zeros_like(h).at[dst].add(msg)
    return out + b


def reference(x, edge_index, W1, b1, W2, b2):
    h = _gcn_conv(x, edge_index, W1, b1)
    h = jax.nn.relu(h)
    out = _gcn_conv(h, edge_index, W2, b2)
    return out

if __name__ == "__main__":
    import jax
    _d = setup_inputs()
    print(jax.jit(kernel)(*tuple(_d.values())))

</pallas_src>

<mosaic_0001>
#map = affine_map<(d0, d1) -> (0, 0)>
#map1 = affine_map<(d0, d1) -> (0, 0, 0)>
module attributes {stable_mosaic.version = 14 : i64} {
  func.func @_sc_aggregate(%arg0: i32, %arg1: i32, %arg2: memref<10240x128xf32, #tpu.memory_space<hbm>>, %arg3: memref<32x128x80xi32, #tpu.memory_space<hbm>>, %arg4: memref<32x128x80xi32, #tpu.memory_space<hbm>>, %arg5: memref<10240x128xf32, #tpu.memory_space<hbm>>, %arg6: memref<2x10240x128xf32, #tpu.memory_space<hbm>>, %arg7: memref<8x80xi32, #tpu.memory_space<vmem>>, %arg8: memref<8x80xi32, #tpu.memory_space<vmem>>, %arg9: memref<8x80xi32, #tpu.memory_space<vmem>>, %arg10: memref<8x80xi32, #tpu.memory_space<vmem>>, %arg11: memref<80x128xf32, #tpu.memory_space<vmem>>, %arg12: memref<80x128xf32, #tpu.memory_space<vmem>>, %arg13: memref<80x128xf32, #tpu.memory_space<vmem>>, %arg14: memref<80x128xf32, #tpu.memory_space<vmem>>, %arg15: memref<10240x128xf32, #tpu.memory_space<vmem_shared>>, %arg16: memref<!tpu.dma_semaphore, #tpu.memory_space<semaphore_mem>>, %arg17: memref<!tpu.dma_semaphore, #tpu.memory_space<semaphore_mem>>, %arg18: memref<!tpu.dma_semaphore, #tpu.memory_space<semaphore_mem>>, %arg19: memref<!tpu.dma_semaphore, #tpu.memory_space<semaphore_mem>>, %arg20: memref<!tpu.dma_semaphore, #tpu.memory_space<semaphore_mem>>, %arg21: memref<!tpu.dma_semaphore, #tpu.memory_space<semaphore_mem>>, %arg22: memref<!tpu.dma_semaphore, #tpu.memory_space<semaphore_mem>>, %arg23: memref<!tpu.dma_semaphore, #tpu.memory_space<semaphore_mem>>, %arg24: memref<!tpu.dma_semaphore, #tpu.memory_space<semaphore_mem>>, %arg25: memref<!tpu.dma_semaphore, #tpu.memory_space<semaphore_mem>>) attributes {dimension_semantics = [#tpu.dimension_semantics<core_parallel>, #tpu.dimension_semantics<subcore_parallel>], iteration_bounds = array<i64: 2, 16>, scalar_prefetch = 0 : i64, scratch_operands = 19 : i64, tpu.core_type = #tpu.core_type<sc_vector_subcore>, window_params = [{transform_indices = #map}, {transform_indices = #map1}, {transform_indices = #map1}, {transform_indices = #map}, {transform_indices = #map1}]} {
    %mul3A = arith.constant 16 : i32
    %mul3A_0 = arith.muli %arg0, %mul3A : i32
    %add3A = arith.addi %mul3A_0, %arg1 : i32
    "tpu.region"() ({
      %run_scoped3A = tpu.sem_alloc : memref<!tpu.dma_semaphore, #tpu.memory_space<semaphore_mem>>
      %dma_start3A_56 = arith.constant 0 : i32
      %dma_start3A_57 = arith.constant 0 : i32
      %dma_start3A_58 = tpu.memref_slice %arg3[%add3A, %dma_start3A_56, %dma_start3A_57] : memref<32x128x80xi32, #tpu.memory_space<hbm>> -> memref<1x8x80xi32, #tpu.memory_space<hbm>>
      %dma_start3A_59 = tpu.memref_squeeze %dma_start3A_58 : memref<1x8x80xi32, #tpu.memory_space<hbm>> -> memref<8x80xi32, #tpu.memory_space<hbm>>
      %dma_start3A_60 = arith.constant 0 : i32
      %dma_start3A_61 = arith.constant 0 : i32
      %dma_start3A_62 = tpu.memref_slice %arg3[%add3A, %dma_start3A_60, %dma_start3A_61] : memref<32x128x80xi32, #tpu.memory_space<hbm>> -> memref<1x8x80xi32, #tpu.memory_space<hbm>>
      %dma_start3A_63 = tpu.memref_squeeze %dma_start3A_62 : memref<1x8x80xi32, #tpu.memory_space<hbm>> -> memref<8x80xi32, #tpu.memory_space<hbm>>
      tpu.enqueue_dma source(%dma_start3A_63 : memref<8x80xi32, #tpu.memory_space<hbm>>) target(%arg7 : memref<8x80xi32, #tpu.memory_space<vmem>>) target_semaphore(%run_scoped3A : memref<!tpu.dma_semaphore, #tpu.memory_space<semaphore_mem>>)
      %dma_wait3A_64 = arith.constant 0 : i32
      %dma_wait3A_65 = arith.constant 0 : i32
      %dma_wait3A_66 = tpu.memref_slice %arg3[%add3A, %dma_wait3A_64, %dma_wait3A_65] : memref<32x128x80xi32, #tpu.memory_space<hbm>> -> memref<1x8x80xi32, #tpu.memory_space<hbm>>
      %dma_wait3A_67 = tpu.memref_squeeze %dma_wait3A_66 : memref<1x8x80xi32, #tpu.memory_space<hbm>> -> memref<8x80xi32, #tpu.memory_space<hbm>>
      %dma_wait3A_68 = arith.constant 0 : i32
      %dma_wait3A_69 = arith.constant 0 : i32
      %dma_wait3A_70 = tpu.memref_slice %arg3[%add3A, %dma_wait3A_68, %dma_wait3A_69] : memref<32x128x80xi32, #tpu.memory_space<hbm>> -> memref<1x8x80xi32, #tpu.memory_space<hbm>>
      %dma_wait3A_71 = tpu.memref_squeeze %dma_wait3A_70 : memref<1x8x80xi32, #tpu.memory_space<hbm>> -> memref<8x80xi32, #tpu.memory_space<hbm>>
      tpu.wait_dma2 semaphore(%run_scoped3A : memref<!tpu.dma_semaphore, #tpu.memory_space<semaphore_mem>>) src(%dma_wait3A_71 : memref<8x80xi32, #tpu.memory_space<hbm>>) dst(%arg7 : memref<8x80xi32, #tpu.memory_space<vmem>>)
      tpu.yield
    }) : () -> ()
    "tpu.region"() ({
      %run_scoped3A = tpu.sem_alloc : memref<!tpu.dma_semaphore, #tpu.memory_space<semaphore_mem>>
      %dma_start3A_56 = arith.constant 0 : i32
      %dma_start3A_57 = arith.constant 0 : i32
      %dma_start3A_58 = tpu.memref_slice %arg4[%add3A, %dma_start3A_56, %dma_start3A_57] : memref<32x128x80xi32, #tpu.memory_space<hbm>> -> memref<1x8x80xi32, #tpu.memory_space<hbm>>
      %dma_start3A_59 = tpu.memref_squeeze %dma_start3A_58 : memref<1x8x80xi32, #tpu.memory_space<hbm>> -> memref<8x80xi32, #tpu.memory_space<hbm>>
      %dma_start3A_60 = arith.constant 0 : i32
      %dma_start3A_61 = arith.constant 0 : i32
      %dma_start3A_62 = tpu.memref_slice %arg4[%add3A, %dma_start3A_60, %dma_start3A_61] : memref<32x128x80xi32, #tpu.memory_space<hbm>> -> memref<1x8x80xi32, #tpu.memory_space<hbm>>
      %dma_start3A_63 = tpu.memref_squeeze %dma_start3A_62 : memref<1x8x80xi32, #tpu.memory_space<hbm>> -> memref<8x80xi32, #tpu.memory_space<hbm>>
      tpu.enqueue_dma source(%dma_start3A_63 : memref<8x80xi32, #tpu.memory_space<hbm>>) target(%arg9 : memref<8x80xi32, #tpu.memory_space<vmem>>) target_semaphore(%run_scoped3A : memref<!tpu.dma_semaphore, #tpu.memory_space<semaphore_mem>>)
      %dma_wait3A_64 = arith.constant 0 : i32
      %dma_wait3A_65 = arith.constant 0 : i32
      %dma_wait3A_66 = tpu.memref_slice %arg4[%add3A, %dma_wait3A_64, %dma_wait3A_65] : memref<32x128x80xi32, #tpu.memory_space<hbm>> -> memref<1x8x80xi32, #tpu.memory_space<hbm>>
      %dma_wait3A_67 = tpu.memref_squeeze %dma_wait3A_66 : memref<1x8x80xi32, #tpu.memory_space<hbm>> -> memref<8x80xi32, #tpu.memory_space<hbm>>
      %dma_wait3A_68 = arith.constant 0 : i32
      %dma_wait3A_69 = arith.constant 0 : i32
      %dma_wait3A_70 = tpu.memref_slice %arg4[%add3A, %dma_wait3A_68, %dma_wait3A_69] : memref<32x128x80xi32, #tpu.memory_space<hbm>> -> memref<1x8x80xi32, #tpu.memory_space<hbm>>
      %dma_wait3A_71 = tpu.memref_squeeze %dma_wait3A_70 : memref<1x8x80xi32, #tpu.memory_space<hbm>> -> memref<8x80xi32, #tpu.memory_space<hbm>>
      tpu.wait_dma2 semaphore(%run_scoped3A : memref<!tpu.dma_semaphore, #tpu.memory_space<semaphore_mem>>) src(%dma_wait3A_71 : memref<8x80xi32, #tpu.memory_space<hbm>>) dst(%arg9 : memref<8x80xi32, #tpu.memory_space<vmem>>)
      tpu.yield
    }) : () -> ()
    %dma_start3A = arith.constant 0 : i32
    %dma_start3A_1 = arith.constant 0 : i32
    %dma_start3A_2 = tpu.memref_slice %arg7[%dma_start3A, %dma_start3A_1] : memref<8x80xi32, #tpu.memory_space<vmem>> -> memref<1x80xi32, #tpu.memory_space<vmem>>
    %dma_start3A_3 = tpu.memref_squeeze %dma_start3A_2 : memref<1x80xi32, #tpu.memory_space<vmem>> -> memref<80xi32, #tpu.memory_space<vmem>>
    %dma_start3A_4 = arith.constant 0 : i32
    %dma_start3A_5 = arith.constant 0 : i32
    %dma_start3A_6 = tpu.memref_slice %arg2[%dma_start3A_4, %dma_start3A_5] : memref<10240x128xf32, #tpu.memory_space<hbm>> -> memref<10240x128xf32, #tpu.memory_space<hbm>>
    tpu.enqueue_indirect_dma source(%dma_start3A_6 : memref<10240x128xf32, #tpu.memory_space<hbm>>) target(%arg11 : memref<80x128xf32, #tpu.memory_space<vmem>>) offsets(%dma_start3A_3 : memref<80xi32, #tpu.memory_space<vmem>>) semaphore(%arg16 : memref<!tpu.dma_semaphore, #tpu.memory_space<semaphore_mem>>)
    %dma_start3A_7 = arith.constant 1 : i32
    %dma_start3A_8 = arith.constant 0 : i32
    %dma_start3A_9 = tpu.memref_slice %arg7[%dma_start3A_7, %dma_start3A_8] : memref<8x80xi32, #tpu.memory_space<vmem>> -> memref<1x80xi32, #tpu.memory_space<vmem>>
    %dma_start3A_10 = tpu.memref_squeeze %dma_start3A_9 : memref<1x80xi32, #tpu.memory_space<vmem>> -> memref<80xi32, #tpu.memory_space<vmem>>
    %dma_start3A_11 = arith.constant 0 : i32
    %dma_start3A_12 = arith.constant 0 : i32
    %dma_start3A_13 = tpu.memref_slice %arg2[%dma_start3A_11, %dma_start3A_12] : memref<10240x128xf32, #tpu.memory_space<hbm>> -> memref<10240x128xf32, #tpu.memory_space<hbm>>
    tpu.enqueue_indirect_dma source(%dma_start3A_13 : memref<10240x128xf32, #tpu.memory_space<hbm>>) target(%arg12 : memref<80x128xf32, #tpu.memory_space<vmem>>) offsets(%dma_start3A_10 : memref<80xi32, #tpu.memory_space<vmem>>) semaphore(%arg17 : memref<!tpu.dma_semaphore, #tpu.memory_space<semaphore_mem>>)
    %dma_start3A_14 = arith.constant 2 : i32
    %dma_start3A_15 = arith.constant 0 : i32
    %dma_start3A_16 = tpu.memref_slice %arg7[%dma_start3A_14, %dma_start3A_15] : memref<8x80xi32, #tpu.memory_space<vmem>> -> memref<1x80xi32, #tpu.memory_space<vmem>>
    %dma_start3A_17 = tpu.memref_squeeze %dma_start3A_16 : memref<1x80xi32, #tpu.memory_space<vmem>> -> memref<80xi32, #tpu.memory_space<vmem>>
    %dma_start3A_18 = arith.constant 0 : i32
    %dma_start3A_19 = arith.constant 0 : i32
    %dma_start3A_20 = tpu.memref_slice %arg2[%dma_start3A_18, %dma_start3A_19] : memref<10240x128xf32, #tpu.memory_space<hbm>> -> memref<10240x128xf32, #tpu.memory_space<hbm>>
    tpu.enqueue_indirect_dma source(%dma_start3A_20 : memref<10240x128xf32, #tpu.memory_space<hbm>>) target(%arg13 : memref<80x128xf32, #tpu.memory_space<vmem>>) offsets(%dma_start3A_17 : memref<80xi32, #tpu.memory_space<vmem>>) semaphore(%arg18 : memref<!tpu.dma_semaphore, #tpu.memory_space<semaphore_mem>>)
    %mul3A_21 = arith.constant 640 : i32
    %mul3A_22 = arith.muli %arg1, %mul3A_21 : i32
    "tpu.region"() ({
      %run_scoped3A = tpu.sem_alloc : memref<!tpu.dma_semaphore, #tpu.memory_space<semaphore_mem>>
      %dma_start3A_56 = arith.constant 0 : i32
      %dma_start3A_57 = tpu.memref_slice %arg15[%mul3A_22, %dma_start3A_56] : memref<10240x128xf32, #tpu.memory_space<vmem_shared>> -> memref<640x128xf32, #tpu.memory_space<vmem_shared>>
      %dma_start3A_58 = arith.constant 0 : i32
      %dma_start3A_59 = tpu.memref_slice %arg5[%mul3A_22, %dma_start3A_58] : memref<10240x128xf32, #tpu.memory_space<hbm>> -> memref<640x128xf32, #tpu.memory_space<hbm>>
      tpu.enqueue_dma source(%dma_start3A_59 : memref<640x128xf32, #tpu.memory_space<hbm>>) target(%dma_start3A_57 : memref<640x128xf32, #tpu.memory_space<vmem_shared>>) target_semaphore(%run_scoped3A : memref<!tpu.dma_semaphore, #tpu.memory_space<semaphore_mem>>)
      %dma_wait3A_60 = arith.constant 0 : i32
      %dma_wait3A_61 = tpu.memref_slice %arg15[%mul3A_22, %dma_wait3A_60] : memref<10240x128xf32, #tpu.memory_space<vmem_shared>> -> memref<640x128xf32, #tpu.memory_space<vmem_shared>>
      %dma_wait3A_62 = arith.constant 0 : i32
      %dma_wait3A_63 = tpu.memref_slice %arg5[%mul3A_22, %dma_wait3A_62] : memref<10240x128xf32, #tpu.memory_space<hbm>> -> memref<640x128xf32, #tpu.memory_space<hbm>>
      tpu.wait_dma2 semaphore(%run_scoped3A : memref<!tpu.dma_semaphore, #tpu.memory_space<semaphore_mem>>) src(%dma_wait3A_63 : memref<640x128xf32, #tpu.memory_space<hbm>>) dst(%dma_wait3A_61 : memref<640x128xf32, #tpu.memory_space<vmem_shared>>)
      tpu.yield
    }) : () -> ()
    %barrier3A = arith.constant 0 : index
    tpu.barrier barrier_id(%barrier3A)
    %scan3A = arith.constant 0 : i32
    %scan3A_23 = arith.constant 0 : i32
    %scan3A_24 = arith.constant 8 : i32
    %scan3A_25 = arith.addi %scan3A_23, %scan3A_24 : i32
    %scan3A_26 = arith.constant 1 : i32
    scf.for %scan3A_56 = %scan3A_23 to %scan3A_25 step %scan3A_26  : i32 {
      %mul3A_57 = arith.constant 2 : i32
      %mul3A_58 = arith.muli %mul3A_57, %scan3A_56 : i32
      %add3A_59 = arith.constant 0 : i32
      %add3A_60 = arith.addi %mul3A_58, %add3A_59 : i32
      %mul3A_61 = arith.constant 8 : i32
      %mul3A_62 = arith.muli %add3A_60, %mul3A_61 : i32
      %add3A_63 = arith.constant 0 : i32
      %add3A_64 = arith.addi %mul3A_62, %add3A_63 : i32
      %add3A_65 = arith.constant 3 : i32
      %add3A_66 = arith.addi %add3A_64, %add3A_65 : i32
      %lt3A = arith.constant 128 : i32
      %lt3A_67 = arith.cmpi slt, %add3A_66, %lt3A : i32
      %ge3A = arith.constant 1 : i32
      %ge3A_68 = arith.cmpi sge, %add3A_64, %ge3A : i32
      %and3A = arith.andi %lt3A_67, %ge3A_68 : i1
      %convert_element_type3A = arith.extui %and3A : i1 to i32
      %cond3A = arith.constant 0 : i32
      %cond3A_69 = arith.cmpi ne, %convert_element_type3A, %cond3A : i32
      scf.if %cond3A_69 {
        %dma_wait3A_528 = arith.constant 7 : i32
        %dma_wait3A_529 = arith.constant 0 : i32
        %dma_wait3A_530 = tpu.memref_slice %arg10[%dma_wait3A_528, %dma_wait3A_529] : memref<8x80xi32, #tpu.memory_space<vmem>> -> memref<1x80xi32, #tpu.memory_space<vmem>>
        %dma_wait3A_531 = tpu.memref_squeeze %dma_wait3A_530 : memref<1x80xi32, #tpu.memory_space<vmem>> -> memref<80xi32, #tpu.memory_space<vmem>>
        %dma_wait3A_532 = arith.constant 0 : i32
        %dma_wait3A_533 = arith.constant 0 : i32
        %dma_wait3A_534 = tpu.memref_slice %arg15[%dma_wait3A_532, %dma_wait3A_533] : memref<10240x128xf32, #tpu.memory_space<vmem_shared>> -> memref<10240x128xf32, #tpu.memory_space<vmem_shared>>
        tpu.wait_indirect_dma semaphore(%arg23 : memref<!tpu.dma_semaphore, #tpu.memory_space<semaphore_mem>>) src(%arg14 : memref<80x128xf32, #tpu.memory_space<vmem>>) dst(%dma_wait3A_534 : memref<10240x128xf32, #tpu.memory_space<vmem_shared>>)
      } else {
      }
      %add3A_70 = arith.constant 1 : i32
      %add3A_71 = arith.addi %add3A_60, %add3A_70 : i32
      %lt3A_72 = arith.constant 16 : i32
      %lt3A_73 = arith.cmpi slt, %add3A_71, %lt3A_72 : i32
      %convert_element_type3A_74 = arith.extui %lt3A_73 : i1 to i32
      %cond3A_75 = arith.constant 0 : i32
      %cond3A_76 = arith.cmpi ne, %convert_element_type3A_74, %cond3A_75 : i32
      scf.if %cond3A_76 {
        %add3A_528 = arith.constant 1 : i32
        %add3A_529 = arith.addi %add3A_60, %add3A_528 : i32
        %mul3A_530 = arith.constant 8 : i32
        %mul3A_531 = arith.muli %add3A_529, %mul3A_530 : i32
        %dma_start3A_532 = arith.constant 0 : i32
        %dma_start3A_533 = tpu.memref_slice %arg3[%add3A, %mul3A_531, %dma_start3A_532] : memref<32x128x80xi32, #tpu.memory_space<hbm>> -> memref<1x8x80xi32, #tpu.memory_space<hbm>>
        %dma_start3A_534 = tpu.memref_squeeze %dma_start3A_533 : memref<1x8x80xi32, #tpu.memory_space<hbm>> -> memref<8x80xi32, #tpu.memory_space<hbm>>
        %dma_start3A_535 = arith.constant 0 : i32
        %dma_start3A_536 = tpu.memref_slice %arg3[%add3A, %mul3A_531, %dma_start3A_535] : memref<32x128x80xi32, #tpu.memory_space<hbm>> -> memref<1x8x80xi32, #tpu.memory_space<hbm>>
        %dma_start3A_537 = tpu.memref_squeeze %dma_start3A_536 : memref<1x8x80xi32, #tpu.memory_space<hbm>> -> memref<8x80xi32, #tpu.memory_space<hbm>>
        tpu.enqueue_dma source(%dma_start3A_537 : memref<8x80xi32, #tpu.memory_space<hbm>>) target(%arg8 : memref<8x80xi32, #tpu.memory_space<vmem>>) target_semaphore(%arg25 : memref<!tpu.dma_semaphore, #tpu.memory_space<semaphore_mem>>)
        %mul3A_538 = arith.constant 8 : i32
        %mul3A_539 = arith.muli %add3A_529, %mul3A_538 : i32
        %dma_start3A_540 = arith.constant 0 : i32
        %dma_start3A_541 = tpu.memref_slice %arg4[%add3A, %mul3A_539, %dma_start3A_540] : memref<32x128x80xi32, #tpu.memory_space<hbm>> -> memref<1x8x80xi32, #tpu.memory_space<hbm>>
        %dma_start3A_542 = tpu.memref_squeeze %dma_start3A_541 : memref<1x8x80xi32, #tpu.memory_space<hbm>> -> memref<8x80xi32, #tpu.memory_space<hbm>>
        %dma_start3A_543 = arith.constant 0 : i32
        %dma_start3A_544 = tpu.memref_slice %arg4[%add3A, %mul3A_539, %dma_start3A_543] : memref<32x128x80xi32, #tpu.memory_space<hbm>> -> memref<1x8x80xi32, #tpu.memory_space<hbm>>
        %dma_start3A_545 = tpu.memref_squeeze %dma_start3A_544 : memref<1x8x80xi32, #tpu.memory_space<hbm>> -> memref<8x80xi32, #tpu.memory_space<hbm>>
        tpu.enqueue_dma source(%dma_start3A_545 : memref<8x80xi32, #tpu.memory_space<hbm>>) target(%arg10 : memref<8x80xi32, #tpu.memory_space<vmem>>) target_semaphore(%arg25 : memref<!tpu.dma_semaphore, #tpu.memory_space<semaphore_mem>>)
      } else {
      }
      %convert_element_type3A_77 = arith.extui %lt3A_67 : i1 to i32
      %cond3A_78 = arith.constant 0 : i32
      %cond3A_79 = arith.cmpi ne, %convert_element_type3A_77, %cond3A_78 : i32
      scf.if %cond3A_79 {
        %dma_start3A_528 = arith.constant 3 : i32
        %dma_start3A_529 = arith.constant 0 : i32
        %dma_start3A_530 = tpu.memref_slice %arg7[%dma_start3A_528, %dma_start3A_529] : memref<8x80xi32, #tpu.memory_space<vmem>> -> memref<1x80xi32, #tpu.memory_space<vmem>>
        %dma_start3A_531 = tpu.memref_squeeze %dma_start3A_530 : memref<1x80xi32, #tpu.memory_space<vmem>> -> memref<80xi32, #tpu.memory_space<vmem>>
        %dma_start3A_532 = arith.constant 0 : i32
        %dma_start3A_533 = arith.constant 0 : i32
        %dma_start3A_534 = tpu.memref_slice %arg2[%dma_start3A_532, %dma_start3A_533] : memref<10240x128xf32, #tpu.memory_space<hbm>> -> memref<10240x128xf32, #tpu.memory_space<hbm>>
        tpu.enqueue_indirect_dma source(%dma_start3A_534 : memref<10240x128xf32, #tpu.memory_space<hbm>>) target(%arg14 : memref<80x128xf32, #tpu.memory_space<vmem>>) offsets(%dma_start3A_531 : memref<80xi32, #tpu.memory_space<vmem>>) semaphore(%arg19 : memref<!tpu.dma_semaphore, #tpu.memory_space<semaphore_mem>>)
      } else {
      }
      %dma_wait3A_80 = arith.constant 0 : i32
      %dma_wait3A_81 = arith.constant 0 : i32
      %dma_wait3A_82 = tpu.memref_slice %arg7[%dma_wait3A_80, %dma_wait3A_81] : memref<8x80xi32, #tpu.memory_space<vmem>> -> memref<1x80xi32, #tpu.memory_space<vmem>>
      %dma_wait3A_83 = tpu.memref_squeeze %dma_wait3A_82 : memref<1x80xi32, #tpu.memory_space<vmem>> -> memref<80xi32, #tpu.memory_space<vmem>>
      %dma_wait3A_84 = arith.constant 0 : i32
      %dma_wait3A_85 = arith.constant 0 : i32
      %dma_wait3A_86 = tpu.memref_slice %arg2[%dma_wait3A_84, %dma_wait3A_85] : memref<10240x128xf32, #tpu.memory_space<hbm>> -> memref<10240x128xf32, #tpu.memory_space<hbm>>
      tpu.wait_indirect_dma semaphore(%arg16 : memref<!tpu.dma_semaphore, #tpu.memory_space<semaphore_mem>>) src(%dma_wait3A_86 : memref<10240x128xf32, #tpu.memory_space<hbm>>) dst(%arg11 : memref<80x128xf32, #tpu.memory_space<vmem>>)
      %dma_start3A_87 = arith.constant 0 : i32
      %dma_start3A_88 = arith.constant 0 : i32
      %dma_start3A_89 = tpu.memref_slice %arg9[%dma_start3A_87, %dma_start3A_88] : memref<8x80xi32, #tpu.memory_space<vmem>> -> memref<1x80xi32, #tpu.memory_space<vmem>>
      %dma_start3A_90 = tpu.memref_squeeze %dma_start3A_89 : memref<1x80xi32, #tpu.memory_space<vmem>> -> memref<80xi32, #tpu.memory_space<vmem>>
      %dma_start3A_91 = arith.constant 0 : i32
      %dma_start3A_92 = arith.constant 0 : i32
      %dma_start3A_93 = tpu.memref_slice %arg15[%dma_start3A_91, %dma_start3A_92] : memref<10240x128xf32, #tpu.memory_space<vmem_shared>> -> memref<10240x128xf32, #tpu.memory_space<vmem_shared>>
      tpu.enqueue_indirect_dma source(%arg11 : memref<80x128xf32, #tpu.memory_space<vmem>>) target(%dma_start3A_93 : memref<10240x128xf32, #tpu.memory_space<vmem_shared>>) offsets(%dma_start3A_90 : memref<80xi32, #tpu.memory_space<vmem>>) semaphore(%arg20 : memref<!tpu.dma_semaphore, #tpu.memory_space<semaphore_mem>>) {add = true}
      %mul3A_94 = arith.constant 8 : i32
      %mul3A_95 = arith.muli %add3A_60, %mul3A_94 : i32
      %add3A_96 = arith.constant 1 : i32
      %add3A_97 = arith.addi %mul3A_95, %add3A_96 : i32
      %add3A_98 = arith.constant 3 : i32
      %add3A_99 = arith.addi %add3A_97, %add3A_98 : i32
      %lt3A_100 = arith.constant 128 : i32
      %lt3A_101 = arith.cmpi slt, %add3A_99, %lt3A_100 : i32
      %convert_element_type3A_102 = arith.extui %lt3A_101 : i1 to i32
      %cond3A_103 = arith.constant 0 : i32
      %cond3A_104 = arith.cmpi ne, %convert_element_type3A_102, %cond3A_103 : i32
      scf.if %cond3A_104 {
        %dma_wait3A_528 = arith.constant 0 : i32
        %dma_wait3A_529 = arith.constant 0 : i32
        %dma_wait3A_530 = tpu.memref_slice %arg9[%dma_wait3A_528, %dma_wait3A_529] : memref<8x80xi32, #tpu.memory_space<vmem>> -> memref<1x80xi32, #tpu.memory_space<vmem>>
        %dma_wait3A_531 = tpu.memref_squeeze %dma_wait3A_530 : memref<1x80xi32, #tpu.memory_space<vmem>> -> memref<80xi32, #tpu.memory_space<vmem>>
        %dma_wait3A_532 = arith.constant 0 : i32
        %dma_wait3A_533 = arith.constant 0 : i32
        %dma_wait3A_534 = tpu.memref_slice %arg15[%dma_wait3A_532, %dma_wait3A_533] : memref<10240x128xf32, #tpu.memory_space<vmem_shared>> -> memref<10240x128xf32, #tpu.memory_space<vmem_shared>>
        tpu.wait_indirect_dma semaphore(%arg20 : memref<!tpu.dma_semaphore, #tpu.memory_space<semaphore_mem>>) src(%arg11 : memref<80x128xf32, #tpu.memory_space<vmem>>) dst(%dma_wait3A_534 : memref<10240x128xf32, #tpu.memory_space<vmem_shared>>)
      } else {
      }
      %convert_element_type3A_105 = arith.extui %lt3A_101 : i1 to i32
      %cond3A_106 = arith.constant 0 : i32
      %cond3A_107 = arith.cmpi ne, %convert_element_type3A_105, %cond3A_106 : i32
      scf.if %cond3A_107 {
        %dma_start3A_528 = arith.constant 4 : i32
        %dma_start3A_529 = arith.constant 0 : i32
        %dma_start3A_530 = tpu.memref_slice %arg7[%dma_start3A_528, %dma_start3A_529] : memref<8x80xi32, #tpu.memory_space<vmem>> -> memref<1x80xi32, #tpu.memory_space<vmem>>
        %dma_start3A_531 = tpu.memref_squeeze %dma_start3A_530 : memref<1x80xi32, #tpu.memory_space<vmem>> -> memref<80xi32, #tpu.memory_space<vmem>>
        %dma_start3A_532 = arith.constant 0 : i32
        %dma_start3A_533 = arith.constant 0 : i32
        %dma_start3A_534 = tpu.memref_slice %arg2[%dma_start3A_532, %dma_start3A_533] : memref<10240x128xf32, #tpu.memory_space<hbm>> -> memref<10240x128xf32, #tpu.memory_space<hbm>>
        tpu.enqueue_indirect_dma source(%dma_start3A_534 : memref<10240x128xf32, #tpu.memory_space<hbm>>) target(%arg11 : memref<80x128xf32, #tpu.memory_space<vmem>>) offsets(%dma_start3A_531 : memref<80xi32, #tpu.memory_space<vmem>>) semaphore(%arg16 : memref<!tpu.dma_semaphore, #tpu.memory_space<semaphore_mem>>)
      } else {
      }
      %dma_wait3A_108 = arith.constant 1 : i32
      %dma_wait3A_109 = arith.constant 0 : i32
      %dma_wait3A_110 = tpu.memref_slice %arg7[%dma_wait3A_108, %dma_wait3A_109] : memref<8x80xi32, #tpu.memory_space<vmem>> -> memref<1x80xi32, #tpu.memory_space<vmem>>
      %dma_wait3A_111 = tpu.memref_squeeze %dma_wait3A_110 : memref<1x80xi32, #tpu.memory_space<vmem>> -> memref<80xi32, #tpu.memory_space<vmem>>
      %dma_wait3A_112 = arith.constant 0 : i32
      %dma_wait3A_113 = arith.constant 0 : i32
      %dma_wait3A_114 = tpu.memref_slice %arg2[%dma_wait3A_112, %dma_wait3A_113] : memref<10240x128xf32, #tpu.memory_space<hbm>> -> memref<10240x128xf32, #tpu.memory_space<hbm>>
      tpu.wait_indirect_dma semaphore(%arg17 : memref<!tpu.dma_semaphore, #tpu.memory_space<semaphore_mem>>) src(%dma_wait3A_114 : memref<10240x128xf32, #tpu.memory_space<hbm>>) dst(%arg12 : memref<80x128xf32, #tpu.memory_space<vmem>>)
      %dma_start3A_115 = arith.constant 1 : i32
      %dma_start3A_116 = arith.constant 0 : i32
      %dma_start3A_117 = tpu.memref_slice %arg9[%dma_start3A_115, %dma_start3A_116] : memref<8x80xi32, #tpu.memory_space<vmem>> -> memref<1x80xi32, #tpu.memory_space<vmem>>
      %dma_start3A_118 = tpu.memref_squeeze %dma_start3A_117 : memref<1x80xi32, #tpu.memory_space<vmem>> -> memref<80xi32, #tpu.memory_space<vmem>>
      %dma_start3A_119 = arith.constant 0 : i32
      %dma_start3A_120 = arith.constant 0 : i32
      %dma_start3A_121 = tpu.memref_slice %arg15[%dma_start3A_119, %dma_start3A_120] : memref<10240x128xf32, #tpu.memory_space<vmem_shared>> -> memref<10240x128xf32, #tpu.memory_space<vmem_shared>>
      tpu.enqueue_indirect_dma source(%arg12 : memref<80x128xf32, #tpu.memory_space<vmem>>) target(%dma_start3A_121 : memref<10240x128xf32, #tpu.memory_space<vmem_shared>>) offsets(%dma_start3A_118 : memref<80xi32, #tpu.memory_space<vmem>>) semaphore(%arg21 : memref<!tpu.dma_semaphore, #tpu.memory_space<semaphore_mem>>) {add = true}
      %mul3A_122 = arith.constant 8 : i32
      %mul3A_123 = arith.muli %add3A_60, %mul3A_122 : i32
      %add3A_124 = arith.constant 2 : i32
      %add3A_125 = arith.addi %mul3A_123, %add3A_124 : i32
      %add3A_126 = arith.constant 3 : i32
      %add3A_127 = arith.addi %add3A_125, %add3A_126 : i32
      %lt3A_128 = arith.constant 128 : i32
      %lt3A_129 = arith.cmpi slt, %add3A_127, %lt3A_128 : i32
      %convert_element_type3A_130 = arith.extui %lt3A_129 : i1 to i32
      %cond3A_131 = arith.constant 0 : i32
      %cond3A_132 = arith.cmpi ne, %convert_element_type3A_130, %cond3A_131 : i32
      scf.if %cond3A_132 {
        %dma_wait3A_528 = arith.constant 1 : i32
        %dma_wait3A_529 = arith.constant 0 : i32
        %dma_wait3A_530 = tpu.memref_slice %arg9[%dma_wait3A_528, %dma_wait3A_529] : memref<8x80xi32, #tpu.memory_space<vmem>> -> memref<1x80xi32, #tpu.memory_space<vmem>>
        %dma_wait3A_531 = tpu.memref_squeeze %dma_wait3A_530 : memref<1x80xi32, #tpu.memory_space<vmem>> -> memref<80xi32, #tpu.memory_space<vmem>>
        %dma_wait3A_532 = arith.constant 0 : i32
        %dma_wait3A_533 = arith.constant 0 : i32
        %dma_wait3A_534 = tpu.memref_slice %arg15[%dma_wait3A_532, %dma_wait3A_533] : memref<10240x128xf32, #tpu.memory_space<vmem_shared>> -> memref<10240x128xf32, #tpu.memory_space<vmem_shared>>
        tpu.wait_indirect_dma semaphore(%arg21 : memref<!tpu.dma_semaphore, #tpu.memory_space<semaphore_mem>>) src(%arg12 : memref<80x128xf32, #tpu.memory_space<vmem>>) dst(%dma_wait3A_534 : memref<10240x128xf32, #tpu.memory_space<vmem_shared>>)
      } else {
      }
      %convert_element_type3A_133 = arith.extui %lt3A_129 : i1 to i32
      %cond3A_134 = arith.constant 0 : i32
      %cond3A_135 = arith.cmpi ne, %convert_element_type3A_133, %cond3A_134 : i32
      scf.if %cond3A_135 {
        %dma_start3A_528 = arith.constant 5 : i32
        %dma_start3A_529 = arith.constant 0 : i32
        %dma_start3A_530 = tpu.memref_slice %arg7[%dma_start3A_528, %dma_start3A_529] : memref<8x80xi32, #tpu.memory_space<vmem>> -> memref<1x80xi32, #tpu.memory_space<vmem>>
        %dma_start3A_531 = tpu.memref_squeeze %dma_start3A_530 : memref<1x80xi32, #tpu.memory_space<vmem>> -> memref<80xi32, #tpu.memory_space<vmem>>
        %dma_start3A_532 = arith.constant 0 : i32
        %dma_start3A_533 = arith.constant 0 : i32
        %dma_start3A_534 = tpu.memref_slice %arg2[%dma_start3A_532, %dma_start3A_533] : memref<10240x128xf32, #tpu.memory_space<hbm>> -> memref<10240x128xf32, #tpu.memory_space<hbm>>
        tpu.enqueue_indirect_dma source(%dma_start3A_534 : memref<10240x128xf32, #tpu.memory_space<hbm>>) target(%arg12 : memref<80x128xf32, #tpu.memory_space<vmem>>) offsets(%dma_start3A_531 : memref<80xi32, #tpu.memory_space<vmem>>) semaphore(%arg17 : memref<!tpu.dma_semaphore, #tpu.memory_space<semaphore_mem>>)
      } else {
      }
      %dma_wait3A_136 = arith.constant 2 : i32
      %dma_wait3A_137 = arith.constant 0 : i32
      %dma_wait3A_138 = tpu.memref_slice %arg7[%dma_wait3A_136, %dma_wait3A_137] : memref<8x80xi32, #tpu.memory_space<vmem>> -> memref<1x80xi32, #tpu.memory_space<vmem>>
      %dma_wait3A_139 = tpu.memref_squeeze %dma_wait3A_138 : memref<1x80xi32, #tpu.memory_space<vmem>> -> memref<80xi32, #tpu.memory_space<vmem>>
      %dma_wait3A_140 = arith.constant 0 : i32
      %dma_wait3A_141 = arith.constant 0 : i32
      %dma_wait3A_142 = tpu.memref_slice %arg2[%dma_wait3A_140, %dma_wait3A_141] : memref<10240x128xf32, #tpu.memory_space<hbm>> -> memref<10240x128xf32, #tpu.memory_space<hbm>>
      tpu.wait_indirect_dma semaphore(%arg18 : memref<!tpu.dma_semaphore, #tpu.memory_space<semaphore_mem>>) src(%dma_wait3A_142 : memref<10240x128xf32, #tpu.memory_space<hbm>>) dst(%arg13 : memref<80x128xf32, #tpu.memory_space<vmem>>)
      %dma_start3A_143 = arith.constant 2 : i32
      %dma_start3A_144 = arith.constant 0 : i32
      %dma_start3A_145 = tpu.memref_slice %arg9[%dma_start3A_143, %dma_start3A_144] : memref<8x80xi32, #tpu.memory_space<vmem>> -> memref<1x80xi32, #tpu.memory_space<vmem>>
      %dma_start3A_146 = tpu.memref_squeeze %dma_start3A_145 : memref<1x80xi32, #tpu.memory_space<vmem>> -> memref<80xi32, #tpu.memory_space<vmem>>
      %dma_start3A_147 = arith.constant 0 : i32
      %dma_start3A_148 = arith.constant 0 : i32
      %dma_start3A_149 = tpu.memref_slice %arg15[%dma_start3A_147, %dma_start3A_148] : memref<10240x128xf32, #tpu.memory_space<vmem_shared>> -> memref<10240x128xf32, #tpu.memory_space<vmem_shared>>
      tpu.enqueue_indirect_dma source(%arg13 : memref<80x128xf32, #tpu.memory_space<vmem>>) target(%dma_start3A_149 : memref<10240x128xf32, #tpu.memory_space<vmem_shared>>) offsets(%dma_start3A_146 : memref<80xi32, #tpu.memory_space<vmem>>) semaphore(%arg22 : memref<!tpu.dma_semaphore, #tpu.memory_space<semaphore_mem>>) {add = true}
      %mul3A_150 = arith.constant 8 : i32
      %mul3A_151 = arith.muli %add3A_60, %mul3A_150 : i32
      %add3A_152 = arith.constant 3 : i32
      %add3A_153 = arith.addi %mul3A_151, %add3A_152 : i32
      %add3A_154 = arith.constant 3 : i32
      %add3A_155 = arith.addi %add3A_153, %add3A_154 : i32
      %lt3A_156 = arith.constant 128 : i32
      %lt3A_157 = arith.cmpi slt, %add3A_155, %lt3A_156 : i32
      %convert_element_type3A_158 = arith.extui %lt3A_157 : i1 to i32
      %cond3A_159 = arith.constant 0 : i32
      %cond3A_160 = arith.cmpi ne, %convert_element_type3A_158, %cond3A_159 : i32
      scf.if %cond3A_160 {
        %dma_wait3A_528 = arith.constant 2 : i32
        %dma_wait3A_529 = arith.constant 0 : i32
        %dma_wait3A_530 = tpu.memref_slice %arg9[%dma_wait3A_528, %dma_wait3A_529] : memref<8x80xi32, #tpu.memory_space<vmem>> -> memref<1x80xi32, #tpu.memory_space<vmem>>
        %dma_wait3A_531 = tpu.memref_squeeze %dma_wait3A_530 : memref<1x80xi32, #tpu.memory_space<vmem>> -> memref<80xi32, #tpu.memory_space<vmem>>
        %dma_wait3A_532 = arith.constant 0 : i32
        %dma_wait3A_533 = arith.constant 0 : i32
        %dma_wait3A_534 = tpu.memref_slice %arg15[%dma_wait3A_532, %dma_wait3A_533] : memref<10240x128xf32, #tpu.memory_space<vmem_shared>> -> memref<10240x128xf32, #tpu.memory_space<vmem_shared>>
        tpu.wait_indirect_dma semaphore(%arg22 : memref<!tpu.dma_semaphore, #tpu.memory_space<semaphore_mem>>) src(%arg13 : memref<80x128xf32, #tpu.memory_space<vmem>>) dst(%dma_wait3A_534 : memref<10240x128xf32, #tpu.memory_space<vmem_shared>>)
      } else {
      }
      %convert_element_type3A_161 = arith.extui %lt3A_157 : i1 to i32
      %cond3A_162 = arith.constant 0 : i32
      %cond3A_163 = arith.cmpi ne, %convert_element_type3A_161, %cond3A_162 : i32
      scf.if %cond3A_163 {
        %dma_start3A_528 = arith.constant 6 : i32
        %dma_start3A_529 = arith.constant 0 : i32
        %dma_start3A_530 = tpu.memref_slice %arg7[%dma_start3A_528, %dma_start3A_529] : memref<8x80xi32, #tpu.memory_space<vmem>> -> memref<1x80xi32, #tpu.memory_space<vmem>>
        %dma_start3A_531 = tpu.memref_squeeze %dma_start3A_530 : memref<1x80xi32, #tpu.memory_space<vmem>> -> memref<80xi32, #tpu.memory_space<vmem>>
        %dma_start3A_532 = arith.constant 0 : i32
        %dma_start3A_533 = arith.constant 0 : i32
        %dma_start3A_534 = tpu.memref_slice %arg2[%dma_start3A_532, %dma_start3A_533] : memref<10240x128xf32, #tpu.memory_space<hbm>> -> memref<10240x128xf32, #tpu.memory_space<hbm>>
        tpu.enqueue_indirect_dma source(%dma_start3A_534 : memref<10240x128xf32, #tpu.memory_space<hbm>>) target(%arg13 : memref<80x128xf32, #tpu.memory_space<vmem>>) offsets(%dma_start3A_531 : memref<80xi32, #tpu.memory_space<vmem>>) semaphore(%arg18 : memref<!tpu.dma_semaphore, #tpu.memory_space<semaphore_mem>>)
      } else {
      }
      %dma_wait3A_164 = arith.constant 3 : i32
      %dma_wait3A_165 = arith.constant 0 : i32
      %dma_wait3A_166 = tpu.memref_slice %arg7[%dma_wait3A_164, %dma_wait3A_165] : memref<8x80xi32, #tpu.memory_space<vmem>> -> memref<1x80xi32, #tpu.memory_space<vmem>>
      %dma_wait3A_167 = tpu.memref_squeeze %dma_wait3A_166 : memref<1x80xi32, #tpu.memory_space<vmem>> -> memref<80xi32, #tpu.memory_space<vmem>>
      %dma_wait3A_168 = arith.constant 0 : i32
      %dma_wait3A_169 = arith.constant 0 : i32
      %dma_wait3A_170 = tpu.memref_slice %arg2[%dma_wait3A_168, %dma_wait3A_169] : memref<10240x128xf32, #tpu.memory_space<hbm>> -> memref<10240x128xf32, #tpu.memory_space<hbm>>
      tpu.wait_indirect_dma semaphore(%arg19 : memref<!tpu.dma_semaphore, #tpu.memory_space<semaphore_mem>>) src(%dma_wait3A_170 : memref<10240x128xf32, #tpu.memory_space<hbm>>) dst(%arg14 : memref<80x128xf32, #tpu.memory_space<vmem>>)
      %dma_start3A_171 = arith.constant 3 : i32
      %dma_start3A_172 = arith.constant 0 : i32
      %dma_start3A_173 = tpu.memref_slice %arg9[%dma_start3A_171, %dma_start3A_172] : memref<8x80xi32, #tpu.memory_space<vmem>> -> memref<1x80xi32, #tpu.memory_space<vmem>>
      %dma_start3A_174 = tpu.memref_squeeze %dma_start3A_173 : memref<1x80xi32, #tpu.memory_space<vmem>> -> memref<80xi32, #tpu.memory_space<vmem>>
      %dma_start3A_175 = arith.constant 0 : i32
      %dma_start3A_176 = arith.constant 0 : i32
      %dma_start3A_177 = tpu.memref_slice %arg15[%dma_start3A_175, %dma_start3A_176] : memref<10240x128xf32, #tpu.memory_space<vmem_shared>> -> memref<10240x128xf32, #tpu.memory_space<vmem_shared>>
      tpu.enqueue_indirect_dma source(%arg14 : memref<80x128xf32, #tpu.memory_space<vmem>>) target(%dma_start3A_177 : memref<10240x128xf32, #tpu.memory_space<vmem_shared>>) offsets(%dma_start3A_174 : memref<80xi32, #tpu.memory_space<vmem>>) semaphore(%arg23 : memref<!tpu.dma_semaphore, #tpu.memory_space<semaphore_mem>>) {add = true}
      %mul3A_178 = arith.constant 8 : i32
      %mul3A_179 = arith.muli %add3A_60, %mul3A_178 : i32
      %add3A_180 = arith.constant 4 : i32
      %add3A_181 = arith.addi %mul3A_179, %add3A_180 : i32
      %add3A_182 = arith.constant 3 : i32
      %add3A_183 = arith.addi %add3A_181, %add3A_182 : i32
      %lt3A_184 = arith.constant 128 : i32
      %lt3A_185 = arith.cmpi slt, %add3A_183, %lt3A_184 : i32
      %convert_element_type3A_186 = arith.extui %lt3A_185 : i1 to i32
      %cond3A_187 = arith.constant 0 : i32
      %cond3A_188 = arith.cmpi ne, %convert_element_type3A_186, %cond3A_187 : i32
      scf.if %cond3A_188 {
        %dma_wait3A_528 = arith.constant 3 : i32
        %dma_wait3A_529 = arith.constant 0 : i32
        %dma_wait3A_530 = tpu.memref_slice %arg9[%dma_wait3A_528, %dma_wait3A_529] : memref<8x80xi32, #tpu.memory_space<vmem>> -> memref<1x80xi32, #tpu.memory_space<vmem>>
        %dma_wait3A_531 = tpu.memref_squeeze %dma_wait3A_530 : memref<1x80xi32, #tpu.memory_space<vmem>> -> memref<80xi32, #tpu.memory_space<vmem>>
        %dma_wait3A_532 = arith.constant 0 : i32
        %dma_wait3A_533 = arith.constant 0 : i32
        %dma_wait3A_534 = tpu.memref_slice %arg15[%dma_wait3A_532, %dma_wait3A_533] : memref<10240x128xf32, #tpu.memory_space<vmem_shared>> -> memref<10240x128xf32, #tpu.memory_space<vmem_shared>>
        tpu.wait_indirect_dma semaphore(%arg23 : memref<!tpu.dma_semaphore, #tpu.memory_space<semaphore_mem>>) src(%arg14 : memref<80x128xf32, #tpu.memory_space<vmem>>) dst(%dma_wait3A_534 : memref<10240x128xf32, #tpu.memory_space<vmem_shared>>)
      } else {
      }
      %convert_element_type3A_189 = arith.extui %lt3A_185 : i1 to i32
      %cond3A_190 = arith.constant 0 : i32
      %cond3A_191 = arith.cmpi ne, %convert_element_type3A_189, %cond3A_190 : i32
      scf.if %cond3A_191 {
        %dma_start3A_528 = arith.constant 7 : i32
        %dma_start3A_529 = arith.constant 0 : i32
        %dma_start3A_530 = tpu.memref_slice %arg7[%dma_start3A_528, %dma_start3A_529] : memref<8x80xi32, #tpu.memory_space<vmem>> -> memref<1x80xi32, #tpu.memory_space<vmem>>
        %dma_start3A_531 = tpu.memref_squeeze %dma_start3A_530 : memref<1x80xi32, #tpu.memory_space<vmem>> -> memref<80xi32, #tpu.memory_space<vmem>>
        %dma_start3A_532 = arith.constant 0 : i32
        %dma_start3A_533 = arith.constant 0 : i32
        %dma_start3A_534 = tpu.memref_slice %arg2[%dma_start3A_532, %dma_start3A_533] : memref<10240x128xf32, #tpu.memory_space<hbm>> -> memref<10240x128xf32, #tpu.memory_space<hbm>>
        tpu.enqueue_indirect_dma source(%dma_start3A_534 : memref<10240x128xf32, #tpu.memory_space<hbm>>) target(%arg14 : memref<80x128xf32, #tpu.memory_space<vmem>>) offsets(%dma_start3A_531 : memref<80xi32, #tpu.memory_space<vmem>>) semaphore(%arg19 : memref<!tpu.dma_semaphore, #tpu.memory_space<semaphore_mem>>)
      } else {
      }
      %dma_wait3A_192 = arith.constant 4 : i32
      %dma_wait3A_193 = arith.constant 0 : i32
      %dma_wait3A_194 = tpu.memref_slice %arg7[%dma_wait3A_192, %dma_wait3A_193] : memref<8x80xi32, #tpu.memory_space<vmem>> -> memref<1x80xi32, #tpu.memory_space<vmem>>
      %dma_wait3A_195 = tpu.memref_squeeze %dma_wait3A_194 : memref<1x80xi32, #tpu.memory_space<vmem>> -> memref<80xi32, #tpu.memory_space<vmem>>
      %dma_wait3A_196 = arith.constant 0 : i32
      %dma_wait3A_197 = arith.constant 0 : i32
      %dma_wait3A_198 = tpu.memref_slice %arg2[%dma_wait3A_196, %dma_wait3A_197] : memref<10240x128xf32, #tpu.memory_space<hbm>> -> memref<10240x128xf32, #tpu.memory_space<hbm>>
      tpu.wait_indirect_dma semaphore(%arg16 : memref<!tpu.dma_semaphore, #tpu.memory_space<semaphore_mem>>) src(%dma_wait3A_198 : memref<10240x128xf32, #tpu.memory_space<hbm>>) dst(%arg11 : memref<80x128xf32, #tpu.memory_space<vmem>>)
      %dma_start3A_199 = arith.constant 4 : i32
      %dma_start3A_200 = arith.constant 0 : i32
      %dma_start3A_201 = tpu.memref_slice %arg9[%dma_start3A_199, %dma_start3A_200] : memref<8x80xi32, #tpu.memory_space<vmem>> -> memref<1x80xi32, #tpu.memory_space<vmem>>
      %dma_start3A_202 = tpu.memref_squeeze %dma_start3A_201 : memref<1x80xi32, #tpu.memory_space<vmem>> -> memref<80xi32, #tpu.memory_space<vmem>>
      %dma_start3A_203 = arith.constant 0 : i32
      %dma_start3A_204 = arith.constant 0 : i32
      %dma_start3A_205 = tpu.memref_slice %arg15[%dma_start3A_203, %dma_start3A_204] : memref<10240x128xf32, #tpu.memory_space<vmem_shared>> -> memref<10240x128xf32, #tpu.memory_space<vmem_shared>>
      tpu.enqueue_indirect_dma source(%arg11 : memref<80x128xf32, #tpu.memory_space<vmem>>) target(%dma_start3A_205 : memref<10240x128xf32, #tpu.memory_space<vmem_shared>>) offsets(%dma_start3A_202 : memref<80xi32, #tpu.memory_space<vmem>>) semaphore(%arg20 : memref<!tpu.dma_semaphore, #tpu.memory_space<semaphore_mem>>) {add = true}
      %mul3A_206 = arith.constant 8 : i32
      %mul3A_207 = arith.muli %add3A_60, %mul3A_206 : i32
      %add3A_208 = arith.constant 5 : i32
      %add3A_209 = arith.addi %mul3A_207, %add3A_208 : i32
      %add3A_210 = arith.constant 3 : i32
      %add3A_211 = arith.addi %add3A_209, %add3A_210 : i32
      %lt3A_212 = arith.constant 128 : i32
      %lt3A_213 = arith.cmpi slt, %add3A_211, %lt3A_212 : i32
      %convert_element_type3A_214 = arith.extui %lt3A_213 : i1 to i32
      %cond3A_215 = arith.constant 0 : i32
      %cond3A_216 = arith.cmpi ne, %convert_element_type3A_214, %cond3A_215 : i32
      scf.if %cond3A_216 {
        %dma_wait3A_528 = arith.constant 4 : i32
        %dma_wait3A_529 = arith.constant 0 : i32
        %dma_wait3A_530 = tpu.memref_slice %arg9[%dma_wait3A_528, %dma_wait3A_529] : memref<8x80xi32, #tpu.memory_space<vmem>> -> memref<1x80xi32, #tpu.memory_space<vmem>>
        %dma_wait3A_531 = tpu.memref_squeeze %dma_wait3A_530 : memref<1x80xi32, #tpu.memory_space<vmem>> -> memref<80xi32, #tpu.memory_space<vmem>>
        %dma_wait3A_532 = arith.constant 0 : i32
        %dma_wait3A_533 = arith.constant 0 : i32
        %dma_wait3A_534 = tpu.memref_slice %arg15[%dma_wait3A_532, %dma_wait3A_533] : memref<10240x128xf32, #tpu.memory_space<vmem_shared>> -> memref<10240x128xf32, #tpu.memory_space<vmem_shared>>
        tpu.wait_indirect_dma semaphore(%arg20 : memref<!tpu.dma_semaphore, #tpu.memory_space<semaphore_mem>>) src(%arg11 : memref<80x128xf32, #tpu.memory_space<vmem>>) dst(%dma_wait3A_534 : memref<10240x128xf32, #tpu.memory_space<vmem_shared>>)
      } else {
      }
      %convert_element_type3A_217 = arith.extui %lt3A_213 : i1 to i32
      %cond3A_218 = arith.constant 0 : i32
      %cond3A_219 = arith.cmpi ne, %convert_element_type3A_217, %cond3A_218 : i32
      scf.if %cond3A_219 {
        %add3A_528 = arith.constant 1 : i32
        %add3A_529 = arith.addi %add3A_60, %add3A_528 : i32
        %mul3A_530 = arith.constant 8 : i32
        %mul3A_531 = arith.muli %add3A_529, %mul3A_530 : i32
        %dma_wait3A_532 = arith.constant 0 : i32
        %dma_wait3A_533 = tpu.memref_slice %arg3[%add3A, %mul3A_531, %dma_wait3A_532] : memref<32x128x80xi32, #tpu.memory_space<hbm>> -> memref<1x8x80xi32, #tpu.memory_space<hbm>>
        %dma_wait3A_534 = tpu.memref_squeeze %dma_wait3A_533 : memref<1x8x80xi32, #tpu.memory_space<hbm>> -> memref<8x80xi32, #tpu.memory_space<hbm>>
        %dma_wait3A_535 = arith.constant 0 : i32
        %dma_wait3A_536 = tpu.memref_slice %arg3[%add3A, %mul3A_531, %dma_wait3A_535] : memref<32x128x80xi32, #tpu.memory_space<hbm>> -> memref<1x8x80xi32, #tpu.memory_space<hbm>>
        %dma_wait3A_537 = tpu.memref_squeeze %dma_wait3A_536 : memref<1x8x80xi32, #tpu.memory_space<hbm>> -> memref<8x80xi32, #tpu.memory_space<hbm>>
        tpu.wait_dma2 semaphore(%arg25 : memref<!tpu.dma_semaphore, #tpu.memory_space<semaphore_mem>>) src(%dma_wait3A_537 : memref<8x80xi32, #tpu.memory_space<hbm>>) dst(%arg8 : memref<8x80xi32, #tpu.memory_space<vmem>>)
        %mul3A_538 = arith.constant 8 : i32
        %mul3A_539 = arith.muli %add3A_529, %mul3A_538 : i32
        %dma_wait3A_540 = arith.constant 0 : i32
        %dma_wait3A_541 = tpu.memref_slice %arg4[%add3A, %mul3A_539, %dma_wait3A_540] : memref<32x128x80xi32, #tpu.memory_space<hbm>> -> memref<1x8x80xi32, #tpu.memory_space<hbm>>
        %dma_wait3A_542 = tpu.memref_squeeze %dma_wait3A_541 : memref<1x8x80xi32, #tpu.memory_space<hbm>> -> memref<8x80xi32, #tpu.memory_space<hbm>>
        %dma_wait3A_543 = arith.constant 0 : i32
        %dma_wait3A_544 = tpu.memref_slice %arg4[%add3A, %mul3A_539, %dma_wait3A_543] : memref<32x128x80xi32, #tpu.memory_space<hbm>> -> memref<1x8x80xi32, #tpu.memory_space<hbm>>
        %dma_wait3A_545 = tpu.memref_squeeze %dma_wait3A_544 : memref<1x8x80xi32, #tpu.memory_space<hbm>> -> memref<8x80xi32, #tpu.memory_space<hbm>>
        tpu.wait_dma2 semaphore(%arg25 : memref<!tpu.dma_semaphore, #tpu.memory_space<semaphore_mem>>) src(%dma_wait3A_545 : memref<8x80xi32, #tpu.memory_space<hbm>>) dst(%arg10 : memref<8x80xi32, #tpu.memory_space<vmem>>)
        %dma_start3A_546 = arith.constant 0 : i32
        %dma_start3A_547 = arith.constant 0 : i32
        %dma_start3A_548 = tpu.memref_slice %arg8[%dma_start3A_546, %dma_start3A_547] : memref<8x80xi32, #tpu.memory_space<vmem>> -> memref<1x80xi32, #tpu.memory_space<vmem>>
        %dma_start3A_549 = tpu.memref_squeeze %dma_start3A_548 : memref<1x80xi32, #tpu.memory_space<vmem>> -> memref<80xi32, #tpu.memory_space<vmem>>
        %dma_start3A_550 = arith.constant 0 : i32
        %dma_start3A_551 = arith.constant 0 : i32
        %dma_start3A_552 = tpu.memref_slice %arg2[%dma_start3A_550, %dma_start3A_551] : memref<10240x128xf32, #tpu.memory_space<hbm>> -> memref<10240x128xf32, #tpu.memory_space<hbm>>
        tpu.enqueue_indirect_dma source(%dma_start3A_552 : memref<10240x128xf32, #tpu.memory_space<hbm>>) target(%arg11 : memref<80x128xf32, #tpu.memory_space<vmem>>) offsets(%dma_start3A_549 : memref<80xi32, #tpu.memory_space<vmem>>) semaphore(%arg16 : memref<!tpu.dma_semaphore, #tpu.memory_space<semaphore_mem>>)
      } else {
      }
      %dma_wait3A_220 = arith.constant 5 : i32
      %dma_wait3A_221 = arith.constant 0 : i32
      %dma_wait3A_222 = tpu.memref_slice %arg7[%dma_wait3A_220, %dma_wait3A_221] : memref<8x80xi32, #tpu.memory_space<vmem>> -> memref<1x80xi32, #tpu.memory_space<vmem>>
      %dma_wait3A_223 = tpu.memref_squeeze %dma_wait3A_222 : memref<1x80xi32, #tpu.memory_space<vmem>> -> memref<80xi32, #tpu.memory_space<vmem>>
      %dma_wait3A_224 = arith.constant 0 : i32
      %dma_wait3A_225 = arith.constant 0 : i32
      %dma_wait3A_226 = tpu.memref_slice %arg2[%dma_wait3A_224, %dma_wait3A_225] : memref<10240x128xf32, #tpu.memory_space<hbm>> -> memref<10240x128xf32, #tpu.memory_space<hbm>>
      tpu.wait_indirect_dma semaphore(%arg17 : memref<!tpu.dma_semaphore, #tpu.memory_space<semaphore_mem>>) src(%dma_wait3A_226 : memref<10240x128xf32, #tpu.memory_space<hbm>>) dst(%arg12 : memref<80x128xf32, #tpu.memory_space<vmem>>)
      %dma_start3A_227 = arith.constant 5 : i32
      %dma_start3A_228 = arith.constant 0 : i32
      %dma_start3A_229 = tpu.memref_slice %arg9[%dma_start3A_227, %dma_start3A_228] : memref<8x80xi32, #tpu.memory_space<vmem>> -> memref<1x80xi32, #tpu.memory_space<vmem>>
      %dma_start3A_230 = tpu.memref_squeeze %dma_start3A_229 : memref<1x80xi32, #tpu.memory_space<vmem>> -> memref<80xi32, #tpu.memory_space<vmem>>
      %dma_start3A_231 = arith.constant 0 : i32
      %dma_start3A_232 = arith.constant 0 : i32
      %dma_start3A_233 = tpu.memref_slice %arg15[%dma_start3A_231, %dma_start3A_232] : memref<10240x128xf32, #tpu.memory_space<vmem_shared>> -> memref<10240x128xf32, #tpu.memory_space<vmem_shared>>
      tpu.enqueue_indirect_dma source(%arg12 : memref<80x128xf32, #tpu.memory_space<vmem>>) target(%dma_start3A_233 : memref<10240x128xf32, #tpu.memory_space<vmem_shared>>) offsets(%dma_start3A_230 : memref<80xi32, #tpu.memory_space<vmem>>) semaphore(%arg21 : memref<!tpu.dma_semaphore, #tpu.memory_space<semaphore_mem>>) {add = true}
      %mul3A_234 = arith.constant 8 : i32
      %mul3A_235 = arith.muli %add3A_60, %mul3A_234 : i32
      %add3A_236 = arith.constant 6 : i32
      %add3A_237 = arith.addi %mul3A_235, %add3A_236 : i32
      %add3A_238 = arith.constant 3 : i32
      %add3A_239 = arith.addi %add3A_237, %add3A_238 : i32
      %lt3A_240 = arith.constant 128 : i32
      %lt3A_241 = arith.cmpi slt, %add3A_239, %lt3A_240 : i32
      %convert_element_type3A_242 = arith.extui %lt3A_241 : i1 to i32
      %cond3A_243 = arith.constant 0 : i32
      %cond3A_244 = arith.cmpi ne, %convert_element_type3A_242, %cond3A_243 : i32
      scf.if %cond3A_244 {
        %dma_wait3A_528 = arith.constant 5 : i32
        %dma_wait3A_529 = arith.constant 0 : i32
        %dma_wait3A_530 = tpu.memref_slice %arg9[%dma_wait3A_528, %dma_wait3A_529] : memref<8x80xi32, #tpu.memory_space<vmem>> -> memref<1x80xi32, #tpu.memory_space<vmem>>
        %dma_wait3A_531 = tpu.memref_squeeze %dma_wait3A_530 : memref<1x80xi32, #tpu.memory_space<vmem>> -> memref<80xi32, #tpu.memory_space<vmem>>
        %dma_wait3A_532 = arith.constant 0 : i32
        %dma_wait3A_533 = arith.constant 0 : i32
        %dma_wait3A_534 = tpu.memref_slice %arg15[%dma_wait3A_532, %dma_wait3A_533] : memref<10240x128xf32, #tpu.memory_space<vmem_shared>> -> memref<10240x128xf32, #tpu.memory_space<vmem_shared>>
        tpu.wait_indirect_dma semaphore(%arg21 : memref<!tpu.dma_semaphore, #tpu.memory_space<semaphore_mem>>) src(%arg12 : memref<80x128xf32, #tpu.memory_space<vmem>>) dst(%dma_wait3A_534 : memref<10240x128xf32, #tpu.memory_space<vmem_shared>>)
      } else {
      }
      %convert_element_type3A_245 = arith.extui %lt3A_241 : i1 to i32
      %cond3A_246 = arith.constant 0 : i32
      %cond3A_247 = arith.cmpi ne, %convert_element_type3A_245, %cond3A_246 : i32
      scf.if %cond3A_247 {
        %dma_start3A_528 = arith.constant 1 : i32
        %dma_start3A_529 = arith.constant 0 : i32
        %dma_start3A_530 = tpu.memref_slice %arg8[%dma_start3A_528, %dma_start3A_529] : memref<8x80xi32, #tpu.memory_space<vmem>> -> memref<1x80xi32, #tpu.memory_space<vmem>>
        %dma_start3A_531 = tpu.memref_squeeze %dma_start3A_530 : memref<1x80xi32, #tpu.memory_space<vmem>> -> memref<80xi32, #tpu.memory_space<vmem>>
        %dma_start3A_532 = arith.constant 0 : i32
        %dma_start3A_533 = arith.constant 0 : i32
        %dma_start3A_534 = tpu.memref_slice %arg2[%dma_start3A_532, %dma_start3A_533] : memref<10240x128xf32, #tpu.memory_space<hbm>> -> memref<10240x128xf32, #tpu.memory_space<hbm>>
        tpu.enqueue_indirect_dma source(%dma_start3A_534 : memref<10240x128xf32, #tpu.memory_space<hbm>>) target(%arg12 : memref<80x128xf32, #tpu.memory_space<vmem>>) offsets(%dma_start3A_531 : memref<80xi32, #tpu.memory_space<vmem>>) semaphore(%arg17 : memref<!tpu.dma_semaphore, #tpu.memory_space<semaphore_mem>>)
      } else {
      }
      %dma_wait3A_248 = arith.constant 6 : i32
      %dma_wait3A_249 = arith.constant 0 : i32
      %dma_wait3A_250 = tpu.memref_slice %arg7[%dma_wait3A_248, %dma_wait3A_249] : memref<8x80xi32, #tpu.memory_space<vmem>> -> memref<1x80xi32, #tpu.memory_space<vmem>>
      %dma_wait3A_251 = tpu.memref_squeeze %dma_wait3A_250 : memref<1x80xi32, #tpu.memory_space<vmem>> -> memref<80xi32, #tpu.memory_space<vmem>>
      %dma_wait3A_252 = arith.constant 0 : i32
      %dma_wait3A_253 = arith.constant 0 : i32
      %dma_wait3A_254 = tpu.memref_slice %arg2[%dma_wait3A_252, %dma_wait3A_253] : memref<10240x128xf32, #tpu.memory_space<hbm>> -> memref<10240x128xf32, #tpu.memory_space<hbm>>
      tpu.wait_indirect_dma semaphore(%arg18 : memref<!tpu.dma_semaphore, #tpu.memory_space<semaphore_mem>>) src(%dma_wait3A_254 : memref<10240x128xf32, #tpu.memory_space<hbm>>) dst(%arg13 : memref<80x128xf32, #tpu.memory_space<vmem>>)
      %dma_start3A_255 = arith.constant 6 : i32
      %dma_start3A_256 = arith.constant 0 : i32
      %dma_start3A_257 = tpu.memref_slice %arg9[%dma_start3A_255, %dma_start3A_256] : memref<8x80xi32, #tpu.memory_space<vmem>> -> memref<1x80xi32, #tpu.memory_space<vmem>>
      %dma_start3A_258 = tpu.memref_squeeze %dma_start3A_257 : memref<1x80xi32, #tpu.memory_space<vmem>> -> memref<80xi32, #tpu.memory_space<vmem>>
      %dma_start3A_259 = arith.constant 0 : i32
      %dma_start3A_260 = arith.constant 0 : i32
      %dma_start3A_261 = tpu.memref_slice %arg15[%dma_start3A_259, %dma_start3A_260] : memref<10240x128xf32, #tpu.memory_space<vmem_shared>> -> memref<10240x128xf32, #tpu.memory_space<vmem_shared>>
      tpu.enqueue_indirect_dma source(%arg13 : memref<80x128xf32, #tpu.memory_space<vmem>>) target(%dma_start3A_261 : memref<10240x128xf32, #tpu.memory_space<vmem_shared>>) offsets(%dma_start3A_258 : memref<80xi32, #tpu.memory_space<vmem>>) semaphore(%arg22 : memref<!tpu.dma_semaphore, #tpu.memory_space<semaphore_mem>>) {add = true}
      %mul3A_262 = arith.constant 8 : i32
      %mul3A_263 = arith.muli %add3A_60, %mul3A_262 : i32
      %add3A_264 = arith.constant 7 : i32
      %add3A_265 = arith.addi %mul3A_263, %add3A_264 : i32
      %add3A_266 = arith.constant 3 : i32
      %add3A_267 = arith.addi %add3A_265, %add3A_266 : i32
      %lt3A_268 = arith.constant 128 : i32
      %lt3A_269 = arith.cmpi slt, %add3A_267, %lt3A_268 : i32
      %convert_element_type3A_270 = arith.extui %lt3A_269 : i1 to i32
      %cond3A_271 = arith.constant 0 : i32
      %cond3A_272 = arith.cmpi ne, %convert_element_type3A_270, %cond3A_271 : i32
      scf.if %cond3A_272 {
        %dma_wait3A_528 = arith.constant 6 : i32
        %dma_wait3A_529 = arith.constant 0 : i32
        %dma_wait3A_530 = tpu.memref_slice %arg9[%dma_wait3A_528, %dma_wait3A_529] : memref<8x80xi32, #tpu.memory_space<vmem>> -> memref<1x80xi32, #tpu.memory_space<vmem>>
        %dma_wait3A_531 = tpu.memref_squeeze %dma_wait3A_530 : memref<1x80xi32, #tpu.memory_space<vmem>> -> memref<80xi32, #tpu.memory_space<vmem>>
        %dma_wait3A_532 = arith.constant 0 : i32
        %dma_wait3A_533 = arith.constant 0 : i32
        %dma_wait3A_534 = tpu.memref_slice %arg15[%dma_wait3A_532, %dma_wait3A_533] : memref<10240x128xf32, #tpu.memory_space<vmem_shared>> -> memref<10240x128xf32, #tpu.memory_space<vmem_shared>>
        tpu.wait_indirect_dma semaphore(%arg22 : memref<!tpu.dma_semaphore, #tpu.memory_space<semaphore_mem>>) src(%arg13 : memref<80x128xf32, #tpu.memory_space<vmem>>) dst(%dma_wait3A_534 : memref<10240x128xf32, #tpu.memory_space<vmem_shared>>)
      } else {
      }
      %convert_element_type3A_273 = arith.extui %lt3A_269 : i1 to i32
      %cond3A_274 = arith.constant 0 : i32
      %cond3A_275 = arith.cmpi ne, %convert_element_type3A_273, %cond3A_274 : i32
      scf.if %cond3A_275 {
        %dma_start3A_528 = arith.constant 2 : i32
        %dma_start3A_529 = arith.constant 0 : i32
        %dma_start3A_530 = tpu.memref_slice %arg8[%dma_start3A_528, %dma_start3A_529] : memref<8x80xi32, #tpu.memory_space<vmem>> -> memref<1x80xi32, #tpu.memory_space<vmem>>
        %dma_start3A_531 = tpu.memref_squeeze %dma_start3A_530 : memref<1x80xi32, #tpu.memory_space<vmem>> -> memref<80xi32, #tpu.memory_space<vmem>>
        %dma_start3A_532 = arith.constant 0 : i32
        %dma_start3A_533 = arith.constant 0 : i32
        %dma_start3A_534 = tpu.memref_slice %arg2[%dma_start3A_532, %dma_start3A_533] : memref<10240x128xf32, #tpu.memory_space<hbm>> -> memref<10240x128xf32, #tpu.memory_space<hbm>>
        tpu.enqueue_indirect_dma source(%dma_start3A_534 : memref<10240x128xf32, #tpu.memory_space<hbm>>) target(%arg13 : memref<80x128xf32, #tpu.memory_space<vmem>>) offsets(%dma_start3A_531 : memref<80xi32, #tpu.memory_space<vmem>>) semaphore(%arg18 : memref<!tpu.dma_semaphore, #tpu.memory_space<semaphore_mem>>)
      } else {
      }
      %dma_wait3A_276 = arith.constant 7 : i32
      %dma_wait3A_277 = arith.constant 0 : i32
      %dma_wait3A_278 = tpu.memref_slice %arg7[%dma_wait3A_276, %dma_wait3A_277] : memref<8x80xi32, #tpu.memory_space<vmem>> -> memref<1x80xi32, #tpu.memory_space<vmem>>
      %dma_wait3A_279 = tpu.memref_squeeze %dma_wait3A_278 : memref<1x80xi32, #tpu.memory_space<vmem>> -> memref<80xi32, #tpu.memory_space<vmem>>
      %dma_wait3A_280 = arith.constant 0 : i32
      %dma_wait3A_281 = arith.constant 0 : i32
      %dma_wait3A_282 = tpu.memref_slice %arg2[%dma_wait3A_280, %dma_wait3A_281] : memref<10240x128xf32, #tpu.memory_space<hbm>> -> memref<10240x128xf32, #tpu.memory_space<hbm>>
      tpu.wait_indirect_dma semaphore(%arg19 : memref<!tpu.dma_semaphore, #tpu.memory_space<semaphore_mem>>) src(%dma_wait3A_282 : memref<10240x128xf32, #tpu.memory_space<hbm>>) dst(%arg14 : memref<80x128xf32, #tpu.memory_space<vmem>>)
      %dma_start3A_283 = arith.constant 7 : i32
      %dma_start3A_284 = arith.constant 0 : i32
      %dma_start3A_285 = tpu.memref_slice %arg9[%dma_start3A_283, %dma_start3A_284] : memref<8x80xi32, #tpu.memory_space<vmem>> -> memref<1x80xi32, #tpu.memory_space<vmem>>
      %dma_start3A_286 = tpu.memref_squeeze %dma_start3A_285 : memref<1x80xi32, #tpu.memory_space<vmem>> -> memref<80xi32, #tpu.memory_space<vmem>>
      %dma_start3A_287 = arith.constant 0 : i32
      %dma_start3A_288 = arith.constant 0 : i32
      %dma_start3A_289 = tpu.memref_slice %arg15[%dma_start3A_287, %dma_start3A_288] : memref<10240x128xf32, #tpu.memory_space<vmem_shared>> -> memref<10240x128xf32, #tpu.memory_space<vmem_shared>>
      tpu.enqueue_indirect_dma source(%arg14 : memref<80x128xf32, #tpu.memory_space<vmem>>) target(%dma_start3A_289 : memref<10240x128xf32, #tpu.memory_space<vmem_shared>>) offsets(%dma_start3A_286 : memref<80xi32, #tpu.memory_space<vmem>>) semaphore(%arg23 : memref<!tpu.dma_semaphore, #tpu.memory_space<semaphore_mem>>) {add = true}
      %mul3A_290 = arith.constant 2 : i32
      %mul3A_291 = arith.muli %mul3A_290, %scan3A_56 : i32
      %add3A_292 = arith.constant 1 : i32
      %add3A_293 = arith.addi %mul3A_291, %add3A_292 : i32
      %mul3A_294 = arith.constant 8 : i32
      %mul3A_295 = arith.muli %add3A_293, %mul3A_294 : i32
      %add3A_296 = arith.constant 0 : i32
      %add3A_297 = arith.addi %mul3A_295, %add3A_296 : i32
      %add3A_298 = arith.constant 3 : i32
      %add3A_299 = arith.addi %add3A_297, %add3A_298 : i32
      %lt3A_300 = arith.constant 128 : i32
      %lt3A_301 = arith.cmpi slt, %add3A_299, %lt3A_300 : i32
      %ge3A_302 = arith.constant 1 : i32
      %ge3A_303 = arith.cmpi sge, %add3A_297, %ge3A_302 : i32
      %and3A_304 = arith.andi %lt3A_301, %ge3A_303 : i1
      %convert_element_type3A_305 = arith.extui %and3A_304 : i1 to i32
      %cond3A_306 = arith.constant 0 : i32
      %cond3A_307 = arith.cmpi ne, %convert_element_type3A_305, %cond3A_306 : i32
      scf.if %cond3A_307 {
        %dma_wait3A_528 = arith.constant 7 : i32
        %dma_wait3A_529 = arith.constant 0 : i32
        %dma_wait3A_530 = tpu.memref_slice %arg9[%dma_wait3A_528, %dma_wait3A_529] : memref<8x80xi32, #tpu.memory_space<vmem>> -> memref<1x80xi32, #tpu.memory_space<vmem>>
        %dma_wait3A_531 = tpu.memref_squeeze %dma_wait3A_530 : memref<1x80xi32, #tpu.memory_space<vmem>> -> memref<80xi32, #tpu.memory_space<vmem>>
        %dma_wait3A_532 = arith.constant 0 : i32
        %dma_wait3A_533 = arith.constant 0 : i32
        %dma_wait3A_534 = tpu.memref_slice %arg15[%dma_wait3A_532, %dma_wait3A_533] : memref<10240x128xf32, #tpu.memory_space<vmem_shared>> -> memref<10240x128xf32, #tpu.memory_space<vmem_shared>>
        tpu.wait_indirect_dma semaphore(%arg23 : memref<!tpu.dma_semaphore, #tpu.memory_space<semaphore_mem>>) src(%arg14 : memref<80x128xf32, #tpu.memory_space<vmem>>) dst(%dma_wait3A_534 : memref<10240x128xf32, #tpu.memory_space<vmem_shared>>)
      } else {
      }
      %add3A_308 = arith.constant 1 : i32
      %add3A_309 = arith.addi %add3A_293, %add3A_308 : i32
      %lt3A_310 = arith.constant 16 : i32
      %lt3A_311 = arith.cmpi slt, %add3A_309, %lt3A_310 : i32
      %convert_element_type3A_312 = arith.extui %lt3A_311 : i1 to i32
      %cond3A_313 = arith.constant 0 : i32
      %cond3A_314 = arith.cmpi ne, %convert_element_type3A_312, %cond3A_313 : i32
      scf.if %cond3A_314 {
        %add3A_528 = arith.constant 1 : i32
        %add3A_529 = arith.addi %add3A_293, %add3A_528 : i32
        %mul3A_530 = arith.constant 8 : i32
        %mul3A_531 = arith.muli %add3A_529, %mul3A_530 : i32
        %dma_start3A_532 = arith.constant 0 : i32
        %dma_start3A_533 = tpu.memref_slice %arg3[%add3A, %mul3A_531, %dma_start3A_532] : memref<32x128x80xi32, #tpu.memory_space<hbm>> -> memref<1x8x80xi32, #tpu.memory_space<hbm>>
        %dma_start3A_534 = tpu.memref_squeeze %dma_start3A_533 : memref<1x8x80xi32, #tpu.memory_space<hbm>> -> memref<8x80xi32, #tpu.memory_space<hbm>>
        %dma_start3A_535 = arith.constant 0 : i32
        %dma_start3A_536 = tpu.memref_slice %arg3[%add3A, %mul3A_531, %dma_start3A_535] : memref<32x128x80xi32, #tpu.memory_space<hbm>> -> memref<1x8x80xi32, #tpu.memory_space<hbm>>
        %dma_start3A_537 = tpu.memref_squeeze %dma_start3A_536 : memref<1x8x80xi32, #tpu.memory_space<hbm>> -> memref<8x80xi32, #tpu.memory_space<hbm>>
        tpu.enqueue_dma source(%dma_start3A_537 : memref<8x80xi32, #tpu.memory_space<hbm>>) target(%arg7 : memref<8x80xi32, #tpu.memory_space<vmem>>) target_semaphore(%arg24 : memref<!tpu.dma_semaphore, #tpu.memory_space<semaphore_mem>>)
        %mul3A_538 = arith.constant 8 : i32
        %mul3A_539 = arith.muli %add3A_529, %mul3A_538 : i32
        %dma_start3A_540 = arith.constant 0 : i32
        %dma_start3A_541 = tpu.memref_slice %arg4[%add3A, %mul3A_539, %dma_start3A_540] : memref<32x128x80xi32, #tpu.memory_space<hbm>> -> memref<1x8x80xi32, #tpu.memory_space<hbm>>
        %dma_start3A_542 = tpu.memref_squeeze %dma_start3A_541 : memref<1x8x80xi32, #tpu.memory_space<hbm>> -> memref<8x80xi32, #tpu.memory_space<hbm>>
        %dma_start3A_543 = arith.constant 0 : i32
        %dma_start3A_544 = tpu.memref_slice %arg4[%add3A, %mul3A_539, %dma_start3A_543] : memref<32x128x80xi32, #tpu.memory_space<hbm>> -> memref<1x8x80xi32, #tpu.memory_space<hbm>>
        %dma_start3A_545 = tpu.memref_squeeze %dma_start3A_544 : memref<1x8x80xi32, #tpu.memory_space<hbm>> -> memref<8x80xi32, #tpu.memory_space<hbm>>
        tpu.enqueue_dma source(%dma_start3A_545 : memref<8x80xi32, #tpu.memory_space<hbm>>) target(%arg9 : memref<8x80xi32, #tpu.memory_space<vmem>>) target_semaphore(%arg24 : memref<!tpu.dma_semaphore, #tpu.memory_space<semaphore_mem>>)
      } else {
      }
      %convert_element_type3A_315 = arith.extui %lt3A_301 : i1 to i32
      %cond3A_316 = arith.constant 0 : i32
      %cond3A_317 = arith.cmpi ne, %convert_element_type3A_315, %cond3A_316 : i32
      scf.if %cond3A_317 {
        %dma_start3A_528 = arith.constant 3 : i32
        %dma_start3A_529 = arith.constant 0 : i32
        %dma_start3A_530 = tpu.memref_slice %arg8[%dma_start3A_528, %dma_start3A_529] : memref<8x80xi32, #tpu.memory_space<vmem>> -> memref<1x80xi32, #tpu.memory_space<vmem>>
        %dma_start3A_531 = tpu.memref_squeeze %dma_start3A_530 : memref<1x80xi32, #tpu.memory_space<vmem>> -> memref<80xi32, #tpu.memory_space<vmem>>
        %dma_start3A_532 = arith.constant 0 : i32
        %dma_start3A_533 = arith.constant 0 : i32
        %dma_start3A_534 = tpu.memref_slice %arg2[%dma_start3A_532, %dma_start3A_533] : memref<10240x128xf32, #tpu.memory_space<hbm>> -> memref<10240x128xf32, #tpu.memory_space<hbm>>
        tpu.enqueue_indirect_dma source(%dma_start3A_534 : memref<10240x128xf32, #tpu.memory_space<hbm>>) target(%arg14 : memref<80x128xf32, #tpu.memory_space<vmem>>) offsets(%dma_start3A_531 : memref<80xi32, #tpu.memory_space<vmem>>) semaphore(%arg19 : memref<!tpu.dma_semaphore, #tpu.memory_space<semaphore_mem>>)
      } else {
      }
      %dma_wait3A_318 = arith.constant 0 : i32
      %dma_wait3A_319 = arith.constant 0 : i32
      %dma_wait3A_320 = tpu.memref_slice %arg8[%dma_wait3A_318, %dma_wait3A_319] : memref<8x80xi32, #tpu.memory_space<vmem>> -> memref<1x80xi32, #tpu.memory_space<vmem>>
      %dma_wait3A_321 = tpu.memref_squeeze %dma_wait3A_320 : memref<1x80xi32, #tpu.memory_space<vmem>> -> memref<80xi32, #tpu.memory_space<vmem>>
      %dma_wait3A_322 = arith.constant 0 : i32
      %dma_wait3A_323 = arith.constant 0 : i32
      %dma_wait3A_324 = tpu.memref_slice %arg2[%dma_wait3A_322, %dma_wait3A_323] : memref<10240x128xf32, #tpu.memory_space<hbm>> -> memref<10240x128xf32, #tpu.memory_space<hbm>>
      tpu.wait_indirect_dma semaphore(%arg16 : memref<!tpu.dma_semaphore, #tpu.memory_space<semaphore_mem>>) src(%dma_wait3A_324 : memref<10240x128xf32, #tpu.memory_space<hbm>>) dst(%arg11 : memref<80x128xf32, #tpu.memory_space<vmem>>)
      %dma_start3A_325 = arith.constant 0 : i32
      %dma_start3A_326 = arith.constant 0 : i32
      %dma_start3A_327 = tpu.memref_slice %arg10[%dma_start3A_325, %dma_start3A_326] : memref<8x80xi32, #tpu.memory_space<vmem>> -> memref<1x80xi32, #tpu.memory_space<vmem>>
      %dma_start3A_328 = tpu.memref_squeeze %dma_start3A_327 : memref<1x80xi32, #tpu.memory_space<vmem>> -> memref<80xi32, #tpu.memory_space<vmem>>
      %dma_start3A_329 = arith.constant 0 : i32
      %dma_start3A_330 = arith.constant 0 : i32
      %dma_start3A_331 = tpu.memref_slice %arg15[%dma_start3A_329, %dma_start3A_330] : memref<10240x128xf32, #tpu.memory_space<vmem_shared>> -> memref<10240x128xf32, #tpu.memory_space<vmem_shared>>
      tpu.enqueue_indirect_dma source(%arg11 : memref<80x128xf32, #tpu.memory_space<vmem>>) target(%dma_start3A_331 : memref<10240x128xf32, #tpu.memory_space<vmem_shared>>) offsets(%dma_start3A_328 : memref<80xi32, #tpu.memory_space<vmem>>) semaphore(%arg20 : memref<!tpu.dma_semaphore, #tpu.memory_space<semaphore_mem>>) {add = true}
      %mul3A_332 = arith.constant 8 : i32
      %mul3A_333 = arith.muli %add3A_293, %mul3A_332 : i32
      %add3A_334 = arith.constant 1 : i32
      %add3A_335 = arith.addi %mul3A_333, %add3A_334 : i32
      %add3A_336 = arith.constant 3 : i32
      %add3A_337 = arith.addi %add3A_335, %add3A_336 : i32
      %lt3A_338 = arith.constant 128 : i32
      %lt3A_339 = arith.cmpi slt, %add3A_337, %lt3A_338 : i32
      %convert_element_type3A_340 = arith.extui %lt3A_339 : i1 to i32
      %cond3A_341 = arith.constant 0 : i32
      %cond3A_342 = arith.cmpi ne, %convert_element_type3A_340, %cond3A_341 : i32
      scf.if %cond3A_342 {
        %dma_wait3A_528 = arith.constant 0 : i32
        %dma_wait3A_529 = arith.constant 0 : i32
        %dma_wait3A_530 = tpu.memref_slice %arg10[%dma_wait3A_528, %dma_wait3A_529] : memref<8x80xi32, #tpu.memory_space<vmem>> -> memref<1x80xi32, #tpu.memory_space<vmem>>
        %dma_wait3A_531 = tpu.memref_squeeze %dma_wait3A_530 : memref<1x80xi32, #tpu.memory_space<vmem>> -> memref<80xi32, #tpu.memory_space<vmem>>
        %dma_wait3A_532 = arith.constant 0 : i32
        %dma_wait3A_533 = arith.constant 0 : i32
        %dma_wait3A_534 = tpu.memref_slice %arg15[%dma_wait3A_532, %dma_wait3A_533] : memref<10240x128xf32, #tpu.memory_space<vmem_shared>> -> memref<10240x128xf32, #tpu.memory_space<vmem_shared>>
        tpu.wait_indirect_dma semaphore(%arg20 : memref<!tpu.dma_semaphore, #tpu.memory_space<semaphore_mem>>) src(%arg11 : memref<80x128xf32, #tpu.memory_space<vmem>>) dst(%dma_wait3A_534 : memref<10240x128xf32, #tpu.memory_space<vmem_shared>>)
      } else {
      }
      %convert_element_type3A_343 = arith.extui %lt3A_339 : i1 to i32
      %cond3A_344 = arith.constant 0 : i32
      %cond3A_345 = arith.cmpi ne, %convert_element_type3A_343, %cond3A_344 : i32
      scf.if %cond3A_345 {
        %dma_start3A_528 = arith.constant 4 : i32
        %dma_start3A_529 = arith.constant 0 : i32
        %dma_start3A_530 = tpu.memref_slice %arg8[%dma_start3A_528, %dma_start3A_529] : memref<8x80xi32, #tpu.memory_space<vmem>> -> memref<1x80xi32, #tpu.memory_space<vmem>>
        %dma_start3A_531 = tpu.memref_squeeze %dma_start3A_530 : memref<1x80xi32, #tpu.memory_space<vmem>> -> memref<80xi32, #tpu.memory_space<vmem>>
        %dma_start3A_532 = arith.constant 0 : i32
        %dma_start3A_533 = arith.constant 0 : i32
        %dma_start3A_534 = tpu.memref_slice %arg2[%dma_start3A_532, %dma_start3A_533] : memref<10240x128xf32, #tpu.memory_space<hbm>> -> memref<10240x128xf32, #tpu.memory_space<hbm>>
        tpu.enqueue_indirect_dma source(%dma_start3A_534 : memref<10240x128xf32, #tpu.memory_space<hbm>>) target(%arg11 : memref<80x128xf32, #tpu.memory_space<vmem>>) offsets(%dma_start3A_531 : memref<80xi32, #tpu.memory_space<vmem>>) semaphore(%arg16 : memref<!tpu.dma_semaphore, #tpu.memory_space<semaphore_mem>>)
      } else {
      }
      %dma_wait3A_346 = arith.constant 1 : i32
      %dma_wait3A_347 = arith.constant 0 : i32
      %dma_wait3A_348 = tpu.memref_slice %arg8[%dma_wait3A_346, %dma_wait3A_347] : memref<8x80xi32, #tpu.memory_space<vmem>> -> memref<1x80xi32, #tpu.memory_space<vmem>>
      %dma_wait3A_349 = tpu.memref_squeeze %dma_wait3A_348 : memref<1x80xi32, #tpu.memory_space<vmem>> -> memref<80xi32, #tpu.memory_space<vmem>>
      %dma_wait3A_350 = arith.constant 0 : i32
      %dma_wait3A_351 = arith.constant 0 : i32
      %dma_wait3A_352 = tpu.memref_slice %arg2[%dma_wait3A_350, %dma_wait3A_351] : memref<10240x128xf32, #tpu.memory_space<hbm>> -> memref<10240x128xf32, #tpu.memory_space<hbm>>
      tpu.wait_indirect_dma semaphore(%arg17 : memref<!tpu.dma_semaphore, #tpu.memory_space<semaphore_mem>>) src(%dma_wait3A_352 : memref<10240x128xf32, #tpu.memory_space<hbm>>) dst(%arg12 : memref<80x128xf32, #tpu.memory_space<vmem>>)
      %dma_start3A_353 = arith.constant 1 : i32
      %dma_start3A_354 = arith.constant 0 : i32
      %dma_start3A_355 = tpu.memref_slice %arg10[%dma_start3A_353, %dma_start3A_354] : memref<8x80xi32, #tpu.memory_space<vmem>> -> memref<1x80xi32, #tpu.memory_space<vmem>>
      %dma_start3A_356 = tpu.memref_squeeze %dma_start3A_355 : memref<1x80xi32, #tpu.memory_space<vmem>> -> memref<80xi32, #tpu.memory_space<vmem>>
      %dma_start3A_357 = arith.constant 0 : i32
      %dma_start3A_358 = arith.constant 0 : i32
      %dma_start3A_359 = tpu.memref_slice %arg15[%dma_start3A_357, %dma_start3A_358] : memref<10240x128xf32, #tpu.memory_space<vmem_shared>> -> memref<10240x128xf32, #tpu.memory_space<vmem_shared>>
      tpu.enqueue_indirect_dma source(%arg12 : memref<80x128xf32, #tpu.memory_space<vmem>>) target(%dma_start3A_359 : memref<10240x128xf32, #tpu.memory_space<vmem_shared>>) offsets(%dma_start3A_356 : memref<80xi32, #tpu.memory_space<vmem>>) semaphore(%arg21 : memref<!tpu.dma_semaphore, #tpu.memory_space<semaphore_mem>>) {add = true}
      %mul3A_360 = arith.constant 8 : i32
      %mul3A_361 = arith.muli %add3A_293, %mul3A_360 : i32
      %add3A_362 = arith.constant 2 : i32
      %add3A_363 = arith.addi %mul3A_361, %add3A_362 : i32
      %add3A_364 = arith.constant 3 : i32
      %add3A_365 = arith.addi %add3A_363, %add3A_364 : i32
      %lt3A_366 = arith.constant 128 : i32
      %lt3A_367 = arith.cmpi slt, %add3A_365, %lt3A_366 : i32
      %convert_element_type3A_368 = arith.extui %lt3A_367 : i1 to i32
      %cond3A_369 = arith.constant 0 : i32
      %cond3A_370 = arith.cmpi ne, %convert_element_type3A_368, %cond3A_369 : i32
      scf.if %cond3A_370 {
        %dma_wait3A_528 = arith.constant 1 : i32
        %dma_wait3A_529 = arith.constant 0 : i32
        %dma_wait3A_530 = tpu.memref_slice %arg10[%dma_wait3A_528, %dma_wait3A_529] : memref<8x80xi32, #tpu.memory_space<vmem>> -> memref<1x80xi32, #tpu.memory_space<vmem>>
        %dma_wait3A_531 = tpu.memref_squeeze %dma_wait3A_530 : memref<1x80xi32, #tpu.memory_space<vmem>> -> memref<80xi32, #tpu.memory_space<vmem>>
        %dma_wait3A_532 = arith.constant 0 : i32
        %dma_wait3A_533 = arith.constant 0 : i32
        %dma_wait3A_534 = tpu.memref_slice %arg15[%dma_wait3A_532, %dma_wait3A_533] : memref<10240x128xf32, #tpu.memory_space<vmem_shared>> -> memref<10240x128xf32, #tpu.memory_space<vmem_shared>>
        tpu.wait_indirect_dma semaphore(%arg21 : memref<!tpu.dma_semaphore, #tpu.memory_space<semaphore_mem>>) src(%arg12 : memref<80x128xf32, #tpu.memory_space<vmem>>) dst(%dma_wait3A_534 : memref<10240x128xf32, #tpu.memory_space<vmem_shared>>)
      } else {
      }
      %convert_element_type3A_371 = arith.extui %lt3A_367 : i1 to i32
      %cond3A_372 = arith.constant 0 : i32
      %cond3A_373 = arith.cmpi ne, %convert_element_type3A_371, %cond3A_372 : i32
      scf.if %cond3A_373 {
        %dma_start3A_528 = arith.constant 5 : i32
        %dma_start3A_529 = arith.constant 0 : i32
        %dma_start3A_530 = tpu.memref_slice %arg8[%dma_start3A_528, %dma_start3A_529] : memref<8x80xi32, #tpu.memory_space<vmem>> -> memref<1x80xi32, #tpu.memory_space<vmem>>
        %dma_start3A_531 = tpu.memref_squeeze %dma_start3A_530 : memref<1x80xi32, #tpu.memory_space<vmem>> -> memref<80xi32, #tpu.memory_space<vmem>>
        %dma_start3A_532 = arith.constant 0 : i32
        %dma_start3A_533 = arith.constant 0 : i32
        %dma_start3A_534 = tpu.memref_slice %arg2[%dma_start3A_532, %dma_start3A_533] : memref<10240x128xf32, #tpu.memory_space<hbm>> -> memref<10240x128xf32, #tpu.memory_space<hbm>>
        tpu.enqueue_indirect_dma source(%dma_start3A_534 : memref<10240x128xf32, #tpu.memory_space<hbm>>) target(%arg12 : memref<80x128xf32, #tpu.memory_space<vmem>>) offsets(%dma_start3A_531 : memref<80xi32, #tpu.memory_space<vmem>>) semaphore(%arg17 : memref<!tpu.dma_semaphore, #tpu.memory_space<semaphore_mem>>)
      } else {
      }
      %dma_wait3A_374 = arith.constant 2 : i32
      %dma_wait3A_375 = arith.constant 0 : i32
      %dma_wait3A_376 = tpu.memref_slice %arg8[%dma_wait3A_374, %dma_wait3A_375] : memref<8x80xi32, #tpu.memory_space<vmem>> -> memref<1x80xi32, #tpu.memory_space<vmem>>
      %dma_wait3A_377 = tpu.memref_squeeze %dma_wait3A_376 : memref<1x80xi32, #tpu.memory_space<vmem>> -> memref<80xi32, #tpu.memory_space<vmem>>
      %dma_wait3A_378 = arith.constant 0 : i32
      %dma_wait3A_379 = arith.constant 0 : i32
      %dma_wait3A_380 = tpu.memref_slice %arg2[%dma_wait3A_378, %dma_wait3A_379] : memref<10240x128xf32, #tpu.memory_space<hbm>> -> memref<10240x128xf32, #tpu.memory_space<hbm>>
      tpu.wait_indirect_dma semaphore(%arg18 : memref<!tpu.dma_semaphore, #tpu.memory_space<semaphore_mem>>) src(%dma_wait3A_380 : memref<10240x128xf32, #tpu.memory_space<hbm>>) dst(%arg13 : memref<80x128xf32, #tpu.memory_space<vmem>>)
      %dma_start3A_381 = arith.constant 2 : i32
      %dma_start3A_382 = arith.constant 0 : i32
      %dma_start3A_383 = tpu.memref_slice %arg10[%dma_start3A_381, %dma_start3A_382] : memref<8x80xi32, #tpu.memory_space<vmem>> -> memref<1x80xi32, #tpu.memory_space<vmem>>
      %dma_start3A_384 = tpu.memref_squeeze %dma_start3A_383 : memref<1x80xi32, #tpu.memory_space<vmem>> -> memref<80xi32, #tpu.memory_space<vmem>>
      %dma_start3A_385 = arith.constant 0 : i32
      %dma_start3A_386 = arith.constant 0 : i32
      %dma_start3A_387 = tpu.memref_slice %arg15[%dma_start3A_385, %dma_start3A_386] : memref<10240x128xf32, #tpu.memory_space<vmem_shared>> -> memref<10240x128xf32, #tpu.memory_space<vmem_shared>>
      tpu.enqueue_indirect_dma source(%arg13 : memref<80x128xf32, #tpu.memory_space<vmem>>) target(%dma_start3A_387 : memref<10240x128xf32, #tpu.memory_space<vmem_shared>>) offsets(%dma_start3A_384 : memref<80xi32, #tpu.memory_space<vmem>>) semaphore(%arg22 : memref<!tpu.dma_semaphore, #tpu.memory_space<semaphore_mem>>) {add = true}
      %mul3A_388 = arith.constant 8 : i32
      %mul3A_389 = arith.muli %add3A_293, %mul3A_388 : i32
      %add3A_390 = arith.constant 3 : i32
      %add3A_391 = arith.addi %mul3A_389, %add3A_390 : i32
      %add3A_392 = arith.constant 3 : i32
      %add3A_393 = arith.addi %add3A_391, %add3A_392 : i32
      %lt3A_394 = arith.constant 128 : i32
      %lt3A_395 = arith.cmpi slt, %add3A_393, %lt3A_394 : i32
      %convert_element_type3A_396 = arith.extui %lt3A_395 : i1 to i32
      %cond3A_397 = arith.constant 0 : i32
      %cond3A_398 = arith.cmpi ne, %convert_element_type3A_396, %cond3A_397 : i32
      scf.if %cond3A_398 {
        %dma_wait3A_528 = arith.constant 2 : i32
        %dma_wait3A_529 = arith.constant 0 : i32
        %dma_wait3A_530 = tpu.memref_slice %arg10[%dma_wait3A_528, %dma_wait3A_529] : memref<8x80xi32, #tpu.memory_space<vmem>> -> memref<1x80xi32, #tpu.memory_space<vmem>>
        %dma_wait3A_531 = tpu.memref_squeeze %dma_wait3A_530 : memref<1x80xi32, #tpu.memory_space<vmem>> -> memref<80xi32, #tpu.memory_space<vmem>>
        %dma_wait3A_532 = arith.constant 0 : i32
        %dma_wait3A_533 = arith.constant 0 : i32
        %dma_wait3A_534 = tpu.memref_slice %arg15[%dma_wait3A_532, %dma_wait3A_533] : memref<10240x128xf32, #tpu.memory_space<vmem_shared>> -> memref<10240x128xf32, #tpu.memory_space<vmem_shared>>
        tpu.wait_indirect_dma semaphore(%arg22 : memref<!tpu.dma_semaphore, #tpu.memory_space<semaphore_mem>>) src(%arg13 : memref<80x128xf32, #tpu.memory_space<vmem>>) dst(%dma_wait3A_534 : memref<10240x128xf32, #tpu.memory_space<vmem_shared>>)
      } else {
      }
      %convert_element_type3A_399 = arith.extui %lt3A_395 : i1 to i32
      %cond3A_400 = arith.constant 0 : i32
      %cond3A_401 = arith.cmpi ne, %convert_element_type3A_399, %cond3A_400 : i32
      scf.if %cond3A_401 {
        %dma_start3A_528 = arith.constant 6 : i32
        %dma_start3A_529 = arith.constant 0 : i32
        %dma_start3A_530 = tpu.memref_slice %arg8[%dma_start3A_528, %dma_start3A_529] : memref<8x80xi32, #tpu.memory_space<vmem>> -> memref<1x80xi32, #tpu.memory_space<vmem>>
        %dma_start3A_531 = tpu.memref_squeeze %dma_start3A_530 : memref<1x80xi32, #tpu.memory_space<vmem>> -> memref<80xi32, #tpu.memory_space<vmem>>
        %dma_start3A_532 = arith.constant 0 : i32
        %dma_start3A_533 = arith.constant 0 : i32
        %dma_start3A_534 = tpu.memref_slice %arg2[%dma_start3A_532, %dma_start3A_533] : memref<10240x128xf32, #tpu.memory_space<hbm>> -> memref<10240x128xf32, #tpu.memory_space<hbm>>
        tpu.enqueue_indirect_dma source(%dma_start3A_534 : memref<10240x128xf32, #tpu.memory_space<hbm>>) target(%arg13 : memref<80x128xf32, #tpu.memory_space<vmem>>) offsets(%dma_start3A_531 : memref<80xi32, #tpu.memory_space<vmem>>) semaphore(%arg18 : memref<!tpu.dma_semaphore, #tpu.memory_space<semaphore_mem>>)
      } else {
      }
      %dma_wait3A_402 = arith.constant 3 : i32
      %dma_wait3A_403 = arith.constant 0 : i32
      %dma_wait3A_404 = tpu.memref_slice %arg8[%dma_wait3A_402, %dma_wait3A_403] : memref<8x80xi32, #tpu.memory_space<vmem>> -> memref<1x80xi32, #tpu.memory_space<vmem>>
      %dma_wait3A_405 = tpu.memref_squeeze %dma_wait3A_404 : memref<1x80xi32, #tpu.memory_space<vmem>> -> memref<80xi32, #tpu.memory_space<vmem>>
      %dma_wait3A_406 = arith.constant 0 : i32
      %dma_wait3A_407 = arith.constant 0 : i32
      %dma_wait3A_408 = tpu.memref_slice %arg2[%dma_wait3A_406, %dma_wait3A_407] : memref<10240x128xf32, #tpu.memory_space<hbm>> -> memref<10240x128xf32, #tpu.memory_space<hbm>>
      tpu.wait_indirect_dma semaphore(%arg19 : memref<!tpu.dma_semaphore, #tpu.memory_space<semaphore_mem>>) src(%dma_wait3A_408 : memref<10240x128xf32, #tpu.memory_space<hbm>>) dst(%arg14 : memref<80x128xf32, #tpu.memory_space<vmem>>)
      %dma_start3A_409 = arith.constant 3 : i32
      %dma_start3A_410 = arith.constant 0 : i32
      %dma_start3A_411 = tpu.memref_slice %arg10[%dma_start3A_409, %dma_start3A_410] : memref<8x80xi32, #tpu.memory_space<vmem>> -> memref<1x80xi32, #tpu.memory_space<vmem>>
      %dma_start3A_412 = tpu.memref_squeeze %dma_start3A_411 : memref<1x80xi32, #tpu.memory_space<vmem>> -> memref<80xi32, #tpu.memory_space<vmem>>
      %dma_start3A_413 = arith.constant 0 : i32
      %dma_start3A_414 = arith.constant 0 : i32
      %dma_start3A_415 = tpu.memref_slice %arg15[%dma_start3A_413, %dma_start3A_414] : memref<10240x128xf32, #tpu.memory_space<vmem_shared>> -> memref<10240x128xf32, #tpu.memory_space<vmem_shared>>
      tpu.enqueue_indirect_dma source(%arg14 : memref<80x128xf32, #tpu.memory_space<vmem>>) target(%dma_start3A_415 : memref<10240x128xf32, #tpu.memory_space<vmem_shared>>) offsets(%dma_start3A_412 : memref<80xi32, #tpu.memory_space<vmem>>) semaphore(%arg23 : memref<!tpu.dma_semaphore, #tpu.memory_space<semaphore_mem>>) {add = true}
      %mul3A_416 = arith.constant 8 : i32
      %mul3A_417 = arith.muli %add3A_293, %mul3A_416 : i32
      %add3A_418 = arith.constant 4 : i32
      %add3A_419 = arith.addi %mul3A_417, %add3A_418 : i32
      %add3A_420 = arith.constant 3 : i32
      %add3A_421 = arith.addi %add3A_419, %add3A_420 : i32
      %lt3A_422 = arith.constant 128 : i32
      %lt3A_423 = arith.cmpi slt, %add3A_421, %lt3A_422 : i32
      %convert_element_type3A_424 = arith.extui %lt3A_423 : i1 to i32
      %cond3A_425 = arith.constant 0 : i32
      %cond3A_426 = arith.cmpi ne, %convert_element_type3A_424, %cond3A_425 : i32
      scf.if %cond3A_426 {
        %dma_wait3A_528 = arith.constant 3 : i32
        %dma_wait3A_529 = arith.constant 0 : i32
        %dma_wait3A_530 = tpu.memref_slice %arg10[%dma_wait3A_528, %dma_wait3A_529] : memref<8x80xi32, #tpu.memory_space<vmem>> -> memref<1x80xi32, #tpu.memory_space<vmem>>
        %dma_wait3A_531 = tpu.memref_squeeze %dma_wait3A_530 : memref<1x80xi32, #tpu.memory_space<vmem>> -> memref<80xi32, #tpu.memory_space<vmem>>
        %dma_wait3A_532 = arith.constant 0 : i32
        %dma_wait3A_533 = arith.constant 0 : i32
        %dma_wait3A_534 = tpu.memref_slice %arg15[%dma_wait3A_532, %dma_wait3A_533] : memref<10240x128xf32, #tpu.memory_space<vmem_shared>> -> memref<10240x128xf32, #tpu.memory_space<vmem_shared>>
        tpu.wait_indirect_dma semaphore(%arg23 : memref<!tpu.dma_semaphore, #tpu.memory_space<semaphore_mem>>) src(%arg14 : memref<80x128xf32, #tpu.memory_space<vmem>>) dst(%dma_wait3A_534 : memref<10240x128xf32, #tpu.memory_space<vmem_shared>>)
      } else {
      }
      %convert_element_type3A_427 = arith.extui %lt3A_423 : i1 to i32
      %cond3A_428 = arith.constant 0 : i32
      %cond3A_429 = arith.cmpi ne, %convert_element_type3A_427, %cond3A_428 : i32
      scf.if %cond3A_429 {
        %dma_start3A_528 = arith.constant 7 : i32
        %dma_start3A_529 = arith.constant 0 : i32
        %dma_start3A_530 = tpu.memref_slice %arg8[%dma_start3A_528, %dma_start3A_529] : memref<8x80xi32, #tpu.memory_space<vmem>> -> memref<1x80xi32, #tpu.memory_space<vmem>>
        %dma_start3A_531 = tpu.memref_squeeze %dma_start3A_530 : memref<1x80xi32, #tpu.memory_space<vmem>> -> memref<80xi32, #tpu.memory_space<vmem>>
        %dma_start3A_532 = arith.constant 0 : i32
        %dma_start3A_533 = arith.constant 0 : i32
        %dma_start3A_534 = tpu.memref_slice %arg2[%dma_start3A_532, %dma_start3A_533] : memref<10240x128xf32, #tpu.memory_space<hbm>> -> memref<10240x128xf32, #tpu.memory_space<hbm>>
        tpu.enqueue_indirect_dma source(%dma_start3A_534 : memref<10240x128xf32, #tpu.memory_space<hbm>>) target(%arg14 : memref<80x128xf32, #tpu.memory_space<vmem>>) offsets(%dma_start3A_531 : memref<80xi32, #tpu.memory_space<vmem>>) semaphore(%arg19 : memref<!tpu.dma_semaphore, #tpu.memory_space<semaphore_mem>>)
      } else {
      }
      %dma_wait3A_430 = arith.constant 4 : i32
      %dma_wait3A_431 = arith.constant 0 : i32
      %dma_wait3A_432 = tpu.memref_slice %arg8[%dma_wait3A_430, %dma_wait3A_431] : memref<8x80xi32, #tpu.memory_space<vmem>> -> memref<1x80xi32, #tpu.memory_space<vmem>>
      %dma_wait3A_433 = tpu.memref_squeeze %dma_wait3A_432 : memref<1x80xi32, #tpu.memory_space<vmem>> -> memref<80xi32, #tpu.memory_space<vmem>>
      %dma_wait3A_434 = arith.constant 0 : i32
      %dma_wait3A_435 = arith.constant 0 : i32
      %dma_wait3A_436 = tpu.memref_slice %arg2[%dma_wait3A_434, %dma_wait3A_435] : memref<10240x128xf32, #tpu.memory_space<hbm>> -> memref<10240x128xf32, #tpu.memory_space<hbm>>
      tpu.wait_indirect_dma semaphore(%arg16 : memref<!tpu.dma_semaphore, #tpu.memory_space<semaphore_mem>>) src(%dma_wait3A_436 : memref<10240x128xf32, #tpu.memory_space<hbm>>) dst(%arg11 : memref<80x128xf32, #tpu.memory_space<vmem>>)
      %dma_start3A_437 = arith.constant 4 : i32
      %dma_start3A_438 = arith.constant 0 : i32
      %dma_start3A_439 = tpu.memref_slice %arg10[%dma_start3A_437, %dma_start3A_438] : memref<8x80xi32, #tpu.memory_space<vmem>> -> memref<1x80xi32, #tpu.memory_space<vmem>>
      %dma_start3A_440 = tpu.memref_squeeze %dma_start3A_439 : memref<1x80xi32, #tpu.memory_space<vmem>> -> memref<80xi32, #tpu.memory_space<vmem>>
      %dma_start3A_441 = arith.constant 0 : i32
      %dma_start3A_442 = arith.constant 0 : i32
      %dma_start3A_443 = tpu.memref_slice %arg15[%dma_start3A_441, %dma_start3A_442] : memref<10240x128xf32, #tpu.memory_space<vmem_shared>> -> memref<10240x128xf32, #tpu.memory_space<vmem_shared>>
      tpu.enqueue_indirect_dma source(%arg11 : memref<80x128xf32, #tpu.memory_space<vmem>>) target(%dma_start3A_443 : memref<10240x128xf32, #tpu.memory_space<vmem_shared>>) offsets(%dma_start3A_440 : memref<80xi32, #tpu.memory_space<vmem>>) semaphore(%arg20 : memref<!tpu.dma_semaphore, #tpu.memory_space<semaphore_mem>>) {add = true}
      %mul3A_444 = arith.constant 8 : i32
      %mul3A_445 = arith.muli %add3A_293, %mul3A_444 : i32
      %add3A_446 = arith.constant 5 : i32
      %add3A_447 = arith.addi %mul3A_445, %add3A_446 : i32
      %add3A_448 = arith.constant 3 : i32
      %add3A_449 = arith.addi %add3A_447, %add3A_448 : i32
      %lt3A_450 = arith.constant 128 : i32
      %lt3A_451 = arith.cmpi slt, %add3A_449, %lt3A_450 : i32
      %convert_element_type3A_452 = arith.extui %lt3A_451 : i1 to i32
      %cond3A_453 = arith.constant 0 : i32
      %cond3A_454 = arith.cmpi ne, %convert_element_type3A_452, %cond3A_453 : i32
      scf.if %cond3A_454 {
        %dma_wait3A_528 = arith.constant 4 : i32
        %dma_wait3A_529 = arith.constant 0 : i32
        %dma_wait3A_530 = tpu.memref_slice %arg10[%dma_wait3A_528, %dma_wait3A_529] : memref<8x80xi32, #tpu.memory_space<vmem>> -> memref<1x80xi32, #tpu.memory_space<vmem>>
        %dma_wait3A_531 = tpu.memref_squeeze %dma_wait3A_530 : memref<1x80xi32, #tpu.memory_space<vmem>> -> memref<80xi32, #tpu.memory_space<vmem>>
        %dma_wait3A_532 = arith.constant 0 : i32
        %dma_wait3A_533 = arith.constant 0 : i32
        %dma_wait3A_534 = tpu.memref_slice %arg15[%dma_wait3A_532, %dma_wait3A_533] : memref<10240x128xf32, #tpu.memory_space<vmem_shared>> -> memref<10240x128xf32, #tpu.memory_space<vmem_shared>>
        tpu.wait_indirect_dma semaphore(%arg20 : memref<!tpu.dma_semaphore, #tpu.memory_space<semaphore_mem>>) src(%arg11 : memref<80x128xf32, #tpu.memory_space<vmem>>) dst(%dma_wait3A_534 : memref<10240x128xf32, #tpu.memory_space<vmem_shared>>)
      } else {
      }
      %convert_element_type3A_455 = arith.extui %lt3A_451 : i1 to i32
      %cond3A_456 = arith.constant 0 : i32
      %cond3A_457 = arith.cmpi ne, %convert_element_type3A_455, %cond3A_456 : i32
      scf.if %cond3A_457 {
        %add3A_528 = arith.constant 1 : i32
        %add3A_529 = arith.addi %add3A_293, %add3A_528 : i32
        %mul3A_530 = arith.constant 8 : i32
        %mul3A_531 = arith.muli %add3A_529, %mul3A_530 : i32
        %dma_wait3A_532 = arith.constant 0 : i32
        %dma_wait3A_533 = tpu.memref_slice %arg3[%add3A, %mul3A_531, %dma_wait3A_532] : memref<32x128x80xi32, #tpu.memory_space<hbm>> -> memref<1x8x80xi32, #tpu.memory_space<hbm>>
        %dma_wait3A_534 = tpu.memref_squeeze %dma_wait3A_533 : memref<1x8x80xi32, #tpu.memory_space<hbm>> -> memref<8x80xi32, #tpu.memory_space<hbm>>
        %dma_wait3A_535 = arith.constant 0 : i32
        %dma_wait3A_536 = tpu.memref_slice %arg3[%add3A, %mul3A_531, %dma_wait3A_535] : memref<32x128x80xi32, #tpu.memory_space<hbm>> -> memref<1x8x80xi32, #tpu.memory_space<hbm>>
        %dma_wait3A_537 = tpu.memref_squeeze %dma_wait3A_536 : memref<1x8x80xi32, #tpu.memory_space<hbm>> -> memref<8x80xi32, #tpu.memory_space<hbm>>
        tpu.wait_dma2 semaphore(%arg24 : memref<!tpu.dma_semaphore, #tpu.memory_space<semaphore_mem>>) src(%dma_wait3A_537 : memref<8x80xi32, #tpu.memory_space<hbm>>) dst(%arg7 : memref<8x80xi32, #tpu.memory_space<vmem>>)
        %mul3A_538 = arith.constant 8 : i32
        %mul3A_539 = arith.muli %add3A_529, %mul3A_538 : i32
        %dma_wait3A_540 = arith.constant 0 : i32
        %dma_wait3A_541 = tpu.memref_slice %arg4[%add3A, %mul3A_539, %dma_wait3A_540] : memref<32x128x80xi32, #tpu.memory_space<hbm>> -> memref<1x8x80xi32, #tpu.memory_space<hbm>>
        %dma_wait3A_542 = tpu.memref_squeeze %dma_wait3A_541 : memref<1x8x80xi32, #tpu.memory_space<hbm>> -> memref<8x80xi32, #tpu.memory_space<hbm>>
        %dma_wait3A_543 = arith.constant 0 : i32
        %dma_wait3A_544 = tpu.memref_slice %arg4[%add3A, %mul3A_539, %dma_wait3A_543] : memref<32x128x80xi32, #tpu.memory_space<hbm>> -> memref<1x8x80xi32, #tpu.memory_space<hbm>>
        %dma_wait3A_545 = tpu.memref_squeeze %dma_wait3A_544 : memref<1x8x80xi32, #tpu.memory_space<hbm>> -> memref<8x80xi32, #tpu.memory_space<hbm>>
        tpu.wait_dma2 semaphore(%arg24 : memref<!tpu.dma_semaphore, #tpu.memory_space<semaphore_mem>>) src(%dma_wait3A_545 : memref<8x80xi32, #tpu.memory_space<hbm>>) dst(%arg9 : memref<8x80xi32, #tpu.memory_space<vmem>>)
        %dma_start3A_546 = arith.constant 0 : i32
        %dma_start3A_547 = arith.constant 0 : i32
        %dma_start3A_548 = tpu.memref_slice %arg7[%dma_start3A_546, %dma_start3A_547] : memref<8x80xi32, #tpu.memory_space<vmem>> -> memref<1x80xi32, #tpu.memory_space<vmem>>
        %dma_start3A_549 = tpu.memref_squeeze %dma_start3A_548 : memref<1x80xi32, #tpu.memory_space<vmem>> -> memref<80xi32, #tpu.memory_space<vmem>>
        %dma_start3A_550 = arith.constant 0 : i32
        %dma_start3A_551 = arith.constant 0 : i32
        %dma_start3A_552 = tpu.memref_slice %arg2[%dma_start3A_550, %dma_start3A_551] : memref<10240x128xf32, #tpu.memory_space<hbm>> -> memref<10240x128xf32, #tpu.memory_space<hbm>>
        tpu.enqueue_indirect_dma source(%dma_start3A_552 : memref<10240x128xf32, #tpu.memory_space<hbm>>) target(%arg11 : memref<80x128xf32, #tpu.memory_space<vmem>>) offsets(%dma_start3A_549 : memref<80xi32, #tpu.memory_space<vmem>>) semaphore(%arg16 : memref<!tpu.dma_semaphore, #tpu.memory_space<semaphore_mem>>)
      } else {
      }
      %dma_wait3A_458 = arith.constant 5 : i32
      %dma_wait3A_459 = arith.constant 0 : i32
      %dma_wait3A_460 = tpu.memref_slice %arg8[%dma_wait3A_458, %dma_wait3A_459] : memref<8x80xi32, #tpu.memory_space<vmem>> -> memref<1x80xi32, #tpu.memory_space<vmem>>
      %dma_wait3A_461 = tpu.memref_squeeze %dma_wait3A_460 : memref<1x80xi32, #tpu.memory_space<vmem>> -> memref<80xi32, #tpu.memory_space<vmem>>
      %dma_wait3A_462 = arith.constant 0 : i32
      %dma_wait3A_463 = arith.constant 0 : i32
      %dma_wait3A_464 = tpu.memref_slice %arg2[%dma_wait3A_462, %dma_wait3A_463] : memref<10240x128xf32, #tpu.memory_space<hbm>> -> memref<10240x128xf32, #tpu.memory_space<hbm>>
      tpu.wait_indirect_dma semaphore(%arg17 : memref<!tpu.dma_semaphore, #tpu.memory_space<semaphore_mem>>) src(%dma_wait3A_464 : memref<10240x128xf32, #tpu.memory_space<hbm>>) dst(%arg12 : memref<80x128xf32, #tpu.memory_space<vmem>>)
      %dma_start3A_465 = arith.constant 5 : i32
      %dma_start3A_466 = arith.constant 0 : i32
      %dma_start3A_467 = tpu.memref_slice %arg10[%dma_start3A_465, %dma_start3A_466] : memref<8x80xi32, #tpu.memory_space<vmem>> -> memref<1x80xi32, #tpu.memory_space<vmem>>
      %dma_start3A_468 = tpu.memref_squeeze %dma_start3A_467 : memref<1x80xi32, #tpu.memory_space<vmem>> -> memref<80xi32, #tpu.memory_space<vmem>>
      %dma_start3A_469 = arith.constant 0 : i32
      %dma_start3A_470 = arith.constant 0 : i32
      %dma_start3A_471 = tpu.memref_slice %arg15[%dma_start3A_469, %dma_start3A_470] : memref<10240x128xf32, #tpu.memory_space<vmem_shared>> -> memref<10240x128xf32, #tpu.memory_space<vmem_shared>>
      tpu.enqueue_indirect_dma source(%arg12 : memref<80x128xf32, #tpu.memory_space<vmem>>) target(%dma_start3A_471 : memref<10240x128xf32, #tpu.memory_space<vmem_shared>>) offsets(%dma_start3A_468 : memref<80xi32, #tpu.memory_space<vmem>>) semaphore(%arg21 : memref<!tpu.dma_semaphore, #tpu.memory_space<semaphore_mem>>) {add = true}
      %mul3A_472 = arith.constant 8 : i32
      %mul3A_473 = arith.muli %add3A_293, %mul3A_472 : i32
      %add3A_474 = arith.constant 6 : i32
      %add3A_475 = arith.addi %mul3A_473, %add3A_474 : i32
      %add3A_476 = arith.constant 3 : i32
      %add3A_477 = arith.addi %add3A_475, %add3A_476 : i32
      %lt3A_478 = arith.constant 128 : i32
      %lt3A_479 = arith.cmpi slt, %add3A_477, %lt3A_478 : i32
      %convert_element_type3A_480 = arith.extui %lt3A_479 : i1 to i32
      %cond3A_481 = arith.constant 0 : i32
      %cond3A_482 = arith.cmpi ne, %convert_element_type3A_480, %cond3A_481 : i32
      scf.if %cond3A_482 {
        %dma_wait3A_528 = arith.constant 5 : i32
        %dma_wait3A_529 = arith.constant 0 : i32
        %dma_wait3A_530 = tpu.memref_slice %arg10[%dma_wait3A_528, %dma_wait3A_529] : memref<8x80xi32, #tpu.memory_space<vmem>> -> memref<1x80xi32, #tpu.memory_space<vmem>>
        %dma_wait3A_531 = tpu.memref_squeeze %dma_wait3A_530 : memref<1x80xi32, #tpu.memory_space<vmem>> -> memref<80xi32, #tpu.memory_space<vmem>>
        %dma_wait3A_532 = arith.constant 0 : i32
        %dma_wait3A_533 = arith.constant 0 : i32
        %dma_wait3A_534 = tpu.memref_slice %arg15[%dma_wait3A_532, %dma_wait3A_533] : memref<10240x128xf32, #tpu.memory_space<vmem_shared>> -> memref<10240x128xf32, #tpu.memory_space<vmem_shared>>
        tpu.wait_indirect_dma semaphore(%arg21 : memref<!tpu.dma_semaphore, #tpu.memory_space<semaphore_mem>>) src(%arg12 : memref<80x128xf32, #tpu.memory_space<vmem>>) dst(%dma_wait3A_534 : memref<10240x128xf32, #tpu.memory_space<vmem_shared>>)
      } else {
      }
      %convert_element_type3A_483 = arith.extui %lt3A_479 : i1 to i32
      %cond3A_484 = arith.constant 0 : i32
      %cond3A_485 = arith.cmpi ne, %convert_element_type3A_483, %cond3A_484 : i32
      scf.if %cond3A_485 {
        %dma_start3A_528 = arith.constant 1 : i32
        %dma_start3A_529 = arith.constant 0 : i32
        %dma_start3A_530 = tpu.memref_slice %arg7[%dma_start3A_528, %dma_start3A_529] : memref<8x80xi32, #tpu.memory_space<vmem>> -> memref<1x80xi32, #tpu.memory_space<vmem>>
        %dma_start3A_531 = tpu.memref_squeeze %dma_start3A_530 : memref<1x80xi32, #tpu.memory_space<vmem>> -> memref<80xi32, #tpu.memory_space<vmem>>
        %dma_start3A_532 = arith.constant 0 : i32
        %dma_start3A_533 = arith.constant 0 : i32
        %dma_start3A_534 = tpu.memref_slice %arg2[%dma_start3A_532, %dma_start3A_533] : memref<10240x128xf32, #tpu.memory_space<hbm>> -> memref<10240x128xf32, #tpu.memory_space<hbm>>
        tpu.enqueue_indirect_dma source(%dma_start3A_534 : memref<10240x128xf32, #tpu.memory_space<hbm>>) target(%arg12 : memref<80x128xf32, #tpu.memory_space<vmem>>) offsets(%dma_start3A_531 : memref<80xi32, #tpu.memory_space<vmem>>) semaphore(%arg17 : memref<!tpu.dma_semaphore, #tpu.memory_space<semaphore_mem>>)
      } else {
      }
      %dma_wait3A_486 = arith.constant 6 : i32
      %dma_wait3A_487 = arith.constant 0 : i32
      %dma_wait3A_488 = tpu.memref_slice %arg8[%dma_wait3A_486, %dma_wait3A_487] : memref<8x80xi32, #tpu.memory_space<vmem>> -> memref<1x80xi32, #tpu.memory_space<vmem>>
      %dma_wait3A_489 = tpu.memref_squeeze %dma_wait3A_488 : memref<1x80xi32, #tpu.memory_space<vmem>> -> memref<80xi32, #tpu.memory_space<vmem>>
      %dma_wait3A_490 = arith.constant 0 : i32
      %dma_wait3A_491 = arith.constant 0 : i32
      %dma_wait3A_492 = tpu.memref_slice %arg2[%dma_wait3A_490, %dma_wait3A_491] : memref<10240x128xf32, #tpu.memory_space<hbm>> -> memref<10240x128xf32, #tpu.memory_space<hbm>>
      tpu.wait_indirect_dma semaphore(%arg18 : memref<!tpu.dma_semaphore, #tpu.memory_space<semaphore_mem>>) src(%dma_wait3A_492 : memref<10240x128xf32, #tpu.memory_space<hbm>>) dst(%arg13 : memref<80x128xf32, #tpu.memory_space<vmem>>)
      %dma_start3A_493 = arith.constant 6 : i32
      %dma_start3A_494 = arith.constant 0 : i32
      %dma_start3A_495 = tpu.memref_slice %arg10[%dma_start3A_493, %dma_start3A_494] : memref<8x80xi32, #tpu.memory_space<vmem>> -> memref<1x80xi32, #tpu.memory_space<vmem>>
      %dma_start3A_496 = tpu.memref_squeeze %dma_start3A_495 : memref<1x80xi32, #tpu.memory_space<vmem>> -> memref<80xi32, #tpu.memory_space<vmem>>
      %dma_start3A_497 = arith.constant 0 : i32
      %dma_start3A_498 = arith.constant 0 : i32
      %dma_start3A_499 = tpu.memref_slice %arg15[%dma_start3A_497, %dma_start3A_498] : memref<10240x128xf32, #tpu.memory_space<vmem_shared>> -> memref<10240x128xf32, #tpu.memory_space<vmem_shared>>
      tpu.enqueue_indirect_dma source(%arg13 : memref<80x128xf32, #tpu.memory_space<vmem>>) target(%dma_start3A_499 : memref<10240x128xf32, #tpu.memory_space<vmem_shared>>) offsets(%dma_start3A_496 : memref<80xi32, #tpu.memory_space<vmem>>) semaphore(%arg22 : memref<!tpu.dma_semaphore, #tpu.memory_space<semaphore_mem>>) {add = true}
      %mul3A_500 = arith.constant 8 : i32
      %mul3A_501 = arith.muli %add3A_293, %mul3A_500 : i32
      %add3A_502 = arith.constant 7 : i32
      %add3A_503 = arith.addi %mul3A_501, %add3A_502 : i32
      %add3A_504 = arith.constant 3 : i32
      %add3A_505 = arith.addi %add3A_503, %add3A_504 : i32
      %lt3A_506 = arith.constant 128 : i32
      %lt3A_507 = arith.cmpi slt, %add3A_505, %lt3A_506 : i32
      %convert_element_type3A_508 = arith.extui %lt3A_507 : i1 to i32
      %cond3A_509 = arith.constant 0 : i32
      %cond3A_510 = arith.cmpi ne, %convert_element_type3A_508, %cond3A_509 : i32
      scf.if %cond3A_510 {
        %dma_wait3A_528 = arith.constant 6 : i32
        %dma_wait3A_529 = arith.constant 0 : i32
        %dma_wait3A_530 = tpu.memref_slice %arg10[%dma_wait3A_528, %dma_wait3A_529] : memref<8x80xi32, #tpu.memory_space<vmem>> -> memref<1x80xi32, #tpu.memory_space<vmem>>
        %dma_wait3A_531 = tpu.memref_squeeze %dma_wait3A_530 : memref<1x80xi32, #tpu.memory_space<vmem>> -> memref<80xi32, #tpu.memory_space<vmem>>
        %dma_wait3A_532 = arith.constant 0 : i32
        %dma_wait3A_533 = arith.constant 0 : i32
        %dma_wait3A_534 = tpu.memref_slice %arg15[%dma_wait3A_532, %dma_wait3A_533] : memref<10240x128xf32, #tpu.memory_space<vmem_shared>> -> memref<10240x128xf32, #tpu.memory_space<vmem_shared>>
        tpu.wait_indirect_dma semaphore(%arg22 : memref<!tpu.dma_semaphore, #tpu.memory_space<semaphore_mem>>) src(%arg13 : memref<80x128xf32, #tpu.memory_space<vmem>>) dst(%dma_wait3A_534 : memref<10240x128xf32, #tpu.memory_space<vmem_shared>>)
      } else {
      }
      %convert_element_type3A_511 = arith.extui %lt3A_507 : i1 to i32
      %cond3A_512 = arith.constant 0 : i32
      %cond3A_513 = arith.cmpi ne, %convert_element_type3A_511, %cond3A_512 : i32
      scf.if %cond3A_513 {
        %dma_start3A_528 = arith.constant 2 : i32
        %dma_start3A_529 = arith.constant 0 : i32
        %dma_start3A_530 = tpu.memref_slice %arg7[%dma_start3A_528, %dma_start3A_529] : memref<8x80xi32, #tpu.memory_space<vmem>> -> memref<1x80xi32, #tpu.memory_space<vmem>>
        %dma_start3A_531 = tpu.memref_squeeze %dma_start3A_530 : memref<1x80xi32, #tpu.memory_space<vmem>> -> memref<80xi32, #tpu.memory_space<vmem>>
        %dma_start3A_532 = arith.constant 0 : i32
        %dma_start3A_533 = arith.constant 0 : i32
        %dma_start3A_534 = tpu.memref_slice %arg2[%dma_start3A_532, %dma_start3A_533] : memref<10240x128xf32, #tpu.memory_space<hbm>> -> memref<10240x128xf32, #tpu.memory_space<hbm>>
        tpu.enqueue_indirect_dma source(%dma_start3A_534 : memref<10240x128xf32, #tpu.memory_space<hbm>>) target(%arg13 : memref<80x128xf32, #tpu.memory_space<vmem>>) offsets(%dma_start3A_531 : memref<80xi32, #tpu.memory_space<vmem>>) semaphore(%arg18 : memref<!tpu.dma_semaphore, #tpu.memory_space<semaphore_mem>>)
      } else {
      }
      %dma_wait3A_514 = arith.constant 7 : i32
      %dma_wait3A_515 = arith.constant 0 : i32
      %dma_wait3A_516 = tpu.memref_slice %arg8[%dma_wait3A_514, %dma_wait3A_515] : memref<8x80xi32, #tpu.memory_space<vmem>> -> memref<1x80xi32, #tpu.memory_space<vmem>>
      %dma_wait3A_517 = tpu.memref_squeeze %dma_wait3A_516 : memref<1x80xi32, #tpu.memory_space<vmem>> -> memref<80xi32, #tpu.memory_space<vmem>>
      %dma_wait3A_518 = arith.constant 0 : i32
      %dma_wait3A_519 = arith.constant 0 : i32
      %dma_wait3A_520 = tpu.memref_slice %arg2[%dma_wait3A_518, %dma_wait3A_519] : memref<10240x128xf32, #tpu.memory_space<hbm>> -> memref<10240x128xf32, #tpu.memory_space<hbm>>
      tpu.wait_indirect_dma semaphore(%arg19 : memref<!tpu.dma_semaphore, #tpu.memory_space<semaphore_mem>>) src(%dma_wait3A_520 : memref<10240x128xf32, #tpu.memory_space<hbm>>) dst(%arg14 : memref<80x128xf32, #tpu.memory_space<vmem>>)
      %dma_start3A_521 = arith.constant 7 : i32
      %dma_start3A_522 = arith.constant 0 : i32
      %dma_start3A_523 = tpu.memref_slice %arg10[%dma_start3A_521, %dma_start3A_522] : memref<8x80xi32, #tpu.memory_space<vmem>> -> memref<1x80xi32, #tpu.memory_space<vmem>>
      %dma_start3A_524 = tpu.memref_squeeze %dma_start3A_523 : memref<1x80xi32, #tpu.memory_space<vmem>> -> memref<80xi32, #tpu.memory_space<vmem>>
      %dma_start3A_525 = arith.constant 0 : i32
      %dma_start3A_526 = arith.constant 0 : i32
      %dma_start3A_527 = tpu.memref_slice %arg15[%dma_start3A_525, %dma_start3A_526] : memref<10240x128xf32, #tpu.memory_space<vmem_shared>> -> memref<10240x128xf32, #tpu.memory_space<vmem_shared>>
      tpu.enqueue_indirect_dma source(%arg14 : memref<80x128xf32, #tpu.memory_space<vmem>>) target(%dma_start3A_527 : memref<10240x128xf32, #tpu.memory_space<vmem_shared>>) offsets(%dma_start3A_524 : memref<80xi32, #tpu.memory_space<vmem>>) semaphore(%arg23 : memref<!tpu.dma_semaphore, #tpu.memory_space<semaphore_mem>>) {add = true}
    }
    %scan3A_27 = arith.constant 8 : i32
    %dma_wait3A = arith.constant 4 : i32
    %dma_wait3A_28 = arith.constant 0 : i32
    %dma_wait3A_29 = tpu.memref_slice %arg10[%dma_wait3A, %dma_wait3A_28] : memref<8x80xi32, #tpu.memory_space<vmem>> -> memref<1x80xi32, #tpu.memory_space<vmem>>
    %dma_wait3A_30 = tpu.memref_squeeze %dma_wait3A_29 : memref<1x80xi32, #tpu.memory_space<vmem>> -> memref<80xi32, #tpu.memory_space<vmem>>
    %dma_wait3A_31 = arith.constant 0 : i32
    %dma_wait3A_32 = arith.constant 0 : i32
    %dma_wait3A_33 = tpu.memref_slice %arg15[%dma_wait3A_31, %dma_wait3A_32] : memref<10240x128xf32, #tpu.memory_space<vmem_shared>> -> memref<10240x128xf32, #tpu.memory_space<vmem_shared>>
    tpu.wait_indirect_dma semaphore(%arg20 : memref<!tpu.dma_semaphore, #tpu.memory_space<semaphore_mem>>) src(%arg11 : memref<80x128xf32, #tpu.memory_space<vmem>>) dst(%dma_wait3A_33 : memref<10240x128xf32, #tpu.memory_space<vmem_shared>>)
    %dma_wait3A_34 = arith.constant 5 : i32
    %dma_wait3A_35 = arith.constant 0 : i32
    %dma_wait3A_36 = tpu.memref_slice %arg10[%dma_wait3A_34, %dma_wait3A_35] : memref<8x80xi32, #tpu.memory_space<vmem>> -> memref<1x80xi32, #tpu.memory_space<vmem>>
    %dma_wait3A_37 = tpu.memref_squeeze %dma_wait3A_36 : memref<1x80xi32, #tpu.memory_space<vmem>> -> memref<80xi32, #tpu.memory_space<vmem>>
    %dma_wait3A_38 = arith.constant 0 : i32
    %dma_wait3A_39 = arith.constant 0 : i32
    %dma_wait3A_40 = tpu.memref_slice %arg15[%dma_wait3A_38, %dma_wait3A_39] : memref<10240x128xf32, #tpu.memory_space<vmem_shared>> -> memref<10240x128xf32, #tpu.memory_space<vmem_shared>>
    tpu.wait_indirect_dma semaphore(%arg21 : memref<!tpu.dma_semaphore, #tpu.memory_space<semaphore_mem>>) src(%arg12 : memref<80x128xf32, #tpu.memory_space<vmem>>) dst(%dma_wait3A_40 : memref<10240x128xf32, #tpu.memory_space<vmem_shared>>)
    %dma_wait3A_41 = arith.constant 6 : i32
    %dma_wait3A_42 = arith.constant 0 : i32
    %dma_wait3A_43 = tpu.memref_slice %arg10[%dma_wait3A_41, %dma_wait3A_42] : memref<8x80xi32, #tpu.memory_space<vmem>> -> memref<1x80xi32, #tpu.memory_space<vmem>>
    %dma_wait3A_44 = tpu.memref_squeeze %dma_wait3A_43 : memref<1x80xi32, #tpu.memory_space<vmem>> -> memref<80xi32, #tpu.memory_space<vmem>>
    %dma_wait3A_45 = arith.constant 0 : i32
    %dma_wait3A_46 = arith.constant 0 : i32
    %dma_wait3A_47 = tpu.memref_slice %arg15[%dma_wait3A_45, %dma_wait3A_46] : memref<10240x128xf32, #tpu.memory_space<vmem_shared>> -> memref<10240x128xf32, #tpu.memory_space<vmem_shared>>
    tpu.wait_indirect_dma semaphore(%arg22 : memref<!tpu.dma_semaphore, #tpu.memory_space<semaphore_mem>>) src(%arg13 : memref<80x128xf32, #tpu.memory_space<vmem>>) dst(%dma_wait3A_47 : memref<10240x128xf32, #tpu.memory_space<vmem_shared>>)
    %dma_wait3A_48 = arith.constant 7 : i32
    %dma_wait3A_49 = arith.constant 0 : i32
    %dma_wait3A_50 = tpu.memref_slice %arg10[%dma_wait3A_48, %dma_wait3A_49] : memref<8x80xi32, #tpu.memory_space<vmem>> -> memref<1x80xi32, #tpu.memory_space<vmem>>
    %dma_wait3A_51 = tpu.memref_squeeze %dma_wait3A_50 : memref<1x80xi32, #tpu.memory_space<vmem>> -> memref<80xi32, #tpu.memory_space<vmem>>
    %dma_wait3A_52 = arith.constant 0 : i32
    %dma_wait3A_53 = arith.constant 0 : i32
    %dma_wait3A_54 = tpu.memref_slice %arg15[%dma_wait3A_52, %dma_wait3A_53] : memref<10240x128xf32, #tpu.memory_space<vmem_shared>> -> memref<10240x128xf32, #tpu.memory_space<vmem_shared>>
    tpu.wait_indirect_dma semaphore(%arg23 : memref<!tpu.dma_semaphore, #tpu.memory_space<semaphore_mem>>) src(%arg14 : memref<80x128xf32, #tpu.memory_space<vmem>>) dst(%dma_wait3A_54 : memref<10240x128xf32, #tpu.memory_space<vmem_shared>>)
    %barrier3A_55 = arith.constant 0 : index
    tpu.barrier barrier_id(%barrier3A_55)
    "tpu.region"() ({
      %run_scoped3A = tpu.sem_alloc : memref<!tpu.dma_semaphore, #tpu.memory_space<semaphore_mem>>
      %dma_start3A_56 = arith.constant 0 : i32
      %dma_start3A_57 = tpu.memref_slice %arg6[%arg0, %mul3A_22, %dma_start3A_56] : memref<2x10240x128xf32, #tpu.memory_space<hbm>> -> memref<1x640x128xf32, #tpu.memory_space<hbm>>
      %dma_start3A_58 = tpu.memref_squeeze %dma_start3A_57 : memref<1x640x128xf32, #tpu.memory_space<hbm>> -> memref<640x128xf32, #tpu.memory_space<hbm>>
      %dma_start3A_59 = arith.constant 0 : i32
      %dma_start3A_60 = tpu.memref_slice %arg15[%mul3A_22, %dma_start3A_59] : memref<10240x128xf32, #tpu.memory_space<vmem_shared>> -> memref<640x128xf32, #tpu.memory_space<vmem_shared>>
      tpu.enqueue_dma source(%dma_start3A_60 : memref<640x128xf32, #tpu.memory_space<vmem_shared>>) target(%dma_start3A_58 : memref<640x128xf32, #tpu.memory_space<hbm>>) target_semaphore(%run_scoped3A : memref<!tpu.dma_semaphore, #tpu.memory_space<semaphore_mem>>)
      %dma_wait3A_61 = arith.constant 0 : i32
      %dma_wait3A_62 = tpu.memref_slice %arg6[%arg0, %mul3A_22, %dma_wait3A_61] : memref<2x10240x128xf32, #tpu.memory_space<hbm>> -> memref<1x640x128xf32, #tpu.memory_space<hbm>>
      %dma_wait3A_63 = tpu.memref_squeeze %dma_wait3A_62 : memref<1x640x128xf32, #tpu.memory_space<hbm>> -> memref<640x128xf32, #tpu.memory_space<hbm>>
      %dma_wait3A_64 = arith.constant 0 : i32
      %dma_wait3A_65 = tpu.memref_slice %arg15[%mul3A_22, %dma_wait3A_64] : memref<10240x128xf32, #tpu.memory_space<vmem_shared>> -> memref<640x128xf32, #tpu.memory_space<vmem_shared>>
      tpu.wait_dma2 semaphore(%run_scoped3A : memref<!tpu.dma_semaphore, #tpu.memory_space<semaphore_mem>>) src(%dma_wait3A_65 : memref<640x128xf32, #tpu.memory_space<vmem_shared>>) dst(%dma_wait3A_63 : memref<640x128xf32, #tpu.memory_space<hbm>>)
      tpu.yield
    }) : () -> ()
    return
  }
}

#map = affine_map<(d0, d1) -> (0, 0, 0)>
#map1 = affine_map<(d0, d1) -> (0, 0)>
module attributes {stable_mosaic.version = 14 : i64} {
  func.func @_sc_degree(%arg0: i32, %arg1: i32, %arg2: memref<32x128x80xi32, #tpu.memory_space<hbm>>, %arg3: memref<10240x128xf32, #tpu.memory_space<hbm>>, %arg4: memref<1x80xi32, #tpu.memory_space<hbm>>, %arg5: memref<2x80x128xf32, #tpu.memory_space<hbm>>, %arg6: memref<128x80xi32, #tpu.memory_space<vmem>>, %arg7: memref<80x128xf32, #tpu.memory_space<vmem>>, %arg8: memref<1x80xi32, #tpu.memory_space<vmem>>, %arg9: memref<80x128xf32, #tpu.memory_space<vmem_shared>>) attributes {dimension_semantics = [#tpu.dimension_semantics<core_parallel>, #tpu.dimension_semantics<subcore_parallel>], iteration_bounds = array<i64: 2, 16>, scalar_prefetch = 0 : i64, scratch_operands = 4 : i64, tpu.core_type = #tpu.core_type<sc_vector_subcore>, window_params = [{transform_indices = #map}, {transform_indices = #map1}, {transform_indices = #map1}, {transform_indices = #map}]} {
    %mul3A = arith.constant 16 : i32
    %mul3A_0 = arith.muli %arg0, %mul3A : i32
    %add3A = arith.addi %mul3A_0, %arg1 : i32
    "tpu.region"() ({
      %run_scoped3A_14 = tpu.sem_alloc : memref<!tpu.dma_semaphore, #tpu.memory_space<semaphore_mem>>
      %dma_start3A = arith.constant 0 : i32
      %dma_start3A_15 = arith.constant 0 : i32
      %dma_start3A_16 = tpu.memref_slice %arg2[%add3A, %dma_start3A, %dma_start3A_15] : memref<32x128x80xi32, #tpu.memory_space<hbm>> -> memref<1x128x80xi32, #tpu.memory_space<hbm>>
      %dma_start3A_17 = tpu.memref_squeeze %dma_start3A_16 : memref<1x128x80xi32, #tpu.memory_space<hbm>> -> memref<128x80xi32, #tpu.memory_space<hbm>>
      %dma_start3A_18 = arith.constant 0 : i32
      %dma_start3A_19 = arith.constant 0 : i32
      %dma_start3A_20 = tpu.memref_slice %arg2[%add3A, %dma_start3A_18, %dma_start3A_19] : memref<32x128x80xi32, #tpu.memory_space<hbm>> -> memref<1x128x80xi32, #tpu.memory_space<hbm>>
      %dma_start3A_21 = tpu.memref_squeeze %dma_start3A_20 : memref<1x128x80xi32, #tpu.memory_space<hbm>> -> memref<128x80xi32, #tpu.memory_space<hbm>>
      tpu.enqueue_dma source(%dma_start3A_21 : memref<128x80xi32, #tpu.memory_space<hbm>>) target(%arg6 : memref<128x80xi32, #tpu.memory_space<vmem>>) target_semaphore(%run_scoped3A_14 : memref<!tpu.dma_semaphore, #tpu.memory_space<semaphore_mem>>)
      %dma_wait3A = arith.constant 0 : i32
      %dma_wait3A_22 = arith.constant 0 : i32
      %dma_wait3A_23 = tpu.memref_slice %arg2[%add3A, %dma_wait3A, %dma_wait3A_22] : memref<32x128x80xi32, #tpu.memory_space<hbm>> -> memref<1x128x80xi32, #tpu.memory_space<hbm>>
      %dma_wait3A_24 = tpu.memref_squeeze %dma_wait3A_23 : memref<1x128x80xi32, #tpu.memory_space<hbm>> -> memref<128x80xi32, #tpu.memory_space<hbm>>
      %dma_wait3A_25 = arith.constant 0 : i32
      %dma_wait3A_26 = arith.constant 0 : i32
      %dma_wait3A_27 = tpu.memref_slice %arg2[%add3A, %dma_wait3A_25, %dma_wait3A_26] : memref<32x128x80xi32, #tpu.memory_space<hbm>> -> memref<1x128x80xi32, #tpu.memory_space<hbm>>
      %dma_wait3A_28 = tpu.memref_squeeze %dma_wait3A_27 : memref<1x128x80xi32, #tpu.memory_space<hbm>> -> memref<128x80xi32, #tpu.memory_space<hbm>>
      tpu.wait_dma2 semaphore(%run_scoped3A_14 : memref<!tpu.dma_semaphore, #tpu.memory_space<semaphore_mem>>) src(%dma_wait3A_28 : memref<128x80xi32, #tpu.memory_space<hbm>>) dst(%arg6 : memref<128x80xi32, #tpu.memory_space<vmem>>)
      tpu.yield
    }) : () -> ()
    "tpu.region"() ({
      %run_scoped3A_14 = tpu.sem_alloc : memref<!tpu.dma_semaphore, #tpu.memory_space<semaphore_mem>>
      %dma_start3A = arith.constant 0 : i32
      %dma_start3A_15 = arith.constant 0 : i32
      %dma_start3A_16 = tpu.memref_slice %arg3[%dma_start3A, %dma_start3A_15] : memref<10240x128xf32, #tpu.memory_space<hbm>> -> memref<80x128xf32, #tpu.memory_space<hbm>>
      %dma_start3A_17 = arith.constant 0 : i32
      %dma_start3A_18 = arith.constant 0 : i32
      %dma_start3A_19 = tpu.memref_slice %arg3[%dma_start3A_17, %dma_start3A_18] : memref<10240x128xf32, #tpu.memory_space<hbm>> -> memref<80x128xf32, #tpu.memory_space<hbm>>
      tpu.enqueue_dma source(%dma_start3A_19 : memref<80x128xf32, #tpu.memory_space<hbm>>) target(%arg7 : memref<80x128xf32, #tpu.memory_space<vmem>>) target_semaphore(%run_scoped3A_14 : memref<!tpu.dma_semaphore, #tpu.memory_space<semaphore_mem>>)
      %dma_wait3A = arith.constant 0 : i32
      %dma_wait3A_20 = arith.constant 0 : i32
      %dma_wait3A_21 = tpu.memref_slice %arg3[%dma_wait3A, %dma_wait3A_20] : memref<10240x128xf32, #tpu.memory_space<hbm>> -> memref<80x128xf32, #tpu.memory_space<hbm>>
      %dma_wait3A_22 = arith.constant 0 : i32
      %dma_wait3A_23 = arith.constant 0 : i32
      %dma_wait3A_24 = tpu.memref_slice %arg3[%dma_wait3A_22, %dma_wait3A_23] : memref<10240x128xf32, #tpu.memory_space<hbm>> -> memref<80x128xf32, #tpu.memory_space<hbm>>
      tpu.wait_dma2 semaphore(%run_scoped3A_14 : memref<!tpu.dma_semaphore, #tpu.memory_space<semaphore_mem>>) src(%dma_wait3A_24 : memref<80x128xf32, #tpu.memory_space<hbm>>) dst(%arg7 : memref<80x128xf32, #tpu.memory_space<vmem>>)
      tpu.yield
    }) : () -> ()
    "tpu.region"() ({
      %run_scoped3A_14 = tpu.sem_alloc : memref<!tpu.dma_semaphore, #tpu.memory_space<semaphore_mem>>
      tpu.enqueue_dma source(%arg4 : memref<1x80xi32, #tpu.memory_space<hbm>>) target(%arg8 : memref<1x80xi32, #tpu.memory_space<vmem>>) target_semaphore(%run_scoped3A_14 : memref<!tpu.dma_semaphore, #tpu.memory_space<semaphore_mem>>)
      tpu.wait_dma2 semaphore(%run_scoped3A_14 : memref<!tpu.dma_semaphore, #tpu.memory_space<semaphore_mem>>) src(%arg4 : memref<1x80xi32, #tpu.memory_space<hbm>>) dst(%arg8 : memref<1x80xi32, #tpu.memory_space<vmem>>)
      tpu.yield
    }) : () -> ()
    %eq3A = arith.constant 0 : i32
    %eq3A_1 = arith.cmpi eq, %arg1, %eq3A : i32
    %convert_element_type3A = arith.extui %eq3A_1 : i1 to i32
    %cond3A = arith.constant 0 : i32
    %cond3A_2 = arith.cmpi ne, %convert_element_type3A, %cond3A : i32
    scf.if %cond3A_2 {
      "tpu.region"() ({
        %run_scoped3A_14 = tpu.sem_alloc : memref<!tpu.dma_semaphore, #tpu.memory_space<semaphore_mem>>
        %dma_start3A = arith.constant 0 : i32
        %dma_start3A_15 = arith.constant 0 : i32
        %dma_start3A_16 = tpu.memref_slice %arg3[%dma_start3A, %dma_start3A_15] : memref<10240x128xf32, #tpu.memory_space<hbm>> -> memref<80x128xf32, #tpu.memory_space<hbm>>
        tpu.enqueue_dma source(%dma_start3A_16 : memref<80x128xf32, #tpu.memory_space<hbm>>) target(%arg9 : memref<80x128xf32, #tpu.memory_space<vmem_shared>>) target_semaphore(%run_scoped3A_14 : memref<!tpu.dma_semaphore, #tpu.memory_space<semaphore_mem>>)
        %dma_wait3A = arith.constant 0 : i32
        %dma_wait3A_17 = arith.constant 0 : i32
        %dma_wait3A_18 = tpu.memref_slice %arg3[%dma_wait3A, %dma_wait3A_17] : memref<10240x128xf32, #tpu.memory_space<hbm>> -> memref<80x128xf32, #tpu.memory_space<hbm>>
        tpu.wait_dma2 semaphore(%run_scoped3A_14 : memref<!tpu.dma_semaphore, #tpu.memory_space<semaphore_mem>>) src(%dma_wait3A_18 : memref<80x128xf32, #tpu.memory_space<hbm>>) dst(%arg9 : memref<80x128xf32, #tpu.memory_space<vmem_shared>>)
        tpu.yield
      }) : () -> ()
    } else {
    }
    %scan3A = arith.constant 0 : i32
    %scan3A_3 = arith.constant 0 : i32
    %scan3A_4 = arith.constant 128 : i32
    %scan3A_5 = arith.addi %scan3A_3, %scan3A_4 : i32
    %scan3A_6 = arith.constant 1 : i32
    scf.for %scan3A_14 = %scan3A_3 to %scan3A_5 step %scan3A_6  : i32 {
      %get3A = arith.index_cast %scan3A_14 : i32 to index
      %get3A_15 = arith.constant 0 : index
      %get3A_16 = tpu.vector_load %arg6[%get3A, %get3A_15] {strides = array<i32>} : memref<128x80xi32, #tpu.memory_space<vmem>>, vector<16xi32>,
      %broadcast_in_dim3A = arith.constant true
      %broadcast_in_dim3A_17 = vector.broadcast %broadcast_in_dim3A : i1 to vector<16xi1>
      %unique3A, %unique3A_18 = tpu.scan_count mask(%broadcast_in_dim3A_17 : vector<16xi1>) value(%get3A_16 : vector<16xi32>) : vector<16xi1>, vector<16xi32>
      %shift_right_logical3A = arith.constant 7 : i32
      %shift_right_logical3A_19 = vector.broadcast %shift_right_logical3A : i32 to vector<16xi32>
      %shift_right_logical3A_20 = arith.shrui %get3A_16, %shift_right_logical3A_19 : vector<16xi32>
      %and3A = arith.constant 127 : i32
      %and3A_21 = vector.broadcast %and3A : i32 to vector<16xi32>
      %and3A_22 = arith.andi %get3A_16, %and3A_21 : vector<16xi32>
      %convert_element_type3A_23 = arith.sitofp %unique3A_18 : vector<16xi32> to vector<16xf32>
      tpu.vector_store_idx %arg7[%shift_right_logical3A_20, %and3A_22], %convert_element_type3A_23 masked %unique3A {add = true} : memref<80x128xf32, #tpu.memory_space<vmem>>[vector<16xi32>, vector<16xi32>], vector<16xf32>, vector<16xi1>
      %get3A_24 = arith.index_cast %scan3A_14 : i32 to index
      %get3A_25 = arith.constant 16 : index
      %get3A_26 = tpu.vector_load %arg6[%get3A_24, %get3A_25] {strides = array<i32>} : memref<128x80xi32, #tpu.memory_space<vmem>>, vector<16xi32>,
      %broadcast_in_dim3A_27 = arith.constant true
      %broadcast_in_dim3A_28 = vector.broadcast %broadcast_in_dim3A_27 : i1 to vector<16xi1>
      %unique3A_29, %unique3A_30 = tpu.scan_count mask(%broadcast_in_dim3A_28 : vector<16xi1>) value(%get3A_26 : vector<16xi32>) : vector<16xi1>, vector<16xi32>
      %shift_right_logical3A_31 = arith.constant 7 : i32
      %shift_right_logical3A_32 = vector.broadcast %shift_right_logical3A_31 : i32 to vector<16xi32>
      %shift_right_logical3A_33 = arith.shrui %get3A_26, %shift_right_logical3A_32 : vector<16xi32>
      %and3A_34 = arith.constant 127 : i32
      %and3A_35 = vector.broadcast %and3A_34 : i32 to vector<16xi32>
      %and3A_36 = arith.andi %get3A_26, %and3A_35 : vector<16xi32>
      %convert_element_type3A_37 = arith.sitofp %unique3A_30 : vector<16xi32> to vector<16xf32>
      tpu.vector_store_idx %arg7[%shift_right_logical3A_33, %and3A_36], %convert_element_type3A_37 masked %unique3A_29 {add = true} : memref<80x128xf32, #tpu.memory_space<vmem>>[vector<16xi32>, vector<16xi32>], vector<16xf32>, vector<16xi1>
      %get3A_38 = arith.index_cast %scan3A_14 : i32 to index
      %get3A_39 = arith.constant 32 : index
      %get3A_40 = tpu.vector_load %arg6[%get3A_38, %get3A_39] {strides = array<i32>} : memref<128x80xi32, #tpu.memory_space<vmem>>, vector<16xi32>,
      %broadcast_in_dim3A_41 = arith.constant true
      %broadcast_in_dim3A_42 = vector.broadcast %broadcast_in_dim3A_41 : i1 to vector<16xi1>
      %unique3A_43, %unique3A_44 = tpu.scan_count mask(%broadcast_in_dim3A_42 : vector<16xi1>) value(%get3A_40 : vector<16xi32>) : vector<16xi1>, vector<16xi32>
      %shift_right_logical3A_45 = arith.constant 7 : i32
      %shift_right_logical3A_46 = vector.broadcast %shift_right_logical3A_45 : i32 to vector<16xi32>
      %shift_right_logical3A_47 = arith.shrui %get3A_40, %shift_right_logical3A_46 : vector<16xi32>
      %and3A_48 = arith.constant 127 : i32
      %and3A_49 = vector.broadcast %and3A_48 : i32 to vector<16xi32>
      %and3A_50 = arith.andi %get3A_40, %and3A_49 : vector<16xi32>
      %convert_element_type3A_51 = arith.sitofp %unique3A_44 : vector<16xi32> to vector<16xf32>
      tpu.vector_store_idx %arg7[%shift_right_logical3A_47, %and3A_50], %convert_element_type3A_51 masked %unique3A_43 {add = true} : memref<80x128xf32, #tpu.memory_space<vmem>>[vector<16xi32>, vector<16xi32>], vector<16xf32>, vector<16xi1>
      %get3A_52 = arith.index_cast %scan3A_14 : i32 to index
      %get3A_53 = arith.constant 48 : index
      %get3A_54 = tpu.vector_load %arg6[%get3A_52, %get3A_53] {strides = array<i32>} : memref<128x80xi32, #tpu.memory_space<vmem>>, vector<16xi32>,
      %broadcast_in_dim3A_55 = arith.constant true
      %broadcast_in_dim3A_56 = vector.broadcast %broadcast_in_dim3A_55 : i1 to vector<16xi1>
      %unique3A_57, %unique3A_58 = tpu.scan_count mask(%broadcast_in_dim3A_56 : vector<16xi1>) value(%get3A_54 : vector<16xi32>) : vector<16xi1>, vector<16xi32>
      %shift_right_logical3A_59 = arith.constant 7 : i32
      %shift_right_logical3A_60 = vector.broadcast %shift_right_logical3A_59 : i32 to vector<16xi32>
      %shift_right_logical3A_61 = arith.shrui %get3A_54, %shift_right_logical3A_60 : vector<16xi32>
      %and3A_62 = arith.constant 127 : i32
      %and3A_63 = vector.broadcast %and3A_62 : i32 to vector<16xi32>
      %and3A_64 = arith.andi %get3A_54, %and3A_63 : vector<16xi32>
      %convert_element_type3A_65 = arith.sitofp %unique3A_58 : vector<16xi32> to vector<16xf32>
      tpu.vector_store_idx %arg7[%shift_right_logical3A_61, %and3A_64], %convert_element_type3A_65 masked %unique3A_57 {add = true} : memref<80x128xf32, #tpu.memory_space<vmem>>[vector<16xi32>, vector<16xi32>], vector<16xf32>, vector<16xi1>
      %get3A_66 = arith.index_cast %scan3A_14 : i32 to index
      %get3A_67 = arith.constant 64 : index
      %get3A_68 = tpu.vector_load %arg6[%get3A_66, %get3A_67] {strides = array<i32>} : memref<128x80xi32, #tpu.memory_space<vmem>>, vector<16xi32>,
      %broadcast_in_dim3A_69 = arith.constant true
      %broadcast_in_dim3A_70 = vector.broadcast %broadcast_in_dim3A_69 : i1 to vector<16xi1>
      %unique3A_71, %unique3A_72 = tpu.scan_count mask(%broadcast_in_dim3A_70 : vector<16xi1>) value(%get3A_68 : vector<16xi32>) : vector<16xi1>, vector<16xi32>
      %shift_right_logical3A_73 = arith.constant 7 : i32
      %shift_right_logical3A_74 = vector.broadcast %shift_right_logical3A_73 : i32 to vector<16xi32>
      %shift_right_logical3A_75 = arith.shrui %get3A_68, %shift_right_logical3A_74 : vector<16xi32>
      %and3A_76 = arith.constant 127 : i32
      %and3A_77 = vector.broadcast %and3A_76 : i32 to vector<16xi32>
      %and3A_78 = arith.andi %get3A_68, %and3A_77 : vector<16xi32>
      %convert_element_type3A_79 = arith.sitofp %unique3A_72 : vector<16xi32> to vector<16xf32>
      tpu.vector_store_idx %arg7[%shift_right_logical3A_75, %and3A_78], %convert_element_type3A_79 masked %unique3A_71 {add = true} : memref<80x128xf32, #tpu.memory_space<vmem>>[vector<16xi32>, vector<16xi32>], vector<16xf32>, vector<16xi1>
    }
    %scan3A_7 = arith.constant 128 : i32
    %barrier3A = arith.constant 0 : index
    tpu.barrier barrier_id(%barrier3A)
    %run_scoped3A = arith.constant 0 : i32
    "tpu.region"() ({
      %run_scoped3A_14 = tpu.sem_alloc : memref<!tpu.dma_semaphore, #tpu.memory_space<semaphore_mem>>
      %dma_start3A = arith.constant 0 : i32
      %dma_start3A_15 = tpu.memref_slice %arg8[%run_scoped3A, %dma_start3A] : memref<1x80xi32, #tpu.memory_space<vmem>> -> memref<1x80xi32, #tpu.memory_space<vmem>>
      %dma_start3A_16 = tpu.memref_squeeze %dma_start3A_15 : memref<1x80xi32, #tpu.memory_space<vmem>> -> memref<80xi32, #tpu.memory_space<vmem>>
      %dma_start3A_17 = arith.constant 0 : i32
      %dma_start3A_18 = arith.constant 0 : i32
      %dma_start3A_19 = tpu.memref_slice %arg9[%dma_start3A_17, %dma_start3A_18] : memref<80x128xf32, #tpu.memory_space<vmem_shared>> -> memref<80x128xf32, #tpu.memory_space<vmem_shared>>
      tpu.enqueue_indirect_dma source(%arg7 : memref<80x128xf32, #tpu.memory_space<vmem>>) target(%dma_start3A_19 : memref<80x128xf32, #tpu.memory_space<vmem_shared>>) offsets(%dma_start3A_16 : memref<80xi32, #tpu.memory_space<vmem>>) semaphore(%run_scoped3A_14 : memref<!tpu.dma_semaphore, #tpu.memory_space<semaphore_mem>>) {add = true}
      %dma_wait3A = arith.constant 0 : i32
      %dma_wait3A_20 = tpu.memref_slice %arg8[%run_scoped3A, %dma_wait3A] : memref<1x80xi32, #tpu.memory_space<vmem>> -> memref<1x80xi32, #tpu.memory_space<vmem>>
      %dma_wait3A_21 = tpu.memref_squeeze %dma_wait3A_20 : memref<1x80xi32, #tpu.memory_space<vmem>> -> memref<80xi32, #tpu.memory_space<vmem>>
      %dma_wait3A_22 = arith.constant 0 : i32
      %dma_wait3A_23 = arith.constant 0 : i32
      %dma_wait3A_24 = tpu.memref_slice %arg9[%dma_wait3A_22, %dma_wait3A_23] : memref<80x128xf32, #tpu.memory_space<vmem_shared>> -> memref<80x128xf32, #tpu.memory_space<vmem_shared>>
      tpu.wait_indirect_dma semaphore(%run_scoped3A_14 : memref<!tpu.dma_semaphore, #tpu.memory_space<semaphore_mem>>) src(%arg7 : memref<80x128xf32, #tpu.memory_space<vmem>>) dst(%dma_wait3A_24 : memref<80x128xf32, #tpu.memory_space<vmem_shared>>)
      tpu.yield
    }) : () -> ()
    %barrier3A_8 = arith.constant 0 : index
    tpu.barrier barrier_id(%barrier3A_8)
    %eq3A_9 = arith.constant 0 : i32
    %eq3A_10 = arith.cmpi eq, %arg1, %eq3A_9 : i32
    %convert_element_type3A_11 = arith.extui %eq3A_10 : i1 to i32
    %cond3A_12 = arith.constant 0 : i32
    %cond3A_13 = arith.cmpi ne, %convert_element_type3A_11, %cond3A_12 : i32
    scf.if %cond3A_13 {
      "tpu.region"() ({
        %run_scoped3A_14 = tpu.sem_alloc : memref<!tpu.dma_semaphore, #tpu.memory_space<semaphore_mem>>
        %dma_start3A = arith.constant 0 : i32
        %dma_start3A_15 = arith.constant 0 : i32
        %dma_start3A_16 = tpu.memref_slice %arg5[%arg0, %dma_start3A, %dma_start3A_15] : memref<2x80x128xf32, #tpu.memory_space<hbm>> -> memref<1x80x128xf32, #tpu.memory_space<hbm>>
        %dma_start3A_17 = tpu.memref_squeeze %dma_start3A_16 : memref<1x80x128xf32, #tpu.memory_space<hbm>> -> memref<80x128xf32, #tpu.memory_space<hbm>>
        tpu.enqueue_dma source(%arg9 : memref<80x128xf32, #tpu.memory_space<vmem_shared>>) target(%dma_start3A_17 : memref<80x128xf32, #tpu.memory_space<hbm>>) target_semaphore(%run_scoped3A_14 : memref<!tpu.dma_semaphore, #tpu.memory_space<semaphore_mem>>)
        %dma_wait3A = arith.constant 0 : i32
        %dma_wait3A_18 = arith.constant 0 : i32
        %dma_wait3A_19 = tpu.memref_slice %arg5[%arg0, %dma_wait3A, %dma_wait3A_18] : memref<2x80x128xf32, #tpu.memory_space<hbm>> -> memref<1x80x128xf32, #tpu.memory_space<hbm>>
        %dma_wait3A_20 = tpu.memref_squeeze %dma_wait3A_19 : memref<1x80x128xf32, #tpu.memory_space<hbm>> -> memref<80x128xf32, #tpu.memory_space<hbm>>
        tpu.wait_dma2 semaphore(%run_scoped3A_14 : memref<!tpu.dma_semaphore, #tpu.memory_space<semaphore_mem>>) src(%arg9 : memref<80x128xf32, #tpu.memory_space<vmem_shared>>) dst(%dma_wait3A_20 : memref<80x128xf32, #tpu.memory_space<hbm>>)
        tpu.yield
      }) : () -> ()
    } else {
    }
    return
  }
}

#map = affine_map<(d0, d1) -> (0, 0)>
#map1 = affine_map<(d0, d1) -> (0, 0, 0)>
module attributes {stable_mosaic.version = 14 : i64} {
  func.func @_sc_aggregate(%arg0: i32, %arg1: i32, %arg2: memref<10240x128xf32, #tpu.memory_space<hbm>>, %arg3: memref<32x128x80xi32, #tpu.memory_space<hbm>>, %arg4: memref<32x128x80xi32, #tpu.memory_space<hbm>>, %arg5: memref<10240x128xf32, #tpu.memory_space<hbm>>, %arg6: memref<2x10240x128xf32, #tpu.memory_space<hbm>>, %arg7: memref<8x80xi32, #tpu.memory_space<vmem>>, %arg8: memref<8x80xi32, #tpu.memory_space<vmem>>, %arg9: memref<8x80xi32, #tpu.memory_space<vmem>>, %arg10: memref<8x80xi32, #tpu.memory_space<vmem>>, %arg11: memref<80x128xf32, #tpu.memory_space<vmem>>, %arg12: memref<80x128xf32, #tpu.memory_space<vmem>>, %arg13: memref<80x128xf32, #tpu.memory_space<vmem>>, %arg14: memref<80x128xf32, #tpu.memory_space<vmem>>, %arg15: memref<10240x128xf32, #tpu.memory_space<vmem_shared>>, %arg16: memref<!tpu.dma_semaphore, #tpu.memory_space<semaphore_mem>>, %arg17: memref<!tpu.dma_semaphore, #tpu.memory_space<semaphore_mem>>, %arg18: memref<!tpu.dma_semaphore, #tpu.memory_space<semaphore_mem>>, %arg19: memref<!tpu.dma_semaphore, #tpu.memory_space<semaphore_mem>>, %arg20: memref<!tpu.dma_semaphore, #tpu.memory_space<semaphore_mem>>, %arg21: memref<!tpu.dma_semaphore, #tpu.memory_space<semaphore_mem>>, %arg22: memref<!tpu.dma_semaphore, #tpu.memory_space<semaphore_mem>>, %arg23: memref<!tpu.dma_semaphore, #tpu.memory_space<semaphore_mem>>, %arg24: memref<!tpu.dma_semaphore, #tpu.memory_space<semaphore_mem>>, %arg25: memref<!tpu.dma_semaphore, #tpu.memory_space<semaphore_mem>>) attributes {dimension_semantics = [#tpu.dimension_semantics<core_parallel>, #tpu.dimension_semantics<subcore_parallel>], iteration_bounds = array<i64: 2, 16>, scalar_prefetch = 0 : i64, scratch_operands = 19 : i64, tpu.core_type = #tpu.core_type<sc_vector_subcore>, window_params = [{transform_indices = #map}, {transform_indices = #map1}, {transform_indices = #map1}, {transform_indices = #map}, {transform_indices = #map1}]} {
    %mul3A = arith.constant 16 : i32
    %mul3A_0 = arith.muli %arg0, %mul3A : i32
    %add3A = arith.addi %mul3A_0, %arg1 : i32
    "tpu.region"() ({
      %run_scoped3A = tpu.sem_alloc : memref<!tpu.dma_semaphore, #tpu.memory_space<semaphore_mem>>
      %dma_start3A_56 = arith.constant 0 : i32
      %dma_start3A_57 = arith.constant 0 : i32
      %dma_start3A_58 = tpu.memref_slice %arg3[%add3A, %dma_start3A_56, %dma_start3A_57] : memref<32x128x80xi32, #tpu.memory_space<hbm>> -> memref<1x8x80xi32, #tpu.memory_space<hbm>>
      %dma_start3A_59 = tpu.memref_squeeze %dma_start3A_58 : memref<1x8x80xi32, #tpu.memory_space<hbm>> -> memref<8x80xi32, #tpu.memory_space<hbm>>
      %dma_start3A_60 = arith.constant 0 : i32
      %dma_start3A_61 = arith.constant 0 : i32
      %dma_start3A_62 = tpu.memref_slice %arg3[%add3A, %dma_start3A_60, %dma_start3A_61] : memref<32x128x80xi32, #tpu.memory_space<hbm>> -> memref<1x8x80xi32, #tpu.memory_space<hbm>>
      %dma_start3A_63 = tpu.memref_squeeze %dma_start3A_62 : memref<1x8x80xi32, #tpu.memory_space<hbm>> -> memref<8x80xi32, #tpu.memory_space<hbm>>
      tpu.enqueue_dma source(%dma_start3A_63 : memref<8x80xi32, #tpu.memory_space<hbm>>) target(%arg7 : memref<8x80xi32, #tpu.memory_space<vmem>>) target_semaphore(%run_scoped3A : memref<!tpu.dma_semaphore, #tpu.memory_space<semaphore_mem>>)
      %dma_wait3A_64 = arith.constant 0 : i32
      %dma_wait3A_65 = arith.constant 0 : i32
      %dma_wait3A_66 = tpu.memref_slice %arg3[%add3A, %dma_wait3A_64, %dma_wait3A_65] : memref<32x128x80xi32, #tpu.memory_space<hbm>> -> memref<1x8x80xi32, #tpu.memory_space<hbm>>
      %dma_wait3A_67 = tpu.memref_squeeze %dma_wait3A_66 : memref<1x8x80xi32, #tpu.memory_space<hbm>> -> memref<8x80xi32, #tpu.memory_space<hbm>>
      %dma_wait3A_68 = arith.constant 0 : i32
      %dma_wait3A_69 = arith.constant 0 : i32
      %dma_wait3A_70 = tpu.memref_slice %arg3[%add3A, %dma_wait3A_68, %dma_wait3A_69] : memref<32x128x80xi32, #tpu.memory_space<hbm>> -> memref<1x8x80xi32, #tpu.memory_space<hbm>>
      %dma_wait3A_71 = tpu.memref_squeeze %dma_wait3A_70 : memref<1x8x80xi32, #tpu.memory_space<hbm>> -> memref<8x80xi32, #tpu.memory_space<hbm>>
      tpu.wait_dma2 semaphore(%run_scoped3A : memref<!tpu.dma_semaphore, #tpu.memory_space<semaphore_mem>>) src(%dma_wait3A_71 : memref<8x80xi32, #tpu.memory_space<hbm>>) dst(%arg7 : memref<8x80xi32, #tpu.memory_space<vmem>>)
      tpu.yield
    }) : () -> ()
    "tpu.region"() ({
      %run_scoped3A = tpu.sem_alloc : memref<!tpu.dma_semaphore, #tpu.memory_space<semaphore_mem>>
      %dma_start3A_56 = arith.constant 0 : i32
      %dma_start3A_57 = arith.constant 0 : i32
      %dma_start3A_58 = tpu.memref_slice %arg4[%add3A, %dma_start3A_56, %dma_start3A_57] : memref<32x128x80xi32, #tpu.memory_space<hbm>> -> memref<1x8x80xi32, #tpu.memory_space<hbm>>
      %dma_start3A_59 = tpu.memref_squeeze %dma_start3A_58 : memref<1x8x80xi32, #tpu.memory_space<hbm>> -> memref<8x80xi32, #tpu.memory_space<hbm>>
      %dma_start3A_60 = arith.constant 0 : i32
      %dma_start3A_61 = arith.constant 0 : i32
      %dma_start3A_62 = tpu.memref_slice %arg4[%add3A, %dma_start3A_60, %dma_start3A_61] : memref<32x128x80xi32, #tpu.memory_space<hbm>> -> memref<1x8x80xi32, #tpu.memory_space<hbm>>
      %dma_start3A_63 = tpu.memref_squeeze %dma_start3A_62 : memref<1x8x80xi32, #tpu.memory_space<hbm>> -> memref<8x80xi32, #tpu.memory_space<hbm>>
      tpu.enqueue_dma source(%dma_start3A_63 : memref<8x80xi32, #tpu.memory_space<hbm>>) target(%arg9 : memref<8x80xi32, #tpu.memory_space<vmem>>) target_semaphore(%run_scoped3A : memref<!tpu.dma_semaphore, #tpu.memory_space<semaphore_mem>>)
      %dma_wait3A_64 = arith.constant 0 : i32
      %dma_wait3A_65 = arith.constant 0 : i32
      %dma_wait3A_66 = tpu.memref_slice %arg4[%add3A, %dma_wait3A_64, %dma_wait3A_65] : memref<32x128x80xi32, #tpu.memory_space<hbm>> -> memref<1x8x80xi32, #tpu.memory_space<hbm>>
      %dma_wait3A_67 = tpu.memref_squeeze %dma_wait3A_66 : memref<1x8x80xi32, #tpu.memory_space<hbm>> -> memref<8x80xi32, #tpu.memory_space<hbm>>
      %dma_wait3A_68 = arith.constant 0 : i32
      %dma_wait3A_69 = arith.constant 0 : i32
      %dma_wait3A_70 = tpu.memref_slice %arg4[%add3A, %dma_wait3A_68, %dma_wait3A_69] : memref<32x128x80xi32, #tpu.memory_space<hbm>> -> memref<1x8x80xi32, #tpu.memory_space<hbm>>
      %dma_wait3A_71 = tpu.memref_squeeze %dma_wait3A_70 : memref<1x8x80xi32, #tpu.memory_space<hbm>> -> memref<8x80xi32, #tpu.memory_space<hbm>>
      tpu.wait_dma2 semaphore(%run_scoped3A : memref<!tpu.dma_semaphore, #tpu.memory_space<semaphore_mem>>) src(%dma_wait3A_71 : memref<8x80xi32, #tpu.memory_space<hbm>>) dst(%arg9 : memref<8x80xi32, #tpu.memory_space<vmem>>)
      tpu.yield
    }) : () -> ()
    %dma_start3A = arith.constant 0 : i32
    %dma_start3A_1 = arith.constant 0 : i32
    %dma_start3A_2 = tpu.memref_slice %arg7[%dma_start3A, %dma_start3A_1] : memref<8x80xi32, #tpu.memory_space<vmem>> -> memref<1x80xi32, #tpu.memory_space<vmem>>
    %dma_start3A_3 = tpu.memref_squeeze %dma_start3A_2 : memref<1x80xi32, #tpu.memory_space<vmem>> -> memref<80xi32, #tpu.memory_space<vmem>>
    %dma_start3A_4 = arith.constant 0 : i32
    %dma_start3A_5 = arith.constant 0 : i32
    %dma_start3A_6 = tpu.memref_slice %arg2[%dma_start3A_4, %dma_start3A_5] : memref<10240x128xf32, #tpu.memory_space<hbm>> -> memref<10240x128xf32, #tpu.memory_space<hbm>>
    tpu.enqueue_indirect_dma source(%dma_start3A_6 : memref<10240x128xf32, #tpu.memory_space<hbm>>) target(%arg11 : memref<80x128xf32, #tpu.memory_space<vmem>>) offsets(%dma_start3A_3 : memref<80xi32, #tpu.memory_space<vmem>>) semaphore(%arg16 : memref<!tpu.dma_semaphore, #tpu.memory_space<semaphore_mem>>)
    %dma_start3A_7 = arith.constant 1 : i32
    %dma_start3A_8 = arith.constant 0 : i32
    %dma_start3A_9 = tpu.memref_slice %arg7[%dma_start3A_7, %dma_start3A_8] : memref<8x80xi32, #tpu.memory_space<vmem>> -> memref<1x80xi32, #tpu.memory_space<vmem>>
    %dma_start3A_10 = tpu.memref_squeeze %dma_start3A_9 : memref<1x80xi32, #tpu.memory_space<vmem>> -> memref<80xi32, #tpu.memory_space<vmem>>
    %dma_start3A_11 = arith.constant 0 : i32
    %dma_start3A_12 = arith.constant 0 : i32
    %dma_start3A_13 = tpu.memref_slice %arg2[%dma_start3A_11, %dma_start3A_12] : memref<10240x128xf32, #tpu.memory_space<hbm>> -> memref<10240x128xf32, #tpu.memory_space<hbm>>
    tpu.enqueue_indirect_dma source(%dma_start3A_13 : memref<10240x128xf32, #tpu.memory_space<hbm>>) target(%arg12 : memref<80x128xf32, #tpu.memory_space<vmem>>) offsets(%dma_start3A_10 : memref<80xi32, #tpu.memory_space<vmem>>) semaphore(%arg17 : memref<!tpu.dma_semaphore, #tpu.memory_space<semaphore_mem>>)
    %dma_start3A_14 = arith.constant 2 : i32
    %dma_start3A_15 = arith.constant 0 : i32
    %dma_start3A_16 = tpu.memref_slice %arg7[%dma_start3A_14, %dma_start3A_15] : memref<8x80xi32, #tpu.memory_space<vmem>> -> memref<1x80xi32, #tpu.memory_space<vmem>>
    %dma_start3A_17 = tpu.memref_squeeze %dma_start3A_16 : memref<1x80xi32, #tpu.memory_space<vmem>> -> memref<80xi32, #tpu.memory_space<vmem>>
    %dma_start3A_18 = arith.constant 0 : i32
    %dma_start3A_19 = arith.constant 0 : i32
    %dma_start3A_20 = tpu.memref_slice %arg2[%dma_start3A_18, %dma_start3A_19] : memref<10240x128xf32, #tpu.memory_space<hbm>> -> memref<10240x128xf32, #tpu.memory_space<hbm>>
    tpu.enqueue_indirect_dma source(%dma_start3A_20 : memref<10240x128xf32, #tpu.memory_space<hbm>>) target(%arg13 : memref<80x128xf32, #tpu.memory_space<vmem>>) offsets(%dma_start3A_17 : memref<80xi32, #tpu.memory_space<vmem>>) semaphore(%arg18 : memref<!tpu.dma_semaphore, #tpu.memory_space<semaphore_mem>>)
    %mul3A_21 = arith.constant 640 : i32
    %mul3A_22 = arith.muli %arg1, %mul3A_21 : i32
    "tpu.region"() ({
      %run_scoped3A = tpu.sem_alloc : memref<!tpu.dma_semaphore, #tpu.memory_space<semaphore_mem>>
      %dma_start3A_56 = arith.constant 0 : i32
      %dma_start3A_57 = tpu.memref_slice %arg15[%mul3A_22, %dma_start3A_56] : memref<10240x128xf32, #tpu.memory_space<vmem_shared>> -> memref<640x128xf32, #tpu.memory_space<vmem_shared>>
      %dma_start3A_58 = arith.constant 0 : i32
      %dma_start3A_59 = tpu.memref_slice %arg5[%mul3A_22, %dma_start3A_58] : memref<10240x128xf32, #tpu.memory_space<hbm>> -> memref<640x128xf32, #tpu.memory_space<hbm>>
      tpu.enqueue_dma source(%dma_start3A_59 : memref<640x128xf32, #tpu.memory_space<hbm>>) target(%dma_start3A_57 : memref<640x128xf32, #tpu.memory_space<vmem_shared>>) target_semaphore(%run_scoped3A : memref<!tpu.dma_semaphore, #tpu.memory_space<semaphore_mem>>)
      %dma_wait3A_60 = arith.constant 0 : i32
      %dma_wait3A_61 = tpu.memref_slice %arg15[%mul3A_22, %dma_wait3A_60] : memref<10240x128xf32, #tpu.memory_space<vmem_shared>> -> memref<640x128xf32, #tpu.memory_space<vmem_shared>>
      %dma_wait3A_62 = arith.constant 0 : i32
      %dma_wait3A_63 = tpu.memref_slice %arg5[%mul3A_22, %dma_wait3A_62] : memref<10240x128xf32, #tpu.memory_space<hbm>> -> memref<640x128xf32, #tpu.memory_space<hbm>>
      tpu.wait_dma2 semaphore(%run_scoped3A : memref<!tpu.dma_semaphore, #tpu.memory_space<semaphore_mem>>) src(%dma_wait3A_63 : memref<640x128xf32, #tpu.memory_space<hbm>>) dst(%dma_wait3A_61 : memref<640x128xf32, #tpu.memory_space<vmem_shared>>)
      tpu.yield
    }) : () -> ()
    %barrier3A = arith.constant 0 : index
    tpu.barrier barrier_id(%barrier3A)
    %scan3A = arith.constant 0 : i32
    %scan3A_23 = arith.constant 0 : i32
    %scan3A_24 = arith.constant 8 : i32
    %scan3A_25 = arith.addi %scan3A_23, %scan3A_24 : i32
    %scan3A_26 = arith.constant 1 : i32
    scf.for %scan3A_56 = %scan3A_23 to %scan3A_25 step %scan3A_26  : i32 {
      %mul3A_57 = arith.constant 2 : i32
      %mul3A_58 = arith.muli %mul3A_57, %scan3A_56 : i32
      %add3A_59 = arith.constant 0 : i32
      %add3A_60 = arith.addi %mul3A_58, %add3A_59 : i32
      %mul3A_61 = arith.constant 8 : i32
      %mul3A_62 = arith.muli %add3A_60, %mul3A_61 : i32
      %add3A_63 = arith.constant 0 : i32
      %add3A_64 = arith.addi %mul3A_62, %add3A_63 : i32
      %add3A_65 = arith.constant 3 : i32
      %add3A_66 = arith.addi %add3A_64, %add3A_65 : i32
      %lt3A = arith.constant 128 : i32
      %lt3A_67 = arith.cmpi slt, %add3A_66, %lt3A : i32
      %ge3A = arith.constant 1 : i32
      %ge3A_68 = arith.cmpi sge, %add3A_64, %ge3A : i32
      %and3A = arith.andi %lt3A_67, %ge3A_68 : i1
      %convert_element_type3A = arith.extui %and3A : i1 to i32
      %cond3A = arith.constant 0 : i32
      %cond3A_69 = arith.cmpi ne, %convert_element_type3A, %cond3A : i32
      scf.if %cond3A_69 {
        %dma_wait3A_528 = arith.constant 7 : i32
        %dma_wait3A_529 = arith.constant 0 : i32
        %dma_wait3A_530 = tpu.memref_slice %arg10[%dma_wait3A_528, %dma_wait3A_529] : memref<8x80xi32, #tpu.memory_space<vmem>> -> memref<1x80xi32, #tpu.memory_space<vmem>>
        %dma_wait3A_531 = tpu.memref_squeeze %dma_wait3A_530 : memref<1x80xi32, #tpu.memory_space<vmem>> -> memref<80xi32, #tpu.memory_space<vmem>>
        %dma_wait3A_532 = arith.constant 0 : i32
        %dma_wait3A_533 = arith.constant 0 : i32
        %dma_wait3A_534 = tpu.memref_slice %arg15[%dma_wait3A_532, %dma_wait3A_533] : memref<10240x128xf32, #tpu.memory_space<vmem_shared>> -> memref<10240x128xf32, #tpu.memory_space<vmem_shared>>
        tpu.wait_indirect_dma semaphore(%arg23 : memref<!tpu.dma_semaphore, #tpu.memory_space<semaphore_mem>>) src(%arg14 : memref<80x128xf32, #tpu.memory_space<vmem>>) dst(%dma_wait3A_534 : memref<10240x128xf32, #tpu.memory_space<vmem_shared>>)
      } else {
      }
      %add3A_70 = arith.constant 1 : i32
      %add3A_71 = arith.addi %add3A_60, %add3A_70 : i32
      %lt3A_72 = arith.constant 16 : i32
      %lt3A_73 = arith.cmpi slt, %add3A_71, %lt3A_72 : i32
      %convert_element_type3A_74 = arith.extui %lt3A_73 : i1 to i32
      %cond3A_75 = arith.constant 0 : i32
      %cond3A_76 = arith.cmpi ne, %convert_element_type3A_74, %cond3A_75 : i32
      scf.if %cond3A_76 {
        %add3A_528 = arith.constant 1 : i32
        %add3A_529 = arith.addi %add3A_60, %add3A_528 : i32
        %mul3A_530 = arith.constant 8 : i32
        %mul3A_531 = arith.muli %add3A_529, %mul3A_530 : i32
        %dma_start3A_532 = arith.constant 0 : i32
        %dma_start3A_533 = tpu.memref_slice %arg3[%add3A, %mul3A_531, %dma_start3A_532] : memref<32x128x80xi32, #tpu.memory_space<hbm>> -> memref<1x8x80xi32, #tpu.memory_space<hbm>>
        %dma_start3A_534 = tpu.memref_squeeze %dma_start3A_533 : memref<1x8x80xi32, #tpu.memory_space<hbm>> -> memref<8x80xi32, #tpu.memory_space<hbm>>
        %dma_start3A_535 = arith.constant 0 : i32
        %dma_start3A_536 = tpu.memref_slice %arg3[%add3A, %mul3A_531, %dma_start3A_535] : memref<32x128x80xi32, #tpu.memory_space<hbm>> -> memref<1x8x80xi32, #tpu.memory_space<hbm>>
        %dma_start3A_537 = tpu.memref_squeeze %dma_start3A_536 : memref<1x8x80xi32, #tpu.memory_space<hbm>> -> memref<8x80xi32, #tpu.memory_space<hbm>>
        tpu.enqueue_dma source(%dma_start3A_537 : memref<8x80xi32, #tpu.memory_space<hbm>>) target(%arg8 : memref<8x80xi32, #tpu.memory_space<vmem>>) target_semaphore(%arg25 : memref<!tpu.dma_semaphore, #tpu.memory_space<semaphore_mem>>)
        %mul3A_538 = arith.constant 8 : i32
        %mul3A_539 = arith.muli %add3A_529, %mul3A_538 : i32
        %dma_start3A_540 = arith.constant 0 : i32
        %dma_start3A_541 = tpu.memref_slice %arg4[%add3A, %mul3A_539, %dma_start3A_540] : memref<32x128x80xi32, #tpu.memory_space<hbm>> -> memref<1x8x80xi32, #tpu.memory_space<hbm>>
        %dma_start3A_542 = tpu.memref_squeeze %dma_start3A_541 : memref<1x8x80xi32, #tpu.memory_space<hbm>> -> memref<8x80xi32, #tpu.memory_space<hbm>>
        %dma_start3A_543 = arith.constant 0 : i32
        %dma_start3A_544 = tpu.memref_slice %arg4[%add3A, %mul3A_539, %dma_start3A_543] : memref<32x128x80xi32, #tpu.memory_space<hbm>> -> memref<1x8x80xi32, #tpu.memory_space<hbm>>
        %dma_start3A_545 = tpu.memref_squeeze %dma_start3A_544 : memref<1x8x80xi32, #tpu.memory_space<hbm>> -> memref<8x80xi32, #tpu.memory_space<hbm>>
        tpu.enqueue_dma source(%dma_start3A_545 : memref<8x80xi32, #tpu.memory_space<hbm>>) target(%arg10 : memref<8x80xi32, #tpu.memory_space<vmem>>) target_semaphore(%arg25 : memref<!tpu.dma_semaphore, #tpu.memory_space<semaphore_mem>>)
      } else {
      }
      %convert_element_type3A_77 = arith.extui %lt3A_67 : i1 to i32
      %cond3A_78 = arith.constant 0 : i32
      %cond3A_79 = arith.cmpi ne, %convert_element_type3A_77, %cond3A_78 : i32
      scf.if %cond3A_79 {
        %dma_start3A_528 = arith.constant 3 : i32
        %dma_start3A_529 = arith.constant 0 : i32
        %dma_start3A_530 = tpu.memref_slice %arg7[%dma_start3A_528, %dma_start3A_529] : memref<8x80xi32, #tpu.memory_space<vmem>> -> memref<1x80xi32, #tpu.memory_space<vmem>>
        %dma_start3A_531 = tpu.memref_squeeze %dma_start3A_530 : memref<1x80xi32, #tpu.memory_space<vmem>> -> memref<80xi32, #tpu.memory_space<vmem>>
        %dma_start3A_532 = arith.constant 0 : i32
        %dma_start3A_533 = arith.constant 0 : i32
        %dma_start3A_534 = tpu.memref_slice %arg2[%dma_start3A_532, %dma_start3A_533] : memref<10240x128xf32, #tpu.memory_space<hbm>> -> memref<10240x128xf32, #tpu.memory_space<hbm>>
        tpu.enqueue_indirect_dma source(%dma_start3A_534 : memref<10240x128xf32, #tpu.memory_space<hbm>>) target(%arg14 : memref<80x128xf32, #tpu.memory_space<vmem>>) offsets(%dma_start3A_531 : memref<80xi32, #tpu.memory_space<vmem>>) semaphore(%arg19 : memref<!tpu.dma_semaphore, #tpu.memory_space<semaphore_mem>>)
      } else {
      }
      %dma_wait3A_80 = arith.constant 0 : i32
      %dma_wait3A_81 = arith.constant 0 : i32
      %dma_wait3A_82 = tpu.memref_slice %arg7[%dma_wait3A_80, %dma_wait3A_81] : memref<8x80xi32, #tpu.memory_space<vmem>> -> memref<1x80xi32, #tpu.memory_space<vmem>>
      %dma_wait3A_83 = tpu.memref_squeeze %dma_wait3A_82 : memref<1x80xi32, #tpu.memory_space<vmem>> -> memref<80xi32, #tpu.memory_space<vmem>>
      %dma_wait3A_84 = arith.constant 0 : i32
      %dma_wait3A_85 = arith.constant 0 : i32
      %dma_wait3A_86 = tpu.memref_slice %arg2[%dma_wait3A_84, %dma_wait3A_85] : memref<10240x128xf32, #tpu.memory_space<hbm>> -> memref<10240x128xf32, #tpu.memory_space<hbm>>
      tpu.wait_indirect_dma semaphore(%arg16 : memref<!tpu.dma_semaphore, #tpu.memory_space<semaphore_mem>>) src(%dma_wait3A_86 : memref<10240x128xf32, #tpu.memory_space<hbm>>) dst(%arg11 : memref<80x128xf32, #tpu.memory_space<vmem>>)
      %dma_start3A_87 = arith.constant 0 : i32
      %dma_start3A_88 = arith.constant 0 : i32
      %dma_start3A_89 = tpu.memref_slice %arg9[%dma_start3A_87, %dma_start3A_88] : memref<8x80xi32, #tpu.memory_space<vmem>> -> memref<1x80xi32, #tpu.memory_space<vmem>>
      %dma_start3A_90 = tpu.memref_squeeze %dma_start3A_89 : memref<1x80xi32, #tpu.memory_space<vmem>> -> memref<80xi32, #tpu.memory_space<vmem>>
      %dma_start3A_91 = arith.constant 0 : i32
      %dma_start3A_92 = arith.constant 0 : i32
      %dma_start3A_93 = tpu.memref_slice %arg15[%dma_start3A_91, %dma_start3A_92] : memref<10240x128xf32, #tpu.memory_space<vmem_shared>> -> memref<10240x128xf32, #tpu.memory_space<vmem_shared>>
      tpu.enqueue_indirect_dma source(%arg11 : memref<80x128xf32, #tpu.memory_space<vmem>>) target(%dma_start3A_93 : memref<10240x128xf32, #tpu.memory_space<vmem_shared>>) offsets(%dma_start3A_90 : memref<80xi32, #tpu.memory_space<vmem>>) semaphore(%arg20 : memref<!tpu.dma_semaphore, #tpu.memory_space<semaphore_mem>>) {add = true}
      %mul3A_94 = arith.constant 8 : i32
      %mul3A_95 = arith.muli %add3A_60, %mul3A_94 : i32
      %add3A_96 = arith.constant 1 : i32
      %add3A_97 = arith.addi %mul3A_95, %add3A_96 : i32
      %add3A_98 = arith.constant 3 : i32
      %add3A_99 = arith.addi %add3A_97, %add3A_98 : i32
      %lt3A_100 = arith.constant 128 : i32
      %lt3A_101 = arith.cmpi slt, %add3A_99, %lt3A_100 : i32
      %convert_element_type3A_102 = arith.extui %lt3A_101 : i1 to i32
      %cond3A_103 = arith.constant 0 : i32
      %cond3A_104 = arith.cmpi ne, %convert_element_type3A_102, %cond3A_103 : i32
      scf.if %cond3A_104 {
        %dma_wait3A_528 = arith.constant 0 : i32
        %dma_wait3A_529 = arith.constant 0 : i32
        %dma_wait3A_530 = tpu.memref_slice %arg9[%dma_wait3A_528, %dma_wait3A_529] : memref<8x80xi32, #tpu.memory_space<vmem>> -> memref<1x80xi32, #tpu.memory_space<vmem>>
        %dma_wait3A_531 = tpu.memref_squeeze %dma_wait3A_530 : memref<1x80xi32, #tpu.memory_space<vmem>> -> memref<80xi32, #tpu.memory_space<vmem>>
        %dma_wait3A_532 = arith.constant 0 : i32
        %dma_wait3A_533 = arith.constant 0 : i32
        %dma_wait3A_534 = tpu.memref_slice %arg15[%dma_wait3A_532, %dma_wait3A_533] : memref<10240x128xf32, #tpu.memory_space<vmem_shared>> -> memref<10240x128xf32, #tpu.memory_space<vmem_shared>>
        tpu.wait_indirect_dma semaphore(%arg20 : memref<!tpu.dma_semaphore, #tpu.memory_space<semaphore_mem>>) src(%arg11 : memref<80x128xf32, #tpu.memory_space<vmem>>) dst(%dma_wait3A_534 : memref<10240x128xf32, #tpu.memory_space<vmem_shared>>)
      } else {
      }
      %convert_element_type3A_105 = arith.extui %lt3A_101 : i1 to i32
      %cond3A_106 = arith.constant 0 : i32
      %cond3A_107 = arith.cmpi ne, %convert_element_type3A_105, %cond3A_106 : i32
      scf.if %cond3A_107 {
        %dma_start3A_528 = arith.constant 4 : i32
        %dma_start3A_529 = arith.constant 0 : i32
        %dma_start3A_530 = tpu.memref_slice %arg7[%dma_start3A_528, %dma_start3A_529] : memref<8x80xi32, #tpu.memory_space<vmem>> -> memref<1x80xi32, #tpu.memory_space<vmem>>
        %dma_start3A_531 = tpu.memref_squeeze %dma_start3A_530 : memref<1x80xi32, #tpu.memory_space<vmem>> -> memref<80xi32, #tpu.memory_space<vmem>>
        %dma_start3A_532 = arith.constant 0 : i32
        %dma_start3A_533 = arith.constant 0 : i32
        %dma_start3A_534 = tpu.memref_slice %arg2[%dma_start3A_532, %dma_start3A_533] : memref<10240x128xf32, #tpu.memory_space<hbm>> -> memref<10240x128xf32, #tpu.memory_space<hbm>>
        tpu.enqueue_indirect_dma source(%dma_start3A_534 : memref<10240x128xf32, #tpu.memory_space<hbm>>) target(%arg11 : memref<80x128xf32, #tpu.memory_space<vmem>>) offsets(%dma_start3A_531 : memref<80xi32, #tpu.memory_space<vmem>>) semaphore(%arg16 : memref<!tpu.dma_semaphore, #tpu.memory_space<semaphore_mem>>)
      } else {
      }
      %dma_wait3A_108 = arith.constant 1 : i32
      %dma_wait3A_109 = arith.constant 0 : i32
      %dma_wait3A_110 = tpu.memref_slice %arg7[%dma_wait3A_108, %dma_wait3A_109] : memref<8x80xi32, #tpu.memory_space<vmem>> -> memref<1x80xi32, #tpu.memory_space<vmem>>
      %dma_wait3A_111 = tpu.memref_squeeze %dma_wait3A_110 : memref<1x80xi32, #tpu.memory_space<vmem>> -> memref<80xi32, #tpu.memory_space<vmem>>
      %dma_wait3A_112 = arith.constant 0 : i32
      %dma_wait3A_113 = arith.constant 0 : i32
      %dma_wait3A_114 = tpu.memref_slice %arg2[%dma_wait3A_112, %dma_wait3A_113] : memref<10240x128xf32, #tpu.memory_space<hbm>> -> memref<10240x128xf32, #tpu.memory_space<hbm>>
      tpu.wait_indirect_dma semaphore(%arg17 : memref<!tpu.dma_semaphore, #tpu.memory_space<semaphore_mem>>) src(%dma_wait3A_114 : memref<10240x128xf32, #tpu.memory_space<hbm>>) dst(%arg12 : memref<80x128xf32, #tpu.memory_space<vmem>>)
      %dma_start3A_115 = arith.constant 1 : i32
      %dma_start3A_116 = arith.constant 0 : i32
      %dma_start3A_117 = tpu.memref_slice %arg9[%dma_start3A_115, %dma_start3A_116] : memref<8x80xi32, #tpu.memory_space<vmem>> -> memref<1x80xi32, #tpu.memory_space<vmem>>
      %dma_start3A_118 = tpu.memref_squeeze %dma_start3A_117 : memref<1x80xi32, #tpu.memory_space<vmem>> -> memref<80xi32, #tpu.memory_space<vmem>>
      %dma_start3A_119 = arith.constant 0 : i32
      %dma_start3A_120 = arith.constant 0 : i32
      %dma_start3A_121 = tpu.memref_slice %arg15[%dma_start3A_119, %dma_start3A_120] : memref<10240x128xf32, #tpu.memory_space<vmem_shared>> -> memref<10240x128xf32, #tpu.memory_space<vmem_shared>>
      tpu.enqueue_indirect_dma source(%arg12 : memref<80x128xf32, #tpu.memory_space<vmem>>) target(%dma_start3A_121 : memref<10240x128xf32, #tpu.memory_space<vmem_shared>>) offsets(%dma_start3A_118 : memref<80xi32, #tpu.memory_space<vmem>>) semaphore(%arg21 : memref<!tpu.dma_semaphore, #tpu.memory_space<semaphore_mem>>) {add = true}
      %mul3A_122 = arith.constant 8 : i32
      %mul3A_123 = arith.muli %add3A_60, %mul3A_122 : i32
      %add3A_124 = arith.constant 2 : i32
      %add3A_125 = arith.addi %mul3A_123, %add3A_124 : i32
      %add3A_126 = arith.constant 3 : i32
      %add3A_127 = arith.addi %add3A_125, %add3A_126 : i32
      %lt3A_128 = arith.constant 128 : i32
      %lt3A_129 = arith.cmpi slt, %add3A_127, %lt3A_128 : i32
      %convert_element_type3A_130 = arith.extui %lt3A_129 : i1 to i32
      %cond3A_131 = arith.constant 0 : i32
      %cond3A_132 = arith.cmpi ne, %convert_element_type3A_130, %cond3A_131 : i32
      scf.if %cond3A_132 {
        %dma_wait3A_528 = arith.constant 1 : i32
        %dma_wait3A_529 = arith.constant 0 : i32
        %dma_wait3A_530 = tpu.memref_slice %arg9[%dma_wait3A_528, %dma_wait3A_529] : memref<8x80xi32, #tpu.memory_space<vmem>> -> memref<1x80xi32, #tpu.memory_space<vmem>>
        %dma_wait3A_531 = tpu.memref_squeeze %dma_wait3A_530 : memref<1x80xi32, #tpu.memory_space<vmem>> -> memref<80xi32, #tpu.memory_space<vmem>>
        %dma_wait3A_532 = arith.constant 0 : i32
        %dma_wait3A_533 = arith.constant 0 : i32
        %dma_wait3A_534 = tpu.memref_slice %arg15[%dma_wait3A_532, %dma_wait3A_533] : memref<10240x128xf32, #tpu.memory_space<vmem_shared>> -> memref<10240x128xf32, #tpu.memory_space<vmem_shared>>
        tpu.wait_indirect_dma semaphore(%arg21 : memref<!tpu.dma_semaphore, #tpu.memory_space<semaphore_mem>>) src(%arg12 : memref<80x128xf32, #tpu.memory_space<vmem>>) dst(%dma_wait3A_534 : memref<10240x128xf32, #tpu.memory_space<vmem_shared>>)
      } else {
      }
      %convert_element_type3A_133 = arith.extui %lt3A_129 : i1 to i32
      %cond3A_134 = arith.constant 0 : i32
      %cond3A_135 = arith.cmpi ne, %convert_element_type3A_133, %cond3A_134 : i32
      scf.if %cond3A_135 {
        %dma_start3A_528 = arith.constant 5 : i32
        %dma_start3A_529 = arith.constant 0 : i32
        %dma_start3A_530 = tpu.memref_slice %arg7[%dma_start3A_528, %dma_start3A_529] : memref<8x80xi32, #tpu.memory_space<vmem>> -> memref<1x80xi32, #tpu.memory_space<vmem>>
        %dma_start3A_531 = tpu.memref_squeeze %dma_start3A_530 : memref<1x80xi32, #tpu.memory_space<vmem>> -> memref<80xi32, #tpu.memory_space<vmem>>
        %dma_start3A_532 = arith.constant 0 : i32
        %dma_start3A_533 = arith.constant 0 : i32
        %dma_start3A_534 = tpu.memref_slice %arg2[%dma_start3A_532, %dma_start3A_533] : memref<10240x128xf32, #tpu.memory_space<hbm>> -> memref<10240x128xf32, #tpu.memory_space<hbm>>
        tpu.enqueue_indirect_dma source(%dma_start3A_534 : memref<10240x128xf32, #tpu.memory_space<hbm>>) target(%arg12 : memref<80x128xf32, #tpu.memory_space<vmem>>) offsets(%dma_start3A_531 : memref<80xi32, #tpu.memory_space<vmem>>) semaphore(%arg17 : memref<!tpu.dma_semaphore, #tpu.memory_space<semaphore_mem>>)
      } else {
      }
      %dma_wait3A_136 = arith.constant 2 : i32
      %dma_wait3A_137 = arith.constant 0 : i32
      %dma_wait3A_138 = tpu.memref_slice %arg7[%dma_wait3A_136, %dma_wait3A_137] : memref<8x80xi32, #tpu.memory_space<vmem>> -> memref<1x80xi32, #tpu.memory_space<vmem>>
      %dma_wait3A_139 = tpu.memref_squeeze %dma_wait3A_138 : memref<1x80xi32, #tpu.memory_space<vmem>> -> memref<80xi32, #tpu.memory_space<vmem>>
      %dma_wait3A_140 = arith.constant 0 : i32
      %dma_wait3A_141 = arith.constant 0 : i32
      %dma_wait3A_142 = tpu.memref_slice %arg2[%dma_wait3A_140, %dma_wait3A_141] : memref<10240x128xf32, #tpu.memory_space<hbm>> -> memref<10240x128xf32, #tpu.memory_space<hbm>>
      tpu.wait_indirect_dma semaphore(%arg18 : memref<!tpu.dma_semaphore, #tpu.memory_space<semaphore_mem>>) src(%dma_wait3A_142 : memref<10240x128xf32, #tpu.memory_space<hbm>>) dst(%arg13 : memref<80x128xf32, #tpu.memory_space<vmem>>)
      %dma_start3A_143 = arith.constant 2 : i32
      %dma_start3A_144 = arith.constant 0 : i32
      %dma_start3A_145 = tpu.memref_slice %arg9[%dma_start3A_143, %dma_start3A_144] : memref<8x80xi32, #tpu.memory_space<vmem>> -> memref<1x80xi32, #tpu.memory_space<vmem>>
      %dma_start3A_146 = tpu.memref_squeeze %dma_start3A_145 : memref<1x80xi32, #tpu.memory_space<vmem>> -> memref<80xi32, #tpu.memory_space<vmem>>
      %dma_start3A_147 = arith.constant 0 : i32
      %dma_start3A_148 = arith.constant 0 : i32
      %dma_start3A_149 = tpu.memref_slice %arg15[%dma_start3A_147, %dma_start3A_148] : memref<10240x128xf32, #tpu.memory_space<vmem_shared>> -> memref<10240x128xf32, #tpu.memory_space<vmem_shared>>
      tpu.enqueue_indirect_dma source(%arg13 : memref<80x128xf32, #tpu.memory_space<vmem>>) target(%dma_start3A_149 : memref<10240x128xf32, #tpu.memory_space<vmem_shared>>) offsets(%dma_start3A_146 : memref<80xi32, #tpu.memory_space<vmem>>) semaphore(%arg22 : memref<!tpu.dma_semaphore, #tpu.memory_space<semaphore_mem>>) {add = true}
      %mul3A_150 = arith.constant 8 : i32
      %mul3A_151 = arith.muli %add3A_60, %mul3A_150 : i32
      %add3A_152 = arith.constant 3 : i32
      %add3A_153 = arith.addi %mul3A_151, %add3A_152 : i32
      %add3A_154 = arith.constant 3 : i32
      %add3A_155 = arith.addi %add3A_153, %add3A_154 : i32
      %lt3A_156 = arith.constant 128 : i32
      %lt3A_157 = arith.cmpi slt, %add3A_155, %lt3A_156 : i32
      %convert_element_type3A_158 = arith.extui %lt3A_157 : i1 to i32
      %cond3A_159 = arith.constant 0 : i32
      %cond3A_160 = arith.cmpi ne, %convert_element_type3A_158, %cond3A_159 : i32
      scf.if %cond3A_160 {
        %dma_wait3A_528 = arith.constant 2 : i32
        %dma_wait3A_529 = arith.constant 0 : i32
        %dma_wait3A_530 = tpu.memref_slice %arg9[%dma_wait3A_528, %dma_wait3A_529] : memref<8x80xi32, #tpu.memory_space<vmem>> -> memref<1x80xi32, #tpu.memory_space<vmem>>
        %dma_wait3A_531 = tpu.memref_squeeze %dma_wait3A_530 : memref<1x80xi32, #tpu.memory_space<vmem>> -> memref<80xi32, #tpu.memory_space<vmem>>
        %dma_wait3A_532 = arith.constant 0 : i32
        %dma_wait3A_533 = arith.constant 0 : i32
        %dma_wait3A_534 = tpu.memref_slice %arg15[%dma_wait3A_532, %dma_wait3A_533] : memref<10240x128xf32, #tpu.memory_space<vmem_shared>> -> memref<10240x128xf32, #tpu.memory_space<vmem_shared>>
        tpu.wait_indirect_dma semaphore(%arg22 : memref<!tpu.dma_semaphore, #tpu.memory_space<semaphore_mem>>) src(%arg13 : memref<80x128xf32, #tpu.memory_space<vmem>>) dst(%dma_wait3A_534 : memref<10240x128xf32, #tpu.memory_space<vmem_shared>>)
      } else {
      }
      %convert_element_type3A_161 = arith.extui %lt3A_157 : i1 to i32
      %cond3A_162 = arith.constant 0 : i32
      %cond3A_163 = arith.cmpi ne, %convert_element_type3A_161, %cond3A_162 : i32
      scf.if %cond3A_163 {
        %dma_start3A_528 = arith.constant 6 : i32
        %dma_start3A_529 = arith.constant 0 : i32
        %dma_start3A_530 = tpu.memref_slice %arg7[%dma_start3A_528, %dma_start3A_529] : memref<8x80xi32, #tpu.memory_space<vmem>> -> memref<1x80xi32, #tpu.memory_space<vmem>>
        %dma_start3A_531 = tpu.memref_squeeze %dma_start3A_530 : memref<1x80xi32, #tpu.memory_space<vmem>> -> memref<80xi32, #tpu.memory_space<vmem>>
        %dma_start3A_532 = arith.constant 0 : i32
        %dma_start3A_533 = arith.constant 0 : i32
        %dma_start3A_534 = tpu.memref_slice %arg2[%dma_start3A_532, %dma_start3A_533] : memref<10240x128xf32, #tpu.memory_space<hbm>> -> memref<10240x128xf32, #tpu.memory_space<hbm>>
        tpu.enqueue_indirect_dma source(%dma_start3A_534 : memref<10240x128xf32, #tpu.memory_space<hbm>>) target(%arg13 : memref<80x128xf32, #tpu.memory_space<vmem>>) offsets(%dma_start3A_531 : memref<80xi32, #tpu.memory_space<vmem>>) semaphore(%arg18 : memref<!tpu.dma_semaphore, #tpu.memory_space<semaphore_mem>>)
      } else {
      }
      %dma_wait3A_164 = arith.constant 3 : i32
      %dma_wait3A_165 = arith.constant 0 : i32
      %dma_wait3A_166 = tpu.memref_slice %arg7[%dma_wait3A_164, %dma_wait3A_165] : memref<8x80xi32, #tpu.memory_space<vmem>> -> memref<1x80xi32, #tpu.memory_space<vmem>>
      %dma_wait3A_167 = tpu.memref_squeeze %dma_wait3A_166 : memref<1x80xi32, #tpu.memory_space<vmem>> -> memref<80xi32, #tpu.memory_space<vmem>>
      %dma_wait3A_168 = arith.constant 0 : i32
      %dma_wait3A_169 = arith.constant 0 : i32
      %dma_wait3A_170 = tpu.memref_slice %arg2[%dma_wait3A_168, %dma_wait3A_169] : memref<10240x128xf32, #tpu.memory_space<hbm>> -> memref<10240x128xf32, #tpu.memory_space<hbm>>
      tpu.wait_indirect_dma semaphore(%arg19 : memref<!tpu.dma_semaphore, #tpu.memory_space<semaphore_mem>>) src(%dma_wait3A_170 : memref<10240x128xf32, #tpu.memory_space<hbm>>) dst(%arg14 : memref<80x128xf32, #tpu.memory_space<vmem>>)
      %dma_start3A_171 = arith.constant 3 : i32
      %dma_start3A_172 = arith.constant 0 : i32
      %dma_start3A_173 = tpu.memref_slice %arg9[%dma_start3A_171, %dma_start3A_172] : memref<8x80xi32, #tpu.memory_space<vmem>> -> memref<1x80xi32, #tpu.memory_space<vmem>>
      %dma_start3A_174 = tpu.memref_squeeze %dma_start3A_173 : memref<1x80xi32, #tpu.memory_space<vmem>> -> memref<80xi32, #tpu.memory_space<vmem>>
      %dma_start3A_175 = arith.constant 0 : i32
      %dma_start3A_176 = arith.constant 0 : i32
      %dma_start3A_177 = tpu.memref_slice %arg15[%dma_start3A_175, %dma_start3A_176] : memref<10240x128xf32, #tpu.memory_space<vmem_shared>> -> memref<10240x128xf32, #tpu.memory_space<vmem_shared>>
      tpu.enqueue_indirect_dma source(%arg14 : memref<80x128xf32, #tpu.memory_space<vmem>>) target(%dma_start3A_177 : memref<10240x128xf32, #tpu.memory_space<vmem_shared>>) offsets(%dma_start3A_174 : memref<80xi32, #tpu.memory_space<vmem>>) semaphore(%arg23 : memref<!tpu.dma_semaphore, #tpu.memory_space<semaphore_mem>>) {add = true}
      %mul3A_178 = arith.constant 8 : i32
      %mul3A_179 = arith.muli %add3A_60, %mul3A_178 : i32
      %add3A_180 = arith.constant 4 : i32
      %add3A_181 = arith.addi %mul3A_179, %add3A_180 : i32
      %add3A_182 = arith.constant 3 : i32
      %add3A_183 = arith.addi %add3A_181, %add3A_182 : i32
      %lt3A_184 = arith.constant 128 : i32
      %lt3A_185 = arith.cmpi slt, %add3A_183, %lt3A_184 : i32
      %convert_element_type3A_186 = arith.extui %lt3A_185 : i1 to i32
      %cond3A_187 = arith.constant 0 : i32
      %cond3A_188 = arith.cmpi ne, %convert_element_type3A_186, %cond3A_187 : i32
      scf.if %cond3A_188 {
        %dma_wait3A_528 = arith.constant 3 : i32
        %dma_wait3A_529 = arith.constant 0 : i32
        %dma_wait3A_530 = tpu.memref_slice %arg9[%dma_wait3A_528, %dma_wait3A_529] : memref<8x80xi32, #tpu.memory_space<vmem>> -> memref<1x80xi32, #tpu.memory_space<vmem>>
        %dma_wait3A_531 = tpu.memref_squeeze %dma_wait3A_530 : memref<1x80xi32, #tpu.memory_space<vmem>> -> memref<80xi32, #tpu.memory_space<vmem>>
        %dma_wait3A_532 = arith.constant 0 : i32
        %dma_wait3A_533 = arith.constant 0 : i32
        %dma_wait3A_534 = tpu.memref_slice %arg15[%dma_wait3A_532, %dma_wait3A_533] : memref<10240x128xf32, #tpu.memory_space<vmem_shared>> -> memref<10240x128xf32, #tpu.memory_space<vmem_shared>>
        tpu.wait_indirect_dma semaphore(%arg23 : memref<!tpu.dma_semaphore, #tpu.memory_space<semaphore_mem>>) src(%arg14 : memref<80x128xf32, #tpu.memory_space<vmem>>) dst(%dma_wait3A_534 : memref<10240x128xf32, #tpu.memory_space<vmem_shared>>)
      } else {
      }
      %convert_element_type3A_189 = arith.extui %lt3A_185 : i1 to i32
      %cond3A_190 = arith.constant 0 : i32
      %cond3A_191 = arith.cmpi ne, %convert_element_type3A_189, %cond3A_190 : i32
      scf.if %cond3A_191 {
        %dma_start3A_528 = arith.constant 7 : i32
        %dma_start3A_529 = arith.constant 0 : i32
        %dma_start3A_530 = tpu.memref_slice %arg7[%dma_start3A_528, %dma_start3A_529] : memref<8x80xi32, #tpu.memory_space<vmem>> -> memref<1x80xi32, #tpu.memory_space<vmem>>
        %dma_start3A_531 = tpu.memref_squeeze %dma_start3A_530 : memref<1x80xi32, #tpu.memory_space<vmem>> -> memref<80xi32, #tpu.memory_space<vmem>>
        %dma_start3A_532 = arith.constant 0 : i32
        %dma_start3A_533 = arith.constant 0 : i32
        %dma_start3A_534 = tpu.memref_slice %arg2[%dma_start3A_532, %dma_start3A_533] : memref<10240x128xf32, #tpu.memory_space<hbm>> -> memref<10240x128xf32, #tpu.memory_space<hbm>>
        tpu.enqueue_indirect_dma source(%dma_start3A_534 : memref<10240x128xf32, #tpu.memory_space<hbm>>) target(%arg14 : memref<80x128xf32, #tpu.memory_space<vmem>>) offsets(%dma_start3A_531 : memref<80xi32, #tpu.memory_space<vmem>>) semaphore(%arg19 : memref<!tpu.dma_semaphore, #tpu.memory_space<semaphore_mem>>)
      } else {
      }
      %dma_wait3A_192 = arith.constant 4 : i32
      %dma_wait3A_193 = arith.constant 0 : i32
      %dma_wait3A_194 = tpu.memref_slice %arg7[%dma_wait3A_192, %dma_wait3A_193] : memref<8x80xi32, #tpu.memory_space<vmem>> -> memref<1x80xi32, #tpu.memory_space<vmem>>
      %dma_wait3A_195 = tpu.memref_squeeze %dma_wait3A_194 : memref<1x80xi32, #tpu.memory_space<vmem>> -> memref<80xi32, #tpu.memory_space<vmem>>
      %dma_wait3A_196 = arith.constant 0 : i32
      %dma_wait3A_197 = arith.constant 0 : i32
      %dma_wait3A_198 = tpu.memref_slice %arg2[%dma_wait3A_196, %dma_wait3A_197] : memref<10240x128xf32, #tpu.memory_space<hbm>> -> memref<10240x128xf32, #tpu.memory_space<hbm>>
      tpu.wait_indirect_dma semaphore(%arg16 : memref<!tpu.dma_semaphore, #tpu.memory_space<semaphore_mem>>) src(%dma_wait3A_198 : memref<10240x128xf32, #tpu.memory_space<hbm>>) dst(%arg11 : memref<80x128xf32, #tpu.memory_space<vmem>>)
      %dma_start3A_199 = arith.constant 4 : i32
      %dma_start3A_200 = arith.constant 0 : i32
      %dma_start3A_201 = tpu.memref_slice %arg9[%dma_start3A_199, %dma_start3A_200] : memref<8x80xi32, #tpu.memory_space<vmem>> -> memref<1x80xi32, #tpu.memory_space<vmem>>
      %dma_start3A_202 = tpu.memref_squeeze %dma_start3A_201 : memref<1x80xi32, #tpu.memory_space<vmem>> -> memref<80xi32, #tpu.memory_space<vmem>>
      %dma_start3A_203 = arith.constant 0 : i32
      %dma_start3A_204 = arith.constant 0 : i32
      %dma_start3A_205 = tpu.memref_slice %arg15[%dma_start3A_203, %dma_start3A_204] : memref<10240x128xf32, #tpu.memory_space<vmem_shared>> -> memref<10240x128xf32, #tpu.memory_space<vmem_shared>>
      tpu.enqueue_indirect_dma source(%arg11 : memref<80x128xf32, #tpu.memory_space<vmem>>) target(%dma_start3A_205 : memref<10240x128xf32, #tpu.memory_space<vmem_shared>>) offsets(%dma_start3A_202 : memref<80xi32, #tpu.memory_space<vmem>>) semaphore(%arg20 : memref<!tpu.dma_semaphore, #tpu.memory_space<semaphore_mem>>) {add = true}
      %mul3A_206 = arith.constant 8 : i32
      %mul3A_207 = arith.muli %add3A_60, %mul3A_206 : i32
      %add3A_208 = arith.constant 5 : i32
      %add3A_209 = arith.addi %mul3A_207, %add3A_208 : i32
      %add3A_210 = arith.constant 3 : i32
      %add3A_211 = arith.addi %add3A_209, %add3A_210 : i32
      %lt3A_212 = arith.constant 128 : i32
      %lt3A_213 = arith.cmpi slt, %add3A_211, %lt3A_212 : i32
      %convert_element_type3A_214 = arith.extui %lt3A_213 : i1 to i32
      %cond3A_215 = arith.constant 0 : i32
      %cond3A_216 = arith.cmpi ne, %convert_element_type3A_214, %cond3A_215 : i32
      scf.if %cond3A_216 {
        %dma_wait3A_528 = arith.constant 4 : i32
        %dma_wait3A_529 = arith.constant 0 : i32
        %dma_wait3A_530 = tpu.memref_slice %arg9[%dma_wait3A_528, %dma_wait3A_529] : memref<8x80xi32, #tpu.memory_space<vmem>> -> memref<1x80xi32, #tpu.memory_space<vmem>>
        %dma_wait3A_531 = tpu.memref_squeeze %dma_wait3A_530 : memref<1x80xi32, #tpu.memory_space<vmem>> -> memref<80xi32, #tpu.memory_space<vmem>>
        %dma_wait3A_532 = arith.constant 0 : i32
        %dma_wait3A_533 = arith.constant 0 : i32
        %dma_wait3A_534 = tpu.memref_slice %arg15[%dma_wait3A_532, %dma_wait3A_533] : memref<10240x128xf32, #tpu.memory_space<vmem_shared>> -> memref<10240x128xf32, #tpu.memory_space<vmem_shared>>
        tpu.wait_indirect_dma semaphore(%arg20 : memref<!tpu.dma_semaphore, #tpu.memory_space<semaphore_mem>>) src(%arg11 : memref<80x128xf32, #tpu.memory_space<vmem>>) dst(%dma_wait3A_534 : memref<10240x128xf32, #tpu.memory_space<vmem_shared>>)
      } else {
      }
      %convert_element_type3A_217 = arith.extui %lt3A_213 : i1 to i32
      %cond3A_218 = arith.constant 0 : i32
      %cond3A_219 = arith.cmpi ne, %convert_element_type3A_217, %cond3A_218 : i32
      scf.if %cond3A_219 {
        %add3A_528 = arith.constant 1 : i32
        %add3A_529 = arith.addi %add3A_60, %add3A_528 : i32
        %mul3A_530 = arith.constant 8 : i32
        %mul3A_531 = arith.muli %add3A_529, %mul3A_530 : i32
        %dma_wait3A_532 = arith.constant 0 : i32
        %dma_wait3A_533 = tpu.memref_slice %arg3[%add3A, %mul3A_531, %dma_wait3A_532] : memref<32x128x80xi32, #tpu.memory_space<hbm>> -> memref<1x8x80xi32, #tpu.memory_space<hbm>>
        %dma_wait3A_534 = tpu.memref_squeeze %dma_wait3A_533 : memref<1x8x80xi32, #tpu.memory_space<hbm>> -> memref<8x80xi32, #tpu.memory_space<hbm>>
        %dma_wait3A_535 = arith.constant 0 : i32
        %dma_wait3A_536 = tpu.memref_slice %arg3[%add3A, %mul3A_531, %dma_wait3A_535] : memref<32x128x80xi32, #tpu.memory_space<hbm>> -> memref<1x8x80xi32, #tpu.memory_space<hbm>>
        %dma_wait3A_537 = tpu.memref_squeeze %dma_wait3A_536 : memref<1x8x80xi32, #tpu.memory_space<hbm>> -> memref<8x80xi32, #tpu.memory_space<hbm>>
        tpu.wait_dma2 semaphore(%arg25 : memref<!tpu.dma_semaphore, #tpu.memory_space<semaphore_mem>>) src(%dma_wait3A_537 : memref<8x80xi32, #tpu.memory_space<hbm>>) dst(%arg8 : memref<8x80xi32, #tpu.memory_space<vmem>>)
        %mul3A_538 = arith.constant 8 : i32
        %mul3A_539 = arith.muli %add3A_529, %mul3A_538 : i32
        %dma_wait3A_540 = arith.constant 0 : i32
        %dma_wait3A_541 = tpu.memref_slice %arg4[%add3A, %mul3A_539, %dma_wait3A_540] : memref<32x128x80xi32, #tpu.memory_space<hbm>> -> memref<1x8x80xi32, #tpu.memory_space<hbm>>
        %dma_wait3A_542 = tpu.memref_squeeze %dma_wait3A_541 : memref<1x8x80xi32, #tpu.memory_space<hbm>> -> memref<8x80xi32, #tpu.memory_space<hbm>>
        %dma_wait3A_543 = arith.constant 0 : i32
        %dma_wait3A_544 = tpu.memref_slice %arg4[%add3A, %mul3A_539, %dma_wait3A_543] : memref<32x128x80xi32, #tpu.memory_space<hbm>> -> memref<1x8x80xi32, #tpu.memory_space<hbm>>
        %dma_wait3A_545 = tpu.memref_squeeze %dma_wait3A_544 : memref<1x8x80xi32, #tpu.memory_space<hbm>> -> memref<8x80xi32, #tpu.memory_space<hbm>>
        tpu.wait_dma2 semaphore(%arg25 : memref<!tpu.dma_semaphore, #tpu.memory_space<semaphore_mem>>) src(%dma_wait3A_545 : memref<8x80xi32, #tpu.memory_space<hbm>>) dst(%arg10 : memref<8x80xi32, #tpu.memory_space<vmem>>)
        %dma_start3A_546 = arith.constant 0 : i32
        %dma_start3A_547 = arith.constant 0 : i32
        %dma_start3A_548 = tpu.memref_slice %arg8[%dma_start3A_546, %dma_start3A_547] : memref<8x80xi32, #tpu.memory_space<vmem>> -> memref<1x80xi32, #tpu.memory_space<vmem>>
        %dma_start3A_549 = tpu.memref_squeeze %dma_start3A_548 : memref<1x80xi32, #tpu.memory_space<vmem>> -> memref<80xi32, #tpu.memory_space<vmem>>
        %dma_start3A_550 = arith.constant 0 : i32
        %dma_start3A_551 = arith.constant 0 : i32
        %dma_start3A_552 = tpu.memref_slice %arg2[%dma_start3A_550, %dma_start3A_551] : memref<10240x128xf32, #tpu.memory_space<hbm>> -> memref<10240x128xf32, #tpu.memory_space<hbm>>
        tpu.enqueue_indirect_dma source(%dma_start3A_552 : memref<10240x128xf32, #tpu.memory_space<hbm>>) target(%arg11 : memref<80x128xf32, #tpu.memory_space<vmem>>) offsets(%dma_start3A_549 : memref<80xi32, #tpu.memory_space<vmem>>) semaphore(%arg16 : memref<!tpu.dma_semaphore, #tpu.memory_space<semaphore_mem>>)
      } else {
      }
      %dma_wait3A_220 = arith.constant 5 : i32
      %dma_wait3A_221 = arith.constant 0 : i32
      %dma_wait3A_222 = tpu.memref_slice %arg7[%dma_wait3A_220, %dma_wait3A_221] : memref<8x80xi32, #tpu.memory_space<vmem>> -> memref<1x80xi32, #tpu.memory_space<vmem>>
      %dma_wait3A_223 = tpu.memref_squeeze %dma_wait3A_222 : memref<1x80xi32, #tpu.memory_space<vmem>> -> memref<80xi32, #tpu.memory_space<vmem>>
      %dma_wait3A_224 = arith.constant 0 : i32
      %dma_wait3A_225 = arith.constant 0 : i32
      %dma_wait3A_226 = tpu.memref_slice %arg2[%dma_wait3A_224, %dma_wait3A_225] : memref<10240x128xf32, #tpu.memory_space<hbm>> -> memref<10240x128xf32, #tpu.memory_space<hbm>>
      tpu.wait_indirect_dma semaphore(%arg17 : memref<!tpu.dma_semaphore, #tpu.memory_space<semaphore_mem>>) src(%dma_wait3A_226 : memref<10240x128xf32, #tpu.memory_space<hbm>>) dst(%arg12 : memref<80x128xf32, #tpu.memory_space<vmem>>)
      %dma_start3A_227 = arith.constant 5 : i32
      %dma_start3A_228 = arith.constant 0 : i32
      %dma_start3A_229 = tpu.memref_slice %arg9[%dma_start3A_227, %dma_start3A_228] : memref<8x80xi32, #tpu.memory_space<vmem>> -> memref<1x80xi32, #tpu.memory_space<vmem>>
      %dma_start3A_230 = tpu.memref_squeeze %dma_start3A_229 : memref<1x80xi32, #tpu.memory_space<vmem>> -> memref<80xi32, #tpu.memory_space<vmem>>
      %dma_start3A_231 = arith.constant 0 : i32
      %dma_start3A_232 = arith.constant 0 : i32
      %dma_start3A_233 = tpu.memref_slice %arg15[%dma_start3A_231, %dma_start3A_232] : memref<10240x128xf32, #tpu.memory_space<vmem_shared>> -> memref<10240x128xf32, #tpu.memory_space<vmem_shared>>
      tpu.enqueue_indirect_dma source(%arg12 : memref<80x128xf32, #tpu.memory_space<vmem>>) target(%dma_start3A_233 : memref<10240x128xf32, #tpu.memory_space<vmem_shared>>) offsets(%dma_start3A_230 : memref<80xi32, #tpu.memory_space<vmem>>) semaphore(%arg21 : memref<!tpu.dma_semaphore, #tpu.memory_space<semaphore_mem>>) {add = true}
      %mul3A_234 = arith.constant 8 : i32
      %mul3A_235 = arith.muli %add3A_60, %mul3A_234 : i32
      %add3A_236 = arith.constant 6 : i32
      %add3A_237 = arith.addi %mul3A_235, %add3A_236 : i32
      %add3A_238 = arith.constant 3 : i32
      %add3A_239 = arith.addi %add3A_237, %add3A_238 : i32
      %lt3A_240 = arith.constant 128 : i32
      %lt3A_241 = arith.cmpi slt, %add3A_239, %lt3A_240 : i32
      %convert_element_type3A_242 = arith.extui %lt3A_241 : i1 to i32
      %cond3A_243 = arith.constant 0 : i32
      %cond3A_244 = arith.cmpi ne, %convert_element_type3A_242, %cond3A_243 : i32
      scf.if %cond3A_244 {
        %dma_wait3A_528 = arith.constant 5 : i32
        %dma_wait3A_529 = arith.constant 0 : i32
        %dma_wait3A_530 = tpu.memref_slice %arg9[%dma_wait3A_528, %dma_wait3A_529] : memref<8x80xi32, #tpu.memory_space<vmem>> -> memref<1x80xi32, #tpu.memory_space<vmem>>
        %dma_wait3A_531 = tpu.memref_squeeze %dma_wait3A_530 : memref<1x80xi32, #tpu.memory_space<vmem>> -> memref<80xi32, #tpu.memory_space<vmem>>
        %dma_wait3A_532 = arith.constant 0 : i32
        %dma_wait3A_533 = arith.constant 0 : i32
        %dma_wait3A_534 = tpu.memref_slice %arg15[%dma_wait3A_532, %dma_wait3A_533] : memref<10240x128xf32, #tpu.memory_space<vmem_shared>> -> memref<10240x128xf32, #tpu.memory_space<vmem_shared>>
        tpu.wait_indirect_dma semaphore(%arg21 : memref<!tpu.dma_semaphore, #tpu.memory_space<semaphore_mem>>) src(%arg12 : memref<80x128xf32, #tpu.memory_space<vmem>>) dst(%dma_wait3A_534 : memref<10240x128xf32, #tpu.memory_space<vmem_shared>>)
      } else {
      }
      %convert_element_type3A_245 = arith.extui %lt3A_241 : i1 to i32
      %cond3A_246 = arith.constant 0 : i32
      %cond3A_247 = arith.cmpi ne, %convert_element_type3A_245, %cond3A_246 : i32
      scf.if %cond3A_247 {
        %dma_start3A_528 = arith.constant 1 : i32
        %dma_start3A_529 = arith.constant 0 : i32
        %dma_start3A_530 = tpu.memref_slice %arg8[%dma_start3A_528, %dma_start3A_529] : memref<8x80xi32, #tpu.memory_space<vmem>> -> memref<1x80xi32, #tpu.memory_space<vmem>>
        %dma_start3A_531 = tpu.memref_squeeze %dma_start3A_530 : memref<1x80xi32, #tpu.memory_space<vmem>> -> memref<80xi32, #tpu.memory_space<vmem>>
        %dma_start3A_532 = arith.constant 0 : i32
        %dma_start3A_533 = arith.constant 0 : i32
        %dma_start3A_534 = tpu.memref_slice %arg2[%dma_start3A_532, %dma_start3A_533] : memref<10240x128xf32, #tpu.memory_space<hbm>> -> memref<10240x128xf32, #tpu.memory_space<hbm>>
        tpu.enqueue_indirect_dma source(%dma_start3A_534 : memref<10240x128xf32, #tpu.memory_space<hbm>>) target(%arg12 : memref<80x128xf32, #tpu.memory_space<vmem>>) offsets(%dma_start3A_531 : memref<80xi32, #tpu.memory_space<vmem>>) semaphore(%arg17 : memref<!tpu.dma_semaphore, #tpu.memory_space<semaphore_mem>>)
      } else {
      }
      %dma_wait3A_248 = arith.constant 6 : i32
      %dma_wait3A_249 = arith.constant 0 : i32
      %dma_wait3A_250 = tpu.memref_slice %arg7[%dma_wait3A_248, %dma_wait3A_249] : memref<8x80xi32, #tpu.memory_space<vmem>> -> memref<1x80xi32, #tpu.memory_space<vmem>>
      %dma_wait3A_251 = tpu.memref_squeeze %dma_wait3A_250 : memref<1x80xi32, #tpu.memory_space<vmem>> -> memref<80xi32, #tpu.memory_space<vmem>>
      %dma_wait3A_252 = arith.constant 0 : i32
      %dma_wait3A_253 = arith.constant 0 : i32
      %dma_wait3A_254 = tpu.memref_slice %arg2[%dma_wait3A_252, %dma_wait3A_253] : memref<10240x128xf32, #tpu.memory_space<hbm>> -> memref<10240x128xf32, #tpu.memory_space<hbm>>
      tpu.wait_indirect_dma semaphore(%arg18 : memref<!tpu.dma_semaphore, #tpu.memory_space<semaphore_mem>>) src(%dma_wait3A_254 : memref<10240x128xf32, #tpu.memory_space<hbm>>) dst(%arg13 : memref<80x128xf32, #tpu.memory_space<vmem>>)
      %dma_start3A_255 = arith.constant 6 : i32
      %dma_start3A_256 = arith.constant 0 : i32
      %dma_start3A_257 = tpu.memref_slice %arg9[%dma_start3A_255, %dma_start3A_256] : memref<8x80xi32, #tpu.memory_space<vmem>> -> memref<1x80xi32, #tpu.memory_space<vmem>>
      %dma_start3A_258 = tpu.memref_squeeze %dma_start3A_257 : memref<1x80xi32, #tpu.memory_space<vmem>> -> memref<80xi32, #tpu.memory_space<vmem>>
      %dma_start3A_259 = arith.constant 0 : i32
      %dma_start3A_260 = arith.constant 0 : i32
      %dma_start3A_261 = tpu.memref_slice %arg15[%dma_start3A_259, %dma_start3A_260] : memref<10240x128xf32, #tpu.memory_space<vmem_shared>> -> memref<10240x128xf32, #tpu.memory_space<vmem_shared>>
      tpu.enqueue_indirect_dma source(%arg13 : memref<80x128xf32, #tpu.memory_space<vmem>>) target(%dma_start3A_261 : memref<10240x128xf32, #tpu.memory_space<vmem_shared>>) offsets(%dma_start3A_258 : memref<80xi32, #tpu.memory_space<vmem>>) semaphore(%arg22 : memref<!tpu.dma_semaphore, #tpu.memory_space<semaphore_mem>>) {add = true}
      %mul3A_262 = arith.constant 8 : i32
      %mul3A_263 = arith.muli %add3A_60, %mul3A_262 : i32
      %add3A_264 = arith.constant 7 : i32
      %add3A_265 = arith.addi %mul3A_263, %add3A_264 : i32
      %add3A_266 = arith.constant 3 : i32
      %add3A_267 = arith.addi %add3A_265, %add3A_266 : i32
      %lt3A_268 = arith.constant 128 : i32
      %lt3A_269 = arith.cmpi slt, %add3A_267, %lt3A_268 : i32
      %convert_element_type3A_270 = arith.extui %lt3A_269 : i1 to i32
      %cond3A_271 = arith.constant 0 : i32
      %cond3A_272 = arith.cmpi ne, %convert_element_type3A_270, %cond3A_271 : i32
      scf.if %cond3A_272 {
        %dma_wait3A_528 = arith.constant 6 : i32
        %dma_wait3A_529 = arith.constant 0 : i32
        %dma_wait3A_530 = tpu.memref_slice %arg9[%dma_wait3A_528, %dma_wait3A_529] : memref<8x80xi32, #tpu.memory_space<vmem>> -> memref<1x80xi32, #tpu.memory_space<vmem>>
        %dma_wait3A_531 = tpu.memref_squeeze %dma_wait3A_530 : memref<1x80xi32, #tpu.memory_space<vmem>> -> memref<80xi32, #tpu.memory_space<vmem>>
        %dma_wait3A_532 = arith.constant 0 : i32
        %dma_wait3A_533 = arith.constant 0 : i32
        %dma_wait3A_534 = tpu.memref_slice %arg15[%dma_wait3A_532, %dma_wait3A_533] : memref<10240x128xf32, #tpu.memory_space<vmem_shared>> -> memref<10240x128xf32, #tpu.memory_space<vmem_shared>>
        tpu.wait_indirect_dma semaphore(%arg22 : memref<!tpu.dma_semaphore, #tpu.memory_space<semaphore_mem>>) src(%arg13 : memref<80x128xf32, #tpu.memory_space<vmem>>) dst(%dma_wait3A_534 : memref<10240x128xf32, #tpu.memory_space<vmem_shared>>)
      } else {
      }
      %convert_element_type3A_273 = arith.extui %lt3A_269 : i1 to i32
      %cond3A_274 = arith.constant 0 : i32
      %cond3A_275 = arith.cmpi ne, %convert_element_type3A_273, %cond3A_274 : i32
      scf.if %cond3A_275 {
        %dma_start3A_528 = arith.constant 2 : i32
        %dma_start3A_529 = arith.constant 0 : i32
        %dma_start3A_530 = tpu.memref_slice %arg8[%dma_start3A_528, %dma_start3A_529] : memref<8x80xi32, #tpu.memory_space<vmem>> -> memref<1x80xi32, #tpu.memory_space<vmem>>
        %dma_start3A_531 = tpu.memref_squeeze %dma_start3A_530 : memref<1x80xi32, #tpu.memory_space<vmem>> -> memref<80xi32, #tpu.memory_space<vmem>>
        %dma_start3A_532 = arith.constant 0 : i32
        %dma_start3A_533 = arith.constant 0 : i32
        %dma_start3A_534 = tpu.memref_slice %arg2[%dma_start3A_532, %dma_start3A_533] : memref<10240x128xf32, #tpu.memory_space<hbm>> -> memref<10240x128xf32, #tpu.memory_space<hbm>>
        tpu.enqueue_indirect_dma source(%dma_start3A_534 : memref<10240x128xf32, #tpu.memory_space<hbm>>) target(%arg13 : memref<80x128xf32, #tpu.memory_space<vmem>>) offsets(%dma_start3A_531 : memref<80xi32, #tpu.memory_space<vmem>>) semaphore(%arg18 : memref<!tpu.dma_semaphore, #tpu.memory_space<semaphore_mem>>)
      } else {
      }
      %dma_wait3A_276 = arith.constant 7 : i32
      %dma_wait3A_277 = arith.constant 0 : i32
      %dma_wait3A_278 = tpu.memref_slice %arg7[%dma_wait3A_276, %dma_wait3A_277] : memref<8x80xi32, #tpu.memory_space<vmem>> -> memref<1x80xi32, #tpu.memory_space<vmem>>
      %dma_wait3A_279 = tpu.memref_squeeze %dma_wait3A_278 : memref<1x80xi32, #tpu.memory_space<vmem>> -> memref<80xi32, #tpu.memory_space<vmem>>
      %dma_wait3A_280 = arith.constant 0 : i32
      %dma_wait3A_281 = arith.constant 0 : i32
      %dma_wait3A_282 = tpu.memref_slice %arg2[%dma_wait3A_280, %dma_wait3A_281] : memref<10240x128xf32, #tpu.memory_space<hbm>> -> memref<10240x128xf32, #tpu.memory_space<hbm>>
      tpu.wait_indirect_dma semaphore(%arg19 : memref<!tpu.dma_semaphore, #tpu.memory_space<semaphore_mem>>) src(%dma_wait3A_282 : memref<10240x128xf32, #tpu.memory_space<hbm>>) dst(%arg14 : memref<80x128xf32, #tpu.memory_space<vmem>>)
      %dma_start3A_283 = arith.constant 7 : i32
      %dma_start3A_284 = arith.constant 0 : i32
      %dma_start3A_285 = tpu.memref_slice %arg9[%dma_start3A_283, %dma_start3A_284] : memref<8x80xi32, #tpu.memory_space<vmem>> -> memref<1x80xi32, #tpu.memory_space<vmem>>
      %dma_start3A_286 = tpu.memref_squeeze %dma_start3A_285 : memref<1x80xi32, #tpu.memory_space<vmem>> -> memref<80xi32, #tpu.memory_space<vmem>>
      %dma_start3A_287 = arith.constant 0 : i32
      %dma_start3A_288 = arith.constant 0 : i32
      %dma_start3A_289 = tpu.memref_slice %arg15[%dma_start3A_287, %dma_start3A_288] : memref<10240x128xf32, #tpu.memory_space<vmem_shared>> -> memref<10240x128xf32, #tpu.memory_space<vmem_shared>>
      tpu.enqueue_indirect_dma source(%arg14 : memref<80x128xf32, #tpu.memory_space<vmem>>) target(%dma_start3A_289 : memref<10240x128xf32, #tpu.memory_space<vmem_shared>>) offsets(%dma_start3A_286 : memref<80xi32, #tpu.memory_space<vmem>>) semaphore(%arg23 : memref<!tpu.dma_semaphore, #tpu.memory_space<semaphore_mem>>) {add = true}
      %mul3A_290 = arith.constant 2 : i32
      %mul3A_291 = arith.muli %mul3A_290, %scan3A_56 : i32
      %add3A_292 = arith.constant 1 : i32
      %add3A_293 = arith.addi %mul3A_291, %add3A_292 : i32
      %mul3A_294 = arith.constant 8 : i32
      %mul3A_295 = arith.muli %add3A_293, %mul3A_294 : i32
      %add3A_296 = arith.constant 0 : i32
      %add3A_297 = arith.addi %mul3A_295, %add3A_296 : i32
      %add3A_298 = arith.constant 3 : i32
      %add3A_299 = arith.addi %add3A_297, %add3A_298 : i32
      %lt3A_300 = arith.constant 128 : i32
      %lt3A_301 = arith.cmpi slt, %add3A_299, %lt3A_300 : i32
      %ge3A_302 = arith.constant 1 : i32
      %ge3A_303 = arith.cmpi sge, %add3A_297, %ge3A_302 : i32
      %and3A_304 = arith.andi %lt3A_301, %ge3A_303 : i1
      %convert_element_type3A_305 = arith.extui %and3A_304 : i1 to i32
      %cond3A_306 = arith.constant 0 : i32
      %cond3A_307 = arith.cmpi ne, %convert_element_type3A_305, %cond3A_306 : i32
      scf.if %cond3A_307 {
        %dma_wait3A_528 = arith.constant 7 : i32
        %dma_wait3A_529 = arith.constant 0 : i32
        %dma_wait3A_530 = tpu.memref_slice %arg9[%dma_wait3A_528, %dma_wait3A_529] : memref<8x80xi32, #tpu.memory_space<vmem>> -> memref<1x80xi32, #tpu.memory_space<vmem>>
        %dma_wait3A_531 = tpu.memref_squeeze %dma_wait3A_530 : memref<1x80xi32, #tpu.memory_space<vmem>> -> memref<80xi32, #tpu.memory_space<vmem>>
        %dma_wait3A_532 = arith.constant 0 : i32
        %dma_wait3A_533 = arith.constant 0 : i32
        %dma_wait3A_534 = tpu.memref_slice %arg15[%dma_wait3A_532, %dma_wait3A_533] : memref<10240x128xf32, #tpu.memory_space<vmem_shared>> -> memref<10240x128xf32, #tpu.memory_space<vmem_shared>>
        tpu.wait_indirect_dma semaphore(%arg23 : memref<!tpu.dma_semaphore, #tpu.memory_space<semaphore_mem>>) src(%arg14 : memref<80x128xf32, #tpu.memory_space<vmem>>) dst(%dma_wait3A_534 : memref<10240x128xf32, #tpu.memory_space<vmem_shared>>)
      } else {
      }
      %add3A_308 = arith.constant 1 : i32
      %add3A_309 = arith.addi %add3A_293, %add3A_308 : i32
      %lt3A_310 = arith.constant 16 : i32
      %lt3A_311 = arith.cmpi slt, %add3A_309, %lt3A_310 : i32
      %convert_element_type3A_312 = arith.extui %lt3A_311 : i1 to i32
      %cond3A_313 = arith.constant 0 : i32
      %cond3A_314 = arith.cmpi ne, %convert_element_type3A_312, %cond3A_313 : i32
      scf.if %cond3A_314 {
        %add3A_528 = arith.constant 1 : i32
        %add3A_529 = arith.addi %add3A_293, %add3A_528 : i32
        %mul3A_530 = arith.constant 8 : i32
        %mul3A_531 = arith.muli %add3A_529, %mul3A_530 : i32
        %dma_start3A_532 = arith.constant 0 : i32
        %dma_start3A_533 = tpu.memref_slice %arg3[%add3A, %mul3A_531, %dma_start3A_532] : memref<32x128x80xi32, #tpu.memory_space<hbm>> -> memref<1x8x80xi32, #tpu.memory_space<hbm>>
        %dma_start3A_534 = tpu.memref_squeeze %dma_start3A_533 : memref<1x8x80xi32, #tpu.memory_space<hbm>> -> memref<8x80xi32, #tpu.memory_space<hbm>>
        %dma_start3A_535 = arith.constant 0 : i32
        %dma_start3A_536 = tpu.memref_slice %arg3[%add3A, %mul3A_531, %dma_start3A_535] : memref<32x128x80xi32, #tpu.memory_space<hbm>> -> memref<1x8x80xi32, #tpu.memory_space<hbm>>
        %dma_start3A_537 = tpu.memref_squeeze %dma_start3A_536 : memref<1x8x80xi32, #tpu.memory_space<hbm>> -> memref<8x80xi32, #tpu.memory_space<hbm>>
        tpu.enqueue_dma source(%dma_start3A_537 : memref<8x80xi32, #tpu.memory_space<hbm>>) target(%arg7 : memref<8x80xi32, #tpu.memory_space<vmem>>) target_semaphore(%arg24 : memref<!tpu.dma_semaphore, #tpu.memory_space<semaphore_mem>>)
        %mul3A_538 = arith.constant 8 : i32
        %mul3A_539 = arith.muli %add3A_529, %mul3A_538 : i32
        %dma_start3A_540 = arith.constant 0 : i32
        %dma_start3A_541 = tpu.memref_slice %arg4[%add3A, %mul3A_539, %dma_start3A_540] : memref<32x128x80xi32, #tpu.memory_space<hbm>> -> memref<1x8x80xi32, #tpu.memory_space<hbm>>
        %dma_start3A_542 = tpu.memref_squeeze %dma_start3A_541 : memref<1x8x80xi32, #tpu.memory_space<hbm>> -> memref<8x80xi32, #tpu.memory_space<hbm>>
        %dma_start3A_543 = arith.constant 0 : i32
        %dma_start3A_544 = tpu.memref_slice %arg4[%add3A, %mul3A_539, %dma_start3A_543] : memref<32x128x80xi32, #tpu.memory_space<hbm>> -> memref<1x8x80xi32, #tpu.memory_space<hbm>>
        %dma_start3A_545 = tpu.memref_squeeze %dma_start3A_544 : memref<1x8x80xi32, #tpu.memory_space<hbm>> -> memref<8x80xi32, #tpu.memory_space<hbm>>
        tpu.enqueue_dma source(%dma_start3A_545 : memref<8x80xi32, #tpu.memory_space<hbm>>) target(%arg9 : memref<8x80xi32, #tpu.memory_space<vmem>>) target_semaphore(%arg24 : memref<!tpu.dma_semaphore, #tpu.memory_space<semaphore_mem>>)
      } else {
      }
      %convert_element_type3A_315 = arith.extui %lt3A_301 : i1 to i32
      %cond3A_316 = arith.constant 0 : i32
      %cond3A_317 = arith.cmpi ne, %convert_element_type3A_315, %cond3A_316 : i32
      scf.if %cond3A_317 {
        %dma_start3A_528 = arith.constant 3 : i32
        %dma_start3A_529 = arith.constant 0 : i32
        %dma_start3A_530 = tpu.memref_slice %arg8[%dma_start3A_528, %dma_start3A_529] : memref<8x80xi32, #tpu.memory_space<vmem>> -> memref<1x80xi32, #tpu.memory_space<vmem>>
        %dma_start3A_531 = tpu.memref_squeeze %dma_start3A_530 : memref<1x80xi32, #tpu.memory_space<vmem>> -> memref<80xi32, #tpu.memory_space<vmem>>
        %dma_start3A_532 = arith.constant 0 : i32
        %dma_start3A_533 = arith.constant 0 : i32
        %dma_start3A_534 = tpu.memref_slice %arg2[%dma_start3A_532, %dma_start3A_533] : memref<10240x128xf32, #tpu.memory_space<hbm>> -> memref<10240x128xf32, #tpu.memory_space<hbm>>
        tpu.enqueue_indirect_dma source(%dma_start3A_534 : memref<10240x128xf32, #tpu.memory_space<hbm>>) target(%arg14 : memref<80x128xf32, #tpu.memory_space<vmem>>) offsets(%dma_start3A_531 : memref<80xi32, #tpu.memory_space<vmem>>) semaphore(%arg19 : memref<!tpu.dma_semaphore, #tpu.memory_space<semaphore_mem>>)
      } else {
      }
      %dma_wait3A_318 = arith.constant 0 : i32
      %dma_wait3A_319 = arith.constant 0 : i32
      %dma_wait3A_320 = tpu.memref_slice %arg8[%dma_wait3A_318, %dma_wait3A_319] : memref<8x80xi32, #tpu.memory_space<vmem>> -> memref<1x80xi32, #tpu.memory_space<vmem>>
      %dma_wait3A_321 = tpu.memref_squeeze %dma_wait3A_320 : memref<1x80xi32, #tpu.memory_space<vmem>> -> memref<80xi32, #tpu.memory_space<vmem>>
      %dma_wait3A_322 = arith.constant 0 : i32
      %dma_wait3A_323 = arith.constant 0 : i32
      %dma_wait3A_324 = tpu.memref_slice %arg2[%dma_wait3A_322, %dma_wait3A_323] : memref<10240x128xf32, #tpu.memory_space<hbm>> -> memref<10240x128xf32, #tpu.memory_space<hbm>>
      tpu.wait_indirect_dma semaphore(%arg16 : memref<!tpu.dma_semaphore, #tpu.memory_space<semaphore_mem>>) src(%dma_wait3A_324 : memref<10240x128xf32, #tpu.memory_space<hbm>>) dst(%arg11 : memref<80x128xf32, #tpu.memory_space<vmem>>)
      %dma_start3A_325 = arith.constant 0 : i32
      %dma_start3A_326 = arith.constant 0 : i32
      %dma_start3A_327 = tpu.memref_slice %arg10[%dma_start3A_325, %dma_start3A_326] : memref<8x80xi32, #tpu.memory_space<vmem>> -> memref<1x80xi32, #tpu.memory_space<vmem>>
      %dma_start3A_328 = tpu.memref_squeeze %dma_start3A_327 : memref<1x80xi32, #tpu.memory_space<vmem>> -> memref<80xi32, #tpu.memory_space<vmem>>
      %dma_start3A_329 = arith.constant 0 : i32
      %dma_start3A_330 = arith.constant 0 : i32
      %dma_start3A_331 = tpu.memref_slice %arg15[%dma_start3A_329, %dma_start3A_330] : memref<10240x128xf32, #tpu.memory_space<vmem_shared>> -> memref<10240x128xf32, #tpu.memory_space<vmem_shared>>
      tpu.enqueue_indirect_dma source(%arg11 : memref<80x128xf32, #tpu.memory_space<vmem>>) target(%dma_start3A_331 : memref<10240x128xf32, #tpu.memory_space<vmem_shared>>) offsets(%dma_start3A_328 : memref<80xi32, #tpu.memory_space<vmem>>) semaphore(%arg20 : memref<!tpu.dma_semaphore, #tpu.memory_space<semaphore_mem>>) {add = true}
      %mul3A_332 = arith.constant 8 : i32
      %mul3A_333 = arith.muli %add3A_293, %mul3A_332 : i32
      %add3A_334 = arith.constant 1 : i32
      %add3A_335 = arith.addi %mul3A_333, %add3A_334 : i32
      %add3A_336 = arith.constant 3 : i32
      %add3A_337 = arith.addi %add3A_335, %add3A_336 : i32
      %lt3A_338 = arith.constant 128 : i32
      %lt3A_339 = arith.cmpi slt, %add3A_337, %lt3A_338 : i32
      %convert_element_type3A_340 = arith.extui %lt3A_339 : i1 to i32
      %cond3A_341 = arith.constant 0 : i32
      %cond3A_342 = arith.cmpi ne, %convert_element_type3A_340, %cond3A_341 : i32
      scf.if %cond3A_342 {
        %dma_wait3A_528 = arith.constant 0 : i32
        %dma_wait3A_529 = arith.constant 0 : i32
        %dma_wait3A_530 = tpu.memref_slice %arg10[%dma_wait3A_528, %dma_wait3A_529] : memref<8x80xi32, #tpu.memory_space<vmem>> -> memref<1x80xi32, #tpu.memory_space<vmem>>
        %dma_wait3A_531 = tpu.memref_squeeze %dma_wait3A_530 : memref<1x80xi32, #tpu.memory_space<vmem>> -> memref<80xi32, #tpu.memory_space<vmem>>
        %dma_wait3A_532 = arith.constant 0 : i32
        %dma_wait3A_533 = arith.constant 0 : i32
        %dma_wait3A_534 = tpu.memref_slice %arg15[%dma_wait3A_532, %dma_wait3A_533] : memref<10240x128xf32, #tpu.memory_space<vmem_shared>> -> memref<10240x128xf32, #tpu.memory_space<vmem_shared>>
        tpu.wait_indirect_dma semaphore(%arg20 : memref<!tpu.dma_semaphore, #tpu.memory_space<semaphore_mem>>) src(%arg11 : memref<80x128xf32, #tpu.memory_space<vmem>>) dst(%dma_wait3A_534 : memref<10240x128xf32, #tpu.memory_space<vmem_shared>>)
      } else {
      }
      %convert_element_type3A_343 = arith.extui %lt3A_339 : i1 to i32
      %cond3A_344 = arith.constant 0 : i32
      %cond3A_345 = arith.cmpi ne, %convert_element_type3A_343, %cond3A_344 : i32
      scf.if %cond3A_345 {
        %dma_start3A_528 = arith.constant 4 : i32
        %dma_start3A_529 = arith.constant 0 : i32
        %dma_start3A_530 = tpu.memref_slice %arg8[%dma_start3A_528, %dma_start3A_529] : memref<8x80xi32, #tpu.memory_space<vmem>> -> memref<1x80xi32, #tpu.memory_space<vmem>>
        %dma_start3A_531 = tpu.memref_squeeze %dma_start3A_530 : memref<1x80xi32, #tpu.memory_space<vmem>> -> memref<80xi32, #tpu.memory_space<vmem>>
        %dma_start3A_532 = arith.constant 0 : i32
        %dma_start3A_533 = arith.constant 0 : i32
        %dma_start3A_534 = tpu.memref_slice %arg2[%dma_start3A_532, %dma_start3A_533] : memref<10240x128xf32, #tpu.memory_space<hbm>> -> memref<10240x128xf32, #tpu.memory_space<hbm>>
        tpu.enqueue_indirect_dma source(%dma_start3A_534 : memref<10240x128xf32, #tpu.memory_space<hbm>>) target(%arg11 : memref<80x128xf32, #tpu.memory_space<vmem>>) offsets(%dma_start3A_531 : memref<80xi32, #tpu.memory_space<vmem>>) semaphore(%arg16 : memref<!tpu.dma_semaphore, #tpu.memory_space<semaphore_mem>>)
      } else {
      }
      %dma_wait3A_346 = arith.constant 1 : i32
      %dma_wait3A_347 = arith.constant 0 : i32
      %dma_wait3A_348 = tpu.memref_slice %arg8[%dma_wait3A_346, %dma_wait3A_347] : memref<8x80xi32, #tpu.memory_space<vmem>> -> memref<1x80xi32, #tpu.memory_space<vmem>>
      %dma_wait3A_349 = tpu.memref_squeeze %dma_wait3A_348 : memref<1x80xi32, #tpu.memory_space<vmem>> -> memref<80xi32, #tpu.memory_space<vmem>>
      %dma_wait3A_350 = arith.constant 0 : i32
      %dma_wait3A_351 = arith.constant 0 : i32
      %dma_wait3A_352 = tpu.memref_slice %arg2[%dma_wait3A_350, %dma_wait3A_351] : memref<10240x128xf32, #tpu.memory_space<hbm>> -> memref<10240x128xf32, #tpu.memory_space<hbm>>
      tpu.wait_indirect_dma semaphore(%arg17 : memref<!tpu.dma_semaphore, #tpu.memory_space<semaphore_mem>>) src(%dma_wait3A_352 : memref<10240x128xf32, #tpu.memory_space<hbm>>) dst(%arg12 : memref<80x128xf32, #tpu.memory_space<vmem>>)
      %dma_start3A_353 = arith.constant 1 : i32
      %dma_start3A_354 = arith.constant 0 : i32
      %dma_start3A_355 = tpu.memref_slice %arg10[%dma_start3A_353, %dma_start3A_354] : memref<8x80xi32, #tpu.memory_space<vmem>> -> memref<1x80xi32, #tpu.memory_space<vmem>>
      %dma_start3A_356 = tpu.memref_squeeze %dma_start3A_355 : memref<1x80xi32, #tpu.memory_space<vmem>> -> memref<80xi32, #tpu.memory_space<vmem>>
      %dma_start3A_357 = arith.constant 0 : i32
      %dma_start3A_358 = arith.constant 0 : i32
      %dma_start3A_359 = tpu.memref_slice %arg15[%dma_start3A_357, %dma_start3A_358] : memref<10240x128xf32, #tpu.memory_space<vmem_shared>> -> memref<10240x128xf32, #tpu.memory_space<vmem_shared>>
      tpu.enqueue_indirect_dma source(%arg12 : memref<80x128xf32, #tpu.memory_space<vmem>>) target(%dma_start3A_359 : memref<10240x128xf32, #tpu.memory_space<vmem_shared>>) offsets(%dma_start3A_356 : memref<80xi32, #tpu.memory_space<vmem>>) semaphore(%arg21 : memref<!tpu.dma_semaphore, #tpu.memory_space<semaphore_mem>>) {add = true}
      %mul3A_360 = arith.constant 8 : i32
      %mul3A_361 = arith.muli %add3A_293, %mul3A_360 : i32
      %add3A_362 = arith.constant 2 : i32
      %add3A_363 = arith.addi %mul3A_361, %add3A_362 : i32
      %add3A_364 = arith.constant 3 : i32
      %add3A_365 = arith.addi %add3A_363, %add3A_364 : i32
      %lt3A_366 = arith.constant 128 : i32
      %lt3A_367 = arith.cmpi slt, %add3A_365, %lt3A_366 : i32
      %convert_element_type3A_368 = arith.extui %lt3A_367 : i1 to i32
      %cond3A_369 = arith.constant 0 : i32
      %cond3A_370 = arith.cmpi ne, %convert_element_type3A_368, %cond3A_369 : i32
      scf.if %cond3A_370 {
        %dma_wait3A_528 = arith.constant 1 : i32
        %dma_wait3A_529 = arith.constant 0 : i32
        %dma_wait3A_530 = tpu.memref_slice %arg10[%dma_wait3A_528, %dma_wait3A_529] : memref<8x80xi32, #tpu.memory_space<vmem>> -> memref<1x80xi32, #tpu.memory_space<vmem>>
        %dma_wait3A_531 = tpu.memref_squeeze %dma_wait3A_530 : memref<1x80xi32, #tpu.memory_space<vmem>> -> memref<80xi32, #tpu.memory_space<vmem>>
        %dma_wait3A_532 = arith.constant 0 : i32
        %dma_wait3A_533 = arith.constant 0 : i32
        %dma_wait3A_534 = tpu.memref_slice %arg15[%dma_wait3A_532, %dma_wait3A_533] : memref<10240x128xf32, #tpu.memory_space<vmem_shared>> -> memref<10240x128xf32, #tpu.memory_space<vmem_shared>>
        tpu.wait_indirect_dma semaphore(%arg21 : memref<!tpu.dma_semaphore, #tpu.memory_space<semaphore_mem>>) src(%arg12 : memref<80x128xf32, #tpu.memory_space<vmem>>) dst(%dma_wait3A_534 : memref<10240x128xf32, #tpu.memory_space<vmem_shared>>)
      } else {
      }
      %convert_element_type3A_371 = arith.extui %lt3A_367 : i1 to i32
      %cond3A_372 = arith.constant 0 : i32
      %cond3A_373 = arith.cmpi ne, %convert_element_type3A_371, %cond3A_372 : i32
      scf.if %cond3A_373 {
        %dma_start3A_528 = arith.constant 5 : i32
        %dma_start3A_529 = arith.constant 0 : i32
        %dma_start3A_530 = tpu.memref_slice %arg8[%dma_start3A_528, %dma_start3A_529] : memref<8x80xi32, #tpu.memory_space<vmem>> -> memref<1x80xi32, #tpu.memory_space<vmem>>
        %dma_start3A_531 = tpu.memref_squeeze %dma_start3A_530 : memref<1x80xi32, #tpu.memory_space<vmem>> -> memref<80xi32, #tpu.memory_space<vmem>>
        %dma_start3A_532 = arith.constant 0 : i32
        %dma_start3A_533 = arith.constant 0 : i32
        %dma_start3A_534 = tpu.memref_slice %arg2[%dma_start3A_532, %dma_start3A_533] : memref<10240x128xf32, #tpu.memory_space<hbm>> -> memref<10240x128xf32, #tpu.memory_space<hbm>>
        tpu.enqueue_indirect_dma source(%dma_start3A_534 : memref<10240x128xf32, #tpu.memory_space<hbm>>) target(%arg12 : memref<80x128xf32, #tpu.memory_space<vmem>>) offsets(%dma_start3A_531 : memref<80xi32, #tpu.memory_space<vmem>>) semaphore(%arg17 : memref<!tpu.dma_semaphore, #tpu.memory_space<semaphore_mem>>)
      } else {
      }
      %dma_wait3A_374 = arith.constant 2 : i32
      %dma_wait3A_375 = arith.constant 0 : i32
      %dma_wait3A_376 = tpu.memref_slice %arg8[%dma_wait3A_374, %dma_wait3A_375] : memref<8x80xi32, #tpu.memory_space<vmem>> -> memref<1x80xi32, #tpu.memory_space<vmem>>
      %dma_wait3A_377 = tpu.memref_squeeze %dma_wait3A_376 : memref<1x80xi32, #tpu.memory_space<vmem>> -> memref<80xi32, #tpu.memory_space<vmem>>
      %dma_wait3A_378 = arith.constant 0 : i32
      %dma_wait3A_379 = arith.constant 0 : i32
      %dma_wait3A_380 = tpu.memref_slice %arg2[%dma_wait3A_378, %dma_wait3A_379] : memref<10240x128xf32, #tpu.memory_space<hbm>> -> memref<10240x128xf32, #tpu.memory_space<hbm>>
      tpu.wait_indirect_dma semaphore(%arg18 : memref<!tpu.dma_semaphore, #tpu.memory_space<semaphore_mem>>) src(%dma_wait3A_380 : memref<10240x128xf32, #tpu.memory_space<hbm>>) dst(%arg13 : memref<80x128xf32, #tpu.memory_space<vmem>>)
      %dma_start3A_381 = arith.constant 2 : i32
      %dma_start3A_382 = arith.constant 0 : i32
      %dma_start3A_383 = tpu.memref_slice %arg10[%dma_start3A_381, %dma_start3A_382] : memref<8x80xi32, #tpu.memory_space<vmem>> -> memref<1x80xi32, #tpu.memory_space<vmem>>
      %dma_start3A_384 = tpu.memref_squeeze %dma_start3A_383 : memref<1x80xi32, #tpu.memory_space<vmem>> -> memref<80xi32, #tpu.memory_space<vmem>>
      %dma_start3A_385 = arith.constant 0 : i32
      %dma_start3A_386 = arith.constant 0 : i32
      %dma_start3A_387 = tpu.memref_slice %arg15[%dma_start3A_385, %dma_start3A_386] : memref<10240x128xf32, #tpu.memory_space<vmem_shared>> -> memref<10240x128xf32, #tpu.memory_space<vmem_shared>>
      tpu.enqueue_indirect_dma source(%arg13 : memref<80x128xf32, #tpu.memory_space<vmem>>) target(%dma_start3A_387 : memref<10240x128xf32, #tpu.memory_space<vmem_shared>>) offsets(%dma_start3A_384 : memref<80xi32, #tpu.memory_space<vmem>>) semaphore(%arg22 : memref<!tpu.dma_semaphore, #tpu.memory_space<semaphore_mem>>) {add = true}
      %mul3A_388 = arith.constant 8 : i32
      %mul3A_389 = arith.muli %add3A_293, %mul3A_388 : i32
      %add3A_390 = arith.constant 3 : i32
      %add3A_391 = arith.addi %mul3A_389, %add3A_390 : i32
      %add3A_392 = arith.constant 3 : i32
      %add3A_393 = arith.addi %add3A_391, %add3A_392 : i32
      %lt3A_394 = arith.constant 128 : i32
      %lt3A_395 = arith.cmpi slt, %add3A_393, %lt3A_394 : i32
      %convert_element_type3A_396 = arith.extui %lt3A_395 : i1 to i32
      %cond3A_397 = arith.constant 0 : i32
      %cond3A_398 = arith.cmpi ne, %convert_element_type3A_396, %cond3A_397 : i32
      scf.if %cond3A_398 {
        %dma_wait3A_528 = arith.constant 2 : i32
        %dma_wait3A_529 = arith.constant 0 : i32
        %dma_wait3A_530 = tpu.memref_slice %arg10[%dma_wait3A_528, %dma_wait3A_529] : memref<8x80xi32, #tpu.memory_space<vmem>> -> memref<1x80xi32, #tpu.memory_space<vmem>>
        %dma_wait3A_531 = tpu.memref_squeeze %dma_wait3A_530 : memref<1x80xi32, #tpu.memory_space<vmem>> -> memref<80xi32, #tpu.memory_space<vmem>>
        %dma_wait3A_532 = arith.constant 0 : i32
        %dma_wait3A_533 = arith.constant 0 : i32
        %dma_wait3A_534 = tpu.memref_slice %arg15[%dma_wait3A_532, %dma_wait3A_533] : memref<10240x128xf32, #tpu.memory_space<vmem_shared>> -> memref<10240x128xf32, #tpu.memory_space<vmem_shared>>
        tpu.wait_indirect_dma semaphore(%arg22 : memref<!tpu.dma_semaphore, #tpu.memory_space<semaphore_mem>>) src(%arg13 : memref<80x128xf32, #tpu.memory_space<vmem>>) dst(%dma_wait3A_534 : memref<10240x128xf32, #tpu.memory_space<vmem_shared>>)
      } else {
      }
      %convert_element_type3A_399 = arith.extui %lt3A_395 : i1 to i32
      %cond3A_400 = arith.constant 0 : i32
      %cond3A_401 = arith.cmpi ne, %convert_element_type3A_399, %cond3A_400 : i32
      scf.if %cond3A_401 {
        %dma_start3A_528 = arith.constant 6 : i32
        %dma_start3A_529 = arith.constant 0 : i32
        %dma_start3A_530 = tpu.memref_slice %arg8[%dma_start3A_528, %dma_start3A_529] : memref<8x80xi32, #tpu.memory_space<vmem>> -> memref<1x80xi32, #tpu.memory_space<vmem>>
        %dma_start3A_531 = tpu.memref_squeeze %dma_start3A_530 : memref<1x80xi32, #tpu.memory_space<vmem>> -> memref<80xi32, #tpu.memory_space<vmem>>
        %dma_start3A_532 = arith.constant 0 : i32
        %dma_start3A_533 = arith.constant 0 : i32
        %dma_start3A_534 = tpu.memref_slice %arg2[%dma_start3A_532, %dma_start3A_533] : memref<10240x128xf32, #tpu.memory_space<hbm>> -> memref<10240x128xf32, #tpu.memory_space<hbm>>
        tpu.enqueue_indirect_dma source(%dma_start3A_534 : memref<10240x128xf32, #tpu.memory_space<hbm>>) target(%arg13 : memref<80x128xf32, #tpu.memory_space<vmem>>) offsets(%dma_start3A_531 : memref<80xi32, #tpu.memory_space<vmem>>) semaphore(%arg18 : memref<!tpu.dma_semaphore, #tpu.memory_space<semaphore_mem>>)
      } else {
      }
      %dma_wait3A_402 = arith.constant 3 : i32
      %dma_wait3A_403 = arith.constant 0 : i32
      %dma_wait3A_404 = tpu.memref_slice %arg8[%dma_wait3A_402, %dma_wait3A_403] : memref<8x80xi32, #tpu.memory_space<vmem>> -> memref<1x80xi32, #tpu.memory_space<vmem>>
      %dma_wait3A_405 = tpu.memref_squeeze %dma_wait3A_404 : memref<1x80xi32, #tpu.memory_space<vmem>> -> memref<80xi32, #tpu.memory_space<vmem>>
      %dma_wait3A_406 = arith.constant 0 : i32
      %dma_wait3A_407 = arith.constant 0 : i32
      %dma_wait3A_408 = tpu.memref_slice %arg2[%dma_wait3A_406, %dma_wait3A_407] : memref<10240x128xf32, #tpu.memory_space<hbm>> -> memref<10240x128xf32, #tpu.memory_space<hbm>>
      tpu.wait_indirect_dma semaphore(%arg19 : memref<!tpu.dma_semaphore, #tpu.memory_space<semaphore_mem>>) src(%dma_wait3A_408 : memref<10240x128xf32, #tpu.memory_space<hbm>>) dst(%arg14 : memref<80x128xf32, #tpu.memory_space<vmem>>)
      %dma_start3A_409 = arith.constant 3 : i32
      %dma_start3A_410 = arith.constant 0 : i32
      %dma_start3A_411 = tpu.memref_slice %arg10[%dma_start3A_409, %dma_start3A_410] : memref<8x80xi32, #tpu.memory_space<vmem>> -> memref<1x80xi32, #tpu.memory_space<vmem>>
      %dma_start3A_412 = tpu.memref_squeeze %dma_start3A_411 : memref<1x80xi32, #tpu.memory_space<vmem>> -> memref<80xi32, #tpu.memory_space<vmem>>
      %dma_start3A_413 = arith.constant 0 : i32
      %dma_start3A_414 = arith.constant 0 : i32
      %dma_start3A_415 = tpu.memref_slice %arg15[%dma_start3A_413, %dma_start3A_414] : memref<10240x128xf32, #tpu.memory_space<vmem_shared>> -> memref<10240x128xf32, #tpu.memory_space<vmem_shared>>
      tpu.enqueue_indirect_dma source(%arg14 : memref<80x128xf32, #tpu.memory_space<vmem>>) target(%dma_start3A_415 : memref<10240x128xf32, #tpu.memory_space<vmem_shared>>) offsets(%dma_start3A_412 : memref<80xi32, #tpu.memory_space<vmem>>) semaphore(%arg23 : memref<!tpu.dma_semaphore, #tpu.memory_space<semaphore_mem>>) {add = true}
      %mul3A_416 = arith.constant 8 : i32
      %mul3A_417 = arith.muli %add3A_293, %mul3A_416 : i32
      %add3A_418 = arith.constant 4 : i32
      %add3A_419 = arith.addi %mul3A_417, %add3A_418 : i32
      %add3A_420 = arith.constant 3 : i32
      %add3A_421 = arith.addi %add3A_419, %add3A_420 : i32
      %lt3A_422 = arith.constant 128 : i32
      %lt3A_423 = arith.cmpi slt, %add3A_421, %lt3A_422 : i32
      %convert_element_type3A_424 = arith.extui %lt3A_423 : i1 to i32
      %cond3A_425 = arith.constant 0 : i32
      %cond3A_426 = arith.cmpi ne, %convert_element_type3A_424, %cond3A_425 : i32
      scf.if %cond3A_426 {
        %dma_wait3A_528 = arith.constant 3 : i32
        %dma_wait3A_529 = arith.constant 0 : i32
        %dma_wait3A_530 = tpu.memref_slice %arg10[%dma_wait3A_528, %dma_wait3A_529] : memref<8x80xi32, #tpu.memory_space<vmem>> -> memref<1x80xi32, #tpu.memory_space<vmem>>
        %dma_wait3A_531 = tpu.memref_squeeze %dma_wait3A_530 : memref<1x80xi32, #tpu.memory_space<vmem>> -> memref<80xi32, #tpu.memory_space<vmem>>
        %dma_wait3A_532 = arith.constant 0 : i32
        %dma_wait3A_533 = arith.constant 0 : i32
        %dma_wait3A_534 = tpu.memref_slice %arg15[%dma_wait3A_532, %dma_wait3A_533] : memref<10240x128xf32, #tpu.memory_space<vmem_shared>> -> memref<10240x128xf32, #tpu.memory_space<vmem_shared>>
        tpu.wait_indirect_dma semaphore(%arg23 : memref<!tpu.dma_semaphore, #tpu.memory_space<semaphore_mem>>) src(%arg14 : memref<80x128xf32, #tpu.memory_space<vmem>>) dst(%dma_wait3A_534 : memref<10240x128xf32, #tpu.memory_space<vmem_shared>>)
      } else {
      }
      %convert_element_type3A_427 = arith.extui %lt3A_423 : i1 to i32
      %cond3A_428 = arith.constant 0 : i32
      %cond3A_429 = arith.cmpi ne, %convert_element_type3A_427, %cond3A_428 : i32
      scf.if %cond3A_429 {
        %dma_start3A_528 = arith.constant 7 : i32
        %dma_start3A_529 = arith.constant 0 : i32
        %dma_start3A_530 = tpu.memref_slice %arg8[%dma_start3A_528, %dma_start3A_529] : memref<8x80xi32, #tpu.memory_space<vmem>> -> memref<1x80xi32, #tpu.memory_space<vmem>>
        %dma_start3A_531 = tpu.memref_squeeze %dma_start3A_530 : memref<1x80xi32, #tpu.memory_space<vmem>> -> memref<80xi32, #tpu.memory_space<vmem>>
        %dma_start3A_532 = arith.constant 0 : i32
        %dma_start3A_533 = arith.constant 0 : i32
        %dma_start3A_534 = tpu.memref_slice %arg2[%dma_start3A_532, %dma_start3A_533] : memref<10240x128xf32, #tpu.memory_space<hbm>> -> memref<10240x128xf32, #tpu.memory_space<hbm>>
        tpu.enqueue_indirect_dma source(%dma_start3A_534 : memref<10240x128xf32, #tpu.memory_space<hbm>>) target(%arg14 : memref<80x128xf32, #tpu.memory_space<vmem>>) offsets(%dma_start3A_531 : memref<80xi32, #tpu.memory_space<vmem>>) semaphore(%arg19 : memref<!tpu.dma_semaphore, #tpu.memory_space<semaphore_mem>>)
      } else {
      }
      %dma_wait3A_430 = arith.constant 4 : i32
      %dma_wait3A_431 = arith.constant 0 : i32
      %dma_wait3A_432 = tpu.memref_slice %arg8[%dma_wait3A_430, %dma_wait3A_431] : memref<8x80xi32, #tpu.memory_space<vmem>> -> memref<1x80xi32, #tpu.memory_space<vmem>>
      %dma_wait3A_433 = tpu.memref_squeeze %dma_wait3A_432 : memref<1x80xi32, #tpu.memory_space<vmem>> -> memref<80xi32, #tpu.memory_space<vmem>>
      %dma_wait3A_434 = arith.constant 0 : i32
      %dma_wait3A_435 = arith.constant 0 : i32
      %dma_wait3A_436 = tpu.memref_slice %arg2[%dma_wait3A_434, %dma_wait3A_435] : memref<10240x128xf32, #tpu.memory_space<hbm>> -> memref<10240x128xf32, #tpu.memory_space<hbm>>
      tpu.wait_indirect_dma semaphore(%arg16 : memref<!tpu.dma_semaphore, #tpu.memory_space<semaphore_mem>>) src(%dma_wait3A_436 : memref<10240x128xf32, #tpu.memory_space<hbm>>) dst(%arg11 : memref<80x128xf32, #tpu.memory_space<vmem>>)
      %dma_start3A_437 = arith.constant 4 : i32
      %dma_start3A_438 = arith.constant 0 : i32
      %dma_start3A_439 = tpu.memref_slice %arg10[%dma_start3A_437, %dma_start3A_438] : memref<8x80xi32, #tpu.memory_space<vmem>> -> memref<1x80xi32, #tpu.memory_space<vmem>>
      %dma_start3A_440 = tpu.memref_squeeze %dma_start3A_439 : memref<1x80xi32, #tpu.memory_space<vmem>> -> memref<80xi32, #tpu.memory_space<vmem>>
      %dma_start3A_441 = arith.constant 0 : i32
      %dma_start3A_442 = arith.constant 0 : i32
      %dma_start3A_443 = tpu.memref_slice %arg15[%dma_start3A_441, %dma_start3A_442] : memref<10240x128xf32, #tpu.memory_space<vmem_shared>> -> memref<10240x128xf32, #tpu.memory_space<vmem_shared>>
      tpu.enqueue_indirect_dma source(%arg11 : memref<80x128xf32, #tpu.memory_space<vmem>>) target(%dma_start3A_443 : memref<10240x128xf32, #tpu.memory_space<vmem_shared>>) offsets(%dma_start3A_440 : memref<80xi32, #tpu.memory_space<vmem>>) semaphore(%arg20 : memref<!tpu.dma_semaphore, #tpu.memory_space<semaphore_mem>>) {add = true}
      %mul3A_444 = arith.constant 8 : i32
      %mul3A_445 = arith.muli %add3A_293, %mul3A_444 : i32
      %add3A_446 = arith.constant 5 : i32
      %add3A_447 = arith.addi %mul3A_445, %add3A_446 : i32
      %add3A_448 = arith.constant 3 : i32
      %add3A_449 = arith.addi %add3A_447, %add3A_448 : i32
      %lt3A_450 = arith.constant 128 : i32
      %lt3A_451 = arith.cmpi slt, %add3A_449, %lt3A_450 : i32
      %convert_element_type3A_452 = arith.extui %lt3A_451 : i1 to i32
      %cond3A_453 = arith.constant 0 : i32
      %cond3A_454 = arith.cmpi ne, %convert_element_type3A_452, %cond3A_453 : i32
      scf.if %cond3A_454 {
        %dma_wait3A_528 = arith.constant 4 : i32
        %dma_wait3A_529 = arith.constant 0 : i32
        %dma_wait3A_530 = tpu.memref_slice %arg10[%dma_wait3A_528, %dma_wait3A_529] : memref<8x80xi32, #tpu.memory_space<vmem>> -> memref<1x80xi32, #tpu.memory_space<vmem>>
        %dma_wait3A_531 = tpu.memref_squeeze %dma_wait3A_530 : memref<1x80xi32, #tpu.memory_space<vmem>> -> memref<80xi32, #tpu.memory_space<vmem>>
        %dma_wait3A_532 = arith.constant 0 : i32
        %dma_wait3A_533 = arith.constant 0 : i32
        %dma_wait3A_534 = tpu.memref_slice %arg15[%dma_wait3A_532, %dma_wait3A_533] : memref<10240x128xf32, #tpu.memory_space<vmem_shared>> -> memref<10240x128xf32, #tpu.memory_space<vmem_shared>>
        tpu.wait_indirect_dma semaphore(%arg20 : memref<!tpu.dma_semaphore, #tpu.memory_space<semaphore_mem>>) src(%arg11 : memref<80x128xf32, #tpu.memory_space<vmem>>) dst(%dma_wait3A_534 : memref<10240x128xf32, #tpu.memory_space<vmem_shared>>)
      } else {
      }
      %convert_element_type3A_455 = arith.extui %lt3A_451 : i1 to i32
      %cond3A_456 = arith.constant 0 : i32
      %cond3A_457 = arith.cmpi ne, %convert_element_type3A_455, %cond3A_456 : i32
      scf.if %cond3A_457 {
        %add3A_528 = arith.constant 1 : i32
        %add3A_529 = arith.addi %add3A_293, %add3A_528 : i32
        %mul3A_530 = arith.constant 8 : i32
        %mul3A_531 = arith.muli %add3A_529, %mul3A_530 : i32
        %dma_wait3A_532 = arith.constant 0 : i32
        %dma_wait3A_533 = tpu.memref_slice %arg3[%add3A, %mul3A_531, %dma_wait3A_532] : memref<32x128x80xi32, #tpu.memory_space<hbm>> -> memref<1x8x80xi32, #tpu.memory_space<hbm>>
        %dma_wait3A_534 = tpu.memref_squeeze %dma_wait3A_533 : memref<1x8x80xi32, #tpu.memory_space<hbm>> -> memref<8x80xi32, #tpu.memory_space<hbm>>
        %dma_wait3A_535 = arith.constant 0 : i32
        %dma_wait3A_536 = tpu.memref_slice %arg3[%add3A, %mul3A_531, %dma_wait3A_535] : memref<32x128x80xi32, #tpu.memory_space<hbm>> -> memref<1x8x80xi32, #tpu.memory_space<hbm>>
        %dma_wait3A_537 = tpu.memref_squeeze %dma_wait3A_536 : memref<1x8x80xi32, #tpu.memory_space<hbm>> -> memref<8x80xi32, #tpu.memory_space<hbm>>
        tpu.wait_dma2 semaphore(%arg24 : memref<!tpu.dma_semaphore, #tpu.memory_space<semaphore_mem>>) src(%dma_wait3A_537 : memref<8x80xi32, #tpu.memory_space<hbm>>) dst(%arg7 : memref<8x80xi32, #tpu.memory_space<vmem>>)
        %mul3A_538 = arith.constant 8 : i32
        %mul3A_539 = arith.muli %add3A_529, %mul3A_538 : i32
        %dma_wait3A_540 = arith.constant 0 : i32
        %dma_wait3A_541 = tpu.memref_slice %arg4[%add3A, %mul3A_539, %dma_wait3A_540] : memref<32x128x80xi32, #tpu.memory_space<hbm>> -> memref<1x8x80xi32, #tpu.memory_space<hbm>>
        %dma_wait3A_542 = tpu.memref_squeeze %dma_wait3A_541 : memref<1x8x80xi32, #tpu.memory_space<hbm>> -> memref<8x80xi32, #tpu.memory_space<hbm>>
        %dma_wait3A_543 = arith.constant 0 : i32
        %dma_wait3A_544 = tpu.memref_slice %arg4[%add3A, %mul3A_539, %dma_wait3A_543] : memref<32x128x80xi32, #tpu.memory_space<hbm>> -> memref<1x8x80xi32, #tpu.memory_space<hbm>>
        %dma_wait3A_545 = tpu.memref_squeeze %dma_wait3A_544 : memref<1x8x80xi32, #tpu.memory_space<hbm>> -> memref<8x80xi32, #tpu.memory_space<hbm>>
        tpu.wait_dma2 semaphore(%arg24 : memref<!tpu.dma_semaphore, #tpu.memory_space<semaphore_mem>>) src(%dma_wait3A_545 : memref<8x80xi32, #tpu.memory_space<hbm>>) dst(%arg9 : memref<8x80xi32, #tpu.memory_space<vmem>>)
        %dma_start3A_546 = arith.constant 0 : i32
        %dma_start3A_547 = arith.constant 0 : i32
        %dma_start3A_548 = tpu.memref_slice %arg7[%dma_start3A_546, %dma_start3A_547] : memref<8x80xi32, #tpu.memory_space<vmem>> -> memref<1x80xi32, #tpu.memory_space<vmem>>
        %dma_start3A_549 = tpu.memref_squeeze %dma_start3A_548 : memref<1x80xi32, #tpu.memory_space<vmem>> -> memref<80xi32, #tpu.memory_space<vmem>>
        %dma_start3A_550 = arith.constant 0 : i32
        %dma_start3A_551 = arith.constant 0 : i32
        %dma_start3A_552 = tpu.memref_slice %arg2[%dma_start3A_550, %dma_start3A_551] : memref<10240x128xf32, #tpu.memory_space<hbm>> -> memref<10240x128xf32, #tpu.memory_space<hbm>>
        tpu.enqueue_indirect_dma source(%dma_start3A_552 : memref<10240x128xf32, #tpu.memory_space<hbm>>) target(%arg11 : memref<80x128xf32, #tpu.memory_space<vmem>>) offsets(%dma_start3A_549 : memref<80xi32, #tpu.memory_space<vmem>>) semaphore(%arg16 : memref<!tpu.dma_semaphore, #tpu.memory_space<semaphore_mem>>)
      } else {
      }
      %dma_wait3A_458 = arith.constant 5 : i32
      %dma_wait3A_459 = arith.constant 0 : i32
      %dma_wait3A_460 = tpu.memref_slice %arg8[%dma_wait3A_458, %dma_wait3A_459] : memref<8x80xi32, #tpu.memory_space<vmem>> -> memref<1x80xi32, #tpu.memory_space<vmem>>
      %dma_wait3A_461 = tpu.memref_squeeze %dma_wait3A_460 : memref<1x80xi32, #tpu.memory_space<vmem>> -> memref<80xi32, #tpu.memory_space<vmem>>
      %dma_wait3A_462 = arith.constant 0 : i32
      %dma_wait3A_463 = arith.constant 0 : i32
      %dma_wait3A_464 = tpu.memref_slice %arg2[%dma_wait3A_462, %dma_wait3A_463] : memref<10240x128xf32, #tpu.memory_space<hbm>> -> memref<10240x128xf32, #tpu.memory_space<hbm>>
      tpu.wait_indirect_dma semaphore(%arg17 : memref<!tpu.dma_semaphore, #tpu.memory_space<semaphore_mem>>) src(%dma_wait3A_464 : memref<10240x128xf32, #tpu.memory_space<hbm>>) dst(%arg12 : memref<80x128xf32, #tpu.memory_space<vmem>>)
      %dma_start3A_465 = arith.constant 5 : i32
      %dma_start3A_466 = arith.constant 0 : i32
      %dma_start3A_467 = tpu.memref_slice %arg10[%dma_start3A_465, %dma_start3A_466] : memref<8x80xi32, #tpu.memory_space<vmem>> -> memref<1x80xi32, #tpu.memory_space<vmem>>
      %dma_start3A_468 = tpu.memref_squeeze %dma_start3A_467 : memref<1x80xi32, #tpu.memory_space<vmem>> -> memref<80xi32, #tpu.memory_space<vmem>>
      %dma_start3A_469 = arith.constant 0 : i32
      %dma_start3A_470 = arith.constant 0 : i32
      %dma_start3A_471 = tpu.memref_slice %arg15[%dma_start3A_469, %dma_start3A_470] : memref<10240x128xf32, #tpu.memory_space<vmem_shared>> -> memref<10240x128xf32, #tpu.memory_space<vmem_shared>>
      tpu.enqueue_indirect_dma source(%arg12 : memref<80x128xf32, #tpu.memory_space<vmem>>) target(%dma_start3A_471 : memref<10240x128xf32, #tpu.memory_space<vmem_shared>>) offsets(%dma_start3A_468 : memref<80xi32, #tpu.memory_space<vmem>>) semaphore(%arg21 : memref<!tpu.dma_semaphore, #tpu.memory_space<semaphore_mem>>) {add = true}
      %mul3A_472 = arith.constant 8 : i32
      %mul3A_473 = arith.muli %add3A_293, %mul3A_472 : i32
      %add3A_474 = arith.constant 6 : i32
      %add3A_475 = arith.addi %mul3A_473, %add3A_474 : i32
      %add3A_476 = arith.constant 3 : i32
      %add3A_477 = arith.addi %add3A_475, %add3A_476 : i32
      %lt3A_478 = arith.constant 128 : i32
      %lt3A_479 = arith.cmpi slt, %add3A_477, %lt3A_478 : i32
      %convert_element_type3A_480 = arith.extui %lt3A_479 : i1 to i32
      %cond3A_481 = arith.constant 0 : i32
      %cond3A_482 = arith.cmpi ne, %convert_element_type3A_480, %cond3A_481 : i32
      scf.if %cond3A_482 {
        %dma_wait3A_528 = arith.constant 5 : i32
        %dma_wait3A_529 = arith.constant 0 : i32
        %dma_wait3A_530 = tpu.memref_slice %arg10[%dma_wait3A_528, %dma_wait3A_529] : memref<8x80xi32, #tpu.memory_space<vmem>> -> memref<1x80xi32, #tpu.memory_space<vmem>>
        %dma_wait3A_531 = tpu.memref_squeeze %dma_wait3A_530 : memref<1x80xi32, #tpu.memory_space<vmem>> -> memref<80xi32, #tpu.memory_space<vmem>>
        %dma_wait3A_532 = arith.constant 0 : i32
        %dma_wait3A_533 = arith.constant 0 : i32
        %dma_wait3A_534 = tpu.memref_slice %arg15[%dma_wait3A_532, %dma_wait3A_533] : memref<10240x128xf32, #tpu.memory_space<vmem_shared>> -> memref<10240x128xf32, #tpu.memory_space<vmem_shared>>
        tpu.wait_indirect_dma semaphore(%arg21 : memref<!tpu.dma_semaphore, #tpu.memory_space<semaphore_mem>>) src(%arg12 : memref<80x128xf32, #tpu.memory_space<vmem>>) dst(%dma_wait3A_534 : memref<10240x128xf32, #tpu.memory_space<vmem_shared>>)
      } else {
      }
      %convert_element_type3A_483 = arith.extui %lt3A_479 : i1 to i32
      %cond3A_484 = arith.constant 0 : i32
      %cond3A_485 = arith.cmpi ne, %convert_element_type3A_483, %cond3A_484 : i32
      scf.if %cond3A_485 {
        %dma_start3A_528 = arith.constant 1 : i32
        %dma_start3A_529 = arith.constant 0 : i32
        %dma_start3A_530 = tpu.memref_slice %arg7[%dma_start3A_528, %dma_start3A_529] : memref<8x80xi32, #tpu.memory_space<vmem>> -> memref<1x80xi32, #tpu.memory_space<vmem>>
        %dma_start3A_531 = tpu.memref_squeeze %dma_start3A_530 : memref<1x80xi32, #tpu.memory_space<vmem>> -> memref<80xi32, #tpu.memory_space<vmem>>
        %dma_start3A_532 = arith.constant 0 : i32
        %dma_start3A_533 = arith.constant 0 : i32
        %dma_start3A_534 = tpu.memref_slice %arg2[%dma_start3A_532, %dma_start3A_533] : memref<10240x128xf32, #tpu.memory_space<hbm>> -> memref<10240x128xf32, #tpu.memory_space<hbm>>
        tpu.enqueue_indirect_dma source(%dma_start3A_534 : memref<10240x128xf32, #tpu.memory_space<hbm>>) target(%arg12 : memref<80x128xf32, #tpu.memory_space<vmem>>) offsets(%dma_start3A_531 : memref<80xi32, #tpu.memory_space<vmem>>) semaphore(%arg17 : memref<!tpu.dma_semaphore, #tpu.memory_space<semaphore_mem>>)
      } else {
      }
      %dma_wait3A_486 = arith.constant 6 : i32
      %dma_wait3A_487 = arith.constant 0 : i32
      %dma_wait3A_488 = tpu.memref_slice %arg8[%dma_wait3A_486, %dma_wait3A_487] : memref<8x80xi32, #tpu.memory_space<vmem>> -> memref<1x80xi32, #tpu.memory_space<vmem>>
      %dma_wait3A_489 = tpu.memref_squeeze %dma_wait3A_488 : memref<1x80xi32, #tpu.memory_space<vmem>> -> memref<80xi32, #tpu.memory_space<vmem>>
      %dma_wait3A_490 = arith.constant 0 : i32
      %dma_wait3A_491 = arith.constant 0 : i32
      %dma_wait3A_492 = tpu.memref_slice %arg2[%dma_wait3A_490, %dma_wait3A_491] : memref<10240x128xf32, #tpu.memory_space<hbm>> -> memref<10240x128xf32, #tpu.memory_space<hbm>>
      tpu.wait_indirect_dma semaphore(%arg18 : memref<!tpu.dma_semaphore, #tpu.memory_space<semaphore_mem>>) src(%dma_wait3A_492 : memref<10240x128xf32, #tpu.memory_space<hbm>>) dst(%arg13 : memref<80x128xf32, #tpu.memory_space<vmem>>)
      %dma_start3A_493 = arith.constant 6 : i32
      %dma_start3A_494 = arith.constant 0 : i32
      %dma_start3A_495 = tpu.memref_slice %arg10[%dma_start3A_493, %dma_start3A_494] : memref<8x80xi32, #tpu.memory_space<vmem>> -> memref<1x80xi32, #tpu.memory_space<vmem>>
      %dma_start3A_496 = tpu.memref_squeeze %dma_start3A_495 : memref<1x80xi32, #tpu.memory_space<vmem>> -> memref<80xi32, #tpu.memory_space<vmem>>
      %dma_start3A_497 = arith.constant 0 : i32
      %dma_start3A_498 = arith.constant 0 : i32
      %dma_start3A_499 = tpu.memref_slice %arg15[%dma_start3A_497, %dma_start3A_498] : memref<10240x128xf32, #tpu.memory_space<vmem_shared>> -> memref<10240x128xf32, #tpu.memory_space<vmem_shared>>
      tpu.enqueue_indirect_dma source(%arg13 : memref<80x128xf32, #tpu.memory_space<vmem>>) target(%dma_start3A_499 : memref<10240x128xf32, #tpu.memory_space<vmem_shared>>) offsets(%dma_start3A_496 : memref<80xi32, #tpu.memory_space<vmem>>) semaphore(%arg22 : memref<!tpu.dma_semaphore, #tpu.memory_space<semaphore_mem>>) {add = true}
      %mul3A_500 = arith.constant 8 : i32
      %mul3A_501 = arith.muli %add3A_293, %mul3A_500 : i32
      %add3A_502 = arith.constant 7 : i32
      %add3A_503 = arith.addi %mul3A_501, %add3A_502 : i32
      %add3A_504 = arith.constant 3 : i32
      %add3A_505 = arith.addi %add3A_503, %add3A_504 : i32
      %lt3A_506 = arith.constant 128 : i32
      %lt3A_507 = arith.cmpi slt, %add3A_505, %lt3A_506 : i32
      %convert_element_type3A_508 = arith.extui %lt3A_507 : i1 to i32
      %cond3A_509 = arith.constant 0 : i32
      %cond3A_510 = arith.cmpi ne, %convert_element_type3A_508, %cond3A_509 : i32
      scf.if %cond3A_510 {
        %dma_wait3A_528 = arith.constant 6 : i32
        %dma_wait3A_529 = arith.constant 0 : i32
        %dma_wait3A_530 = tpu.memref_slice %arg10[%dma_wait3A_528, %dma_wait3A_529] : memref<8x80xi32, #tpu.memory_space<vmem>> -> memref<1x80xi32, #tpu.memory_space<vmem>>
        %dma_wait3A_531 = tpu.memref_squeeze %dma_wait3A_530 : memref<1x80xi32, #tpu.memory_space<vmem>> -> memref<80xi32, #tpu.memory_space<vmem>>
        %dma_wait3A_532 = arith.constant 0 : i32
        %dma_wait3A_533 = arith.constant 0 : i32
        %dma_wait3A_534 = tpu.memref_slice %arg15[%dma_wait3A_532, %dma_wait3A_533] : memref<10240x128xf32, #tpu.memory_space<vmem_shared>> -> memref<10240x128xf32, #tpu.memory_space<vmem_shared>>
        tpu.wait_indirect_dma semaphore(%arg22 : memref<!tpu.dma_semaphore, #tpu.memory_space<semaphore_mem>>) src(%arg13 : memref<80x128xf32, #tpu.memory_space<vmem>>) dst(%dma_wait3A_534 : memref<10240x128xf32, #tpu.memory_space<vmem_shared>>)
      } else {
      }
      %convert_element_type3A_511 = arith.extui %lt3A_507 : i1 to i32
      %cond3A_512 = arith.constant 0 : i32
      %cond3A_513 = arith.cmpi ne, %convert_element_type3A_511, %cond3A_512 : i32
      scf.if %cond3A_513 {
        %dma_start3A_528 = arith.constant 2 : i32
        %dma_start3A_529 = arith.constant 0 : i32
        %dma_start3A_530 = tpu.memref_slice %arg7[%dma_start3A_528, %dma_start3A_529] : memref<8x80xi32, #tpu.memory_space<vmem>> -> memref<1x80xi32, #tpu.memory_space<vmem>>
        %dma_start3A_531 = tpu.memref_squeeze %dma_start3A_530 : memref<1x80xi32, #tpu.memory_space<vmem>> -> memref<80xi32, #tpu.memory_space<vmem>>
        %dma_start3A_532 = arith.constant 0 : i32
        %dma_start3A_533 = arith.constant 0 : i32
        %dma_start3A_534 = tpu.memref_slice %arg2[%dma_start3A_532, %dma_start3A_533] : memref<10240x128xf32, #tpu.memory_space<hbm>> -> memref<10240x128xf32, #tpu.memory_space<hbm>>
        tpu.enqueue_indirect_dma source(%dma_start3A_534 : memref<10240x128xf32, #tpu.memory_space<hbm>>) target(%arg13 : memref<80x128xf32, #tpu.memory_space<vmem>>) offsets(%dma_start3A_531 : memref<80xi32, #tpu.memory_space<vmem>>) semaphore(%arg18 : memref<!tpu.dma_semaphore, #tpu.memory_space<semaphore_mem>>)
      } else {
      }
      %dma_wait3A_514 = arith.constant 7 : i32
      %dma_wait3A_515 = arith.constant 0 : i32
      %dma_wait3A_516 = tpu.memref_slice %arg8[%dma_wait3A_514, %dma_wait3A_515] : memref<8x80xi32, #tpu.memory_space<vmem>> -> memref<1x80xi32, #tpu.memory_space<vmem>>
      %dma_wait3A_517 = tpu.memref_squeeze %dma_wait3A_516 : memref<1x80xi32, #tpu.memory_space<vmem>> -> memref<80xi32, #tpu.memory_space<vmem>>
      %dma_wait3A_518 = arith.constant 0 : i32
      %dma_wait3A_519 = arith.constant 0 : i32
      %dma_wait3A_520 = tpu.memref_slice %arg2[%dma_wait3A_518, %dma_wait3A_519] : memref<10240x128xf32, #tpu.memory_space<hbm>> -> memref<10240x128xf32, #tpu.memory_space<hbm>>
      tpu.wait_indirect_dma semaphore(%arg19 : memref<!tpu.dma_semaphore, #tpu.memory_space<semaphore_mem>>) src(%dma_wait3A_520 : memref<10240x128xf32, #tpu.memory_space<hbm>>) dst(%arg14 : memref<80x128xf32, #tpu.memory_space<vmem>>)
      %dma_start3A_521 = arith.constant 7 : i32
      %dma_start3A_522 = arith.constant 0 : i32
      %dma_start3A_523 = tpu.memref_slice %arg10[%dma_start3A_521, %dma_start3A_522] : memref<8x80xi32, #tpu.memory_space<vmem>> -> memref<1x80xi32, #tpu.memory_space<vmem>>
      %dma_start3A_524 = tpu.memref_squeeze %dma_start3A_523 : memref<1x80xi32, #tpu.memory_space<vmem>> -> memref<80xi32, #tpu.memory_space<vmem>>
      %dma_start3A_525 = arith.constant 0 : i32
      %dma_start3A_526 = arith.constant 0 : i32
      %dma_start3A_527 = tpu.memref_slice %arg15[%dma_start3A_525, %dma_start3A_526] : memref<10240x128xf32, #tpu.memory_space<vmem_shared>> -> memref<10240x128xf32, #tpu.memory_space<vmem_shared>>
      tpu.enqueue_indirect_dma source(%arg14 : memref<80x128xf32, #tpu.memory_space<vmem>>) target(%dma_start3A_527 : memref<10240x128xf32, #tpu.memory_space<vmem_shared>>) offsets(%dma_start3A_524 : memref<80xi32, #tpu.memory_space<vmem>>) semaphore(%arg23 : memref<!tpu.dma_semaphore, #tpu.memory_space<semaphore_mem>>) {add = true}
    }
    %scan3A_27 = arith.constant 8 : i32
    %dma_wait3A = arith.constant 4 : i32
    %dma_wait3A_28 = arith.constant 0 : i32
    %dma_wait3A_29 = tpu.memref_slice %arg10[%dma_wait3A, %dma_wait3A_28] : memref<8x80xi32, #tpu.memory_space<vmem>> -> memref<1x80xi32, #tpu.memory_space<vmem>>
    %dma_wait3A_30 = tpu.memref_squeeze %dma_wait3A_29 : memref<1x80xi32, #tpu.memory_space<vmem>> -> memref<80xi32, #tpu.memory_space<vmem>>
    %dma_wait3A_31 = arith.constant 0 : i32
    %dma_wait3A_32 = arith.constant 0 : i32
    %dma_wait3A_33 = tpu.memref_slice %arg15[%dma_wait3A_31, %dma_wait3A_32] : memref<10240x128xf32, #tpu.memory_space<vmem_shared>> -> memref<10240x128xf32, #tpu.memory_space<vmem_shared>>
    tpu.wait_indirect_dma semaphore(%arg20 : memref<!tpu.dma_semaphore, #tpu.memory_space<semaphore_mem>>) src(%arg11 : memref<80x128xf32, #tpu.memory_space<vmem>>) dst(%dma_wait3A_33 : memref<10240x128xf32, #tpu.memory_space<vmem_shared>>)
    %dma_wait3A_34 = arith.constant 5 : i32
    %dma_wait3A_35 = arith.constant 0 : i32
    %dma_wait3A_36 = tpu.memref_slice %arg10[%dma_wait3A_34, %dma_wait3A_35] : memref<8x80xi32, #tpu.memory_space<vmem>> -> memref<1x80xi32, #tpu.memory_space<vmem>>
    %dma_wait3A_37 = tpu.memref_squeeze %dma_wait3A_36 : memref<1x80xi32, #tpu.memory_space<vmem>> -> memref<80xi32, #tpu.memory_space<vmem>>
    %dma_wait3A_38 = arith.constant 0 : i32
    %dma_wait3A_39 = arith.constant 0 : i32
    %dma_wait3A_40 = tpu.memref_slice %arg15[%dma_wait3A_38, %dma_wait3A_39] : memref<10240x128xf32, #tpu.memory_space<vmem_shared>> -> memref<10240x128xf32, #tpu.memory_space<vmem_shared>>
    tpu.wait_indirect_dma semaphore(%arg21 : memref<!tpu.dma_semaphore, #tpu.memory_space<semaphore_mem>>) src(%arg12 : memref<80x128xf32, #tpu.memory_space<vmem>>) dst(%dma_wait3A_40 : memref<10240x128xf32, #tpu.memory_space<vmem_shared>>)
    %dma_wait3A_41 = arith.constant 6 : i32
    %dma_wait3A_42 = arith.constant 0 : i32
    %dma_wait3A_43 = tpu.memref_slice %arg10[%dma_wait3A_41, %dma_wait3A_42] : memref<8x80xi32, #tpu.memory_space<vmem>> -> memref<1x80xi32, #tpu.memory_space<vmem>>
    %dma_wait3A_44 = tpu.memref_squeeze %dma_wait3A_43 : memref<1x80xi32, #tpu.memory_space<vmem>> -> memref<80xi32, #tpu.memory_space<vmem>>
    %dma_wait3A_45 = arith.constant 0 : i32
    %dma_wait3A_46 = arith.constant 0 : i32
    %dma_wait3A_47 = tpu.memref_slice %arg15[%dma_wait3A_45, %dma_wait3A_46] : memref<10240x128xf32, #tpu.memory_space<vmem_shared>> -> memref<10240x128xf32, #tpu.memory_space<vmem_shared>>
    tpu.wait_indirect_dma semaphore(%arg22 : memref<!tpu.dma_semaphore, #tpu.memory_space<semaphore_mem>>) src(%arg13 : memref<80x128xf32, #tpu.memory_space<vmem>>) dst(%dma_wait3A_47 : memref<10240x128xf32, #tpu.memory_space<vmem_shared>>)
    %dma_wait3A_48 = arith.constant 7 : i32
    %dma_wait3A_49 = arith.constant 0 : i32
    %dma_wait3A_50 = tpu.memref_slice %arg10[%dma_wait3A_48, %dma_wait3A_49] : memref<8x80xi32, #tpu.memory_space<vmem>> -> memref<1x80xi32, #tpu.memory_space<vmem>>
    %dma_wait3A_51 = tpu.memref_squeeze %dma_wait3A_50 : memref<1x80xi32, #tpu.memory_space<vmem>> -> memref<80xi32, #tpu.memory_space<vmem>>
    %dma_wait3A_52 = arith.constant 0 : i32
    %dma_wait3A_53 = arith.constant 0 : i32
    %dma_wait3A_54 = tpu.memref_slice %arg15[%dma_wait3A_52, %dma_wait3A_53] : memref<10240x128xf32, #tpu.memory_space<vmem_shared>> -> memref<10240x128xf32, #tpu.memory_space<vmem_shared>>
    tpu.wait_indirect_dma semaphore(%arg23 : memref<!tpu.dma_semaphore, #tpu.memory_space<semaphore_mem>>) src(%arg14 : memref<80x128xf32, #tpu.memory_space<vmem>>) dst(%dma_wait3A_54 : memref<10240x128xf32, #tpu.memory_space<vmem_shared>>)
    %barrier3A_55 = arith.constant 0 : index
    tpu.barrier barrier_id(%barrier3A_55)
    "tpu.region"() ({
      %run_scoped3A = tpu.sem_alloc : memref<!tpu.dma_semaphore, #tpu.memory_space<semaphore_mem>>
      %dma_start3A_56 = arith.constant 0 : i32
      %dma_start3A_57 = tpu.memref_slice %arg6[%arg0, %mul3A_22, %dma_start3A_56] : memref<2x10240x128xf32, #tpu.memory_space<hbm>> -> memref<1x640x128xf32, #tpu.memory_space<hbm>>
      %dma_start3A_58 = tpu.memref_squeeze %dma_start3A_57 : memref<1x640x128xf32, #tpu.memory_space<hbm>> -> memref<640x128xf32, #tpu.memory_space<hbm>>
      %dma_start3A_59 = arith.constant 0 : i32
      %dma_start3A_60 = tpu.memref_slice %arg15[%mul3A_22, %dma_start3A_59] : memref<10240x128xf32, #tpu.memory_space<vmem_shared>> -> memref<640x128xf32, #tpu.memory_space<vmem_shared>>
      tpu.enqueue_dma source(%dma_start3A_60 : memref<640x128xf32, #tpu.memory_space<vmem_shared>>) target(%dma_start3A_58 : memref<640x128xf32, #tpu.memory_space<hbm>>) target_semaphore(%run_scoped3A : memref<!tpu.dma_semaphore, #tpu.memory_space<semaphore_mem>>)
      %dma_wait3A_61 = arith.constant 0 : i32
      %dma_wait3A_62 = tpu.memref_slice %arg6[%arg0, %mul3A_22, %dma_wait3A_61] : memref<2x10240x128xf32, #tpu.memory_space<hbm>> -> memref<1x640x128xf32, #tpu.memory_space<hbm>>
      %dma_wait3A_63 = tpu.memref_squeeze %dma_wait3A_62 : memref<1x640x128xf32, #tpu.memory_space<hbm>> -> memref<640x128xf32, #tpu.memory_space<hbm>>
      %dma_wait3A_64 = arith.constant 0 : i32
      %dma_wait3A_65 = tpu.memref_slice %arg15[%mul3A_22, %dma_wait3A_64] : memref<10240x128xf32, #tpu.memory_space<vmem_shared>> -> memref<640x128xf32, #tpu.memory_space<vmem_shared>>
      tpu.wait_dma2 semaphore(%run_scoped3A : memref<!tpu.dma_semaphore, #tpu.memory_space<semaphore_mem>>) src(%dma_wait3A_65 : memref<640x128xf32, #tpu.memory_space<vmem_shared>>) dst(%dma_wait3A_63 : memref<640x128xf32, #tpu.memory_space<hbm>>)
      tpu.yield
    }) : () -> ()
    return
  }
}

module attributes {stable_mosaic.version = 14 : i64} {
  func.func @_tc_mm1_body(%arg0: memref<10000x128xf32, #tpu.memory_space<vmem>>, %arg1: memref<128x128xf32, #tpu.memory_space<vmem>>, %arg2: memref<10000x128xf32, #tpu.memory_space<vmem>>) attributes {dimension_semantics = [], scalar_prefetch = 0 : i64, scratch_operands = 0 : i64, tpu.core_type = #tpu.core_type<tc>} {
    %get3A = arith.constant 0 : index
    %get3A_0 = arith.constant 0 : index
    %get3A_1 = vector.load %arg0[%get3A, %get3A_0] : memref<10000x128xf32, #tpu.memory_space<vmem>>, vector<10000x128xf32>
    %get3A_2 = arith.constant 0 : index
    %get3A_3 = arith.constant 0 : index
    %get3A_4 = vector.load %arg1[%get3A_2, %get3A_3] : memref<128x128xf32, #tpu.memory_space<vmem>>, vector<128x128xf32>
    %dot_general3A = arith.constant dense<0.000000e+00> : vector<10000x128xf32>
    %dot_general3A_5 = tpu.matmul %get3A_1, %get3A_4, %dot_general3A {dimension_numbers = #tpu.dot_dimension_numbers<[1], [0], [0], [1], [0, 0, 1, 1], [], []>, transpose_lhs_hint = false} : vector<10000x128xf32>, vector<128x128xf32>, vector<10000x128xf32> -> vector<10000x128xf32>
    %swap3A = arith.constant 0 : index
    %swap3A_6 = arith.constant 0 : index
    %swap3A_7 = vector.load %arg2[%swap3A, %swap3A_6] : memref<10000x128xf32, #tpu.memory_space<vmem>>, vector<10000x128xf32>
    tpu.vector_store %arg2[%swap3A, %swap3A_6], %dot_general3A_5 {strides = array<i32>} : memref<10000x128xf32, #tpu.memory_space<vmem>>, vector<10000x128xf32>,
    return
  }
}

module attributes {stable_mosaic.version = 14 : i64} {
  func.func @_tc_scale_body(%arg0: memref<2x10240x1xf32, #tpu.memory_space<vmem>>, %arg1: memref<10000x128xf32, #tpu.memory_space<vmem>>, %arg2: memref<10240x128xf32, #tpu.memory_space<vmem>>) attributes {dimension_semantics = [], scalar_prefetch = 0 : i64, scratch_operands = 0 : i64, tpu.core_type = #tpu.core_type<tc>} {
    %get3A = arith.constant 0 : index
    %get3A_0 = arith.constant 0 : index
    %get3A_1 = arith.constant 0 : index
    %get3A_2 = vector.load %arg0[%get3A, %get3A_0, %get3A_1] : memref<2x10240x1xf32, #tpu.memory_space<vmem>>, vector<1x10000x1xf32>
    %get3A_3 = vector.shape_cast %get3A_2 : vector<1x10000x1xf32> to vector<10000x1xf32>
    %get3A_4 = arith.constant 1 : index
    %get3A_5 = arith.constant 0 : index
    %get3A_6 = arith.constant 0 : index
    %get3A_7 = vector.load %arg0[%get3A_4, %get3A_5, %get3A_6] : memref<2x10240x1xf32, #tpu.memory_space<vmem>>, vector<1x10000x1xf32>
    %get3A_8 = vector.shape_cast %get3A_7 : vector<1x10000x1xf32> to vector<10000x1xf32>
    %add3A = arith.addf %get3A_3, %get3A_8 : vector<10000x1xf32>
    %add3A_9 = arith.constant 1.000000e+00 : f32
    %add3A_10 = vector.broadcast %add3A_9 : f32 to vector<10000x1xf32>
    %add3A_11 = arith.addf %add3A, %add3A_10 : vector<10000x1xf32>
    %get3A_12 = arith.constant 0 : index
    %get3A_13 = arith.constant 0 : index
    %get3A_14 = vector.load %arg1[%get3A_12, %get3A_13] : memref<10000x128xf32, #tpu.memory_space<vmem>>, vector<10000x128xf32>
    %rsqrt3A = math.rsqrt %add3A_11 : vector<10000x1xf32>
    %mul3A = vector.broadcast %rsqrt3A : vector<10000x1xf32> to vector<10000x128xf32>
    %mul3A_15 = arith.mulf %get3A_14, %mul3A : vector<10000x128xf32>
    %swap3A = arith.constant 0 : index
    %swap3A_16 = arith.constant 0 : index
    %swap3A_17 = vector.load %arg2[%swap3A, %swap3A_16] : memref<10240x128xf32, #tpu.memory_space<vmem>>, vector<10000x128xf32>
    tpu.vector_store %arg2[%swap3A, %swap3A_16], %mul3A_15 {strides = array<i32>} : memref<10240x128xf32, #tpu.memory_space<vmem>>, vector<10000x128xf32>,
    %broadcast_in_dim3A = arith.constant 0.000000e+00 : f32
    %broadcast_in_dim3A_18 = vector.broadcast %broadcast_in_dim3A : f32 to vector<240x128xf32>
    %swap3A_19 = arith.constant 10000 : index
    %swap3A_20 = arith.constant 0 : index
    %swap3A_21 = vector.load %arg2[%swap3A_19, %swap3A_20] : memref<10240x128xf32, #tpu.memory_space<vmem>>, vector<240x128xf32>
    tpu.vector_store %arg2[%swap3A_19, %swap3A_20], %broadcast_in_dim3A_18 {strides = array<i32>} : memref<10240x128xf32, #tpu.memory_space<vmem>>, vector<240x128xf32>,
    return
  }
}

module attributes {stable_mosaic.version = 14 : i64} {
  func.func @_tc_mid_body(%arg0: memref<2x10240x1xf32, #tpu.memory_space<vmem>>, %arg1: memref<2x10240x128xf32, #tpu.memory_space<vmem>>, %arg2: memref<10240x128xf32, #tpu.memory_space<vmem>>, %arg3: memref<1x128xf32, #tpu.memory_space<vmem>>, %arg4: memref<128x128xf32, #tpu.memory_space<vmem>>, %arg5: memref<10240x128xf32, #tpu.memory_space<vmem>>) attributes {dimension_semantics = [], scalar_prefetch = 0 : i64, scratch_operands = 0 : i64, tpu.core_type = #tpu.core_type<tc>} {
    %get3A = arith.constant 0 : index
    %get3A_0 = arith.constant 0 : index
    %get3A_1 = arith.constant 0 : index
    %get3A_2 = vector.load %arg0[%get3A, %get3A_0, %get3A_1] : memref<2x10240x1xf32, #tpu.memory_space<vmem>>, vector<1x10240x1xf32>
    %get3A_3 = vector.shape_cast %get3A_2 : vector<1x10240x1xf32> to vector<10240x1xf32>
    %get3A_4 = arith.constant 1 : index
    %get3A_5 = arith.constant 0 : index
    %get3A_6 = arith.constant 0 : index
    %get3A_7 = vector.load %arg0[%get3A_4, %get3A_5, %get3A_6] : memref<2x10240x1xf32, #tpu.memory_space<vmem>>, vector<1x10240x1xf32>
    %get3A_8 = vector.shape_cast %get3A_7 : vector<1x10240x1xf32> to vector<10240x1xf32>
    %add3A = arith.addf %get3A_3, %get3A_8 : vector<10240x1xf32>
    %add3A_9 = arith.constant 1.000000e+00 : f32
    %add3A_10 = vector.broadcast %add3A_9 : f32 to vector<10240x1xf32>
    %add3A_11 = arith.addf %add3A, %add3A_10 : vector<10240x1xf32>
    %rsqrt3A = math.rsqrt %add3A_11 : vector<10240x1xf32>
    %get3A_12 = arith.constant 0 : index
    %get3A_13 = arith.constant 0 : index
    %get3A_14 = arith.constant 0 : index
    %get3A_15 = vector.load %arg1[%get3A_12, %get3A_13, %get3A_14] : memref<2x10240x128xf32, #tpu.memory_space<vmem>>, vector<1x10240x128xf32>
    %get3A_16 = vector.shape_cast %get3A_15 : vector<1x10240x128xf32> to vector<10240x128xf32>
    %get3A_17 = arith.constant 1 : index
    %get3A_18 = arith.constant 0 : index
    %get3A_19 = arith.constant 0 : index
    %get3A_20 = vector.load %arg1[%get3A_17, %get3A_18, %get3A_19] : memref<2x10240x128xf32, #tpu.memory_space<vmem>>, vector<1x10240x128xf32>
    %get3A_21 = vector.shape_cast %get3A_20 : vector<1x10240x128xf32> to vector<10240x128xf32>
    %add3A_22 = arith.addf %get3A_16, %get3A_21 : vector<10240x128xf32>
    %get3A_23 = arith.constant 0 : index
    %get3A_24 = arith.constant 0 : index
    %get3A_25 = vector.load %arg2[%get3A_23, %get3A_24] : memref<10240x128xf32, #tpu.memory_space<vmem>>, vector<10240x128xf32>
    %add3A_26 = arith.addf %add3A_22, %get3A_25 : vector<10240x128xf32>
    %mul3A = vector.broadcast %rsqrt3A : vector<10240x1xf32> to vector<10240x128xf32>
    %mul3A_27 = arith.mulf %add3A_26, %mul3A : vector<10240x128xf32>
    %get3A_28 = arith.constant 0 : index
    %get3A_29 = arith.constant 0 : index
    %get3A_30 = vector.load %arg3[%get3A_28, %get3A_29] : memref<1x128xf32, #tpu.memory_space<vmem>>, vector<1x128xf32>
    %add3A_31 = vector.broadcast %get3A_30 : vector<1x128xf32> to vector<10240x128xf32>
    %add3A_32 = arith.addf %mul3A_27, %add3A_31 : vector<10240x128xf32>
    %max3A = arith.constant 0.000000e+00 : f32
    %max3A_33 = vector.broadcast %max3A : f32 to vector<10240x128xf32>
    %max3A_34 = arith.maximumf %add3A_32, %max3A_33 : vector<10240x128xf32>
    %get3A_35 = arith.constant 0 : index
    %get3A_36 = arith.constant 0 : index
    %get3A_37 = vector.load %arg4[%get3A_35, %get3A_36] : memref<128x128xf32, #tpu.memory_space<vmem>>, vector<128x128xf32>
    %dot_general3A = arith.constant dense<0.000000e+00> : vector<10240x128xf32>
    %dot_general3A_38 = tpu.matmul %max3A_34, %get3A_37, %dot_general3A {dimension_numbers = #tpu.dot_dimension_numbers<[1], [0], [0], [1], [0, 0, 1, 1], [], []>, transpose_lhs_hint = false} : vector<10240x128xf32>, vector<128x128xf32>, vector<10240x128xf32> -> vector<10240x128xf32>
    %mul3A_39 = vector.broadcast %rsqrt3A : vector<10240x1xf32> to vector<10240x128xf32>
    %mul3A_40 = arith.mulf %dot_general3A_38, %mul3A_39 : vector<10240x128xf32>
    %swap3A = arith.constant 0 : index
    %swap3A_41 = arith.constant 0 : index
    %swap3A_42 = vector.load %arg5[%swap3A, %swap3A_41] : memref<10240x128xf32, #tpu.memory_space<vmem>>, vector<10240x128xf32>
    tpu.vector_store %arg5[%swap3A, %swap3A_41], %mul3A_40 {strides = array<i32>} : memref<10240x128xf32, #tpu.memory_space<vmem>>, vector<10240x128xf32>,
    return
  }
}

module attributes {stable_mosaic.version = 14 : i64} {
  func.func @_tc_post_body(%arg0: memref<2x10240x1xf32, #tpu.memory_space<vmem>>, %arg1: memref<2x10240x128xf32, #tpu.memory_space<vmem>>, %arg2: memref<10240x128xf32, #tpu.memory_space<vmem>>, %arg3: memref<1x128xf32, #tpu.memory_space<vmem>>, %arg4: memref<10000x128xf32, #tpu.memory_space<vmem>>) attributes {dimension_semantics = [], scalar_prefetch = 0 : i64, scratch_operands = 0 : i64, tpu.core_type = #tpu.core_type<tc>} {
    %get3A = arith.constant 0 : index
    %get3A_0 = arith.constant 0 : index
    %get3A_1 = arith.constant 0 : index
    %get3A_2 = vector.load %arg0[%get3A, %get3A_0, %get3A_1] : memref<2x10240x1xf32, #tpu.memory_space<vmem>>, vector<1x10000x1xf32>
    %get3A_3 = vector.shape_cast %get3A_2 : vector<1x10000x1xf32> to vector<10000x1xf32>
    %get3A_4 = arith.constant 1 : index
    %get3A_5 = arith.constant 0 : index
    %get3A_6 = arith.constant 0 : index
    %get3A_7 = vector.load %arg0[%get3A_4, %get3A_5, %get3A_6] : memref<2x10240x1xf32, #tpu.memory_space<vmem>>, vector<1x10000x1xf32>
    %get3A_8 = vector.shape_cast %get3A_7 : vector<1x10000x1xf32> to vector<10000x1xf32>
    %add3A = arith.addf %get3A_3, %get3A_8 : vector<10000x1xf32>
    %add3A_9 = arith.constant 1.000000e+00 : f32
    %add3A_10 = vector.broadcast %add3A_9 : f32 to vector<10000x1xf32>
    %add3A_11 = arith.addf %add3A, %add3A_10 : vector<10000x1xf32>
    %rsqrt3A = math.rsqrt %add3A_11 : vector<10000x1xf32>
    %get3A_12 = arith.constant 0 : index
    %get3A_13 = arith.constant 0 : index
    %get3A_14 = arith.constant 0 : index
    %get3A_15 = vector.load %arg1[%get3A_12, %get3A_13, %get3A_14] : memref<2x10240x128xf32, #tpu.memory_space<vmem>>, vector<1x10000x128xf32>
    %get3A_16 = vector.shape_cast %get3A_15 : vector<1x10000x128xf32> to vector<10000x128xf32>
    %get3A_17 = arith.constant 1 : index
    %get3A_18 = arith.constant 0 : index
    %get3A_19 = arith.constant 0 : index
    %get3A_20 = vector.load %arg1[%get3A_17, %get3A_18, %get3A_19] : memref<2x10240x128xf32, #tpu.memory_space<vmem>>, vector<1x10000x128xf32>
    %get3A_21 = vector.shape_cast %get3A_20 : vector<1x10000x128xf32> to vector<10000x128xf32>
    %add3A_22 = arith.addf %get3A_16, %get3A_21 : vector<10000x128xf32>
    %get3A_23 = arith.constant 0 : index
    %get3A_24 = arith.constant 0 : index
    %get3A_25 = vector.load %arg2[%get3A_23, %get3A_24] : memref<10240x128xf32, #tpu.memory_space<vmem>>, vector<10000x128xf32>
    %add3A_26 = arith.addf %add3A_22, %get3A_25 : vector<10000x128xf32>
    %mul3A = vector.broadcast %rsqrt3A : vector<10000x1xf32> to vector<10000x128xf32>
    %mul3A_27 = arith.mulf %add3A_26, %mul3A : vector<10000x128xf32>
    %get3A_28 = arith.constant 0 : index
    %get3A_29 = arith.constant 0 : index
    %get3A_30 = vector.load %arg3[%get3A_28, %get3A_29] : memref<1x128xf32, #tpu.memory_space<vmem>>, vector<1x128xf32>
    %add3A_31 = vector.broadcast %get3A_30 : vector<1x128xf32> to vector<10000x128xf32>
    %add3A_32 = arith.addf %mul3A_27, %add3A_31 : vector<10000x128xf32>
    %swap3A = arith.constant 0 : index
    %swap3A_33 = arith.constant 0 : index
    %swap3A_34 = vector.load %arg4[%swap3A, %swap3A_33] : memref<10000x128xf32, #tpu.memory_space<vmem>>, vector<10000x128xf32>
    tpu.vector_store %arg4[%swap3A, %swap3A_33], %add3A_32 {strides = array<i32>} : memref<10000x128xf32, #tpu.memory_space<vmem>>, vector<10000x128xf32>,
    return
  }
}

</mosaic_0001>

<sc_bundles>
// kernel: kernel.12.cloned.1.call-start
scs
__scs_entry_jumppad:
0x0: {  	(pc) =	sbr.rel $0x88, $3  }
0x1: {  	(tag) =	ssettag $0x0;
	lr =	simm.s32 $0x1  }
0x2: {  	[smem:$0x3F9B] =	sst lr;
	_ =	strace $0xD0000000  }
0x3: {  	_ = 	snop  }
0x4: {  	_ = 	snop  }
0x5: {  	_ = 	snop  }
0x6: {  	_ = 	snop  }
0x7: {  	_ = 	snop  }
__scs_overlays_trampoline_lowered:
0x8: {  	[smem:$0x3FAA] =	sst s0  }
0x9: {  	[smem:$0x3FAB] =	sst s1  }
0xa: {  	[smem:$0x3FAC] =	sst s2  }
0xb: {  	[smem:$0x3FAD] =	sst s3  }
0xc: {  	[smem:$0x3FAE] =	sst s4  }
0xd: {  	[smem:$0x3FAF] =	sst s5  }
0xe: {  	[smem:$0x3FB0] =	sst s6  }
0xf: {  	[smem:$0x3FB1] =	sst s7  }
0x10: {  	[smem:$0x3FB2] =	sst s8  }
0x11: {  	[smem:$0x3FB3] =	sst s9;
	s0 =	simm.s32 @!p0 $0x0  }
0x12: {  	s1 =	sld [smem:$0x3F99];
	s0 =	simm.s32 @p0 $0x1  }
0x13: {  	[smem:$0x3FB4] =	sst s0;
	s0 =	simm.s32 @!p1 $0x0  }
0x14: {  	s2 =	sld [smem:$0x3F98];
	s0 =	simm.s32 @p1 $0x1  }
0x15: {  	[smem:$0x3FB5] =	sst s0;
	s0 =	simm.s32 @!p2 $0x0  }
0x16: {  	s3 =	sld [smem:$0x3FDB];
	s0 =	simm.s32 @p2 $0x1  }
0x17: {  	s4 =	simm.s32 $0x1BF5;
	[smem:$0x3FB7] =	sst s0  }
0x18: {  	s0 =	sld [smem:$0x3F9A];
	_ =	swait.ge [sflag:s4], $0x0  }
0x19: {  	s7 =	sld [smem:$0x3F9B]  }
0x1a: {  	s8 =	sadd.s32 $0xFFFFE003, lr  }
0x1b: {  	s9 =	sadd.s32 $0xFFFFFEF7, lr;
	s5 =	simm.s32 $0xFFFFFFFF;
	p2 =	slt.u32 s8, $0xFFFFF086  }
0x1c: {  	p1 =	slt.u32 s9, $0xF7A;
	s5 =	simm.s32 @!p2 $0x0  }
0x1d: {  	s5 =	simm.s32 @p1 $0x1;
	p0 =	seq.s32 s7, s2  }
0x1e: {  	s7 =	smul.u32 @!p0 $0xF7A, s2;
	p2 =	seq.s32 @!p0 s5, $0x0  }
0x1f: {  	s9 =	smul.u32 $0xF7A, s1;
	s8 =	simm.s32 @!p0 $0x1BF5;
	p2 =	por !p2, p0  }
0x20: {  	[sflag:s8] =	ssyncset.s32 @!p0 $0xFFFFF086;
	s6 =	sadd.s32 @!p0 s3, s7;
	s7 =	simm.s32 @!p0 $0x108  }
0x21: {  	s3 =	sadd.s32 s3, s9;
	s6 =	sadd.s32 @!p0 $0x88, s6;
	s7 =	simm.s32 @p2 $0x1082  }
0x22: {  	[simem:s7], [sflag:s8] =	dma.local @!p0 [hbm:s6], $0xF7A  }
0x23: {  	s9 =	sor.u32 $0xD0000000, s2;
	s6 =	simm.s32 $0x108;
	_ =	swait.ge @!p0 [sflag:s8], $0x0  }
0x24: {  	s3 =	sadd.s32 $0x88, s3;
	s6 =	simm.s32 @!p1 $0x1082;
	[sflag:s4] =	ssyncset.s32 $0xFFFFF086  }
0x25: {  	[simem:s6], [sflag:s4] =	dma.local [hbm:s3], $0xF7A  }
0x26: {  	[smem:$0x3F9B] =	sst s1;
	(tag) =	ssettag s2;
	_ =	strace s9  }
0x27: {  	s1 =	sld [smem:$0x3FAB]  }
0x28: {  	s2 =	sld [smem:$0x3FAC]  }
0x29: {  	s4 =	sld [smem:$0x3FAE]  }
0x2a: {  	p0 =	seq.s32 s5, $0x0;
	s5 =	sld [smem:$0x3FAF]  }
0x2b: {  	s6 =	sld [smem:$0x3FB0]  }
0x2c: {  	s7 =	sld [smem:$0x3FB1]  }
0x2d: {  	s3 =	simm.s32 $0x108;
	s8 =	sld [smem:$0x3FB2]  }
0x2e: {  	s3 =	simm.s32 @!p0 $0x1082;
	s9 =	sld [smem:$0x3FB3]  }
0x2f: {  	lr =	sadd.s32 s0, s3;
	s0 =	sld [smem:$0x3FAA]  }
0x30: {  	s3 =	sld [smem:$0x3FAD]  }
0x31: {  	[smem:$0x3FB6] =	sst s10  }
0x32: {  	s10 =	sld [smem:$0x3FB4];
	_ =	sdelay $0x3  }
0x33: {  	p0 =	seq.s32 s10, $0x1;
	s10 =	sld [smem:$0x3FB6];
	_ =	sdelay $0x3  }
0x34: {  	[smem:$0x3FB6] =	sst s10  }
0x35: {  	s10 =	sld [smem:$0x3FB5];
	_ =	sdelay $0x3  }
0x36: {  	p1 =	seq.s32 s10, $0x1;
	s10 =	sld [smem:$0x3FB6];
	_ =	sdelay $0x3  }
0x37: {  	[smem:$0x3FB6] =	sst s10  }
0x38: {  	s10 =	sld [smem:$0x3FB7]  }
0x39: {  	_ = 	snop;
	(pc) =	sbr.ind lr, $3  }
0x3a: {  	_ = 	snop  }
0x3b: {  	_ = 	snop  }
0x3c: {  	p2 =	seq.s32 s10, $0x1;
	s10 =	sld [smem:$0x3FB6]  }
0x3d: {  	_ =	shalt  }
0x3e: {  	_ =	shalt  }
0x3f: {  	_ =	shalt  }
0x40: {  	_ =	shalt  }
0x41: {  	_ =	shalt  }
0x42: {  	_ =	shalt  }
0x43: {  	_ =	shalt  }
0x44: {  	_ =	shalt  }
0x45: {  	_ =	shalt  }
0x46: {  	_ =	shalt  }
0x47: {  	_ =	shalt  }
0x48: {  	_ =	shalt  }
0x49: {  	_ =	shalt  }
0x4a: {  	_ =	shalt  }
0x4b: {  	_ =	shalt  }
0x4c: {  	_ =	shalt  }
0x4d: {  	_ =	shalt  }
0x4e: {  	_ =	shalt  }
0x4f: {  	_ =	shalt  }
0x50: {  	_ =	shalt  }
0x51: {  	_ =	shalt  }
0x52: {  	_ =	shalt  }
0x53: {  	_ =	shalt  }
0x54: {  	_ =	shalt  }
0x55: {  	_ =	shalt  }
0x56: {  	_ =	shalt  }
0x57: {  	_ =	shalt  }
0x58: {  	_ =	shalt  }
0x59: {  	_ =	shalt  }
0x5a: {  	_ =	shalt  }
0x5b: {  	_ =	shalt  }
0x5c: {  	_ =	shalt  }
0x5d: {  	_ =	shalt  }
0x5e: {  	_ =	shalt  }
0x5f: {  	_ =	shalt  }
0x60: {  	_ =	shalt  }
0x61: {  	_ =	shalt  }
0x62: {  	_ =	shalt  }
0x63: {  	_ =	shalt  }
0x64: {  	_ =	shalt  }
0x65: {  	_ =	shalt  }
0x66: {  	_ =	shalt  }
0x67: {  	_ =	shalt  }
0x68: {  	_ =	shalt  }
0x69: {  	_ =	shalt  }
0x6a: {  	_ =	shalt  }
0x6b: {  	_ =	shalt  }
0x6c: {  	_ =	shalt  }
0x6d: {  	_ =	shalt  }
0x6e: {  	_ =	shalt  }
0x6f: {  	_ =	shalt  }
0x70: {  	_ =	shalt  }
0x71: {  	_ =	shalt  }
0x72: {  	_ =	shalt  }
0x73: {  	_ =	shalt  }
0x74: {  	_ =	shalt  }
0x75: {  	_ =	shalt  }
0x76: {  	_ =	shalt  }
0x77: {  	_ =	shalt  }
0x78: {  	_ =	shalt  }
0x79: {  	_ =	shalt  }
0x7a: {  	_ =	shalt  }
0x7b: {  	_ =	shalt  }
0x7c: {  	_ =	shalt  }
0x7d: {  	_ =	shalt  }
0x7e: {  	_ =	shalt  }
0x7f: {  	_ =	shalt  }
0x80: {  	_ =	shalt  }
0x81: {  	_ =	shalt  }
0x82: {  	_ =	shalt  }
0x83: {  	_ =	shalt  }
0x84: {  	_ =	shalt  }
0x85: {  	_ =	shalt  }
0x86: {  	_ =	shalt  }
0x87: {  	_ =	shalt  }
.Lfunc_end0:
.L_simem_size_0:
called_computation.1_lowered:
.L_overlay_start_0:
0x88: {  	s2 =	sld [smem:$0x3FD9]  }
0x89: {  	s3 =	sld [smem:$0x3FFE];
	_ =	sdelay $0x1  }
0x8a: {  	s1 =	srdreg.scid  }
0x8b: {  	s0 =	sand.u32 $0x1, s1  }
0x8c: {  	s17 =	sshll.u32 s0, $0xA;
	s2 =	sadd.s32 s3, s2  }
0x8d: {  	s2 =	sadd.s32 s2, s17  }
0x8e: {  	[smem:$0x3FC2] =	sst s2  }
0x8f: {  	_ = 	snop  }
0x90: {  	s2 =	sld [smem:$0x3FD0];
	(tm) =	ssettm $0x1  }
0x91: {  	s18 =	sld [smem:$0x3FFB];
	_ =	sdelay $0x3  }
0x92: {  	_ =	strace s18  }
0x93: {  	s3 =	sld [smem:$0x3FFC];
	_ =	sdelay $0x3  }
0x94: {  	_ =	strace s3  }
0x95: {  	s3 =	sld [smem:$0x3FFD];
	_ =	sdelay $0x3  }
0x96: {  	_ =	strace s3  }
0x97: {  	_ =	strace $0x8FFFFFFF  }
0x98: {  	s19 =	sld [smem:$0x3FDB];
	_ =	sdelay $0x1  }
0x99: {  	s4 =	simm.s32 $_scs_section_size  }
0x9a: {  	s5 =	simm.s32 $_size__tile_overlayer_lowered;
	s6 =	simm.s32 $_tile_overlayer_lowered  }
0x9b: {  	s22 =	simm.s32 $0x1BFF;
	s21 =	sshll.u32 s6, $0x1;
	s3 =	sadd.s32 s4, s19  }
0x9c: {  	s7 =	simm.s32 $0x0;
	s20 =	sshll.u32 s5, $0x1;
	s5 =	sadd.s32 s21, s3  }
0x9d: {  	[timem:s7], [sflag:s22] =	dma.local [hbm:s5], s20  }
0x9e: {  	_ =	swait.ge [sflag:s22], s20  }
0x9f: {  	s4 =	ssub.s32 $0x0, s20;
	[sflag:s22] =	ssyncset.done $0x0  }
0xa0: {  	[sflag:s22] =	ssyncadd.s32 s4;
	_ =	sdelay $0x1  }
0xa1: {  	s23 =	simm.s32 $0x1B8B  }
0xa2: {  	_ =	swait.ge [sflag:s23], $0x1  }
0xa3: {  	[sflag:s23] =	ssyncset.done $0x0  }
0xa4: {  	s25 =	simm.s32 $0x1B8E;
	s24 =	sld [smem:$0x3FFE];
	[sflag:s23] =	ssyncadd.s32 $0xFFFFFFFF  }
0xa5: {  	s26 =	simm.s32 $execute0_lowered;
	[smem:$0x3FD2] =	sst s25  }
0xa6: {  	s5 =	sshll.u32 s26, $0x1;
	_ =	strace $0x80000049;
	[dreg:$0x1] =	wrdreg $0xFFFFFFFF  }
0xa7: {  	s28 =	simm.s32 $_size_execute0_lowered;
	s3 =	sadd.s32 s3, s5;
	[dreg:$0x0] =	wrdreg $0x0  }
0xa8: {  	s5 =	sshll.u32 s28, $0x1;
	[dreg:$0x2] =	wrdreg s3  }
0xa9: {  	[dreg:$0x3] =	wrdreg s5  }
0xaa: {  	[dreg:$0x4] =	wrdreg $0xC0  }
0xab: {  	_ =	task [dreg:s7], $0x5FFFF  }
0xac: {  	[dreg:$0x1] =	wrdreg $0xFFFFFFFF  }
0xad: {  	[dreg:$0x0] =	wrdreg $0x60  }
0xae: {  	[dreg:$0x2] =	wrdreg s24  }
0xaf: {  	[dreg:$0x3] =	wrdreg s2  }
0xb0: {  	[dreg:$0x4] =	wrdreg $0xB0000  }
0xb1: {  	[dreg:$0x5] =	wrdreg $0x9  }
0xb2: {  	_ =	task.clear_ibuf [dreg:s7], $0x6FFFF;
	_ =	strace $0x90000049  }
0xb3: {  	s29 =	simm.s32 $0x9;
	_ =	strace $0x8000004B  }
0xb4: {  	_ =	swait.ge [sflag:s29], $0x1  }
0xb5: {  	[sflag:s29] =	ssyncadd.s32 $0xFFFFFFFF  }
0xb6: {  	_ =	strace $0x9000004B  }
0xb7: {  	_ =	sfence  }
0xb8: {  	s30 =	sld [smem:$0x0];
	_ =	sdelay $0x2  }
0xb9: {  	s31 =	sshll.u32 s1, $0xD;
	s1 =	sshrl.u32 s1, $0x2  }
0xba: {  	s3 =	sand.u32 $0x4000, s31;
	s1 =	sadd.s32 s1, s30  }
0xbb: {  	s0 =	sor.u32 s3, s0;
	s1 =	sshll.u32 s1, $0x11  }
0xbc: {  	s0 =	sor.u32 s1, s0  }
0xbd: {  	s0 =	sadd.s32 $0x8F2B, s0  }
0xbe: {  	[sflag:s0] =	ssyncadd.remote.s32 $0x1  }
0xbf: {  	_ =	sfence.sel $0xFFFF  }
0xc0: {  	[dreg:$0x0] =	wrdreg $0xFFFFFFFF;
	(pc) =	sbr.abs _section_cstart, $3  }
0xc1: {  	[dreg:$0x1] =	wrdreg $0xFFFFFFFF  }
0xc2: {  	_ =	task.clear_ibuf [dreg:s7], $0x2FFFF;
	_ =	strace $0x9FFFFFFF  }
0xc3: {  	(tm) =	ssettm $0x7FFFFFFF  }
tec
execute0_lowered:
.L_overlay_start_1:
0x0: {  	(tag) =	ssettag $0x1  }
0x1: {  	s0 =	rddreg [dreg:$0x0]  }
0x2: {  	s2 =	rddreg [dreg:$0x1]  }
0x3: {  	s1 =	rddreg [dreg:$0x2]  }
0x4: {  	s3 =	simm.s32 $0x0;
	s4 =	srdreg.scid;
	s13 =	stileid.u32  }
0x5: {  	s15 =	simm.s32 $0x180;
	s17 =	simm.s32 $0x200;
	s18 =	simm.s32 $0x880  }
0x6: {  	s19 =	simm.s32 $0x280;
	s21 =	simm.s32 $0x900;
	[smem:$0x7FF] =	sst s3  }
0x7: {  	s28 =	simm.s32 $0x7;
	_ =	strace $0x8000004A;
	[dreg:$0x8] =	wrdreg s15  }
0x8: {  	s29 =	simm.s32 $0x4;
	s5 =	sand.u32 $0x1, s4;
	[dreg:$0x9] =	wrdreg s17  }
0x9: {  	s6 =	smul.u32 $0x14000, s13;
	s8 =	sshll.u32 s13, $0xE;
	[dreg:$0xa] =	wrdreg s18  }
0xa: {  	s11 =	sadd.s32 $0x2AA00, s0;
	s22 =	smul.u32 $0x50000, s13;
	[dreg:$0xb] =	wrdreg s19  }
0xb: {  	s13 =	simm.s32 $0xB00;
	s7 =	sshll.u32 s5, $0x12;
	[dreg:$0xc] =	wrdreg s21  }
0xc: {  	s9 =	smul.u32 $0x140000, s5;
	[dreg:$0x13] =	wrdreg s13;
	s15 =	simm.s32 $0xB80  }
0xd: {  	s5 =	ssub.s32 $0x2, s5;
	s17 =	simm.s32 $0x600;
	[dreg:$0x15] =	wrdreg s15  }
0xe: {  	s18 =	simm.s32 $0xC80;
	s19 =	simm.s32 $0x680;
	[dreg:$0x17] =	wrdreg s17  }
0xf: {  	s21 =	simm.s32 $0x700;
	s7 =	sor.u32 s8, s7;
	[dreg:$0x18] =	wrdreg s18  }
0x10: {  	s23 =	sshrl.u32 s6, $0x3;
	s16 =	sshrl.u32 s5, $0x1;
	[dreg:$0x19] =	wrdreg s19  }
0x11: {  	[dreg:$0x1b] =	wrdreg s21;
	s10 =	sor.u32 $0x800, s7;
	s8 =	sadd.s32 s23, s0  }
0x12: {  	s12 =	sor.u32 $0x400, s7;
	s5 =	ssub.s32 s5, s16;
	s23 =	simm.s32 $0x300  }
0x13: {  	s7 =	sshrl.u32 s7, $0x3;
	s16 =	simm.s32 $0x580;
	[dreg:$0xd] =	wrdreg s23  }
0x14: {  	s30 =	simm.s32 $0x8;
	s20 =	sadd.s32 s11, s7;
	[dreg:$0x16] =	wrdreg s16  }
0x15: {  	s6 =	sadd.s32 s6, s9;
	s9 =	sadd.s32 $0x2000, s8;
	[smem:$0x7F7] =	sst s20  }
0x16: {  	s10 =	sshrl.u32 s10, $0x3;
	s23 =	simm.s32 $0x780;
	[smem:$0x7FA] =	sst s9  }
0x17: {  	s31 =	simm.s32 $0xA;
	s24 =	sadd.s32 s10, s2;
	[dreg:$0x1d] =	wrdreg s23  }
0x18: {  	s26 =	sshrl.u32 s12, $0x3;
	s25 =	sadd.s32 s10, s11;
	[dreg:$0x4] =	wrdreg s24  }
0x19: {  	s4 =	sadd.s32 $0x3AA00, s0;
	s12 =	sadd.s32 s26, s2;
	[dreg:$0x5] =	wrdreg s25  }
0x1a: {  	s13 =	simm.s32 $0x50;
	s14 =	sadd.s32 s26, s11;
	[dreg:$0x6] =	wrdreg s12  }
0x1b: {  	s18 =	simm.s32 $0x6000;
	s2 =	sadd.s32 s2, s7;
	[dreg:$0x7] =	wrdreg s14  }
0x1c: {  	s19 =	simm.s32 $0x400;
	s26 =	simm.s32 $0x380;
	[smem:$0x7F8] =	sst s2  }
0x1d: {  	s21 =	simm.s32 $0x8800;
	s7 =	simm.s32 $0xA00;
	[dreg:$0xf] =	wrdreg s26  }
0x1e: {  	s6 =	sshrl.u32 s6, $0x3;
	s10 =	simm.s32 $0xA80;
	[dreg:$0x10] =	wrdreg s7  }
0x1f: {  	s16 =	simm.s32 $0x3800;
	s11 =	simm.s32 $0x480;
	[dreg:$0x11] =	wrdreg s10  }
0x20: {  	s0 =	sadd.s32 s6, s0;
	s20 =	simm.s32 $0xD00;
	[dreg:$0x12] =	wrdreg s11  }
0x21: {  	s23 =	simm.s32 $0x5;
	s24 =	simm.s32 $0x980;
	[dreg:$0x1a] =	wrdreg s20  }
0x22: {  	s25 =	sshrl.u32 s22, $0x2;
	s0 =	sadd.s32 $0x62A00, s0;
	[dreg:$0xe] =	wrdreg s24  }
0x23: {  	s12 =	smax.u32 s5, $0x1;
	s11 =	simm.s32 $0xB;
	[smem:$0x7FB] =	sst s0  }
0x24: {  	s14 =	simm.s32 $0x500;
	s22 =	simm.s32 $0xD80;
	[smem:$0x7FC] =	sst s12  }
0x25: {  	s20 =	simm.s32 $0xC00;
	s26 =	simm.s32 $0xF80;
	[dreg:$0x14] =	wrdreg s14  }
0x26: {  	s6 =	sadd.s32 s25, s1;
	s12 =	simm.s32 $0x800;
	[dreg:$0x1c] =	wrdreg s22  }
0x27: {  	s14 =	simm.s32 $0x1000;
	s24 =	simm.s32 $0xE00;
	[smem:$0x7FD] =	sst s26  }
0x28: {  	s22 =	simm.s32 $0x1;
	s25 =	simm.s32 $0xF00;
	[smem:$0x7F9] =	sst s6  }
0x29: {  	s26 =	simm.s32 $0x3;
	s0 =	simm.s32 $0x0;
	[dreg:$0x1e] =	wrdreg s24  }
0x2a: {  	[dreg:$0x1f] =	wrdreg s25;
	s24 =	simm.s32 $0x2;
	s25 =	simm.s32 $0x6  }
.LBB2_1:
0x2b: {  	s2 =	sld [smem:$0x7F7];
	_ =	sdelay $0x2  }
0x2c: {  	[tilespmem:s3], [sflag:$0xB] =	stream.linear.gather [hbm4b:s2+s3], $0x400, $0x38;
	[tilespmem:$0x1F000] =	vst v63  }
0x2d: {  	_ =	swait.ge [sflag:s11], $0x400  }
0x2e: {  	s17 =	sld [smem:$0x7F8]  }
0x2f: {  	[sflag:s11] =	ssyncset.done $0x0  }
0x30: {  	[sflag:s11] =	ssyncadd.s32 $0xFFFFFC00  }
0x31: {  	[tilespmem:s12], [sflag:$0xB] =	stream.linear.gather [hbm4b:s17+s3], $0x400, $0x38;
	[tilespmem:$0x1F000] =	vst v63  }
0x32: {  	_ =	swait.ge [sflag:s11], $0x400  }
0x33: {  	[sflag:s11] =	ssyncset.done $0x0  }
0x34: {  	s7 =	stileid.u32;
	s8 =	sld [smem:$0x7F9];
	[sflag:s11] =	ssyncadd.s32 $0xFFFFFC00  }
0x35: {  	[tilespmem:s14], [sflag:$0x1] =	stream.indirect.gather [hbm4b:s4+s13], $0x80, s3, s13, $0xb8;
	[tilespmem:$0x1F000] =	vst v63  }
0x36: {  	s5 =	simm.s32 $0x80;
	s2 =	sshll.u32 s7, $0x6;
	s9 =	sld [smem:$0x7FA]  }
0x37: {  	[tilespmem:s16], [sflag:$0x2] =	stream.indirect.gather [hbm4b:s4+s13], $0x80, s5, s13, $0xb8;
	[tilespmem:$0x1F000] =	vst v63  }
0x38: {  	s6 =	simm.s32 $0x100;
	s15 =	sor.u32 $0x1C0B, s2;
	s17 =	sshrl.u32 s8, $0x3  }
0x39: {  	[tilespmem:s18], [sflag:$0x3] =	stream.indirect.gather [hbm4b:s4+s13], $0x80, s6, s13, $0xb8;
	[tilespmem:$0x1F000] =	vst v63  }
0x3a: {  	[spmem:s17], [sflag:s15] =	dma.local [hbm:s9], $0x2800  }
0x3b: {  	_ =	swait.ge [sflag:s11], $0x2800  }
0x3c: {  	p0 =	por $0x1, $0x1;
	[sflag:s11] =	ssyncset.done $0x0  }
0x3d: {  	p0 =	por p0, p0;
	[sflag:s11] =	ssyncadd.s32 $0xFFFFD800  }
0x3e: {  	s2 =	simm.s32 @!p0 $0x8;
	[bflag:$0x0] =	sbarrier.arrive $0xFFFF  }
0x3f: {  	_ =	swait.ge @!p0 [sflag:s2], $0x2800  }
0x40: {  	s5 =	rddreg [dreg:$0x7];
	[sflag:s2] =	ssyncset.done @!p0 $0x0  }
0x41: {  	s6 =	rddreg [dreg:$0x6];
	[sflag:s2] =	ssyncadd.s32 @!p0 $0xFFFFD800;
	s10 =	sadd.s32 $0x0, s5  }
0x42: {  	[tilespmem:s19], [sflag:$0xA] =	stream.linear.gather [hbm4b:s10+s3], $0x400, $0x38;
	[tilespmem:$0x1F000] =	vst v63  }
0x43: {  	s5 =	sadd.s32 $0x0, s6  }
0x44: {  	[tilespmem:s20], [sflag:$0xA] =	stream.linear.gather [hbm4b:s5+s3], $0x400, $0x38;
	[tilespmem:$0x1F000] =	vst v63  }
0x45: {  	s6 =	rddreg [dreg:$0x8]  }
0x46: {  	[tilespmem:s21], [sflag:$0x4] =	stream.indirect.gather [hbm4b:s4+s13], $0x80, s6, s13, $0xb8;
	[tilespmem:$0x1F000] =	vst v63  }
0x47: {  	_ =	swait.ge [sflag:s22], $0x2800  }
0x48: {  	[sflag:s22] =	ssyncset.done $0x0  }
0x49: {  	[sflag:s22] =	ssyncadd.s32 $0xFFFFD800  }
0x4a: {  	[spmem:s1] =	stream.indirect.scatter.add.f32 [tilespmem:s14], [sflag:$0x5], $0x80, s12, s13, $0xb8;
	[tilespmem:$0x1F000] =	vst v63  }
0x4b: {  	_ =	swait.ge [sflag:s23], $0x2800  }
0x4c: {  	[sflag:s23] =	ssyncset.done $0x0  }
0x4d: {  	s7 =	rddreg [dreg:$0x9];
	[sflag:s23] =	ssyncadd.s32 $0xFFFFD800  }
0x4e: {  	[tilespmem:s14], [sflag:$0x1] =	stream.indirect.gather [hbm4b:s4+s13], $0x80, s7, s13, $0xb8;
	[tilespmem:$0x1F000] =	vst v63  }
0x4f: {  	_ =	swait.ge [sflag:s24], $0x2800  }
0x50: {  	[sflag:s24] =	ssyncset.done $0x0  }
0x51: {  	s8 =	rddreg [dreg:$0xa];
	[sflag:s24] =	ssyncadd.s32 $0xFFFFD800  }
0x52: {  	[spmem:s1] =	stream.indirect.scatter.add.f32 [tilespmem:s16], [sflag:$0x6], $0x80, s8, s13, $0xb8;
	[tilespmem:$0x1F000] =	vst v63  }
0x53: {  	_ =	swait.ge [sflag:s25], $0x2800  }
0x54: {  	[sflag:s25] =	ssyncset.done $0x0  }
0x55: {  	s9 =	rddreg [dreg:$0xb];
	[sflag:s25] =	ssyncadd.s32 $0xFFFFD800  }
0x56: {  	[tilespmem:s16], [sflag:$0x2] =	stream.indirect.gather [hbm4b:s4+s13], $0x80, s9, s13, $0xb8;
	[tilespmem:$0x1F000] =	vst v63  }
0x57: {  	_ =	swait.ge [sflag:s26], $0x2800  }
0x58: {  	[sflag:s26] =	ssyncset.done $0x0  }
0x59: {  	s10 =	rddreg [dreg:$0xc];
	[sflag:s26] =	ssyncadd.s32 $0xFFFFD800  }
0x5a: {  	[spmem:s1] =	stream.indirect.scatter.add.f32 [tilespmem:s18], [sflag:$0x7], $0x80, s10, s13, $0xb8;
	[tilespmem:$0x1F000] =	vst v63  }
0x5b: {  	_ =	swait.ge [sflag:s28], $0x2800  }
0x5c: {  	[sflag:s28] =	ssyncset.done $0x0  }
0x5d: {  	s5 =	rddreg [dreg:$0xd];
	[sflag:s28] =	ssyncadd.s32 $0xFFFFD800  }
0x5e: {  	[tilespmem:s18], [sflag:$0x3] =	stream.indirect.gather [hbm4b:s4+s13], $0x80, s5, s13, $0xb8;
	[tilespmem:$0x1F000] =	vst v63  }
0x5f: {  	_ =	swait.ge [sflag:s29], $0x2800  }
0x60: {  	[sflag:s29] =	ssyncset.done $0x0  }
0x61: {  	s6 =	rddreg [dreg:$0xe];
	[sflag:s29] =	ssyncadd.s32 $0xFFFFD800  }
0x62: {  	[spmem:s1] =	stream.indirect.scatter.add.f32 [tilespmem:s21], [sflag:$0x8], $0x80, s6, s13, $0xb8;
	[tilespmem:$0x1F000] =	vst v63  }
0x63: {  	_ =	swait.ge [sflag:s30], $0x2800  }
0x64: {  	[sflag:s30] =	ssyncset.done $0x0  }
0x65: {  	s7 =	rddreg [dreg:$0xf];
	[sflag:s30] =	ssyncadd.s32 $0xFFFFD800  }
0x66: {  	[tilespmem:s21], [sflag:$0x4] =	stream.indirect.gather [hbm4b:s4+s13], $0x80, s7, s13, $0xb8;
	[tilespmem:$0x1F000] =	vst v63  }
0x67: {  	_ =	swait.ge [sflag:s22], $0x2800  }
0x68: {  	[sflag:s22] =	ssyncset.done $0x0  }
0x69: {  	s8 =	rddreg [dreg:$0x10];
	[sflag:s22] =	ssyncadd.s32 $0xFFFFD800  }
0x6a: {  	[spmem:s1] =	stream.indirect.scatter.add.f32 [tilespmem:s14], [sflag:$0x5], $0x80, s8, s13, $0xb8;
	[tilespmem:$0x1F000] =	vst v63  }
0x6b: {  	_ =	swait.ge [sflag:s23], $0x2800  }
0x6c: {  	[sflag:s23] =	ssyncset.done $0x0  }
0x6d: {  	[sflag:s23] =	ssyncadd.s32 $0xFFFFD800  }
0x6e: {  	_ =	swait.ge [sflag:s31], $0x400  }
0x6f: {  	[sflag:s31] =	ssyncset.done $0x0  }
0x70: {  	[sflag:s31] =	ssyncadd.s32 $0xFFFFFC00  }
0x71: {  	_ =	swait.ge [sflag:s31], $0x400  }
0x72: {  	[sflag:s31] =	ssyncset.done $0x0  }
0x73: {  	[sflag:s31] =	ssyncadd.s32 $0xFFFFFC00  }
0x74: {  	[tilespmem:s14], [sflag:$0x1] =	stream.indirect.gather [hbm4b:s4+s13], $0x80, s19, s13, $0xb8;
	[tilespmem:$0x1F000] =	vst v63  }
0x75: {  	_ =	swait.ge [sflag:s24], $0x2800  }
0x76: {  	[sflag:s24] =	ssyncset.done $0x0  }
0x77: {  	s9 =	rddreg [dreg:$0x11];
	[sflag:s24] =	ssyncadd.s32 $0xFFFFD800  }
0x78: {  	[spmem:s1] =	stream.indirect.scatter.add.f32 [tilespmem:s16], [sflag:$0x6], $0x80, s9, s13, $0xb8;
	[tilespmem:$0x1F000] =	vst v63  }
0x79: {  	_ =	swait.ge [sflag:s25], $0x2800  }
0x7a: {  	[sflag:s25] =	ssyncset.done $0x0  }
0x7b: {  	s10 =	rddreg [dreg:$0x12];
	[sflag:s25] =	ssyncadd.s32 $0xFFFFD800  }
0x7c: {  	[tilespmem:s16], [sflag:$0x2] =	stream.indirect.gather [hbm4b:s4+s13], $0x80, s10, s13, $0xb8;
	[tilespmem:$0x1F000] =	vst v63  }
0x7d: {  	_ =	swait.ge [sflag:s26], $0x2800  }
0x7e: {  	[sflag:s26] =	ssyncset.done $0x0  }
0x7f: {  	s5 =	rddreg [dreg:$0x13];
	[sflag:s26] =	ssyncadd.s32 $0xFFFFD800  }
0x80: {  	[spmem:s1] =	stream.indirect.scatter.add.f32 [tilespmem:s18], [sflag:$0x7], $0x80, s5, s13, $0xb8;
	[tilespmem:$0x1F000] =	vst v63  }
0x81: {  	_ =	swait.ge [sflag:s28], $0x2800  }
0x82: {  	[sflag:s28] =	ssyncset.done $0x0  }
0x83: {  	s6 =	rddreg [dreg:$0x14];
	[sflag:s28] =	ssyncadd.s32 $0xFFFFD800  }
0x84: {  	[tilespmem:s18], [sflag:$0x3] =	stream.indirect.gather [hbm4b:s4+s13], $0x80, s6, s13, $0xb8;
	[tilespmem:$0x1F000] =	vst v63  }
0x85: {  	_ =	swait.ge [sflag:s29], $0x2800  }
0x86: {  	[sflag:s29] =	ssyncset.done $0x0  }
0x87: {  	s7 =	rddreg [dreg:$0x15];
	[sflag:s29] =	ssyncadd.s32 $0xFFFFD800  }
0x88: {  	[spmem:s1] =	stream.indirect.scatter.add.f32 [tilespmem:s21], [sflag:$0x8], $0x80, s7, s13, $0xb8;
	[tilespmem:$0x1F000] =	vst v63  }
0x89: {  	p0 =	por $0x0, $0x0;
	_ =	swait.ge [sflag:s30], $0x2800  }
0x8a: {  	s6 =	simm.s32 @!p0 $0x0;
	s2 =	rddreg [dreg:$0x5];
	[sflag:s30] =	ssyncset.done $0x0  }
0x8b: {  	s5 =	rddreg [dreg:$0x4];
	[sflag:s30] =	ssyncadd.s32 $0xFFFFD800;
	s2 =	sadd.s32 @!p0 $0x0, s2  }
0x8c: {  	[tilespmem:s6], [sflag:$0x9] =	stream.linear.gather @!p0 [hbm4b:s2+s6], $0x400, $0x38;
	[tilespmem:$0x1F000] =	vst v63  }
0x8d: {  	s2 =	sadd.s32 @!p0 $0x0, s5;
	s5 =	simm.s32 @!p0 $0x800  }
0x8e: {  	[tilespmem:s5], [sflag:$0x9] =	stream.linear.gather @!p0 [hbm4b:s2+s6], $0x400, $0x38;
	[tilespmem:$0x1F000] =	vst v63  }
0x8f: {  	s7 =	rddreg [dreg:$0x16]  }
0x90: {  	[tilespmem:s21], [sflag:$0x4] =	stream.indirect.gather [hbm4b:s4+s13], $0x80, s7, s13, $0xb8;
	[tilespmem:$0x1F000] =	vst v63  }
0x91: {  	_ =	swait.ge [sflag:s22], $0x2800  }
0x92: {  	[sflag:s22] =	ssyncset.done $0x0  }
0x93: {  	[sflag:s22] =	ssyncadd.s32 $0xFFFFD800  }
0x94: {  	[spmem:s1] =	stream.indirect.scatter.add.f32 [tilespmem:s14], [sflag:$0x5], $0x80, s20, s13, $0xb8;
	[tilespmem:$0x1F000] =	vst v63  }
0x95: {  	_ =	swait.ge [sflag:s23], $0x2800  }
0x96: {  	[sflag:s23] =	ssyncset.done $0x0  }
0x97: {  	s8 =	rddreg [dreg:$0x17];
	[sflag:s23] =	ssyncadd.s32 $0xFFFFD800  }
0x98: {  	[tilespmem:s14], [sflag:$0x1] =	stream.indirect.gather [hbm4b:s4+s13], $0x80, s8, s13, $0xb8;
	[tilespmem:$0x1F000] =	vst v63  }
0x99: {  	_ =	swait.ge [sflag:s24], $0x2800  }
0x9a: {  	[sflag:s24] =	ssyncset.done $0x0  }
0x9b: {  	s9 =	rddreg [dreg:$0x18];
	[sflag:s24] =	ssyncadd.s32 $0xFFFFD800  }
0x9c: {  	[spmem:s1] =	stream.indirect.scatter.add.f32 [tilespmem:s16], [sflag:$0x6], $0x80, s9, s13, $0xb8;
	[tilespmem:$0x1F000] =	vst v63  }
0x9d: {  	_ =	swait.ge [sflag:s25], $0x2800  }
0x9e: {  	[sflag:s25] =	ssyncset.done $0x0  }
0x9f: {  	s10 =	rddreg [dreg:$0x19];
	[sflag:s25] =	ssyncadd.s32 $0xFFFFD800  }
0xa0: {  	[tilespmem:s16], [sflag:$0x2] =	stream.indirect.gather [hbm4b:s4+s13], $0x80, s10, s13, $0xb8;
	[tilespmem:$0x1F000] =	vst v63  }
0xa1: {  	_ =	swait.ge [sflag:s26], $0x2800  }
0xa2: {  	[sflag:s26] =	ssyncset.done $0x0  }
0xa3: {  	s5 =	rddreg [dreg:$0x1a];
	[sflag:s26] =	ssyncadd.s32 $0xFFFFD800  }
0xa4: {  	[spmem:s1] =	stream.indirect.scatter.add.f32 [tilespmem:s18], [sflag:$0x7], $0x80, s5, s13, $0xb8;
	[tilespmem:$0x1F000] =	vst v63  }
0xa5: {  	_ =	swait.ge [sflag:s28], $0x2800  }
0xa6: {  	[sflag:s28] =	ssyncset.done $0x0  }
0xa7: {  	s6 =	rddreg [dreg:$0x1b];
	[sflag:s28] =	ssyncadd.s32 $0xFFFFD800  }
0xa8: {  	[tilespmem:s18], [sflag:$0x3] =	stream.indirect.gather [hbm4b:s4+s13], $0x80, s6, s13, $0xb8;
	[tilespmem:$0x1F000] =	vst v63  }
0xa9: {  	_ =	swait.ge [sflag:s29], $0x2800  }
0xaa: {  	[sflag:s29] =	ssyncset.done $0x0  }
0xab: {  	s7 =	rddreg [dreg:$0x1c];
	[sflag:s29] =	ssyncadd.s32 $0xFFFFD800  }
0xac: {  	[spmem:s1] =	stream.indirect.scatter.add.f32 [tilespmem:s21], [sflag:$0x8], $0x80, s7, s13, $0xb8;
	[tilespmem:$0x1F000] =	vst v63  }
0xad: {  	_ =	swait.ge [sflag:s30], $0x2800  }
0xae: {  	[sflag:s30] =	ssyncset.done $0x0  }
0xaf: {  	s8 =	rddreg [dreg:$0x1d];
	[sflag:s30] =	ssyncadd.s32 $0xFFFFD800  }
0xb0: {  	[tilespmem:s21], [sflag:$0x4] =	stream.indirect.gather [hbm4b:s4+s13], $0x80, s8, s13, $0xb8;
	[tilespmem:$0x1F000] =	vst v63  }
0xb1: {  	_ =	swait.ge [sflag:s22], $0x2800  }
0xb2: {  	p0 =	por $0x0, $0x0;
	[sflag:s22] =	ssyncset.done $0x0  }
0xb3: {  	s2 =	simm.s32 @p0 $0x2;
	s9 =	rddreg [dreg:$0x1e];
	[sflag:s22] =	ssyncadd.s32 $0xFFFFD800  }
0xb4: {  	[spmem:s1] =	stream.indirect.scatter.add.f32 [tilespmem:s14], [sflag:$0x5], $0x80, s9, s13, $0xb8;
	[tilespmem:$0x1F000] =	vst v63  }
0xb5: {  	_ =	swait.ge @p0 [sflag:s2], $0x2800  }
0xb6: {  	s5 =	simm.s32 @p0 $0x3800;
	s6 =	simm.s32 @p0 $0x50;
	[sflag:s2] =	ssyncset.done @p0 $0x0  }
0xb7: {  	s7 =	simm.s32 @p0 $0xE80;
	[sflag:s2] =	ssyncadd.s32 @p0 $0xFFFFD800;
	s2 =	simm.s32 @!p0 $0x5  }
0xb8: {  	[spmem:s1] =	stream.indirect.scatter.add.f32 @p0 [tilespmem:s5], [sflag:$0x6], $0x80, s7, s6, $0xb8;
	[tilespmem:$0x1F000] =	vst v63  }
0xb9: {  	_ =	swait.ge @!p0 [sflag:s2], $0x2800  }
0xba: {  	[sflag:s2] =	ssyncset.done @!p0 $0x0  }
0xbb: {  	s5 =	simm.s32 @!p0 $0x9;
	[sflag:s2] =	ssyncadd.s32 @!p0 $0xFFFFD800  }
0xbc: {  	_ =	swait.ge @!p0 [sflag:s5], $0x400  }
0xbd: {  	[sflag:s5] =	ssyncset.done @!p0 $0x0  }
0xbe: {  	[sflag:s5] =	ssyncadd.s32 @!p0 $0xFFFFFC00  }
0xbf: {  	_ =	swait.ge @!p0 [sflag:s5], $0x400  }
0xc0: {  	s6 =	simm.s32 @!p0 $0x50;
	s7 =	simm.s32 @!p0 $0x0;
	[sflag:s5] =	ssyncset.done @!p0 $0x0  }
0xc1: {  	s2 =	simm.s32 @!p0 $0x1000;
	[sflag:s5] =	ssyncadd.s32 @!p0 $0xFFFFFC00;
	s5 =	simm.s32 @!p0 $0x2  }
0xc2: {  	[tilespmem:s2], [sflag:$0x1] =	stream.indirect.gather @!p0 [hbm4b:s4+s6], $0x80, s7, s6, $0xb8;
	[tilespmem:$0x1F000] =	vst v63  }
0xc3: {  	_ =	swait.ge @!p0 [sflag:s5], $0x2800  }
0xc4: {  	s2 =	simm.s32 @!p0 $0xE80;
	[sflag:s5] =	ssyncset.done @!p0 $0x0  }
0xc5: {  	s7 =	simm.s32 @!p0 $0x3800;
	[sflag:s5] =	ssyncadd.s32 @!p0 $0xFFFFD800;
	s5 =	simm.s32 @!p0 $0x6  }
0xc6: {  	[spmem:s1] =	stream.indirect.scatter.add.f32 @!p0 [tilespmem:s7], [sflag:$0x6], $0x80, s2, s6, $0xb8;
	[tilespmem:$0x1F000] =	vst v63  }
0xc7: {  	_ =	swait.ge @!p0 [sflag:s5], $0x2800  }
0xc8: {  	[sflag:s5] =	ssyncset.done @!p0 $0x0  }
0xc9: {  	s2 =	simm.s32 @!p0 $0x80;
	[sflag:s5] =	ssyncadd.s32 @!p0 $0xFFFFD800  }
0xca: {  	[tilespmem:s7], [sflag:$0x2] =	stream.indirect.gather @!p0 [hbm4b:s4+s6], $0x80, s2, s6, $0xb8;
	[tilespmem:$0x1F000] =	vst v63  }
0xcb: {  	_ =	swait.ge [sflag:s26], $0x2800  }
0xcc: {  	[sflag:s26] =	ssyncset.done $0x0  }
0xcd: {  	s5 =	simm.s32 @!p0 $0x7;
	s10 =	rddreg [dreg:$0x1f];
	[sflag:s26] =	ssyncadd.s32 $0xFFFFD800  }
0xce: {  	[spmem:s1] =	stream.indirect.scatter.add.f32 [tilespmem:s18], [sflag:$0x7], $0x80, s10, s13, $0xb8;
	[tilespmem:$0x1F000] =	vst v63  }
0xcf: {  	_ =	swait.ge @!p0 [sflag:s5], $0x2800  }
0xd0: {  	[sflag:s5] =	ssyncset.done @!p0 $0x0  }
0xd1: {  	s2 =	simm.s32 @!p0 $0x100;
	s7 =	simm.s32 @!p0 $0x6000;
	[sflag:s5] =	ssyncadd.s32 @!p0 $0xFFFFD800  }
0xd2: {  	[tilespmem:s7], [sflag:$0x3] =	stream.indirect.gather @!p0 [hbm4b:s4+s6], $0x80, s2, s6, $0xb8;
	[tilespmem:$0x1F000] =	vst v63  }
0xd3: {  	p6 =	por $0x0, $0x0;
	s5 =	simm.s32 $0x100;
	_ =	swait.ge [sflag:s29], $0x2800  }
0xd4: {  	s6 =	simm.s32 $0x200;
	p0 =	por p6, p6;
	[sflag:s29] =	ssyncset.done $0x0  }
0xd5: {  	s2 =	simm.s32 $0x3;
	s8 =	sld [smem:$0x7FD];
	[sflag:s29] =	ssyncadd.s32 $0xFFFFD800  }
.LBB2_2:
0xd6: {  	_ = 	snop  }
0xd7: {  	s9 =	simm.s32 @!p0 $0x8  }
0xd8: {  	[spmem:s1] =	stream.indirect.scatter.add.f32 [tilespmem:s21], [sflag:$0x8], $0x80, s8, s13, $0xb8;
	[tilespmem:$0x1F000] =	vst v63  }
0xd9: {  	_ =	swait.ge @!p0 [sflag:s9], $0x2800  }
0xda: {  	s8 =	rddreg [dreg:$0x7];
	[sflag:s9] =	ssyncset.done @!p0 $0x0  }
0xdb: {  	s10 =	rddreg [dreg:$0x6];
	[sflag:s9] =	ssyncadd.s32 @!p0 $0xFFFFD800;
	s8 =	sadd.s32 s5, s8  }
0xdc: {  	[tilespmem:s19], [sflag:$0xA] =	stream.linear.gather [hbm4b:s8+s3], $0x400, $0x38;
	[tilespmem:$0x1F000] =	vst v63  }
0xdd: {  	s9 =	sadd.s32 s5, s10  }
0xde: {  	[tilespmem:s20], [sflag:$0xA] =	stream.linear.gather [hbm4b:s9+s3], $0x400, $0x38;
	[tilespmem:$0x1F000] =	vst v63  }
0xdf: {  	s10 =	rddreg [dreg:$0x8]  }
0xe0: {  	[tilespmem:s21], [sflag:$0x4] =	stream.indirect.gather [hbm4b:s4+s13], $0x80, s10, s13, $0xb8;
	[tilespmem:$0x1F000] =	vst v63  }
0xe1: {  	_ =	swait.ge [sflag:s22], $0x2800  }
0xe2: {  	[sflag:s22] =	ssyncset.done $0x0  }
0xe3: {  	[sflag:s22] =	ssyncadd.s32 $0xFFFFD800  }
0xe4: {  	[spmem:s1] =	stream.indirect.scatter.add.f32 [tilespmem:s14], [sflag:$0x5], $0x80, s12, s13, $0xb8;
	[tilespmem:$0x1F000] =	vst v63  }
0xe5: {  	_ =	swait.ge [sflag:s23], $0x2800  }
0xe6: {  	[sflag:s23] =	ssyncset.done $0x0  }
0xe7: {  	s10 =	rddreg [dreg:$0x9];
	[sflag:s23] =	ssyncadd.s32 $0xFFFFD800  }
0xe8: {  	[tilespmem:s14], [sflag:$0x1] =	stream.indirect.gather [hbm4b:s4+s13], $0x80, s10, s13, $0xb8;
	[tilespmem:$0x1F000] =	vst v63  }
0xe9: {  	_ =	swait.ge [sflag:s24], $0x2800  }
0xea: {  	[sflag:s24] =	ssyncset.done $0x0  }
0xeb: {  	s9 =	rddreg [dreg:$0xa];
	[sflag:s24] =	ssyncadd.s32 $0xFFFFD800  }
0xec: {  	[spmem:s1] =	stream.indirect.scatter.add.f32 [tilespmem:s16], [sflag:$0x6], $0x80, s9, s13, $0xb8;
	[tilespmem:$0x1F000] =	vst v63  }
0xed: {  	_ =	swait.ge [sflag:s25], $0x2800  }
0xee: {  	[sflag:s25] =	ssyncset.done $0x0  }
0xef: {  	s10 =	rddreg [dreg:$0xb];
	[sflag:s25] =	ssyncadd.s32 $0xFFFFD800  }
0xf0: {  	[tilespmem:s16], [sflag:$0x2] =	stream.indirect.gather [hbm4b:s4+s13], $0x80, s10, s13, $0xb8;
	[tilespmem:$0x1F000] =	vst v63  }
0xf1: {  	_ =	swait.ge [sflag:s26], $0x2800  }
0xf2: {  	[sflag:s26] =	ssyncset.done $0x0  }
0xf3: {  	s9 =	rddreg [dreg:$0xc];
	[sflag:s26] =	ssyncadd.s32 $0xFFFFD800  }
0xf4: {  	[spmem:s1] =	stream.indirect.scatter.add.f32 [tilespmem:s18], [sflag:$0x7], $0x80, s9, s13, $0xb8;
	[tilespmem:$0x1F000] =	vst v63  }
0xf5: {  	_ =	swait.ge [sflag:s28], $0x2800  }
0xf6: {  	[sflag:s28] =	ssyncset.done $0x0  }
0xf7: {  	s10 =	rddreg [dreg:$0xd];
	[sflag:s28] =	ssyncadd.s32 $0xFFFFD800  }
0xf8: {  	[tilespmem:s18], [sflag:$0x3] =	stream.indirect.gather [hbm4b:s4+s13], $0x80, s10, s13, $0xb8;
	[tilespmem:$0x1F000] =	vst v63  }
0xf9: {  	_ =	swait.ge [sflag:s29], $0x2800  }
0xfa: {  	[sflag:s29] =	ssyncset.done $0x0  }
0xfb: {  	s9 =	rddreg [dreg:$0xe];
	[sflag:s29] =	ssyncadd.s32 $0xFFFFD800  }
0xfc: {  	[spmem:s1] =	stream.indirect.scatter.add.f32 [tilespmem:s21], [sflag:$0x8], $0x80, s9, s13, $0xb8;
	[tilespmem:$0x1F000] =	vst v63  }
0xfd: {  	_ =	swait.ge [sflag:s30], $0x2800  }
0xfe: {  	[sflag:s30] =	ssyncset.done $0x0  }
0xff: {  	s10 =	rddreg [dreg:$0xf];
	[sflag:s30] =	ssyncadd.s32 $0xFFFFD800  }
0x100: {  	[tilespmem:s21], [sflag:$0x4] =	stream.indirect.gather [hbm4b:s4+s13], $0x80, s10, s13, $0xb8;
	[tilespmem:$0x1F000] =	vst v63  }
0x101: {  	_ =	swait.ge [sflag:s22], $0x2800  }
0x102: {  	[sflag:s22] =	ssyncset.done $0x0  }
0x103: {  	s9 =	rddreg [dreg:$0x10];
	[sflag:s22] =	ssyncadd.s32 $0xFFFFD800  }
0x104: {  	[spmem:s1] =	stream.indirect.scatter.add.f32 [tilespmem:s14], [sflag:$0x5], $0x80, s9, s13, $0xb8;
	[tilespmem:$0x1F000] =	vst v63  }
0x105: {  	_ =	swait.ge [sflag:s23], $0x2800  }
0x106: {  	[sflag:s23] =	ssyncset.done $0x0  }
0x107: {  	[sflag:s23] =	ssyncadd.s32 $0xFFFFD800  }
0x108: {  	_ =	swait.ge [sflag:s31], $0x400  }
0x109: {  	[sflag:s31] =	ssyncset.done $0x0  }
0x10a: {  	[sflag:s31] =	ssyncadd.s32 $0xFFFFFC00  }
0x10b: {  	_ =	swait.ge [sflag:s31], $0x400  }
0x10c: {  	[sflag:s31] =	ssyncset.done $0x0  }
0x10d: {  	[sflag:s31] =	ssyncadd.s32 $0xFFFFFC00  }
0x10e: {  	[tilespmem:s14], [sflag:$0x1] =	stream.indirect.gather [hbm4b:s4+s13], $0x80, s19, s13, $0xb8;
	[tilespmem:$0x1F000] =	vst v63  }
0x10f: {  	_ =	swait.ge [sflag:s24], $0x2800  }
0x110: {  	[sflag:s24] =	ssyncset.done $0x0  }
0x111: {  	s10 =	rddreg [dreg:$0x11];
	[sflag:s24] =	ssyncadd.s32 $0xFFFFD800  }
0x112: {  	[spmem:s1] =	stream.indirect.scatter.add.f32 [tilespmem:s16], [sflag:$0x6], $0x80, s10, s13, $0xb8;
	[tilespmem:$0x1F000] =	vst v63  }
0x113: {  	_ =	swait.ge [sflag:s25], $0x2800  }
0x114: {  	[sflag:s25] =	ssyncset.done $0x0  }
0x115: {  	s9 =	rddreg [dreg:$0x12];
	[sflag:s25] =	ssyncadd.s32 $0xFFFFD800  }
0x116: {  	[tilespmem:s16], [sflag:$0x2] =	stream.indirect.gather [hbm4b:s4+s13], $0x80, s9, s13, $0xb8;
	[tilespmem:$0x1F000] =	vst v63  }
0x117: {  	_ =	swait.ge [sflag:s26], $0x2800  }
0x118: {  	[sflag:s26] =	ssyncset.done $0x0  }
0x119: {  	s10 =	rddreg [dreg:$0x13];
	[sflag:s26] =	ssyncadd.s32 $0xFFFFD800  }
0x11a: {  	[spmem:s1] =	stream.indirect.scatter.add.f32 [tilespmem:s18], [sflag:$0x7], $0x80, s10, s13, $0xb8;
	[tilespmem:$0x1F000] =	vst v63  }
0x11b: {  	_ =	swait.ge [sflag:s28], $0x2800  }
0x11c: {  	[sflag:s28] =	ssyncset.done $0x0  }
0x11d: {  	s9 =	rddreg [dreg:$0x14];
	[sflag:s28] =	ssyncadd.s32 $0xFFFFD800  }
0x11e: {  	[tilespmem:s18], [sflag:$0x3] =	stream.indirect.gather [hbm4b:s4+s13], $0x80, s9, s13, $0xb8;
	[tilespmem:$0x1F000] =	vst v63  }
0x11f: {  	_ =	swait.ge [sflag:s29], $0x2800  }
0x120: {  	[sflag:s29] =	ssyncset.done $0x0  }
0x121: {  	p2 =	seq.s32 s6, $0x0;
	s10 =	rddreg [dreg:$0x15];
	[sflag:s29] =	ssyncadd.s32 $0xFFFFD800  }
0x122: {  	[spmem:s1] =	stream.indirect.scatter.add.f32 [tilespmem:s21], [sflag:$0x8], $0x80, s10, s13, $0xb8;
	[tilespmem:$0x1F000] =	vst v63  }
0x123: {  	p0 =	por p2, p2;
	p2 =	seq.s32 s5, $0x700;
	_ =	swait.ge [sflag:s30], $0x2800  }
0x124: {  	s10 =	simm.s32 @!p2 $0x0;
	s8 =	rddreg [dreg:$0x5];
	[sflag:s30] =	ssyncset.done $0x0  }
0x125: {  	s9 =	rddreg [dreg:$0x4];
	[sflag:s30] =	ssyncadd.s32 $0xFFFFD800;
	s8 =	sadd.s32 @!p2 s5, s8  }
0x126: {  	[tilespmem:s10], [sflag:$0x9] =	stream.linear.gather @!p2 [hbm4b:s8+s10], $0x400, $0x38;
	[tilespmem:$0x1F000] =	vst v63  }
0x127: {  	s5 =	sadd.s32 @!p2 s5, s9;
	s8 =	simm.s32 @!p2 $0x800  }
0x128: {  	[tilespmem:s8], [sflag:$0x9] =	stream.linear.gather @!p2 [hbm4b:s5+s10], $0x400, $0x38;
	[tilespmem:$0x1F000] =	vst v63  }
0x129: {  	s9 =	rddreg [dreg:$0x16]  }
0x12a: {  	[tilespmem:s21], [sflag:$0x4] =	stream.indirect.gather [hbm4b:s4+s13], $0x80, s9, s13, $0xb8;
	[tilespmem:$0x1F000] =	vst v63  }
0x12b: {  	_ =	swait.ge [sflag:s22], $0x2800  }
0x12c: {  	[sflag:s22] =	ssyncset.done $0x0  }
0x12d: {  	[sflag:s22] =	ssyncadd.s32 $0xFFFFD800  }
0x12e: {  	[spmem:s1] =	stream.indirect.scatter.add.f32 [tilespmem:s14], [sflag:$0x5], $0x80, s20, s13, $0xb8;
	[tilespmem:$0x1F000] =	vst v63  }
0x12f: {  	_ =	swait.ge [sflag:s23], $0x2800  }
0x130: {  	[sflag:s23] =	ssyncset.done $0x0  }
0x131: {  	s8 =	rddreg [dreg:$0x17];
	[sflag:s23] =	ssyncadd.s32 $0xFFFFD800  }
0x132: {  	[tilespmem:s14], [sflag:$0x1] =	stream.indirect.gather [hbm4b:s4+s13], $0x80, s8, s13, $0xb8;
	[tilespmem:$0x1F000] =	vst v63  }
0x133: {  	_ =	swait.ge [sflag:s24], $0x2800  }
0x134: {  	[sflag:s24] =	ssyncset.done $0x0  }
0x135: {  	s9 =	rddreg [dreg:$0x18];
	[sflag:s24] =	ssyncadd.s32 $0xFFFFD800  }
0x136: {  	[spmem:s1] =	stream.indirect.scatter.add.f32 [tilespmem:s16], [sflag:$0x6], $0x80, s9, s13, $0xb8;
	[tilespmem:$0x1F000] =	vst v63  }
0x137: {  	_ =	swait.ge [sflag:s25], $0x2800  }
0x138: {  	[sflag:s25] =	ssyncset.done $0x0  }
0x139: {  	s10 =	rddreg [dreg:$0x19];
	[sflag:s25] =	ssyncadd.s32 $0xFFFFD800  }
0x13a: {  	[tilespmem:s16], [sflag:$0x2] =	stream.indirect.gather [hbm4b:s4+s13], $0x80, s10, s13, $0xb8;
	[tilespmem:$0x1F000] =	vst v63  }
0x13b: {  	_ =	swait.ge [sflag:s26], $0x2800  }
0x13c: {  	[sflag:s26] =	ssyncset.done $0x0  }
0x13d: {  	s8 =	rddreg [dreg:$0x1a];
	[sflag:s26] =	ssyncadd.s32 $0xFFFFD800  }
0x13e: {  	[spmem:s1] =	stream.indirect.scatter.add.f32 [tilespmem:s18], [sflag:$0x7], $0x80, s8, s13, $0xb8;
	[tilespmem:$0x1F000] =	vst v63  }
0x13f: {  	_ =	swait.ge [sflag:s28], $0x2800  }
0x140: {  	[sflag:s28] =	ssyncset.done $0x0  }
0x141: {  	s9 =	rddreg [dreg:$0x1b];
	[sflag:s28] =	ssyncadd.s32 $0xFFFFD800  }
0x142: {  	[tilespmem:s18], [sflag:$0x3] =	stream.indirect.gather [hbm4b:s4+s13], $0x80, s9, s13, $0xb8;
	[tilespmem:$0x1F000] =	vst v63  }
0x143: {  	_ =	swait.ge [sflag:s29], $0x2800  }
0x144: {  	[sflag:s29] =	ssyncset.done $0x0  }
0x145: {  	s10 =	rddreg [dreg:$0x1c];
	[sflag:s29] =	ssyncadd.s32 $0xFFFFD800  }
0x146: {  	[spmem:s1] =	stream.indirect.scatter.add.f32 [tilespmem:s21], [sflag:$0x8], $0x80, s10, s13, $0xb8;
	[tilespmem:$0x1F000] =	vst v63  }
0x147: {  	_ =	swait.ge [sflag:s30], $0x2800  }
0x148: {  	[sflag:s30] =	ssyncset.done $0x0  }
0x149: {  	s8 =	rddreg [dreg:$0x1d];
	[sflag:s30] =	ssyncadd.s32 $0xFFFFD800  }
0x14a: {  	[tilespmem:s21], [sflag:$0x4] =	stream.indirect.gather [hbm4b:s4+s13], $0x80, s8, s13, $0xb8;
	[tilespmem:$0x1F000] =	vst v63  }
0x14b: {  	s7 =	smov.u32 s6;
	_ =	swait.ge [sflag:s22], $0x2800  }
0x14c: {  	s5 =	smov.u32 s7;
	p2 =	sgt.u32 s2, $0xE;
	[sflag:s22] =	ssyncset.done $0x0  }
0x14d: {  	s7 =	simm.s32 @p2 $0x2;
	s9 =	rddreg [dreg:$0x1e];
	[sflag:s22] =	ssyncadd.s32 $0xFFFFD800  }
0x14e: {  	[spmem:s1] =	stream.indirect.scatter.add.f32 [tilespmem:s14], [sflag:$0x5], $0x80, s9, s13, $0xb8;
	[tilespmem:$0x1F000] =	vst v63  }
0x14f: {  	_ =	swait.ge @p2 [sflag:s7], $0x2800  }
0x150: {  	s10 =	simm.s32 @p2 $0xE80;
	s8 =	simm.s32 @p2 $0x3800;
	[sflag:s7] =	ssyncset.done @p2 $0x0  }
0x151: {  	s9 =	simm.s32 @p2 $0x50;
	[sflag:s7] =	ssyncadd.s32 @p2 $0xFFFFD800;
	s7 =	simm.s32 @!p2 $0x5  }
0x152: {  	[spmem:s1] =	stream.indirect.scatter.add.f32 @p2 [tilespmem:s8], [sflag:$0x6], $0x80, s10, s9, $0xb8;
	[tilespmem:$0x1F000] =	vst v63  }
0x153: {  	_ =	swait.ge @!p2 [sflag:s7], $0x2800  }
0x154: {  	[sflag:s7] =	ssyncset.done @!p2 $0x0  }
0x155: {  	s8 =	simm.s32 @!p2 $0x9;
	[sflag:s7] =	ssyncadd.s32 @!p2 $0xFFFFD800  }
0x156: {  	_ =	swait.ge @!p2 [sflag:s8], $0x400  }
0x157: {  	[sflag:s8] =	ssyncset.done @!p2 $0x0  }
0x158: {  	[sflag:s8] =	ssyncadd.s32 @!p2 $0xFFFFFC00  }
0x159: {  	_ =	swait.ge @!p2 [sflag:s8], $0x400  }
0x15a: {  	s9 =	simm.s32 @!p2 $0x50;
	s10 =	simm.s32 @!p2 $0x0;
	[sflag:s8] =	ssyncset.done @!p2 $0x0  }
0x15b: {  	s7 =	simm.s32 @!p2 $0x1000;
	[sflag:s8] =	ssyncadd.s32 @!p2 $0xFFFFFC00;
	s8 =	simm.s32 @!p2 $0x2  }
0x15c: {  	[tilespmem:s7], [sflag:$0x1] =	stream.indirect.gather @!p2 [hbm4b:s4+s9], $0x80, s10, s9, $0xb8;
	[tilespmem:$0x1F000] =	vst v63  }
0x15d: {  	_ =	swait.ge @!p2 [sflag:s8], $0x2800  }
0x15e: {  	s7 =	simm.s32 @!p2 $0xE80;
	[sflag:s8] =	ssyncset.done @!p2 $0x0  }
0x15f: {  	s10 =	simm.s32 @!p2 $0x3800;
	[sflag:s8] =	ssyncadd.s32 @!p2 $0xFFFFD800;
	s8 =	simm.s32 @!p2 $0x6  }
0x160: {  	[spmem:s1] =	stream.indirect.scatter.add.f32 @!p2 [tilespmem:s10], [sflag:$0x6], $0x80, s7, s9, $0xb8;
	[tilespmem:$0x1F000] =	vst v63  }
0x161: {  	_ =	swait.ge @!p2 [sflag:s8], $0x2800  }
0x162: {  	[sflag:s8] =	ssyncset.done @!p2 $0x0  }
0x163: {  	s7 =	simm.s32 @!p2 $0x80;
	[sflag:s8] =	ssyncadd.s32 @!p2 $0xFFFFD800  }
0x164: {  	[tilespmem:s10], [sflag:$0x2] =	stream.indirect.gather @!p2 [hbm4b:s4+s9], $0x80, s7, s9, $0xb8;
	[tilespmem:$0x1F000] =	vst v63  }
0x165: {  	_ =	swait.ge [sflag:s26], $0x2800  }
0x166: {  	[sflag:s26] =	ssyncset.done $0x0  }
0x167: {  	s8 =	simm.s32 @!p2 $0x7;
	s10 =	rddreg [dreg:$0x1f];
	[sflag:s26] =	ssyncadd.s32 $0xFFFFD800  }
0x168: {  	[spmem:s1] =	stream.indirect.scatter.add.f32 [tilespmem:s18], [sflag:$0x7], $0x80, s10, s13, $0xb8;
	[tilespmem:$0x1F000] =	vst v63  }
0x169: {  	s6 =	sadd.s32 $0x100, s6;
	_ =	swait.ge @!p2 [sflag:s8], $0x2800  }
0x16a: {  	p1 =	sne.s32 s6, $0x800;
	s7 =	simm.s32 @!p2 $0x100;
	[sflag:s8] =	ssyncset.done @!p2 $0x0  }
.Ltmp0:
0x16b: {  	s10 =	simm.s32 @!p2 $0x6000;
	[sflag:s8] =	ssyncadd.s32 @!p2 $0xFFFFD800;
	(pc) =	sbr.rel @p1 .LBB2_2-.Ltmp0, $4  }
0x16c: {  	[tilespmem:s10], [sflag:$0x3] =	stream.indirect.gather @!p2 [hbm4b:s4+s9], $0x80, s7, s9, $0xb8;
	[tilespmem:$0x1F000] =	vst v63  }
0x16d: {  	_ =	swait.ge [sflag:s29], $0x2800  }
0x16e: {  	[sflag:s29] =	ssyncset.done $0x0  }
0x16f: {  	s2 =	sadd.s32 $0x2, s2;
	s8 =	sld [smem:$0x7FD];
	[sflag:s29] =	ssyncadd.s32 $0xFFFFD800  }
0x170: {  	_ = 	snop  }
0x171: {  	s6 =	simm.s32 @!p0 $0x8  }
0x172: {  	[spmem:s1] =	stream.indirect.scatter.add.f32 [tilespmem:s21], [sflag:$0x8], $0x80, s8, s13, $0xb8;
	[tilespmem:$0x1F000] =	vst v63  }
0x173: {  	_ =	swait.ge @!p0 [sflag:s6], $0x2800  }
0x174: {  	s7 =	rddreg [dreg:$0x7];
	[sflag:s6] =	ssyncset.done @!p0 $0x0  }
0x175: {  	s10 =	rddreg [dreg:$0x6];
	[sflag:s6] =	ssyncadd.s32 @!p0 $0xFFFFD800;
	s7 =	sadd.s32 s5, s7  }
0x176: {  	[tilespmem:s19], [sflag:$0xA] =	stream.linear.gather [hbm4b:s7+s3], $0x400, $0x38;
	[tilespmem:$0x1F000] =	vst v63  }
0x177: {  	s9 =	sadd.s32 s5, s10  }
0x178: {  	[tilespmem:s20], [sflag:$0xA] =	stream.linear.gather [hbm4b:s9+s3], $0x400, $0x38;
	[tilespmem:$0x1F000] =	vst v63  }
0x179: {  	s10 =	rddreg [dreg:$0x8]  }
0x17a: {  	[tilespmem:s21], [sflag:$0x4] =	stream.indirect.gather [hbm4b:s4+s13], $0x80, s10, s13, $0xb8;
	[tilespmem:$0x1F000] =	vst v63  }
0x17b: {  	_ =	swait.ge [sflag:s22], $0x2800  }
0x17c: {  	[sflag:s22] =	ssyncset.done $0x0  }
0x17d: {  	[sflag:s22] =	ssyncadd.s32 $0xFFFFD800  }
0x17e: {  	[spmem:s1] =	stream.indirect.scatter.add.f32 [tilespmem:s14], [sflag:$0x5], $0x80, s12, s13, $0xb8;
	[tilespmem:$0x1F000] =	vst v63  }
0x17f: {  	_ =	swait.ge [sflag:s23], $0x2800  }
0x180: {  	[sflag:s23] =	ssyncset.done $0x0  }
0x181: {  	s8 =	rddreg [dreg:$0x9];
	[sflag:s23] =	ssyncadd.s32 $0xFFFFD800  }
0x182: {  	[tilespmem:s14], [sflag:$0x1] =	stream.indirect.gather [hbm4b:s4+s13], $0x80, s8, s13, $0xb8;
	[tilespmem:$0x1F000] =	vst v63  }
0x183: {  	_ =	swait.ge [sflag:s24], $0x2800  }
0x184: {  	[sflag:s24] =	ssyncset.done $0x0  }
0x185: {  	s9 =	rddreg [dreg:$0xa];
	[sflag:s24] =	ssyncadd.s32 $0xFFFFD800  }
0x186: {  	[spmem:s1] =	stream.indirect.scatter.add.f32 [tilespmem:s16], [sflag:$0x6], $0x80, s9, s13, $0xb8;
	[tilespmem:$0x1F000] =	vst v63  }
0x187: {  	_ =	swait.ge [sflag:s25], $0x2800  }
0x188: {  	[sflag:s25] =	ssyncset.done $0x0  }
0x189: {  	s10 =	rddreg [dreg:$0xb];
	[sflag:s25] =	ssyncadd.s32 $0xFFFFD800  }
0x18a: {  	[tilespmem:s16], [sflag:$0x2] =	stream.indirect.gather [hbm4b:s4+s13], $0x80, s10, s13, $0xb8;
	[tilespmem:$0x1F000] =	vst v63  }
0x18b: {  	_ =	swait.ge [sflag:s26], $0x2800  }
0x18c: {  	[sflag:s26] =	ssyncset.done $0x0  }
0x18d: {  	s7 =	rddreg [dreg:$0xc];
	[sflag:s26] =	ssyncadd.s32 $0xFFFFD800  }
0x18e: {  	[spmem:s1] =	stream.indirect.scatter.add.f32 [tilespmem:s18], [sflag:$0x7], $0x80, s7, s13, $0xb8;
	[tilespmem:$0x1F000] =	vst v63  }
0x18f: {  	_ =	swait.ge [sflag:s28], $0x2800  }
0x190: {  	[sflag:s28] =	ssyncset.done $0x0  }
0x191: {  	s8 =	rddreg [dreg:$0xd];
	[sflag:s28] =	ssyncadd.s32 $0xFFFFD800  }
0x192: {  	[tilespmem:s18], [sflag:$0x3] =	stream.indirect.gather [hbm4b:s4+s13], $0x80, s8, s13, $0xb8;
	[tilespmem:$0x1F000] =	vst v63  }
0x193: {  	_ =	swait.ge [sflag:s29], $0x2800  }
0x194: {  	[sflag:s29] =	ssyncset.done $0x0  }
0x195: {  	s9 =	rddreg [dreg:$0xe];
	[sflag:s29] =	ssyncadd.s32 $0xFFFFD800  }
0x196: {  	[spmem:s1] =	stream.indirect.scatter.add.f32 [tilespmem:s21], [sflag:$0x8], $0x80, s9, s13, $0xb8;
	[tilespmem:$0x1F000] =	vst v63  }
0x197: {  	_ =	swait.ge [sflag:s30], $0x2800  }
0x198: {  	[sflag:s30] =	ssyncset.done $0x0  }
0x199: {  	s10 =	rddreg [dreg:$0xf];
	[sflag:s30] =	ssyncadd.s32 $0xFFFFD800  }
0x19a: {  	[tilespmem:s21], [sflag:$0x4] =	stream.indirect.gather [hbm4b:s4+s13], $0x80, s10, s13, $0xb8;
	[tilespmem:$0x1F000] =	vst v63  }
0x19b: {  	_ =	swait.ge [sflag:s22], $0x2800  }
0x19c: {  	[sflag:s22] =	ssyncset.done $0x0  }
0x19d: {  	s7 =	rddreg [dreg:$0x10];
	[sflag:s22] =	ssyncadd.s32 $0xFFFFD800  }
0x19e: {  	[spmem:s1] =	stream.indirect.scatter.add.f32 [tilespmem:s14], [sflag:$0x5], $0x80, s7, s13, $0xb8;
	[tilespmem:$0x1F000] =	vst v63  }
0x19f: {  	_ =	swait.ge [sflag:s23], $0x2800  }
0x1a0: {  	[sflag:s23] =	ssyncset.done $0x0  }
0x1a1: {  	[sflag:s23] =	ssyncadd.s32 $0xFFFFD800  }
0x1a2: {  	_ =	swait.ge [sflag:s31], $0x400  }
0x1a3: {  	[sflag:s31] =	ssyncset.done $0x0  }
0x1a4: {  	[sflag:s31] =	ssyncadd.s32 $0xFFFFFC00  }
0x1a5: {  	_ =	swait.ge [sflag:s31], $0x400  }
0x1a6: {  	[sflag:s31] =	ssyncset.done $0x0  }
0x1a7: {  	[sflag:s31] =	ssyncadd.s32 $0xFFFFFC00  }
0x1a8: {  	[tilespmem:s14], [sflag:$0x1] =	stream.indirect.gather [hbm4b:s4+s13], $0x80, s19, s13, $0xb8;
	[tilespmem:$0x1F000] =	vst v63  }
0x1a9: {  	_ =	swait.ge [sflag:s24], $0x2800  }
0x1aa: {  	[sflag:s24] =	ssyncset.done $0x0  }
0x1ab: {  	s8 =	rddreg [dreg:$0x11];
	[sflag:s24] =	ssyncadd.s32 $0xFFFFD800  }
0x1ac: {  	[spmem:s1] =	stream.indirect.scatter.add.f32 [tilespmem:s16], [sflag:$0x6], $0x80, s8, s13, $0xb8;
	[tilespmem:$0x1F000] =	vst v63  }
0x1ad: {  	_ =	swait.ge [sflag:s25], $0x2800  }
0x1ae: {  	[sflag:s25] =	ssyncset.done $0x0  }
0x1af: {  	s9 =	rddreg [dreg:$0x12];
	[sflag:s25] =	ssyncadd.s32 $0xFFFFD800  }
0x1b0: {  	[tilespmem:s16], [sflag:$0x2] =	stream.indirect.gather [hbm4b:s4+s13], $0x80, s9, s13, $0xb8;
	[tilespmem:$0x1F000] =	vst v63  }
0x1b1: {  	_ =	swait.ge [sflag:s26], $0x2800  }
0x1b2: {  	[sflag:s26] =	ssyncset.done $0x0  }
0x1b3: {  	s10 =	rddreg [dreg:$0x13];
	[sflag:s26] =	ssyncadd.s32 $0xFFFFD800  }
0x1b4: {  	[spmem:s1] =	stream.indirect.scatter.add.f32 [tilespmem:s18], [sflag:$0x7], $0x80, s10, s13, $0xb8;
	[tilespmem:$0x1F000] =	vst v63  }
0x1b5: {  	_ =	swait.ge [sflag:s28], $0x2800  }
0x1b6: {  	[sflag:s28] =	ssyncset.done $0x0  }
0x1b7: {  	s7 =	rddreg [dreg:$0x14];
	[sflag:s28] =	ssyncadd.s32 $0xFFFFD800  }
0x1b8: {  	[tilespmem:s18], [sflag:$0x3] =	stream.indirect.gather [hbm4b:s4+s13], $0x80, s7, s13, $0xb8;
	[tilespmem:$0x1F000] =	vst v63  }
0x1b9: {  	_ =	swait.ge [sflag:s29], $0x2800  }
0x1ba: {  	[sflag:s29] =	ssyncset.done $0x0  }
0x1bb: {  	s8 =	rddreg [dreg:$0x15];
	[sflag:s29] =	ssyncadd.s32 $0xFFFFD800  }
0x1bc: {  	[spmem:s1] =	stream.indirect.scatter.add.f32 [tilespmem:s21], [sflag:$0x8], $0x80, s8, s13, $0xb8;
	[tilespmem:$0x1F000] =	vst v63  }
0x1bd: {  	p0 =	seq.s32 s5, $0x700;
	_ =	swait.ge [sflag:s30], $0x2800  }
0x1be: {  	s8 =	simm.s32 @!p0 $0x0;
	s6 =	rddreg [dreg:$0x5];
	[sflag:s30] =	ssyncset.done $0x0  }
0x1bf: {  	s7 =	rddreg [dreg:$0x4];
	[sflag:s30] =	ssyncadd.s32 $0xFFFFD800;
	s6 =	sadd.s32 @!p0 s5, s6  }
0x1c0: {  	[tilespmem:s8], [sflag:$0x9] =	stream.linear.gather @!p0 [hbm4b:s6+s8], $0x400, $0x38;
	[tilespmem:$0x1F000] =	vst v63  }
0x1c1: {  	s5 =	sadd.s32 @!p0 s5, s7;
	s6 =	simm.s32 @!p0 $0x800  }
0x1c2: {  	[tilespmem:s6], [sflag:$0x9] =	stream.linear.gather @!p0 [hbm4b:s5+s8], $0x400, $0x38;
	[tilespmem:$0x1F000] =	vst v63  }
0x1c3: {  	s9 =	rddreg [dreg:$0x16]  }
0x1c4: {  	[tilespmem:s21], [sflag:$0x4] =	stream.indirect.gather [hbm4b:s4+s13], $0x80, s9, s13, $0xb8;
	[tilespmem:$0x1F000] =	vst v63  }
0x1c5: {  	_ =	swait.ge [sflag:s22], $0x2800  }
0x1c6: {  	[sflag:s22] =	ssyncset.done $0x0  }
0x1c7: {  	[sflag:s22] =	ssyncadd.s32 $0xFFFFD800  }
0x1c8: {  	[spmem:s1] =	stream.indirect.scatter.add.f32 [tilespmem:s14], [sflag:$0x5], $0x80, s20, s13, $0xb8;
	[tilespmem:$0x1F000] =	vst v63  }
0x1c9: {  	_ =	swait.ge [sflag:s23], $0x2800  }
0x1ca: {  	[sflag:s23] =	ssyncset.done $0x0  }
0x1cb: {  	s10 =	rddreg [dreg:$0x17];
	[sflag:s23] =	ssyncadd.s32 $0xFFFFD800  }
0x1cc: {  	[tilespmem:s14], [sflag:$0x1] =	stream.indirect.gather [hbm4b:s4+s13], $0x80, s10, s13, $0xb8;
	[tilespmem:$0x1F000] =	vst v63  }
0x1cd: {  	_ =	swait.ge [sflag:s24], $0x2800  }
0x1ce: {  	[sflag:s24] =	ssyncset.done $0x0  }
0x1cf: {  	s6 =	rddreg [dreg:$0x18];
	[sflag:s24] =	ssyncadd.s32 $0xFFFFD800  }
0x1d0: {  	[spmem:s1] =	stream.indirect.scatter.add.f32 [tilespmem:s16], [sflag:$0x6], $0x80, s6, s13, $0xb8;
	[tilespmem:$0x1F000] =	vst v63  }
0x1d1: {  	_ =	swait.ge [sflag:s25], $0x2800  }
0x1d2: {  	[sflag:s25] =	ssyncset.done $0x0  }
0x1d3: {  	s7 =	rddreg [dreg:$0x19];
	[sflag:s25] =	ssyncadd.s32 $0xFFFFD800  }
0x1d4: {  	[tilespmem:s16], [sflag:$0x2] =	stream.indirect.gather [hbm4b:s4+s13], $0x80, s7, s13, $0xb8;
	[tilespmem:$0x1F000] =	vst v63  }
0x1d5: {  	_ =	swait.ge [sflag:s26], $0x2800  }
0x1d6: {  	[sflag:s26] =	ssyncset.done $0x0  }
0x1d7: {  	s8 =	rddreg [dreg:$0x1a];
	[sflag:s26] =	ssyncadd.s32 $0xFFFFD800  }
0x1d8: {  	[spmem:s1] =	stream.indirect.scatter.add.f32 [tilespmem:s18], [sflag:$0x7], $0x80, s8, s13, $0xb8;
	[tilespmem:$0x1F000] =	vst v63  }
0x1d9: {  	_ =	swait.ge [sflag:s28], $0x2800  }
0x1da: {  	[sflag:s28] =	ssyncset.done $0x0  }
0x1db: {  	s9 =	rddreg [dreg:$0x1b];
	[sflag:s28] =	ssyncadd.s32 $0xFFFFD800  }
0x1dc: {  	[tilespmem:s18], [sflag:$0x3] =	stream.indirect.gather [hbm4b:s4+s13], $0x80, s9, s13, $0xb8;
	[tilespmem:$0x1F000] =	vst v63  }
0x1dd: {  	_ =	swait.ge [sflag:s29], $0x2800  }
0x1de: {  	[sflag:s29] =	ssyncset.done $0x0  }
0x1df: {  	s10 =	rddreg [dreg:$0x1c];
	[sflag:s29] =	ssyncadd.s32 $0xFFFFD800  }
0x1e0: {  	[spmem:s1] =	stream.indirect.scatter.add.f32 [tilespmem:s21], [sflag:$0x8], $0x80, s10, s13, $0xb8;
	[tilespmem:$0x1F000] =	vst v63  }
0x1e1: {  	_ =	swait.ge [sflag:s30], $0x2800  }
0x1e2: {  	[sflag:s30] =	ssyncset.done $0x0  }
0x1e3: {  	s6 =	rddreg [dreg:$0x1d];
	[sflag:s30] =	ssyncadd.s32 $0xFFFFD800  }
0x1e4: {  	[tilespmem:s21], [sflag:$0x4] =	stream.indirect.gather [hbm4b:s4+s13], $0x80, s6, s13, $0xb8;
	[tilespmem:$0x1F000] =	vst v63  }
0x1e5: {  	_ =	swait.ge [sflag:s22], $0x2800  }
0x1e6: {  	p0 =	sgt.u32 s2, $0xE;
	[sflag:s22] =	ssyncset.done $0x0  }
0x1e7: {  	s2 =	simm.s32 @p0 $0x2;
	s7 =	rddreg [dreg:$0x1e];
	[sflag:s22] =	ssyncadd.s32 $0xFFFFD800  }
0x1e8: {  	[spmem:s1] =	stream.indirect.scatter.add.f32 [tilespmem:s14], [sflag:$0x5], $0x80, s7, s13, $0xb8;
	[tilespmem:$0x1F000] =	vst v63  }
0x1e9: {  	_ =	swait.ge @p0 [sflag:s2], $0x2800  }
0x1ea: {  	s5 =	simm.s32 @p0 $0x3800;
	[sflag:s2] =	ssyncset.done @p0 $0x0  }
0x1eb: {  	s6 =	simm.s32 @p0 $0x50;
	[sflag:s2] =	ssyncadd.s32 @p0 $0xFFFFD800;
	s2 =	simm.s32 @p0 $0xE80  }
0x1ec: {  	[spmem:s1] =	stream.indirect.scatter.add.f32 @p0 [tilespmem:s5], [sflag:$0x6], $0x80, s2, s6, $0xb8;
	[tilespmem:$0x1F000] =	vst v63  }
0x1ed: {  	s2 =	simm.s32 @!p0 $0x5  }
0x1ee: {  	_ =	swait.ge @!p0 [sflag:s2], $0x2800  }
0x1ef: {  	[sflag:s2] =	ssyncset.done @!p0 $0x0  }
0x1f0: {  	s5 =	simm.s32 @!p0 $0x9;
	[sflag:s2] =	ssyncadd.s32 @!p0 $0xFFFFD800  }
0x1f1: {  	_ =	swait.ge @!p0 [sflag:s5], $0x400  }
0x1f2: {  	[sflag:s5] =	ssyncset.done @!p0 $0x0  }
0x1f3: {  	[sflag:s5] =	ssyncadd.s32 @!p0 $0xFFFFFC00  }
0x1f4: {  	_ =	swait.ge @!p0 [sflag:s5], $0x400  }
0x1f5: {  	s6 =	simm.s32 @!p0 $0x50;
	[sflag:s5] =	ssyncset.done @!p0 $0x0  }
0x1f6: {  	s2 =	simm.s32 @!p0 $0x1000;
	[sflag:s5] =	ssyncadd.s32 @!p0 $0xFFFFFC00;
	s5 =	simm.s32 @!p0 $0x0  }
0x1f7: {  	[tilespmem:s2], [sflag:$0x1] =	stream.indirect.gather @!p0 [hbm4b:s4+s6], $0x80, s5, s6, $0xb8;
	[tilespmem:$0x1F000] =	vst v63  }
0x1f8: {  	s2 =	simm.s32 @!p0 $0x2  }
0x1f9: {  	_ =	swait.ge @!p0 [sflag:s2], $0x2800  }
0x1fa: {  	[sflag:s2] =	ssyncset.done @!p0 $0x0  }
0x1fb: {  	s5 =	simm.s32 @!p0 $0xE80;
	[sflag:s2] =	ssyncadd.s32 @!p0 $0xFFFFD800;
	s2 =	simm.s32 @!p0 $0x3800  }
0x1fc: {  	[spmem:s1] =	stream.indirect.scatter.add.f32 @!p0 [tilespmem:s2], [sflag:$0x6], $0x80, s5, s6, $0xb8;
	[tilespmem:$0x1F000] =	vst v63  }
0x1fd: {  	s5 =	simm.s32 @!p0 $0x6  }
0x1fe: {  	_ =	swait.ge @!p0 [sflag:s5], $0x2800  }
0x1ff: {  	[sflag:s5] =	ssyncset.done @!p0 $0x0  }
0x200: {  	[sflag:s5] =	ssyncadd.s32 @!p0 $0xFFFFD800;
	s5 =	simm.s32 @!p0 $0x80  }
0x201: {  	[tilespmem:s2], [sflag:$0x2] =	stream.indirect.gather @!p0 [hbm4b:s4+s6], $0x80, s5, s6, $0xb8;
	[tilespmem:$0x1F000] =	vst v63  }
0x202: {  	_ =	swait.ge [sflag:s26], $0x2800  }
0x203: {  	[sflag:s26] =	ssyncset.done $0x0  }
0x204: {  	s5 =	simm.s32 @!p0 $0x7;
	s8 =	rddreg [dreg:$0x1f];
	[sflag:s26] =	ssyncadd.s32 $0xFFFFD800  }
0x205: {  	[spmem:s1] =	stream.indirect.scatter.add.f32 [tilespmem:s18], [sflag:$0x7], $0x80, s8, s13, $0xb8;
	[tilespmem:$0x1F000] =	vst v63  }
0x206: {  	_ =	swait.ge @!p0 [sflag:s5], $0x2800  }
0x207: {  	[sflag:s5] =	ssyncset.done @!p0 $0x0  }
0x208: {  	s2 =	simm.s32 @!p0 $0x100;
	[sflag:s5] =	ssyncadd.s32 @!p0 $0xFFFFD800;
	s5 =	simm.s32 @!p0 $0x6000  }
0x209: {  	[tilespmem:s5], [sflag:$0x3] =	stream.indirect.gather @!p0 [hbm4b:s4+s6], $0x80, s2, s6, $0xb8;
	[tilespmem:$0x1F000] =	vst v63  }
0x20a: {  	_ =	swait.ge [sflag:s29], $0x2800  }
0x20b: {  	s9 =	sld [smem:$0x7FD]  }
0x20c: {  	[sflag:s29] =	ssyncset.done $0x0  }
0x20d: {  	[sflag:s29] =	ssyncadd.s32 $0xFFFFD800  }
0x20e: {  	[spmem:s1] =	stream.indirect.scatter.add.f32 [tilespmem:s21], [sflag:$0x8], $0x80, s9, s13, $0xb8;
	[tilespmem:$0x1F000] =	vst v63  }
0x20f: {  	_ =	swait.ge [sflag:s23], $0x2800  }
0x210: {  	[sflag:s23] =	ssyncset.done $0x0  }
0x211: {  	[sflag:s23] =	ssyncadd.s32 $0xFFFFD800  }
0x212: {  	_ =	swait.ge [sflag:s25], $0x2800  }
0x213: {  	[sflag:s25] =	ssyncset.done $0x0  }
0x214: {  	[sflag:s25] =	ssyncadd.s32 $0xFFFFD800  }
0x215: {  	_ =	swait.ge [sflag:s28], $0x2800  }
0x216: {  	[sflag:s28] =	ssyncset.done $0x0  }
0x217: {  	[sflag:s28] =	ssyncadd.s32 $0xFFFFD800  }
0x218: {  	_ =	swait.ge [sflag:s30], $0x2800  }
0x219: {  	[sflag:s30] =	ssyncset.done $0x0  }
0x21a: {  	[sflag:s30] =	ssyncadd.s32 $0xFFFFD800  }
0x21b: {  	[bflag:$0x0] =	sbarrier.arrive $0xFFFF  }
0x21c: {  	s10 =	sld [smem:$0x7FB];
	_ =	sdelay $0x2  }
0x21d: {  	[hbm:s10], [sflag:s15] =	dma.local [spmem:s17], $0x2800  }
0x21e: {  	_ =	swait.ge [sflag:s11], $0x2800  }
0x21f: {  	s17 =	sld [smem:$0x7FC];
	_ =	sdelay $0x1  }
0x220: {  	s0 =	sadd.s32 $0x1, s0  }
0x221: {  	p0 =	sne.s32 s0, s17  }
.Ltmp1:
0x222: {  	_ = 	snop;
	(pc) =	sbr.rel @p0 .LBB2_1-.Ltmp1, $3  }
0x223: {  	_ =	sdelay $0x1  }
0x224: {  	[sflag:s11] =	ssyncset.done $0x0  }
0x225: {  	[sflag:s11] =	ssyncadd.s32 $0xFFFFD800  }
0x226: {  	_ =	sfence.sel $0x180000  }
0x227: {  	[bflag:$0x0] =	sbarrier.arrive $0xFFFF  }
0x228: {  	_ =	strace $0x9000004A  }
0x229: {  	s0 =	stileid.u32;
	[bflag:$0x2] =	sbarrier.arrive $0xFFFF  }
0x22a: {  	p0 =	sne.s32 s0, $0x0;
	s0 =	rddreg [dreg:$0x3]  }
0x22b: {  	s0 =	sadd.s32 @!p0 $0x100000, s0  }
0x22c: {  	[sflag:s0] =	ssyncadd.tile.s32 @!p0 $0x1;
	_ =	shalt  }
.Lfunc_end2:
_tile_overlayer_lowered:
.L_overlay_start_2:
0x22d: {  	(tag) =	ssettag $0x2  }
0x22e: {  	s0 =	rddreg [dreg:$0x0];
	s2 =	stileid.u32  }
0x22f: {  	s1 =	rddreg [dreg:$0x1];
	p0 =	sne.s32 s2, $0x0  }
0x230: {  	s3 =	rddreg [dreg:$0x2];
	[bflag:$0x3] =	sbarrier.arrive $0xFFFF;
	s2 =	simm.s32 @!p0 $0x1C0B  }
0x231: {  	[timem:s3], [sflag:s2] =	dma.local @!p0 [hbm:s0], s1  }
0x232: {  	s0 =	simm.s32 @!p0 $0xB  }
0x233: {  	_ =	swait.ge @!p0 [sflag:s0], s1  }
0x234: {  	s1 =	ssub.s32 @!p0 $0x0, s1;
	[sflag:s0] =	ssyncset.done @!p0 $0x0  }
0x235: {  	[sflag:s0] =	ssyncadd.s32 @!p0 s1  }
0x236: {  	[bflag:$0x3] =	sbarrier.arrive $0xFFFF  }
0x237: {  	_ =	shalt  }

// kernel: kernel.15.cloned.1.call-start
scs
__scs_entry_jumppad:
0x0: {  	(pc) =	sbr.rel $0x88, $3  }
0x1: {  	(tag) =	ssettag $0x0;
	lr =	simm.s32 $0x1  }
0x2: {  	[smem:$0x3F9B] =	sst lr;
	_ =	strace $0xD0000000  }
0x3: {  	_ = 	snop  }
0x4: {  	_ = 	snop  }
0x5: {  	_ = 	snop  }
0x6: {  	_ = 	snop  }
0x7: {  	_ = 	snop  }
__scs_overlays_trampoline_lowered:
0x8: {  	[smem:$0x3FAA] =	sst s0  }
0x9: {  	[smem:$0x3FAB] =	sst s1  }
0xa: {  	[smem:$0x3FAC] =	sst s2  }
0xb: {  	[smem:$0x3FAD] =	sst s3  }
0xc: {  	[smem:$0x3FAE] =	sst s4  }
0xd: {  	[smem:$0x3FAF] =	sst s5  }
0xe: {  	[smem:$0x3FB0] =	sst s6  }
0xf: {  	[smem:$0x3FB1] =	sst s7  }
0x10: {  	[smem:$0x3FB2] =	sst s8  }
0x11: {  	[smem:$0x3FB3] =	sst s9;
	s0 =	simm.s32 @!p0 $0x0  }
0x12: {  	s1 =	sld [smem:$0x3F99];
	s0 =	simm.s32 @p0 $0x1  }
0x13: {  	[smem:$0x3FB4] =	sst s0;
	s0 =	simm.s32 @!p1 $0x0  }
0x14: {  	s2 =	sld [smem:$0x3F98];
	s0 =	simm.s32 @p1 $0x1  }
0x15: {  	[smem:$0x3FB5] =	sst s0;
	s0 =	simm.s32 @!p2 $0x0  }
0x16: {  	s3 =	sld [smem:$0x3FDB];
	s0 =	simm.s32 @p2 $0x1  }
0x17: {  	s4 =	simm.s32 $0x1BF5;
	[smem:$0x3FB7] =	sst s0  }
0x18: {  	s0 =	sld [smem:$0x3F9A];
	_ =	swait.ge [sflag:s4], $0x0  }
0x19: {  	s7 =	sld [smem:$0x3F9B]  }
0x1a: {  	s8 =	sadd.s32 $0xFFFFE003, lr  }
0x1b: {  	s9 =	sadd.s32 $0xFFFFFEF7, lr;
	s5 =	simm.s32 $0xFFFFFFFF;
	p2 =	slt.u32 s8, $0xFFFFF086  }
0x1c: {  	p1 =	slt.u32 s9, $0xF7A;
	s5 =	simm.s32 @!p2 $0x0  }
0x1d: {  	s5 =	simm.s32 @p1 $0x1;
	p0 =	seq.s32 s7, s2  }
0x1e: {  	s7 =	smul.u32 @!p0 $0xF7A, s2;
	p2 =	seq.s32 @!p0 s5, $0x0  }
0x1f: {  	s9 =	smul.u32 $0xF7A, s1;
	s8 =	simm.s32 @!p0 $0x1BF5;
	p2 =	por !p2, p0  }
0x20: {  	[sflag:s8] =	ssyncset.s32 @!p0 $0xFFFFF086;
	s6 =	sadd.s32 @!p0 s3, s7;
	s7 =	simm.s32 @!p0 $0x108  }
0x21: {  	s3 =	sadd.s32 s3, s9;
	s6 =	sadd.s32 @!p0 $0x88, s6;
	s7 =	simm.s32 @p2 $0x1082  }
0x22: {  	[simem:s7], [sflag:s8] =	dma.local @!p0 [hbm:s6], $0xF7A  }
0x23: {  	s9 =	sor.u32 $0xD0000000, s2;
	s6 =	simm.s32 $0x108;
	_ =	swait.ge @!p0 [sflag:s8], $0x0  }
0x24: {  	s3 =	sadd.s32 $0x88, s3;
	s6 =	simm.s32 @!p1 $0x1082;
	[sflag:s4] =	ssyncset.s32 $0xFFFFF086  }
0x25: {  	[simem:s6], [sflag:s4] =	dma.local [hbm:s3], $0xF7A  }
0x26: {  	[smem:$0x3F9B] =	sst s1;
	(tag) =	ssettag s2;
	_ =	strace s9  }
0x27: {  	s1 =	sld [smem:$0x3FAB]  }
0x28: {  	s2 =	sld [smem:$0x3FAC]  }
0x29: {  	s4 =	sld [smem:$0x3FAE]  }
0x2a: {  	p0 =	seq.s32 s5, $0x0;
	s5 =	sld [smem:$0x3FAF]  }
0x2b: {  	s6 =	sld [smem:$0x3FB0]  }
0x2c: {  	s7 =	sld [smem:$0x3FB1]  }
0x2d: {  	s3 =	simm.s32 $0x108;
	s8 =	sld [smem:$0x3FB2]  }
0x2e: {  	s3 =	simm.s32 @!p0 $0x1082;
	s9 =	sld [smem:$0x3FB3]  }
0x2f: {  	lr =	sadd.s32 s0, s3;
	s0 =	sld [smem:$0x3FAA]  }
0x30: {  	s3 =	sld [smem:$0x3FAD]  }
0x31: {  	[smem:$0x3FB6] =	sst s10  }
0x32: {  	s10 =	sld [smem:$0x3FB4];
	_ =	sdelay $0x3  }
0x33: {  	p0 =	seq.s32 s10, $0x1;
	s10 =	sld [smem:$0x3FB6];
	_ =	sdelay $0x3  }
0x34: {  	[smem:$0x3FB6] =	sst s10  }
0x35: {  	s10 =	sld [smem:$0x3FB5];
	_ =	sdelay $0x3  }
0x36: {  	p1 =	seq.s32 s10, $0x1;
	s10 =	sld [smem:$0x3FB6];
	_ =	sdelay $0x3  }
0x37: {  	[smem:$0x3FB6] =	sst s10  }
0x38: {  	s10 =	sld [smem:$0x3FB7]  }
0x39: {  	_ = 	snop;
	(pc) =	sbr.ind lr, $3  }
0x3a: {  	_ = 	snop  }
0x3b: {  	_ = 	snop  }
0x3c: {  	p2 =	seq.s32 s10, $0x1;
	s10 =	sld [smem:$0x3FB6]  }
0x3d: {  	_ =	shalt  }
0x3e: {  	_ =	shalt  }
0x3f: {  	_ =	shalt  }
0x40: {  	_ =	shalt  }
0x41: {  	_ =	shalt  }
0x42: {  	_ =	shalt  }
0x43: {  	_ =	shalt  }
0x44: {  	_ =	shalt  }
0x45: {  	_ =	shalt  }
0x46: {  	_ =	shalt  }
0x47: {  	_ =	shalt  }
0x48: {  	_ =	shalt  }
0x49: {  	_ =	shalt  }
0x4a: {  	_ =	shalt  }
0x4b: {  	_ =	shalt  }
0x4c: {  	_ =	shalt  }
0x4d: {  	_ =	shalt  }
0x4e: {  	_ =	shalt  }
0x4f: {  	_ =	shalt  }
0x50: {  	_ =	shalt  }
0x51: {  	_ =	shalt  }
0x52: {  	_ =	shalt  }
0x53: {  	_ =	shalt  }
0x54: {  	_ =	shalt  }
0x55: {  	_ =	shalt  }
0x56: {  	_ =	shalt  }
0x57: {  	_ =	shalt  }
0x58: {  	_ =	shalt  }
0x59: {  	_ =	shalt  }
0x5a: {  	_ =	shalt  }
0x5b: {  	_ =	shalt  }
0x5c: {  	_ =	shalt  }
0x5d: {  	_ =	shalt  }
0x5e: {  	_ =	shalt  }
0x5f: {  	_ =	shalt  }
0x60: {  	_ =	shalt  }
0x61: {  	_ =	shalt  }
0x62: {  	_ =	shalt  }
0x63: {  	_ =	shalt  }
0x64: {  	_ =	shalt  }
0x65: {  	_ =	shalt  }
0x66: {  	_ =	shalt  }
0x67: {  	_ =	shalt  }
0x68: {  	_ =	shalt  }
0x69: {  	_ =	shalt  }
0x6a: {  	_ =	shalt  }
0x6b: {  	_ =	shalt  }
0x6c: {  	_ =	shalt  }
0x6d: {  	_ =	shalt  }
0x6e: {  	_ =	shalt  }
0x6f: {  	_ =	shalt  }
0x70: {  	_ =	shalt  }
0x71: {  	_ =	shalt  }
0x72: {  	_ =	shalt  }
0x73: {  	_ =	shalt  }
0x74: {  	_ =	shalt  }
0x75: {  	_ =	shalt  }
0x76: {  	_ =	shalt  }
0x77: {  	_ =	shalt  }
0x78: {  	_ =	shalt  }
0x79: {  	_ =	shalt  }
0x7a: {  	_ =	shalt  }
0x7b: {  	_ =	shalt  }
0x7c: {  	_ =	shalt  }
0x7d: {  	_ =	shalt  }
0x7e: {  	_ =	shalt  }
0x7f: {  	_ =	shalt  }
0x80: {  	_ =	shalt  }
0x81: {  	_ =	shalt  }
0x82: {  	_ =	shalt  }
0x83: {  	_ =	shalt  }
0x84: {  	_ =	shalt  }
0x85: {  	_ =	shalt  }
0x86: {  	_ =	shalt  }
0x87: {  	_ =	shalt  }
.Lfunc_end0:
.L_simem_size_0:
called_computation.2_lowered:
.L_overlay_start_0:
0x88: {  	s2 =	sld [smem:$0x3FD9]  }
0x89: {  	s3 =	sld [smem:$0x3FFE];
	_ =	sdelay $0x1  }
0x8a: {  	s1 =	srdreg.scid  }
0x8b: {  	s0 =	sand.u32 $0x1, s1  }
0x8c: {  	s17 =	sshll.u32 s0, $0xA;
	s2 =	sadd.s32 s3, s2  }
0x8d: {  	s2 =	sadd.s32 s2, s17  }
0x8e: {  	[smem:$0x3FC2] =	sst s2  }
0x8f: {  	_ = 	snop  }
0x90: {  	s2 =	sld [smem:$0x3FD0];
	(tm) =	ssettm $0x1  }
0x91: {  	s18 =	sld [smem:$0x3FFB];
	_ =	sdelay $0x3  }
0x92: {  	_ =	strace s18  }
0x93: {  	s3 =	sld [smem:$0x3FFC];
	_ =	sdelay $0x3  }
0x94: {  	_ =	strace s3  }
0x95: {  	s3 =	sld [smem:$0x3FFD];
	_ =	sdelay $0x3  }
0x96: {  	_ =	strace s3  }
0x97: {  	_ =	strace $0x8FFFFFFF  }
0x98: {  	s19 =	sld [smem:$0x3FDB];
	_ =	sdelay $0x1  }
0x99: {  	s4 =	simm.s32 $_scs_section_size  }
0x9a: {  	s5 =	simm.s32 $_size__tile_overlayer_lowered;
	s6 =	simm.s32 $_tile_overlayer_lowered  }
0x9b: {  	s22 =	simm.s32 $0x1BFF;
	s21 =	sshll.u32 s6, $0x1;
	s3 =	sadd.s32 s4, s19  }
0x9c: {  	s7 =	simm.s32 $0x0;
	s20 =	sshll.u32 s5, $0x1;
	s5 =	sadd.s32 s21, s3  }
0x9d: {  	[timem:s7], [sflag:s22] =	dma.local [hbm:s5], s20  }
0x9e: {  	_ =	swait.ge [sflag:s22], s20  }
0x9f: {  	s4 =	ssub.s32 $0x0, s20;
	[sflag:s22] =	ssyncset.done $0x0  }
0xa0: {  	[sflag:s22] =	ssyncadd.s32 s4;
	_ =	sdelay $0x1  }
0xa1: {  	s23 =	simm.s32 $0x1B8B  }
0xa2: {  	_ =	swait.ge [sflag:s23], $0x1  }
0xa3: {  	[sflag:s23] =	ssyncset.done $0x0  }
0xa4: {  	s25 =	simm.s32 $0x1B8E;
	s24 =	sld [smem:$0x3FFE];
	[sflag:s23] =	ssyncadd.s32 $0xFFFFFFFF  }
0xa5: {  	s26 =	simm.s32 $execute0_lowered;
	[smem:$0x3FD2] =	sst s25  }
0xa6: {  	s5 =	sshll.u32 s26, $0x1;
	_ =	strace $0x8000004C;
	[dreg:$0x1] =	wrdreg $0xFFFFFFFF  }
0xa7: {  	s28 =	simm.s32 $_size_execute0_lowered;
	s3 =	sadd.s32 s3, s5;
	[dreg:$0x0] =	wrdreg $0x0  }
0xa8: {  	s5 =	sshll.u32 s28, $0x1;
	[dreg:$0x2] =	wrdreg s3  }
0xa9: {  	[dreg:$0x3] =	wrdreg s5  }
0xaa: {  	[dreg:$0x4] =	wrdreg $0xC0  }
0xab: {  	_ =	task [dreg:s7], $0x5FFFF  }
0xac: {  	[dreg:$0x1] =	wrdreg $0xFFFFFFFF  }
0xad: {  	[dreg:$0x0] =	wrdreg $0x60  }
0xae: {  	[dreg:$0x2] =	wrdreg s24  }
0xaf: {  	[dreg:$0x3] =	wrdreg s2  }
0xb0: {  	[dreg:$0x4] =	wrdreg $0xB0000  }
0xb1: {  	[dreg:$0x5] =	wrdreg $0x9  }
0xb2: {  	_ =	task.clear_ibuf [dreg:s7], $0x6FFFF;
	_ =	strace $0x9000004C  }
0xb3: {  	s29 =	simm.s32 $0x9;
	_ =	strace $0x8000004E  }
0xb4: {  	_ =	swait.ge [sflag:s29], $0x1  }
0xb5: {  	[sflag:s29] =	ssyncadd.s32 $0xFFFFFFFF  }
0xb6: {  	_ =	strace $0x9000004E  }
0xb7: {  	_ =	sfence  }
0xb8: {  	s30 =	sld [smem:$0x0];
	_ =	sdelay $0x2  }
0xb9: {  	s31 =	sshll.u32 s1, $0xD;
	s1 =	sshrl.u32 s1, $0x2  }
0xba: {  	s3 =	sand.u32 $0x4000, s31;
	s1 =	sadd.s32 s1, s30  }
0xbb: {  	s0 =	sor.u32 s3, s0;
	s1 =	sshll.u32 s1, $0x11  }
0xbc: {  	s0 =	sor.u32 s1, s0  }
0xbd: {  	s0 =	sadd.s32 $0x8F2B, s0  }
0xbe: {  	[sflag:s0] =	ssyncadd.remote.s32 $0x1  }
0xbf: {  	_ =	sfence.sel $0xFFFF  }
0xc0: {  	[dreg:$0x0] =	wrdreg $0xFFFFFFFF;
	(pc) =	sbr.abs _section_cstart, $3  }
0xc1: {  	[dreg:$0x1] =	wrdreg $0xFFFFFFFF  }
0xc2: {  	_ =	task.clear_ibuf [dreg:s7], $0x2FFFF;
	_ =	strace $0x9FFFFFFF  }
0xc3: {  	(tm) =	ssettm $0x7FFFFFFF  }
tec
execute0_lowered:
.L_overlay_start_1:
0x0: {  	(tag) =	ssettag $0x1  }
0x1: {  	s0 =	rddreg [dreg:$0x0]  }
0x2: {  	s2 =	rddreg [dreg:$0x1]  }
0x3: {  	s1 =	rddreg [dreg:$0x2]  }
0x4: {  	s3 =	simm.s32 $0x0;
	s4 =	srdreg.scid;
	s13 =	stileid.u32  }
0x5: {  	s15 =	simm.s32 $0x180;
	s17 =	simm.s32 $0x200;
	s18 =	simm.s32 $0x880  }
0x6: {  	s19 =	simm.s32 $0x280;
	s21 =	simm.s32 $0x900;
	[smem:$0x7FF] =	sst s3  }
0x7: {  	s28 =	simm.s32 $0x7;
	_ =	strace $0x8000004D;
	[dreg:$0x8] =	wrdreg s15  }
0x8: {  	s29 =	simm.s32 $0x4;
	s5 =	sand.u32 $0x1, s4;
	[dreg:$0x9] =	wrdreg s17  }
0x9: {  	s6 =	smul.u32 $0x14000, s13;
	s8 =	sshll.u32 s13, $0xE;
	[dreg:$0xa] =	wrdreg s18  }
0xa: {  	s11 =	sadd.s32 $0x2AA00, s0;
	s22 =	smul.u32 $0x50000, s13;
	[dreg:$0xb] =	wrdreg s19  }
0xb: {  	s13 =	simm.s32 $0xB00;
	s7 =	sshll.u32 s5, $0x12;
	[dreg:$0xc] =	wrdreg s21  }
0xc: {  	s9 =	smul.u32 $0x140000, s5;
	[dreg:$0x13] =	wrdreg s13;
	s15 =	simm.s32 $0xB80  }
0xd: {  	s5 =	ssub.s32 $0x2, s5;
	s17 =	simm.s32 $0x600;
	[dreg:$0x15] =	wrdreg s15  }
0xe: {  	s18 =	simm.s32 $0xC80;
	s19 =	simm.s32 $0x680;
	[dreg:$0x17] =	wrdreg s17  }
0xf: {  	s21 =	simm.s32 $0x700;
	s7 =	sor.u32 s8, s7;
	[dreg:$0x18] =	wrdreg s18  }
0x10: {  	s23 =	sshrl.u32 s6, $0x3;
	s16 =	sshrl.u32 s5, $0x1;
	[dreg:$0x19] =	wrdreg s19  }
0x11: {  	[dreg:$0x1b] =	wrdreg s21;
	s10 =	sor.u32 $0x800, s7;
	s8 =	sadd.s32 s23, s0  }
0x12: {  	s12 =	sor.u32 $0x400, s7;
	s5 =	ssub.s32 s5, s16;
	s23 =	simm.s32 $0x300  }
0x13: {  	s7 =	sshrl.u32 s7, $0x3;
	s16 =	simm.s32 $0x580;
	[dreg:$0xd] =	wrdreg s23  }
0x14: {  	s30 =	simm.s32 $0x8;
	s20 =	sadd.s32 s11, s7;
	[dreg:$0x16] =	wrdreg s16  }
0x15: {  	s6 =	sadd.s32 s6, s9;
	s9 =	sadd.s32 $0x2000, s8;
	[smem:$0x7F7] =	sst s20  }
0x16: {  	s10 =	sshrl.u32 s10, $0x3;
	s23 =	simm.s32 $0x780;
	[smem:$0x7FA] =	sst s9  }
0x17: {  	s31 =	simm.s32 $0xA;
	s24 =	sadd.s32 s10, s2;
	[dreg:$0x1d] =	wrdreg s23  }
0x18: {  	s26 =	sshrl.u32 s12, $0x3;
	s25 =	sadd.s32 s10, s11;
	[dreg:$0x4] =	wrdreg s24  }
0x19: {  	s4 =	sadd.s32 $0x3AA00, s0;
	s12 =	sadd.s32 s26, s2;
	[dreg:$0x5] =	wrdreg s25  }
0x1a: {  	s13 =	simm.s32 $0x50;
	s14 =	sadd.s32 s26, s11;
	[dreg:$0x6] =	wrdreg s12  }
0x1b: {  	s18 =	simm.s32 $0x6000;
	s2 =	sadd.s32 s2, s7;
	[dreg:$0x7] =	wrdreg s14  }
0x1c: {  	s19 =	simm.s32 $0x400;
	s26 =	simm.s32 $0x380;
	[smem:$0x7F8] =	sst s2  }
0x1d: {  	s21 =	simm.s32 $0x8800;
	s7 =	simm.s32 $0xA00;
	[dreg:$0xf] =	wrdreg s26  }
0x1e: {  	s6 =	sshrl.u32 s6, $0x3;
	s10 =	simm.s32 $0xA80;
	[dreg:$0x10] =	wrdreg s7  }
0x1f: {  	s16 =	simm.s32 $0x3800;
	s11 =	simm.s32 $0x480;
	[dreg:$0x11] =	wrdreg s10  }
0x20: {  	s0 =	sadd.s32 s6, s0;
	s20 =	simm.s32 $0xD00;
	[dreg:$0x12] =	wrdreg s11  }
0x21: {  	s23 =	simm.s32 $0x5;
	s24 =	simm.s32 $0x980;
	[dreg:$0x1a] =	wrdreg s20  }
0x22: {  	s25 =	sshrl.u32 s22, $0x2;
	s0 =	sadd.s32 $0x62A00, s0;
	[dreg:$0xe] =	wrdreg s24  }
0x23: {  	s12 =	smax.u32 s5, $0x1;
	s11 =	simm.s32 $0xB;
	[smem:$0x7FB] =	sst s0  }
0x24: {  	s14 =	simm.s32 $0x500;
	s22 =	simm.s32 $0xD80;
	[smem:$0x7FC] =	sst s12  }
0x25: {  	s20 =	simm.s32 $0xC00;
	s26 =	simm.s32 $0xF80;
	[dreg:$0x14] =	wrdreg s14  }
0x26: {  	s6 =	sadd.s32 s25, s1;
	s12 =	simm.s32 $0x800;
	[dreg:$0x1c] =	wrdreg s22  }
0x27: {  	s14 =	simm.s32 $0x1000;
	s24 =	simm.s32 $0xE00;
	[smem:$0x7FD] =	sst s26  }
0x28: {  	s22 =	simm.s32 $0x1;
	s25 =	simm.s32 $0xF00;
	[smem:$0x7F9] =	sst s6  }
0x29: {  	s26 =	simm.s32 $0x3;
	s0 =	simm.s32 $0x0;
	[dreg:$0x1e] =	wrdreg s24  }
0x2a: {  	[dreg:$0x1f] =	wrdreg s25;
	s24 =	simm.s32 $0x2;
	s25 =	simm.s32 $0x6  }
.LBB2_1:
0x2b: {  	s2 =	sld [smem:$0x7F7];
	_ =	sdelay $0x2  }
0x2c: {  	[tilespmem:s3], [sflag:$0xB] =	stream.linear.gather [hbm4b:s2+s3], $0x400, $0x38;
	[tilespmem:$0x1F000] =	vst v63  }
0x2d: {  	_ =	swait.ge [sflag:s11], $0x400  }
0x2e: {  	s17 =	sld [smem:$0x7F8]  }
0x2f: {  	[sflag:s11] =	ssyncset.done $0x0  }
0x30: {  	[sflag:s11] =	ssyncadd.s32 $0xFFFFFC00  }
0x31: {  	[tilespmem:s12], [sflag:$0xB] =	stream.linear.gather [hbm4b:s17+s3], $0x400, $0x38;
	[tilespmem:$0x1F000] =	vst v63  }
0x32: {  	_ =	swait.ge [sflag:s11], $0x400  }
0x33: {  	[sflag:s11] =	ssyncset.done $0x0  }
0x34: {  	s7 =	stileid.u32;
	s8 =	sld [smem:$0x7F9];
	[sflag:s11] =	ssyncadd.s32 $0xFFFFFC00  }
0x35: {  	[tilespmem:s14], [sflag:$0x1] =	stream.indirect.gather [hbm4b:s4+s13], $0x80, s3, s13, $0xb8;
	[tilespmem:$0x1F000] =	vst v63  }
0x36: {  	s5 =	simm.s32 $0x80;
	s2 =	sshll.u32 s7, $0x6;
	s9 =	sld [smem:$0x7FA]  }
0x37: {  	[tilespmem:s16], [sflag:$0x2] =	stream.indirect.gather [hbm4b:s4+s13], $0x80, s5, s13, $0xb8;
	[tilespmem:$0x1F000] =	vst v63  }
0x38: {  	s6 =	simm.s32 $0x100;
	s15 =	sor.u32 $0x1C0B, s2;
	s17 =	sshrl.u32 s8, $0x3  }
0x39: {  	[tilespmem:s18], [sflag:$0x3] =	stream.indirect.gather [hbm4b:s4+s13], $0x80, s6, s13, $0xb8;
	[tilespmem:$0x1F000] =	vst v63  }
0x3a: {  	[spmem:s17], [sflag:s15] =	dma.local [hbm:s9], $0x2800  }
0x3b: {  	_ =	swait.ge [sflag:s11], $0x2800  }
0x3c: {  	p0 =	por $0x1, $0x1;
	[sflag:s11] =	ssyncset.done $0x0  }
0x3d: {  	p0 =	por p0, p0;
	[sflag:s11] =	ssyncadd.s32 $0xFFFFD800  }
0x3e: {  	s2 =	simm.s32 @!p0 $0x8;
	[bflag:$0x0] =	sbarrier.arrive $0xFFFF  }
0x3f: {  	_ =	swait.ge @!p0 [sflag:s2], $0x2800  }
0x40: {  	s5 =	rddreg [dreg:$0x7];
	[sflag:s2] =	ssyncset.done @!p0 $0x0  }
0x41: {  	s6 =	rddreg [dreg:$0x6];
	[sflag:s2] =	ssyncadd.s32 @!p0 $0xFFFFD800;
	s10 =	sadd.s32 $0x0, s5  }
0x42: {  	[tilespmem:s19], [sflag:$0xA] =	stream.linear.gather [hbm4b:s10+s3], $0x400, $0x38;
	[tilespmem:$0x1F000] =	vst v63  }
0x43: {  	s5 =	sadd.s32 $0x0, s6  }
0x44: {  	[tilespmem:s20], [sflag:$0xA] =	stream.linear.gather [hbm4b:s5+s3], $0x400, $0x38;
	[tilespmem:$0x1F000] =	vst v63  }
0x45: {  	s6 =	rddreg [dreg:$0x8]  }
0x46: {  	[tilespmem:s21], [sflag:$0x4] =	stream.indirect.gather [hbm4b:s4+s13], $0x80, s6, s13, $0xb8;
	[tilespmem:$0x1F000] =	vst v63  }
0x47: {  	_ =	swait.ge [sflag:s22], $0x2800  }
0x48: {  	[sflag:s22] =	ssyncset.done $0x0  }
0x49: {  	[sflag:s22] =	ssyncadd.s32 $0xFFFFD800  }
0x4a: {  	[spmem:s1] =	stream.indirect.scatter.add.f32 [tilespmem:s14], [sflag:$0x5], $0x80, s12, s13, $0xb8;
	[tilespmem:$0x1F000] =	vst v63  }
0x4b: {  	_ =	swait.ge [sflag:s23], $0x2800  }
0x4c: {  	[sflag:s23] =	ssyncset.done $0x0  }
0x4d: {  	s7 =	rddreg [dreg:$0x9];
	[sflag:s23] =	ssyncadd.s32 $0xFFFFD800  }
0x4e: {  	[tilespmem:s14], [sflag:$0x1] =	stream.indirect.gather [hbm4b:s4+s13], $0x80, s7, s13, $0xb8;
	[tilespmem:$0x1F000] =	vst v63  }
0x4f: {  	_ =	swait.ge [sflag:s24], $0x2800  }
0x50: {  	[sflag:s24] =	ssyncset.done $0x0  }
0x51: {  	s8 =	rddreg [dreg:$0xa];
	[sflag:s24] =	ssyncadd.s32 $0xFFFFD800  }
0x52: {  	[spmem:s1] =	stream.indirect.scatter.add.f32 [tilespmem:s16], [sflag:$0x6], $0x80, s8, s13, $0xb8;
	[tilespmem:$0x1F000] =	vst v63  }
0x53: {  	_ =	swait.ge [sflag:s25], $0x2800  }
0x54: {  	[sflag:s25] =	ssyncset.done $0x0  }
0x55: {  	s9 =	rddreg [dreg:$0xb];
	[sflag:s25] =	ssyncadd.s32 $0xFFFFD800  }
0x56: {  	[tilespmem:s16], [sflag:$0x2] =	stream.indirect.gather [hbm4b:s4+s13], $0x80, s9, s13, $0xb8;
	[tilespmem:$0x1F000] =	vst v63  }
0x57: {  	_ =	swait.ge [sflag:s26], $0x2800  }
0x58: {  	[sflag:s26] =	ssyncset.done $0x0  }
0x59: {  	s10 =	rddreg [dreg:$0xc];
	[sflag:s26] =	ssyncadd.s32 $0xFFFFD800  }
0x5a: {  	[spmem:s1] =	stream.indirect.scatter.add.f32 [tilespmem:s18], [sflag:$0x7], $0x80, s10, s13, $0xb8;
	[tilespmem:$0x1F000] =	vst v63  }
0x5b: {  	_ =	swait.ge [sflag:s28], $0x2800  }
0x5c: {  	[sflag:s28] =	ssyncset.done $0x0  }
0x5d: {  	s5 =	rddreg [dreg:$0xd];
	[sflag:s28] =	ssyncadd.s32 $0xFFFFD800  }
0x5e: {  	[tilespmem:s18], [sflag:$0x3] =	stream.indirect.gather [hbm4b:s4+s13], $0x80, s5, s13, $0xb8;
	[tilespmem:$0x1F000] =	vst v63  }
0x5f: {  	_ =	swait.ge [sflag:s29], $0x2800  }
0x60: {  	[sflag:s29] =	ssyncset.done $0x0  }
0x61: {  	s6 =	rddreg [dreg:$0xe];
	[sflag:s29] =	ssyncadd.s32 $0xFFFFD800  }
0x62: {  	[spmem:s1] =	stream.indirect.scatter.add.f32 [tilespmem:s21], [sflag:$0x8], $0x80, s6, s13, $0xb8;
	[tilespmem:$0x1F000] =	vst v63  }
0x63: {  	_ =	swait.ge [sflag:s30], $0x2800  }
0x64: {  	[sflag:s30] =	ssyncset.done $0x0  }
0x65: {  	s7 =	rddreg [dreg:$0xf];
	[sflag:s30] =	ssyncadd.s32 $0xFFFFD800  }
0x66: {  	[tilespmem:s21], [sflag:$0x4] =	stream.indirect.gather [hbm4b:s4+s13], $0x80, s7, s13, $0xb8;
	[tilespmem:$0x1F000] =	vst v63  }
0x67: {  	_ =	swait.ge [sflag:s22], $0x2800  }
0x68: {  	[sflag:s22] =	ssyncset.done $0x0  }
0x69: {  	s8 =	rddreg [dreg:$0x10];
	[sflag:s22] =	ssyncadd.s32 $0xFFFFD800  }
0x6a: {  	[spmem:s1] =	stream.indirect.scatter.add.f32 [tilespmem:s14], [sflag:$0x5], $0x80, s8, s13, $0xb8;
	[tilespmem:$0x1F000] =	vst v63  }
0x6b: {  	_ =	swait.ge [sflag:s23], $0x2800  }
0x6c: {  	[sflag:s23] =	ssyncset.done $0x0  }
0x6d: {  	[sflag:s23] =	ssyncadd.s32 $0xFFFFD800  }
0x6e: {  	_ =	swait.ge [sflag:s31], $0x400  }
0x6f: {  	[sflag:s31] =	ssyncset.done $0x0  }
0x70: {  	[sflag:s31] =	ssyncadd.s32 $0xFFFFFC00  }
0x71: {  	_ =	swait.ge [sflag:s31], $0x400  }
0x72: {  	[sflag:s31] =	ssyncset.done $0x0  }
0x73: {  	[sflag:s31] =	ssyncadd.s32 $0xFFFFFC00  }
0x74: {  	[tilespmem:s14], [sflag:$0x1] =	stream.indirect.gather [hbm4b:s4+s13], $0x80, s19, s13, $0xb8;
	[tilespmem:$0x1F000] =	vst v63  }
0x75: {  	_ =	swait.ge [sflag:s24], $0x2800  }
0x76: {  	[sflag:s24] =	ssyncset.done $0x0  }
0x77: {  	s9 =	rddreg [dreg:$0x11];
	[sflag:s24] =	ssyncadd.s32 $0xFFFFD800  }
0x78: {  	[spmem:s1] =	stream.indirect.scatter.add.f32 [tilespmem:s16], [sflag:$0x6], $0x80, s9, s13, $0xb8;
	[tilespmem:$0x1F000] =	vst v63  }
0x79: {  	_ =	swait.ge [sflag:s25], $0x2800  }
0x7a: {  	[sflag:s25] =	ssyncset.done $0x0  }
0x7b: {  	s10 =	rddreg [dreg:$0x12];
	[sflag:s25] =	ssyncadd.s32 $0xFFFFD800  }
0x7c: {  	[tilespmem:s16], [sflag:$0x2] =	stream.indirect.gather [hbm4b:s4+s13], $0x80, s10, s13, $0xb8;
	[tilespmem:$0x1F000] =	vst v63  }
0x7d: {  	_ =	swait.ge [sflag:s26], $0x2800  }
0x7e: {  	[sflag:s26] =	ssyncset.done $0x0  }
0x7f: {  	s5 =	rddreg [dreg:$0x13];
	[sflag:s26] =	ssyncadd.s32 $0xFFFFD800  }
0x80: {  	[spmem:s1] =	stream.indirect.scatter.add.f32 [tilespmem:s18], [sflag:$0x7], $0x80, s5, s13, $0xb8;
	[tilespmem:$0x1F000] =	vst v63  }
0x81: {  	_ =	swait.ge [sflag:s28], $0x2800  }
0x82: {  	[sflag:s28] =	ssyncset.done $0x0  }
0x83: {  	s6 =	rddreg [dreg:$0x14];
	[sflag:s28] =	ssyncadd.s32 $0xFFFFD800  }
0x84: {  	[tilespmem:s18], [sflag:$0x3] =	stream.indirect.gather [hbm4b:s4+s13], $0x80, s6, s13, $0xb8;
	[tilespmem:$0x1F000] =	vst v63  }
0x85: {  	_ =	swait.ge [sflag:s29], $0x2800  }
0x86: {  	[sflag:s29] =	ssyncset.done $0x0  }
0x87: {  	s7 =	rddreg [dreg:$0x15];
	[sflag:s29] =	ssyncadd.s32 $0xFFFFD800  }
0x88: {  	[spmem:s1] =	stream.indirect.scatter.add.f32 [tilespmem:s21], [sflag:$0x8], $0x80, s7, s13, $0xb8;
	[tilespmem:$0x1F000] =	vst v63  }
0x89: {  	p0 =	por $0x0, $0x0;
	_ =	swait.ge [sflag:s30], $0x2800  }
0x8a: {  	s6 =	simm.s32 @!p0 $0x0;
	s2 =	rddreg [dreg:$0x5];
	[sflag:s30] =	ssyncset.done $0x0  }
0x8b: {  	s5 =	rddreg [dreg:$0x4];
	[sflag:s30] =	ssyncadd.s32 $0xFFFFD800;
	s2 =	sadd.s32 @!p0 $0x0, s2  }
0x8c: {  	[tilespmem:s6], [sflag:$0x9] =	stream.linear.gather @!p0 [hbm4b:s2+s6], $0x400, $0x38;
	[tilespmem:$0x1F000] =	vst v63  }
0x8d: {  	s2 =	sadd.s32 @!p0 $0x0, s5;
	s5 =	simm.s32 @!p0 $0x800  }
0x8e: {  	[tilespmem:s5], [sflag:$0x9] =	stream.linear.gather @!p0 [hbm4b:s2+s6], $0x400, $0x38;
	[tilespmem:$0x1F000] =	vst v63  }
0x8f: {  	s7 =	rddreg [dreg:$0x16]  }
0x90: {  	[tilespmem:s21], [sflag:$0x4] =	stream.indirect.gather [hbm4b:s4+s13], $0x80, s7, s13, $0xb8;
	[tilespmem:$0x1F000] =	vst v63  }
0x91: {  	_ =	swait.ge [sflag:s22], $0x2800  }
0x92: {  	[sflag:s22] =	ssyncset.done $0x0  }
0x93: {  	[sflag:s22] =	ssyncadd.s32 $0xFFFFD800  }
0x94: {  	[spmem:s1] =	stream.indirect.scatter.add.f32 [tilespmem:s14], [sflag:$0x5], $0x80, s20, s13, $0xb8;
	[tilespmem:$0x1F000] =	vst v63  }
0x95: {  	_ =	swait.ge [sflag:s23], $0x2800  }
0x96: {  	[sflag:s23] =	ssyncset.done $0x0  }
0x97: {  	s8 =	rddreg [dreg:$0x17];
	[sflag:s23] =	ssyncadd.s32 $0xFFFFD800  }
0x98: {  	[tilespmem:s14], [sflag:$0x1] =	stream.indirect.gather [hbm4b:s4+s13], $0x80, s8, s13, $0xb8;
	[tilespmem:$0x1F000] =	vst v63  }
0x99: {  	_ =	swait.ge [sflag:s24], $0x2800  }
0x9a: {  	[sflag:s24] =	ssyncset.done $0x0  }
0x9b: {  	s9 =	rddreg [dreg:$0x18];
	[sflag:s24] =	ssyncadd.s32 $0xFFFFD800  }
0x9c: {  	[spmem:s1] =	stream.indirect.scatter.add.f32 [tilespmem:s16], [sflag:$0x6], $0x80, s9, s13, $0xb8;
	[tilespmem:$0x1F000] =	vst v63  }
0x9d: {  	_ =	swait.ge [sflag:s25], $0x2800  }
0x9e: {  	[sflag:s25] =	ssyncset.done $0x0  }
0x9f: {  	s10 =	rddreg [dreg:$0x19];
	[sflag:s25] =	ssyncadd.s32 $0xFFFFD800  }
0xa0: {  	[tilespmem:s16], [sflag:$0x2] =	stream.indirect.gather [hbm4b:s4+s13], $0x80, s10, s13, $0xb8;
	[tilespmem:$0x1F000] =	vst v63  }
0xa1: {  	_ =	swait.ge [sflag:s26], $0x2800  }
0xa2: {  	[sflag:s26] =	ssyncset.done $0x0  }
0xa3: {  	s5 =	rddreg [dreg:$0x1a];
	[sflag:s26] =	ssyncadd.s32 $0xFFFFD800  }
0xa4: {  	[spmem:s1] =	stream.indirect.scatter.add.f32 [tilespmem:s18], [sflag:$0x7], $0x80, s5, s13, $0xb8;
	[tilespmem:$0x1F000] =	vst v63  }
0xa5: {  	_ =	swait.ge [sflag:s28], $0x2800  }
0xa6: {  	[sflag:s28] =	ssyncset.done $0x0  }
0xa7: {  	s6 =	rddreg [dreg:$0x1b];
	[sflag:s28] =	ssyncadd.s32 $0xFFFFD800  }
0xa8: {  	[tilespmem:s18], [sflag:$0x3] =	stream.indirect.gather [hbm4b:s4+s13], $0x80, s6, s13, $0xb8;
	[tilespmem:$0x1F000] =	vst v63  }
0xa9: {  	_ =	swait.ge [sflag:s29], $0x2800  }
0xaa: {  	[sflag:s29] =	ssyncset.done $0x0  }
0xab: {  	s7 =	rddreg [dreg:$0x1c];
	[sflag:s29] =	ssyncadd.s32 $0xFFFFD800  }
0xac: {  	[spmem:s1] =	stream.indirect.scatter.add.f32 [tilespmem:s21], [sflag:$0x8], $0x80, s7, s13, $0xb8;
	[tilespmem:$0x1F000] =	vst v63  }
0xad: {  	_ =	swait.ge [sflag:s30], $0x2800  }
0xae: {  	[sflag:s30] =	ssyncset.done $0x0  }
0xaf: {  	s8 =	rddreg [dreg:$0x1d];
	[sflag:s30] =	ssyncadd.s32 $0xFFFFD800  }
0xb0: {  	[tilespmem:s21], [sflag:$0x4] =	stream.indirect.gather [hbm4b:s4+s13], $0x80, s8, s13, $0xb8;
	[tilespmem:$0x1F000] =	vst v63  }
0xb1: {  	_ =	swait.ge [sflag:s22], $0x2800  }
0xb2: {  	p0 =	por $0x0, $0x0;
	[sflag:s22] =	ssyncset.done $0x0  }
0xb3: {  	s2 =	simm.s32 @p0 $0x2;
	s9 =	rddreg [dreg:$0x1e];
	[sflag:s22] =	ssyncadd.s32 $0xFFFFD800  }
0xb4: {  	[spmem:s1] =	stream.indirect.scatter.add.f32 [tilespmem:s14], [sflag:$0x5], $0x80, s9, s13, $0xb8;
	[tilespmem:$0x1F000] =	vst v63  }
0xb5: {  	_ =	swait.ge @p0 [sflag:s2], $0x2800  }
0xb6: {  	s5 =	simm.s32 @p0 $0x3800;
	s6 =	simm.s32 @p0 $0x50;
	[sflag:s2] =	ssyncset.done @p0 $0x0  }
0xb7: {  	s7 =	simm.s32 @p0 $0xE80;
	[sflag:s2] =	ssyncadd.s32 @p0 $0xFFFFD800;
	s2 =	simm.s32 @!p0 $0x5  }
0xb8: {  	[spmem:s1] =	stream.indirect.scatter.add.f32 @p0 [tilespmem:s5], [sflag:$0x6], $0x80, s7, s6, $0xb8;
	[tilespmem:$0x1F000] =	vst v63  }
0xb9: {  	_ =	swait.ge @!p0 [sflag:s2], $0x2800  }
0xba: {  	[sflag:s2] =	ssyncset.done @!p0 $0x0  }
0xbb: {  	s5 =	simm.s32 @!p0 $0x9;
	[sflag:s2] =	ssyncadd.s32 @!p0 $0xFFFFD800  }
0xbc: {  	_ =	swait.ge @!p0 [sflag:s5], $0x400  }
0xbd: {  	[sflag:s5] =	ssyncset.done @!p0 $0x0  }
0xbe: {  	[sflag:s5] =	ssyncadd.s32 @!p0 $0xFFFFFC00  }
0xbf: {  	_ =	swait.ge @!p0 [sflag:s5], $0x400  }
0xc0: {  	s6 =	simm.s32 @!p0 $0x50;
	s7 =	simm.s32 @!p0 $0x0;
	[sflag:s5] =	ssyncset.done @!p0 $0x0  }
0xc1: {  	s2 =	simm.s32 @!p0 $0x1000;
	[sflag:s5] =	ssyncadd.s32 @!p0 $0xFFFFFC00;
	s5 =	simm.s32 @!p0 $0x2  }
0xc2: {  	[tilespmem:s2], [sflag:$0x1] =	stream.indirect.gather @!p0 [hbm4b:s4+s6], $0x80, s7, s6, $0xb8;
	[tilespmem:$0x1F000] =	vst v63  }
0xc3: {  	_ =	swait.ge @!p0 [sflag:s5], $0x2800  }
0xc4: {  	s2 =	simm.s32 @!p0 $0xE80;
	[sflag:s5] =	ssyncset.done @!p0 $0x0  }
0xc5: {  	s7 =	simm.s32 @!p0 $0x3800;
	[sflag:s5] =	ssyncadd.s32 @!p0 $0xFFFFD800;
	s5 =	simm.s32 @!p0 $0x6  }
0xc6: {  	[spmem:s1] =	stream.indirect.scatter.add.f32 @!p0 [tilespmem:s7], [sflag:$0x6], $0x80, s2, s6, $0xb8;
	[tilespmem:$0x1F000] =	vst v63  }
0xc7: {  	_ =	swait.ge @!p0 [sflag:s5], $0x2800  }
0xc8: {  	[sflag:s5] =	ssyncset.done @!p0 $0x0  }
0xc9: {  	s2 =	simm.s32 @!p0 $0x80;
	[sflag:s5] =	ssyncadd.s32 @!p0 $0xFFFFD800  }
0xca: {  	[tilespmem:s7], [sflag:$0x2] =	stream.indirect.gather @!p0 [hbm4b:s4+s6], $0x80, s2, s6, $0xb8;
	[tilespmem:$0x1F000] =	vst v63  }
0xcb: {  	_ =	swait.ge [sflag:s26], $0x2800  }
0xcc: {  	[sflag:s26] =	ssyncset.done $0x0  }
0xcd: {  	s5 =	simm.s32 @!p0 $0x7;
	s10 =	rddreg [dreg:$0x1f];
	[sflag:s26] =	ssyncadd.s32 $0xFFFFD800  }
0xce: {  	[spmem:s1] =	stream.indirect.scatter.add.f32 [tilespmem:s18], [sflag:$0x7], $0x80, s10, s13, $0xb8;
	[tilespmem:$0x1F000] =	vst v63  }
0xcf: {  	_ =	swait.ge @!p0 [sflag:s5], $0x2800  }
0xd0: {  	[sflag:s5] =	ssyncset.done @!p0 $0x0  }
0xd1: {  	s2 =	simm.s32 @!p0 $0x100;
	s7 =	simm.s32 @!p0 $0x6000;
	[sflag:s5] =	ssyncadd.s32 @!p0 $0xFFFFD800  }
0xd2: {  	[tilespmem:s7], [sflag:$0x3] =	stream.indirect.gather @!p0 [hbm4b:s4+s6], $0x80, s2, s6, $0xb8;
	[tilespmem:$0x1F000] =	vst v63  }
0xd3: {  	p6 =	por $0x0, $0x0;
	s5 =	simm.s32 $0x100;
	_ =	swait.ge [sflag:s29], $0x2800  }
0xd4: {  	s6 =	simm.s32 $0x200;
	p0 =	por p6, p6;
	[sflag:s29] =	ssyncset.done $0x0  }
0xd5: {  	s2 =	simm.s32 $0x3;
	s8 =	sld [smem:$0x7FD];
	[sflag:s29] =	ssyncadd.s32 $0xFFFFD800  }
.LBB2_2:
0xd6: {  	_ = 	snop  }
0xd7: {  	s9 =	simm.s32 @!p0 $0x8  }
0xd8: {  	[spmem:s1] =	stream.indirect.scatter.add.f32 [tilespmem:s21], [sflag:$0x8], $0x80, s8, s13, $0xb8;
	[tilespmem:$0x1F000] =	vst v63  }
0xd9: {  	_ =	swait.ge @!p0 [sflag:s9], $0x2800  }
0xda: {  	s8 =	rddreg [dreg:$0x7];
	[sflag:s9] =	ssyncset.done @!p0 $0x0  }
0xdb: {  	s10 =	rddreg [dreg:$0x6];
	[sflag:s9] =	ssyncadd.s32 @!p0 $0xFFFFD800;
	s8 =	sadd.s32 s5, s8  }
0xdc: {  	[tilespmem:s19], [sflag:$0xA] =	stream.linear.gather [hbm4b:s8+s3], $0x400, $0x38;
	[tilespmem:$0x1F000] =	vst v63  }
0xdd: {  	s9 =	sadd.s32 s5, s10  }
0xde: {  	[tilespmem:s20], [sflag:$0xA] =	stream.linear.gather [hbm4b:s9+s3], $0x400, $0x38;
	[tilespmem:$0x1F000] =	vst v63  }
0xdf: {  	s10 =	rddreg [dreg:$0x8]  }
0xe0: {  	[tilespmem:s21], [sflag:$0x4] =	stream.indirect.gather [hbm4b:s4+s13], $0x80, s10, s13, $0xb8;
	[tilespmem:$0x1F000] =	vst v63  }
0xe1: {  	_ =	swait.ge [sflag:s22], $0x2800  }
0xe2: {  	[sflag:s22] =	ssyncset.done $0x0  }
0xe3: {  	[sflag:s22] =	ssyncadd.s32 $0xFFFFD800  }
0xe4: {  	[spmem:s1] =	stream.indirect.scatter.add.f32 [tilespmem:s14], [sflag:$0x5], $0x80, s12, s13, $0xb8;
	[tilespmem:$0x1F000] =	vst v63  }
0xe5: {  	_ =	swait.ge [sflag:s23], $0x2800  }
0xe6: {  	[sflag:s23] =	ssyncset.done $0x0  }
0xe7: {  	s10 =	rddreg [dreg:$0x9];
	[sflag:s23] =	ssyncadd.s32 $0xFFFFD800  }
0xe8: {  	[tilespmem:s14], [sflag:$0x1] =	stream.indirect.gather [hbm4b:s4+s13], $0x80, s10, s13, $0xb8;
	[tilespmem:$0x1F000] =	vst v63  }
0xe9: {  	_ =	swait.ge [sflag:s24], $0x2800  }
0xea: {  	[sflag:s24] =	ssyncset.done $0x0  }
0xeb: {  	s9 =	rddreg [dreg:$0xa];
	[sflag:s24] =	ssyncadd.s32 $0xFFFFD800  }
0xec: {  	[spmem:s1] =	stream.indirect.scatter.add.f32 [tilespmem:s16], [sflag:$0x6], $0x80, s9, s13, $0xb8;
	[tilespmem:$0x1F000] =	vst v63  }
0xed: {  	_ =	swait.ge [sflag:s25], $0x2800  }
0xee: {  	[sflag:s25] =	ssyncset.done $0x0  }
0xef: {  	s10 =	rddreg [dreg:$0xb];
	[sflag:s25] =	ssyncadd.s32 $0xFFFFD800  }
0xf0: {  	[tilespmem:s16], [sflag:$0x2] =	stream.indirect.gather [hbm4b:s4+s13], $0x80, s10, s13, $0xb8;
	[tilespmem:$0x1F000] =	vst v63  }
0xf1: {  	_ =	swait.ge [sflag:s26], $0x2800  }
0xf2: {  	[sflag:s26] =	ssyncset.done $0x0  }
0xf3: {  	s9 =	rddreg [dreg:$0xc];
	[sflag:s26] =	ssyncadd.s32 $0xFFFFD800  }
0xf4: {  	[spmem:s1] =	stream.indirect.scatter.add.f32 [tilespmem:s18], [sflag:$0x7], $0x80, s9, s13, $0xb8;
	[tilespmem:$0x1F000] =	vst v63  }
0xf5: {  	_ =	swait.ge [sflag:s28], $0x2800  }
0xf6: {  	[sflag:s28] =	ssyncset.done $0x0  }
0xf7: {  	s10 =	rddreg [dreg:$0xd];
	[sflag:s28] =	ssyncadd.s32 $0xFFFFD800  }
0xf8: {  	[tilespmem:s18], [sflag:$0x3] =	stream.indirect.gather [hbm4b:s4+s13], $0x80, s10, s13, $0xb8;
	[tilespmem:$0x1F000] =	vst v63  }
0xf9: {  	_ =	swait.ge [sflag:s29], $0x2800  }
0xfa: {  	[sflag:s29] =	ssyncset.done $0x0  }
0xfb: {  	s9 =	rddreg [dreg:$0xe];
	[sflag:s29] =	ssyncadd.s32 $0xFFFFD800  }
0xfc: {  	[spmem:s1] =	stream.indirect.scatter.add.f32 [tilespmem:s21], [sflag:$0x8], $0x80, s9, s13, $0xb8;
	[tilespmem:$0x1F000] =	vst v63  }
0xfd: {  	_ =	swait.ge [sflag:s30], $0x2800  }
0xfe: {  	[sflag:s30] =	ssyncset.done $0x0  }
0xff: {  	s10 =	rddreg [dreg:$0xf];
	[sflag:s30] =	ssyncadd.s32 $0xFFFFD800  }
0x100: {  	[tilespmem:s21], [sflag:$0x4] =	stream.indirect.gather [hbm4b:s4+s13], $0x80, s10, s13, $0xb8;
	[tilespmem:$0x1F000] =	vst v63  }
0x101: {  	_ =	swait.ge [sflag:s22], $0x2800  }
0x102: {  	[sflag:s22] =	ssyncset.done $0x0  }
0x103: {  	s9 =	rddreg [dreg:$0x10];
	[sflag:s22] =	ssyncadd.s32 $0xFFFFD800  }
0x104: {  	[spmem:s1] =	stream.indirect.scatter.add.f32 [tilespmem:s14], [sflag:$0x5], $0x80, s9, s13, $0xb8;
	[tilespmem:$0x1F000] =	vst v63  }
0x105: {  	_ =	swait.ge [sflag:s23], $0x2800  }
0x106: {  	[sflag:s23] =	ssyncset.done $0x0  }
0x107: {  	[sflag:s23] =	ssyncadd.s32 $0xFFFFD800  }
0x108: {  	_ =	swait.ge [sflag:s31], $0x400  }
0x109: {  	[sflag:s31] =	ssyncset.done $0x0  }
0x10a: {  	[sflag:s31] =	ssyncadd.s32 $0xFFFFFC00  }
0x10b: {  	_ =	swait.ge [sflag:s31], $0x400  }
0x10c: {  	[sflag:s31] =	ssyncset.done $0x0  }
0x10d: {  	[sflag:s31] =	ssyncadd.s32 $0xFFFFFC00  }
0x10e: {  	[tilespmem:s14], [sflag:$0x1] =	stream.indirect.gather [hbm4b:s4+s13], $0x80, s19, s13, $0xb8;
	[tilespmem:$0x1F000] =	vst v63  }
0x10f: {  	_ =	swait.ge [sflag:s24], $0x2800  }
0x110: {  	[sflag:s24] =	ssyncset.done $0x0  }
0x111: {  	s10 =	rddreg [dreg:$0x11];
	[sflag:s24] =	ssyncadd.s32 $0xFFFFD800  }
0x112: {  	[spmem:s1] =	stream.indirect.scatter.add.f32 [tilespmem:s16], [sflag:$0x6], $0x80, s10, s13, $0xb8;
	[tilespmem:$0x1F000] =	vst v63  }
0x113: {  	_ =	swait.ge [sflag:s25], $0x2800  }
0x114: {  	[sflag:s25] =	ssyncset.done $0x0  }
0x115: {  	s9 =	rddreg [dreg:$0x12];
	[sflag:s25] =	ssyncadd.s32 $0xFFFFD800  }
0x116: {  	[tilespmem:s16], [sflag:$0x2] =	stream.indirect.gather [hbm4b:s4+s13], $0x80, s9, s13, $0xb8;
	[tilespmem:$0x1F000] =	vst v63  }
0x117: {  	_ =	swait.ge [sflag:s26], $0x2800  }
0x118: {  	[sflag:s26] =	ssyncset.done $0x0  }
0x119: {  	s10 =	rddreg [dreg:$0x13];
	[sflag:s26] =	ssyncadd.s32 $0xFFFFD800  }
0x11a: {  	[spmem:s1] =	stream.indirect.scatter.add.f32 [tilespmem:s18], [sflag:$0x7], $0x80, s10, s13, $0xb8;
	[tilespmem:$0x1F000] =	vst v63  }
0x11b: {  	_ =	swait.ge [sflag:s28], $0x2800  }
0x11c: {  	[sflag:s28] =	ssyncset.done $0x0  }
0x11d: {  	s9 =	rddreg [dreg:$0x14];
	[sflag:s28] =	ssyncadd.s32 $0xFFFFD800  }
0x11e: {  	[tilespmem:s18], [sflag:$0x3] =	stream.indirect.gather [hbm4b:s4+s13], $0x80, s9, s13, $0xb8;
	[tilespmem:$0x1F000] =	vst v63  }
0x11f: {  	_ =	swait.ge [sflag:s29], $0x2800  }
0x120: {  	[sflag:s29] =	ssyncset.done $0x0  }
0x121: {  	p2 =	seq.s32 s6, $0x0;
	s10 =	rddreg [dreg:$0x15];
	[sflag:s29] =	ssyncadd.s32 $0xFFFFD800  }
0x122: {  	[spmem:s1] =	stream.indirect.scatter.add.f32 [tilespmem:s21], [sflag:$0x8], $0x80, s10, s13, $0xb8;
	[tilespmem:$0x1F000] =	vst v63  }
0x123: {  	p0 =	por p2, p2;
	p2 =	seq.s32 s5, $0x700;
	_ =	swait.ge [sflag:s30], $0x2800  }
0x124: {  	s10 =	simm.s32 @!p2 $0x0;
	s8 =	rddreg [dreg:$0x5];
	[sflag:s30] =	ssyncset.done $0x0  }
0x125: {  	s9 =	rddreg [dreg:$0x4];
	[sflag:s30] =	ssyncadd.s32 $0xFFFFD800;
	s8 =	sadd.s32 @!p2 s5, s8  }
0x126: {  	[tilespmem:s10], [sflag:$0x9] =	stream.linear.gather @!p2 [hbm4b:s8+s10], $0x400, $0x38;
	[tilespmem:$0x1F000] =	vst v63  }
0x127: {  	s5 =	sadd.s32 @!p2 s5, s9;
	s8 =	simm.s32 @!p2 $0x800  }
0x128: {  	[tilespmem:s8], [sflag:$0x9] =	stream.linear.gather @!p2 [hbm4b:s5+s10], $0x400, $0x38;
	[tilespmem:$0x1F000] =	vst v63  }
0x129: {  	s9 =	rddreg [dreg:$0x16]  }
0x12a: {  	[tilespmem:s21], [sflag:$0x4] =	stream.indirect.gather [hbm4b:s4+s13], $0x80, s9, s13, $0xb8;
	[tilespmem:$0x1F000] =	vst v63  }
0x12b: {  	_ =	swait.ge [sflag:s22], $0x2800  }
0x12c: {  	[sflag:s22] =	ssyncset.done $0x0  }
0x12d: {  	[sflag:s22] =	ssyncadd.s32 $0xFFFFD800  }
0x12e: {  	[spmem:s1] =	stream.indirect.scatter.add.f32 [tilespmem:s14], [sflag:$0x5], $0x80, s20, s13, $0xb8;
	[tilespmem:$0x1F000] =	vst v63  }
0x12f: {  	_ =	swait.ge [sflag:s23], $0x2800  }
0x130: {  	[sflag:s23] =	ssyncset.done $0x0  }
0x131: {  	s8 =	rddreg [dreg:$0x17];
	[sflag:s23] =	ssyncadd.s32 $0xFFFFD800  }
0x132: {  	[tilespmem:s14], [sflag:$0x1] =	stream.indirect.gather [hbm4b:s4+s13], $0x80, s8, s13, $0xb8;
	[tilespmem:$0x1F000] =	vst v63  }
0x133: {  	_ =	swait.ge [sflag:s24], $0x2800  }
0x134: {  	[sflag:s24] =	ssyncset.done $0x0  }
0x135: {  	s9 =	rddreg [dreg:$0x18];
	[sflag:s24] =	ssyncadd.s32 $0xFFFFD800  }
0x136: {  	[spmem:s1] =	stream.indirect.scatter.add.f32 [tilespmem:s16], [sflag:$0x6], $0x80, s9, s13, $0xb8;
	[tilespmem:$0x1F000] =	vst v63  }
0x137: {  	_ =	swait.ge [sflag:s25], $0x2800  }
0x138: {  	[sflag:s25] =	ssyncset.done $0x0  }
0x139: {  	s10 =	rddreg [dreg:$0x19];
	[sflag:s25] =	ssyncadd.s32 $0xFFFFD800  }
0x13a: {  	[tilespmem:s16], [sflag:$0x2] =	stream.indirect.gather [hbm4b:s4+s13], $0x80, s10, s13, $0xb8;
	[tilespmem:$0x1F000] =	vst v63  }
0x13b: {  	_ =	swait.ge [sflag:s26], $0x2800  }
0x13c: {  	[sflag:s26] =	ssyncset.done $0x0  }
0x13d: {  	s8 =	rddreg [dreg:$0x1a];
	[sflag:s26] =	ssyncadd.s32 $0xFFFFD800  }
0x13e: {  	[spmem:s1] =	stream.indirect.scatter.add.f32 [tilespmem:s18], [sflag:$0x7], $0x80, s8, s13, $0xb8;
	[tilespmem:$0x1F000] =	vst v63  }
0x13f: {  	_ =	swait.ge [sflag:s28], $0x2800  }
0x140: {  	[sflag:s28] =	ssyncset.done $0x0  }
0x141: {  	s9 =	rddreg [dreg:$0x1b];
	[sflag:s28] =	ssyncadd.s32 $0xFFFFD800  }
0x142: {  	[tilespmem:s18], [sflag:$0x3] =	stream.indirect.gather [hbm4b:s4+s13], $0x80, s9, s13, $0xb8;
	[tilespmem:$0x1F000] =	vst v63  }
0x143: {  	_ =	swait.ge [sflag:s29], $0x2800  }
0x144: {  	[sflag:s29] =	ssyncset.done $0x0  }
0x145: {  	s10 =	rddreg [dreg:$0x1c];
	[sflag:s29] =	ssyncadd.s32 $0xFFFFD800  }
0x146: {  	[spmem:s1] =	stream.indirect.scatter.add.f32 [tilespmem:s21], [sflag:$0x8], $0x80, s10, s13, $0xb8;
	[tilespmem:$0x1F000] =	vst v63  }
0x147: {  	_ =	swait.ge [sflag:s30], $0x2800  }
0x148: {  	[sflag:s30] =	ssyncset.done $0x0  }
0x149: {  	s8 =	rddreg [dreg:$0x1d];
	[sflag:s30] =	ssyncadd.s32 $0xFFFFD800  }
0x14a: {  	[tilespmem:s21], [sflag:$0x4] =	stream.indirect.gather [hbm4b:s4+s13], $0x80, s8, s13, $0xb8;
	[tilespmem:$0x1F000] =	vst v63  }
0x14b: {  	s7 =	smov.u32 s6;
	_ =	swait.ge [sflag:s22], $0x2800  }
0x14c: {  	s5 =	smov.u32 s7;
	p2 =	sgt.u32 s2, $0xE;
	[sflag:s22] =	ssyncset.done $0x0  }
0x14d: {  	s7 =	simm.s32 @p2 $0x2;
	s9 =	rddreg [dreg:$0x1e];
	[sflag:s22] =	ssyncadd.s32 $0xFFFFD800  }
0x14e: {  	[spmem:s1] =	stream.indirect.scatter.add.f32 [tilespmem:s14], [sflag:$0x5], $0x80, s9, s13, $0xb8;
	[tilespmem:$0x1F000] =	vst v63  }
0x14f: {  	_ =	swait.ge @p2 [sflag:s7], $0x2800  }
0x150: {  	s10 =	simm.s32 @p2 $0xE80;
	s8 =	simm.s32 @p2 $0x3800;
	[sflag:s7] =	ssyncset.done @p2 $0x0  }
0x151: {  	s9 =	simm.s32 @p2 $0x50;
	[sflag:s7] =	ssyncadd.s32 @p2 $0xFFFFD800;
	s7 =	simm.s32 @!p2 $0x5  }
0x152: {  	[spmem:s1] =	stream.indirect.scatter.add.f32 @p2 [tilespmem:s8], [sflag:$0x6], $0x80, s10, s9, $0xb8;
	[tilespmem:$0x1F000] =	vst v63  }
0x153: {  	_ =	swait.ge @!p2 [sflag:s7], $0x2800  }
0x154: {  	[sflag:s7] =	ssyncset.done @!p2 $0x0  }
0x155: {  	s8 =	simm.s32 @!p2 $0x9;
	[sflag:s7] =	ssyncadd.s32 @!p2 $0xFFFFD800  }
0x156: {  	_ =	swait.ge @!p2 [sflag:s8], $0x400  }
0x157: {  	[sflag:s8] =	ssyncset.done @!p2 $0x0  }
0x158: {  	[sflag:s8] =	ssyncadd.s32 @!p2 $0xFFFFFC00  }
0x159: {  	_ =	swait.ge @!p2 [sflag:s8], $0x400  }
0x15a: {  	s9 =	simm.s32 @!p2 $0x50;
	s10 =	simm.s32 @!p2 $0x0;
	[sflag:s8] =	ssyncset.done @!p2 $0x0  }
0x15b: {  	s7 =	simm.s32 @!p2 $0x1000;
	[sflag:s8] =	ssyncadd.s32 @!p2 $0xFFFFFC00;
	s8 =	simm.s32 @!p2 $0x2  }
0x15c: {  	[tilespmem:s7], [sflag:$0x1] =	stream.indirect.gather @!p2 [hbm4b:s4+s9], $0x80, s10, s9, $0xb8;
	[tilespmem:$0x1F000] =	vst v63  }
0x15d: {  	_ =	swait.ge @!p2 [sflag:s8], $0x2800  }
0x15e: {  	s7 =	simm.s32 @!p2 $0xE80;
	[sflag:s8] =	ssyncset.done @!p2 $0x0  }
0x15f: {  	s10 =	simm.s32 @!p2 $0x3800;
	[sflag:s8] =	ssyncadd.s32 @!p2 $0xFFFFD800;
	s8 =	simm.s32 @!p2 $0x6  }
0x160: {  	[spmem:s1] =	stream.indirect.scatter.add.f32 @!p2 [tilespmem:s10], [sflag:$0x6], $0x80, s7, s9, $0xb8;
	[tilespmem:$0x1F000] =	vst v63  }
0x161: {  	_ =	swait.ge @!p2 [sflag:s8], $0x2800  }
0x162: {  	[sflag:s8] =	ssyncset.done @!p2 $0x0  }
0x163: {  	s7 =	simm.s32 @!p2 $0x80;
	[sflag:s8] =	ssyncadd.s32 @!p2 $0xFFFFD800  }
0x164: {  	[tilespmem:s10], [sflag:$0x2] =	stream.indirect.gather @!p2 [hbm4b:s4+s9], $0x80, s7, s9, $0xb8;
	[tilespmem:$0x1F000] =	vst v63  }
0x165: {  	_ =	swait.ge [sflag:s26], $0x2800  }
0x166: {  	[sflag:s26] =	ssyncset.done $0x0  }
0x167: {  	s8 =	simm.s32 @!p2 $0x7;
	s10 =	rddreg [dreg:$0x1f];
	[sflag:s26] =	ssyncadd.s32 $0xFFFFD800  }
0x168: {  	[spmem:s1] =	stream.indirect.scatter.add.f32 [tilespmem:s18], [sflag:$0x7], $0x80, s10, s13, $0xb8;
	[tilespmem:$0x1F000] =	vst v63  }
0x169: {  	s6 =	sadd.s32 $0x100, s6;
	_ =	swait.ge @!p2 [sflag:s8], $0x2800  }
0x16a: {  	p1 =	sne.s32 s6, $0x800;
	s7 =	simm.s32 @!p2 $0x100;
	[sflag:s8] =	ssyncset.done @!p2 $0x0  }
.Ltmp0:
0x16b: {  	s10 =	simm.s32 @!p2 $0x6000;
	[sflag:s8] =	ssyncadd.s32 @!p2 $0xFFFFD800;
	(pc) =	sbr.rel @p1 .LBB2_2-.Ltmp0, $4  }
0x16c: {  	[tilespmem:s10], [sflag:$0x3] =	stream.indirect.gather @!p2 [hbm4b:s4+s9], $0x80, s7, s9, $0xb8;
	[tilespmem:$0x1F000] =	vst v63  }
0x16d: {  	_ =	swait.ge [sflag:s29], $0x2800  }
0x16e: {  	[sflag:s29] =	ssyncset.done $0x0  }
0x16f: {  	s2 =	sadd.s32 $0x2, s2;
	s8 =	sld [smem:$0x7FD];
	[sflag:s29] =	ssyncadd.s32 $0xFFFFD800  }
0x170: {  	_ = 	snop  }
0x171: {  	s6 =	simm.s32 @!p0 $0x8  }
0x172: {  	[spmem:s1] =	stream.indirect.scatter.add.f32 [tilespmem:s21], [sflag:$0x8], $0x80, s8, s13, $0xb8;
	[tilespmem:$0x1F000] =	vst v63  }
0x173: {  	_ =	swait.ge @!p0 [sflag:s6], $0x2800  }
0x174: {  	s7 =	rddreg [dreg:$0x7];
	[sflag:s6] =	ssyncset.done @!p0 $0x0  }
0x175: {  	s10 =	rddreg [dreg:$0x6];
	[sflag:s6] =	ssyncadd.s32 @!p0 $0xFFFFD800;
	s7 =	sadd.s32 s5, s7  }
0x176: {  	[tilespmem:s19], [sflag:$0xA] =	stream.linear.gather [hbm4b:s7+s3], $0x400, $0x38;
	[tilespmem:$0x1F000] =	vst v63  }
0x177: {  	s9 =	sadd.s32 s5, s10  }
0x178: {  	[tilespmem:s20], [sflag:$0xA] =	stream.linear.gather [hbm4b:s9+s3], $0x400, $0x38;
	[tilespmem:$0x1F000] =	vst v63  }
0x179: {  	s10 =	rddreg [dreg:$0x8]  }
0x17a: {  	[tilespmem:s21], [sflag:$0x4] =	stream.indirect.gather [hbm4b:s4+s13], $0x80, s10, s13, $0xb8;
	[tilespmem:$0x1F000] =	vst v63  }
0x17b: {  	_ =	swait.ge [sflag:s22], $0x2800  }
0x17c: {  	[sflag:s22] =	ssyncset.done $0x0  }
0x17d: {  	[sflag:s22] =	ssyncadd.s32 $0xFFFFD800  }
0x17e: {  	[spmem:s1] =	stream.indirect.scatter.add.f32 [tilespmem:s14], [sflag:$0x5], $0x80, s12, s13, $0xb8;
	[tilespmem:$0x1F000] =	vst v63  }
0x17f: {  	_ =	swait.ge [sflag:s23], $0x2800  }
0x180: {  	[sflag:s23] =	ssyncset.done $0x0  }
0x181: {  	s8 =	rddreg [dreg:$0x9];
	[sflag:s23] =	ssyncadd.s32 $0xFFFFD800  }
0x182: {  	[tilespmem:s14], [sflag:$0x1] =	stream.indirect.gather [hbm4b:s4+s13], $0x80, s8, s13, $0xb8;
	[tilespmem:$0x1F000] =	vst v63  }
0x183: {  	_ =	swait.ge [sflag:s24], $0x2800  }
0x184: {  	[sflag:s24] =	ssyncset.done $0x0  }
0x185: {  	s9 =	rddreg [dreg:$0xa];
	[sflag:s24] =	ssyncadd.s32 $0xFFFFD800  }
0x186: {  	[spmem:s1] =	stream.indirect.scatter.add.f32 [tilespmem:s16], [sflag:$0x6], $0x80, s9, s13, $0xb8;
	[tilespmem:$0x1F000] =	vst v63  }
0x187: {  	_ =	swait.ge [sflag:s25], $0x2800  }
0x188: {  	[sflag:s25] =	ssyncset.done $0x0  }
0x189: {  	s10 =	rddreg [dreg:$0xb];
	[sflag:s25] =	ssyncadd.s32 $0xFFFFD800  }
0x18a: {  	[tilespmem:s16], [sflag:$0x2] =	stream.indirect.gather [hbm4b:s4+s13], $0x80, s10, s13, $0xb8;
	[tilespmem:$0x1F000] =	vst v63  }
0x18b: {  	_ =	swait.ge [sflag:s26], $0x2800  }
0x18c: {  	[sflag:s26] =	ssyncset.done $0x0  }
0x18d: {  	s7 =	rddreg [dreg:$0xc];
	[sflag:s26] =	ssyncadd.s32 $0xFFFFD800  }
0x18e: {  	[spmem:s1] =	stream.indirect.scatter.add.f32 [tilespmem:s18], [sflag:$0x7], $0x80, s7, s13, $0xb8;
	[tilespmem:$0x1F000] =	vst v63  }
0x18f: {  	_ =	swait.ge [sflag:s28], $0x2800  }
0x190: {  	[sflag:s28] =	ssyncset.done $0x0  }
0x191: {  	s8 =	rddreg [dreg:$0xd];
	[sflag:s28] =	ssyncadd.s32 $0xFFFFD800  }
0x192: {  	[tilespmem:s18], [sflag:$0x3] =	stream.indirect.gather [hbm4b:s4+s13], $0x80, s8, s13, $0xb8;
	[tilespmem:$0x1F000] =	vst v63  }
0x193: {  	_ =	swait.ge [sflag:s29], $0x2800  }
0x194: {  	[sflag:s29] =	ssyncset.done $0x0  }
0x195: {  	s9 =	rddreg [dreg:$0xe];
	[sflag:s29] =	ssyncadd.s32 $0xFFFFD800  }
0x196: {  	[spmem:s1] =	stream.indirect.scatter.add.f32 [tilespmem:s21], [sflag:$0x8], $0x80, s9, s13, $0xb8;
	[tilespmem:$0x1F000] =	vst v63  }
0x197: {  	_ =	swait.ge [sflag:s30], $0x2800  }
0x198: {  	[sflag:s30] =	ssyncset.done $0x0  }
0x199: {  	s10 =	rddreg [dreg:$0xf];
	[sflag:s30] =	ssyncadd.s32 $0xFFFFD800  }
0x19a: {  	[tilespmem:s21], [sflag:$0x4] =	stream.indirect.gather [hbm4b:s4+s13], $0x80, s10, s13, $0xb8;
	[tilespmem:$0x1F000] =	vst v63  }
0x19b: {  	_ =	swait.ge [sflag:s22], $0x2800  }
0x19c: {  	[sflag:s22] =	ssyncset.done $0x0  }
0x19d: {  	s7 =	rddreg [dreg:$0x10];
	[sflag:s22] =	ssyncadd.s32 $0xFFFFD800  }
0x19e: {  	[spmem:s1] =	stream.indirect.scatter.add.f32 [tilespmem:s14], [sflag:$0x5], $0x80, s7, s13, $0xb8;
	[tilespmem:$0x1F000] =	vst v63  }
0x19f: {  	_ =	swait.ge [sflag:s23], $0x2800  }
0x1a0: {  	[sflag:s23] =	ssyncset.done $0x0  }
0x1a1: {  	[sflag:s23] =	ssyncadd.s32 $0xFFFFD800  }
0x1a2: {  	_ =	swait.ge [sflag:s31], $0x400  }
0x1a3: {  	[sflag:s31] =	ssyncset.done $0x0  }
0x1a4: {  	[sflag:s31] =	ssyncadd.s32 $0xFFFFFC00  }
0x1a5: {  	_ =	swait.ge [sflag:s31], $0x400  }
0x1a6: {  	[sflag:s31] =	ssyncset.done $0x0  }
0x1a7: {  	[sflag:s31] =	ssyncadd.s32 $0xFFFFFC00  }
0x1a8: {  	[tilespmem:s14], [sflag:$0x1] =	stream.indirect.gather [hbm4b:s4+s13], $0x80, s19, s13, $0xb8;
	[tilespmem:$0x1F000] =	vst v63  }
0x1a9: {  	_ =	swait.ge [sflag:s24], $0x2800  }
0x1aa: {  	[sflag:s24] =	ssyncset.done $0x0  }
0x1ab: {  	s8 =	rddreg [dreg:$0x11];
	[sflag:s24] =	ssyncadd.s32 $0xFFFFD800  }
0x1ac: {  	[spmem:s1] =	stream.indirect.scatter.add.f32 [tilespmem:s16], [sflag:$0x6], $0x80, s8, s13, $0xb8;
	[tilespmem:$0x1F000] =	vst v63  }
0x1ad: {  	_ =	swait.ge [sflag:s25], $0x2800  }
0x1ae: {  	[sflag:s25] =	ssyncset.done $0x0  }
0x1af: {  	s9 =	rddreg [dreg:$0x12];
	[sflag:s25] =	ssyncadd.s32 $0xFFFFD800  }
0x1b0: {  	[tilespmem:s16], [sflag:$0x2] =	stream.indirect.gather [hbm4b:s4+s13], $0x80, s9, s13, $0xb8;
	[tilespmem:$0x1F000] =	vst v63  }
0x1b1: {  	_ =	swait.ge [sflag:s26], $0x2800  }
0x1b2: {  	[sflag:s26] =	ssyncset.done $0x0  }
0x1b3: {  	s10 =	rddreg [dreg:$0x13];
	[sflag:s26] =	ssyncadd.s32 $0xFFFFD800  }
0x1b4: {  	[spmem:s1] =	stream.indirect.scatter.add.f32 [tilespmem:s18], [sflag:$0x7], $0x80, s10, s13, $0xb8;
	[tilespmem:$0x1F000] =	vst v63  }
0x1b5: {  	_ =	swait.ge [sflag:s28], $0x2800  }
0x1b6: {  	[sflag:s28] =	ssyncset.done $0x0  }
0x1b7: {  	s7 =	rddreg [dreg:$0x14];
	[sflag:s28] =	ssyncadd.s32 $0xFFFFD800  }
0x1b8: {  	[tilespmem:s18], [sflag:$0x3] =	stream.indirect.gather [hbm4b:s4+s13], $0x80, s7, s13, $0xb8;
	[tilespmem:$0x1F000] =	vst v63  }
0x1b9: {  	_ =	swait.ge [sflag:s29], $0x2800  }
0x1ba: {  	[sflag:s29] =	ssyncset.done $0x0  }
0x1bb: {  	s8 =	rddreg [dreg:$0x15];
	[sflag:s29] =	ssyncadd.s32 $0xFFFFD800  }
0x1bc: {  	[spmem:s1] =	stream.indirect.scatter.add.f32 [tilespmem:s21], [sflag:$0x8], $0x80, s8, s13, $0xb8;
	[tilespmem:$0x1F000] =	vst v63  }
0x1bd: {  	p0 =	seq.s32 s5, $0x700;
	_ =	swait.ge [sflag:s30], $0x2800  }
0x1be: {  	s8 =	simm.s32 @!p0 $0x0;
	s6 =	rddreg [dreg:$0x5];
	[sflag:s30] =	ssyncset.done $0x0  }
0x1bf: {  	s7 =	rddreg [dreg:$0x4];
	[sflag:s30] =	ssyncadd.s32 $0xFFFFD800;
	s6 =	sadd.s32 @!p0 s5, s6  }
0x1c0: {  	[tilespmem:s8], [sflag:$0x9] =	stream.linear.gather @!p0 [hbm4b:s6+s8], $0x400, $0x38;
	[tilespmem:$0x1F000] =	vst v63  }
0x1c1: {  	s5 =	sadd.s32 @!p0 s5, s7;
	s6 =	simm.s32 @!p0 $0x800  }
0x1c2: {  	[tilespmem:s6], [sflag:$0x9] =	stream.linear.gather @!p0 [hbm4b:s5+s8], $0x400, $0x38;
	[tilespmem:$0x1F000] =	vst v63  }
0x1c3: {  	s9 =	rddreg [dreg:$0x16]  }
0x1c4: {  	[tilespmem:s21], [sflag:$0x4] =	stream.indirect.gather [hbm4b:s4+s13], $0x80, s9, s13, $0xb8;
	[tilespmem:$0x1F000] =	vst v63  }
0x1c5: {  	_ =	swait.ge [sflag:s22], $0x2800  }
0x1c6: {  	[sflag:s22] =	ssyncset.done $0x0  }
0x1c7: {  	[sflag:s22] =	ssyncadd.s32 $0xFFFFD800  }
0x1c8: {  	[spmem:s1] =	stream.indirect.scatter.add.f32 [tilespmem:s14], [sflag:$0x5], $0x80, s20, s13, $0xb8;
	[tilespmem:$0x1F000] =	vst v63  }
0x1c9: {  	_ =	swait.ge [sflag:s23], $0x2800  }
0x1ca: {  	[sflag:s23] =	ssyncset.done $0x0  }
0x1cb: {  	s10 =	rddreg [dreg:$0x17];
	[sflag:s23] =	ssyncadd.s32 $0xFFFFD800  }
0x1cc: {  	[tilespmem:s14], [sflag:$0x1] =	stream.indirect.gather [hbm4b:s4+s13], $0x80, s10, s13, $0xb8;
	[tilespmem:$0x1F000] =	vst v63  }
0x1cd: {  	_ =	swait.ge [sflag:s24], $0x2800  }
0x1ce: {  	[sflag:s24] =	ssyncset.done $0x0  }
0x1cf: {  	s6 =	rddreg [dreg:$0x18];
	[sflag:s24] =	ssyncadd.s32 $0xFFFFD800  }
0x1d0: {  	[spmem:s1] =	stream.indirect.scatter.add.f32 [tilespmem:s16], [sflag:$0x6], $0x80, s6, s13, $0xb8;
	[tilespmem:$0x1F000] =	vst v63  }
0x1d1: {  	_ =	swait.ge [sflag:s25], $0x2800  }
0x1d2: {  	[sflag:s25] =	ssyncset.done $0x0  }
0x1d3: {  	s7 =	rddreg [dreg:$0x19];
	[sflag:s25] =	ssyncadd.s32 $0xFFFFD800  }
0x1d4: {  	[tilespmem:s16], [sflag:$0x2] =	stream.indirect.gather [hbm4b:s4+s13], $0x80, s7, s13, $0xb8;
	[tilespmem:$0x1F000] =	vst v63  }
0x1d5: {  	_ =	swait.ge [sflag:s26], $0x2800  }
0x1d6: {  	[sflag:s26] =	ssyncset.done $0x0  }
0x1d7: {  	s8 =	rddreg [dreg:$0x1a];
	[sflag:s26] =	ssyncadd.s32 $0xFFFFD800  }
0x1d8: {  	[spmem:s1] =	stream.indirect.scatter.add.f32 [tilespmem:s18], [sflag:$0x7], $0x80, s8, s13, $0xb8;
	[tilespmem:$0x1F000] =	vst v63  }
0x1d9: {  	_ =	swait.ge [sflag:s28], $0x2800  }
0x1da: {  	[sflag:s28] =	ssyncset.done $0x0  }
0x1db: {  	s9 =	rddreg [dreg:$0x1b];
	[sflag:s28] =	ssyncadd.s32 $0xFFFFD800  }
0x1dc: {  	[tilespmem:s18], [sflag:$0x3] =	stream.indirect.gather [hbm4b:s4+s13], $0x80, s9, s13, $0xb8;
	[tilespmem:$0x1F000] =	vst v63  }
0x1dd: {  	_ =	swait.ge [sflag:s29], $0x2800  }
0x1de: {  	[sflag:s29] =	ssyncset.done $0x0  }
0x1df: {  	s10 =	rddreg [dreg:$0x1c];
	[sflag:s29] =	ssyncadd.s32 $0xFFFFD800  }
0x1e0: {  	[spmem:s1] =	stream.indirect.scatter.add.f32 [tilespmem:s21], [sflag:$0x8], $0x80, s10, s13, $0xb8;
	[tilespmem:$0x1F000] =	vst v63  }
0x1e1: {  	_ =	swait.ge [sflag:s30], $0x2800  }
0x1e2: {  	[sflag:s30] =	ssyncset.done $0x0  }
0x1e3: {  	s6 =	rddreg [dreg:$0x1d];
	[sflag:s30] =	ssyncadd.s32 $0xFFFFD800  }
0x1e4: {  	[tilespmem:s21], [sflag:$0x4] =	stream.indirect.gather [hbm4b:s4+s13], $0x80, s6, s13, $0xb8;
	[tilespmem:$0x1F000] =	vst v63  }
0x1e5: {  	_ =	swait.ge [sflag:s22], $0x2800  }
0x1e6: {  	p0 =	sgt.u32 s2, $0xE;
	[sflag:s22] =	ssyncset.done $0x0  }
0x1e7: {  	s2 =	simm.s32 @p0 $0x2;
	s7 =	rddreg [dreg:$0x1e];
	[sflag:s22] =	ssyncadd.s32 $0xFFFFD800  }
0x1e8: {  	[spmem:s1] =	stream.indirect.scatter.add.f32 [tilespmem:s14], [sflag:$0x5], $0x80, s7, s13, $0xb8;
	[tilespmem:$0x1F000] =	vst v63  }
0x1e9: {  	_ =	swait.ge @p0 [sflag:s2], $0x2800  }
0x1ea: {  	s5 =	simm.s32 @p0 $0x3800;
	[sflag:s2] =	ssyncset.done @p0 $0x0  }
0x1eb: {  	s6 =	simm.s32 @p0 $0x50;
	[sflag:s2] =	ssyncadd.s32 @p0 $0xFFFFD800;
	s2 =	simm.s32 @p0 $0xE80  }
0x1ec: {  	[spmem:s1] =	stream.indirect.scatter.add.f32 @p0 [tilespmem:s5], [sflag:$0x6], $0x80, s2, s6, $0xb8;
	[tilespmem:$0x1F000] =	vst v63  }
0x1ed: {  	s2 =	simm.s32 @!p0 $0x5  }
0x1ee: {  	_ =	swait.ge @!p0 [sflag:s2], $0x2800  }
0x1ef: {  	[sflag:s2] =	ssyncset.done @!p0 $0x0  }
0x1f0: {  	s5 =	simm.s32 @!p0 $0x9;
	[sflag:s2] =	ssyncadd.s32 @!p0 $0xFFFFD800  }
0x1f1: {  	_ =	swait.ge @!p0 [sflag:s5], $0x400  }
0x1f2: {  	[sflag:s5] =	ssyncset.done @!p0 $0x0  }
0x1f3: {  	[sflag:s5] =	ssyncadd.s32 @!p0 $0xFFFFFC00  }
0x1f4: {  	_ =	swait.ge @!p0 [sflag:s5], $0x400  }
0x1f5: {  	s6 =	simm.s32 @!p0 $0x50;
	[sflag:s5] =	ssyncset.done @!p0 $0x0  }
0x1f6: {  	s2 =	simm.s32 @!p0 $0x1000;
	[sflag:s5] =	ssyncadd.s32 @!p0 $0xFFFFFC00;
	s5 =	simm.s32 @!p0 $0x0  }
0x1f7: {  	[tilespmem:s2], [sflag:$0x1] =	stream.indirect.gather @!p0 [hbm4b:s4+s6], $0x80, s5, s6, $0xb8;
	[tilespmem:$0x1F000] =	vst v63  }
0x1f8: {  	s2 =	simm.s32 @!p0 $0x2  }
0x1f9: {  	_ =	swait.ge @!p0 [sflag:s2], $0x2800  }
0x1fa: {  	[sflag:s2] =	ssyncset.done @!p0 $0x0  }
0x1fb: {  	s5 =	simm.s32 @!p0 $0xE80;
	[sflag:s2] =	ssyncadd.s32 @!p0 $0xFFFFD800;
	s2 =	simm.s32 @!p0 $0x3800  }
0x1fc: {  	[spmem:s1] =	stream.indirect.scatter.add.f32 @!p0 [tilespmem:s2], [sflag:$0x6], $0x80, s5, s6, $0xb8;
	[tilespmem:$0x1F000] =	vst v63  }
0x1fd: {  	s5 =	simm.s32 @!p0 $0x6  }
0x1fe: {  	_ =	swait.ge @!p0 [sflag:s5], $0x2800  }
0x1ff: {  	[sflag:s5] =	ssyncset.done @!p0 $0x0  }
0x200: {  	[sflag:s5] =	ssyncadd.s32 @!p0 $0xFFFFD800;
	s5 =	simm.s32 @!p0 $0x80  }
0x201: {  	[tilespmem:s2], [sflag:$0x2] =	stream.indirect.gather @!p0 [hbm4b:s4+s6], $0x80, s5, s6, $0xb8;
	[tilespmem:$0x1F000] =	vst v63  }
0x202: {  	_ =	swait.ge [sflag:s26], $0x2800  }
0x203: {  	[sflag:s26] =	ssyncset.done $0x0  }
0x204: {  	s5 =	simm.s32 @!p0 $0x7;
	s8 =	rddreg [dreg:$0x1f];
	[sflag:s26] =	ssyncadd.s32 $0xFFFFD800  }
0x205: {  	[spmem:s1] =	stream.indirect.scatter.add.f32 [tilespmem:s18], [sflag:$0x7], $0x80, s8, s13, $0xb8;
	[tilespmem:$0x1F000] =	vst v63  }
0x206: {  	_ =	swait.ge @!p0 [sflag:s5], $0x2800  }
0x207: {  	[sflag:s5] =	ssyncset.done @!p0 $0x0  }
0x208: {  	s2 =	simm.s32 @!p0 $0x100;
	[sflag:s5] =	ssyncadd.s32 @!p0 $0xFFFFD800;
	s5 =	simm.s32 @!p0 $0x6000  }
0x209: {  	[tilespmem:s5], [sflag:$0x3] =	stream.indirect.gather @!p0 [hbm4b:s4+s6], $0x80, s2, s6, $0xb8;
	[tilespmem:$0x1F000] =	vst v63  }
0x20a: {  	_ =	swait.ge [sflag:s29], $0x2800  }
0x20b: {  	s9 =	sld [smem:$0x7FD]  }
0x20c: {  	[sflag:s29] =	ssyncset.done $0x0  }
0x20d: {  	[sflag:s29] =	ssyncadd.s32 $0xFFFFD800  }
0x20e: {  	[spmem:s1] =	stream.indirect.scatter.add.f32 [tilespmem:s21], [sflag:$0x8], $0x80, s9, s13, $0xb8;
	[tilespmem:$0x1F000] =	vst v63  }
0x20f: {  	_ =	swait.ge [sflag:s23], $0x2800  }
0x210: {  	[sflag:s23] =	ssyncset.done $0x0  }
0x211: {  	[sflag:s23] =	ssyncadd.s32 $0xFFFFD800  }
0x212: {  	_ =	swait.ge [sflag:s25], $0x2800  }
0x213: {  	[sflag:s25] =	ssyncset.done $0x0  }
0x214: {  	[sflag:s25] =	ssyncadd.s32 $0xFFFFD800  }
0x215: {  	_ =	swait.ge [sflag:s28], $0x2800  }
0x216: {  	[sflag:s28] =	ssyncset.done $0x0  }
0x217: {  	[sflag:s28] =	ssyncadd.s32 $0xFFFFD800  }
0x218: {  	_ =	swait.ge [sflag:s30], $0x2800  }
0x219: {  	[sflag:s30] =	ssyncset.done $0x0  }
0x21a: {  	[sflag:s30] =	ssyncadd.s32 $0xFFFFD800  }
0x21b: {  	[bflag:$0x0] =	sbarrier.arrive $0xFFFF  }
0x21c: {  	s10 =	sld [smem:$0x7FB];
	_ =	sdelay $0x2  }
0x21d: {  	[hbm:s10], [sflag:s15] =	dma.local [spmem:s17], $0x2800  }
0x21e: {  	_ =	swait.ge [sflag:s11], $0x2800  }
0x21f: {  	s17 =	sld [smem:$0x7FC];
	_ =	sdelay $0x1  }
0x220: {  	s0 =	sadd.s32 $0x1, s0  }
0x221: {  	p0 =	sne.s32 s0, s17  }
.Ltmp1:
0x222: {  	_ = 	snop;
	(pc) =	sbr.rel @p0 .LBB2_1-.Ltmp1, $3  }
0x223: {  	_ =	sdelay $0x1  }
0x224: {  	[sflag:s11] =	ssyncset.done $0x0  }
0x225: {  	[sflag:s11] =	ssyncadd.s32 $0xFFFFD800  }
0x226: {  	_ =	sfence.sel $0x180000  }
0x227: {  	[bflag:$0x0] =	sbarrier.arrive $0xFFFF  }
0x228: {  	_ =	strace $0x9000004D  }
0x229: {  	s0 =	stileid.u32;
	[bflag:$0x2] =	sbarrier.arrive $0xFFFF  }
0x22a: {  	p0 =	sne.s32 s0, $0x0;
	s0 =	rddreg [dreg:$0x3]  }
0x22b: {  	s0 =	sadd.s32 @!p0 $0x100000, s0  }
0x22c: {  	[sflag:s0] =	ssyncadd.tile.s32 @!p0 $0x1;
	_ =	shalt  }
.Lfunc_end2:
_tile_overlayer_lowered:
.L_overlay_start_2:
0x22d: {  	(tag) =	ssettag $0x2  }
0x22e: {  	s0 =	rddreg [dreg:$0x0];
	s2 =	stileid.u32  }
0x22f: {  	s1 =	rddreg [dreg:$0x1];
	p0 =	sne.s32 s2, $0x0  }
0x230: {  	s3 =	rddreg [dreg:$0x2];
	[bflag:$0x3] =	sbarrier.arrive $0xFFFF;
	s2 =	simm.s32 @!p0 $0x1C0B  }
0x231: {  	[timem:s3], [sflag:s2] =	dma.local @!p0 [hbm:s0], s1  }
0x232: {  	s0 =	simm.s32 @!p0 $0xB  }
0x233: {  	_ =	swait.ge @!p0 [sflag:s0], s1  }
0x234: {  	s1 =	ssub.s32 @!p0 $0x0, s1;
	[sflag:s0] =	ssyncset.done @!p0 $0x0  }
0x235: {  	[sflag:s0] =	ssyncadd.s32 @!p0 s1  }
0x236: {  	[bflag:$0x3] =	sbarrier.arrive $0xFFFF  }
0x237: {  	_ =	shalt  }

// kernel: kernel.9.cloned.1.call-start
scs
__scs_entry_jumppad:
0x0: {  	(pc) =	sbr.rel $0x88, $3  }
0x1: {  	(tag) =	ssettag $0x0;
	lr =	simm.s32 $0x1  }
0x2: {  	[smem:$0x3F9B] =	sst lr;
	_ =	strace $0xD0000000  }
0x3: {  	_ = 	snop  }
0x4: {  	_ = 	snop  }
0x5: {  	_ = 	snop  }
0x6: {  	_ = 	snop  }
0x7: {  	_ = 	snop  }
__scs_overlays_trampoline_lowered:
0x8: {  	[smem:$0x3FAA] =	sst s0  }
0x9: {  	[smem:$0x3FAB] =	sst s1  }
0xa: {  	[smem:$0x3FAC] =	sst s2  }
0xb: {  	[smem:$0x3FAD] =	sst s3  }
0xc: {  	[smem:$0x3FAE] =	sst s4  }
0xd: {  	[smem:$0x3FAF] =	sst s5  }
0xe: {  	[smem:$0x3FB0] =	sst s6  }
0xf: {  	[smem:$0x3FB1] =	sst s7  }
0x10: {  	[smem:$0x3FB2] =	sst s8  }
0x11: {  	[smem:$0x3FB3] =	sst s9;
	s0 =	simm.s32 @!p0 $0x0  }
0x12: {  	s1 =	sld [smem:$0x3F99];
	s0 =	simm.s32 @p0 $0x1  }
0x13: {  	[smem:$0x3FB4] =	sst s0;
	s0 =	simm.s32 @!p1 $0x0  }
0x14: {  	s2 =	sld [smem:$0x3F98];
	s0 =	simm.s32 @p1 $0x1  }
0x15: {  	[smem:$0x3FB5] =	sst s0;
	s0 =	simm.s32 @!p2 $0x0  }
0x16: {  	s3 =	sld [smem:$0x3FDB];
	s0 =	simm.s32 @p2 $0x1  }
0x17: {  	s4 =	simm.s32 $0x1BF5;
	[smem:$0x3FB7] =	sst s0  }
0x18: {  	s0 =	sld [smem:$0x3F9A];
	_ =	swait.ge [sflag:s4], $0x0  }
0x19: {  	s7 =	sld [smem:$0x3F9B]  }
0x1a: {  	s8 =	sadd.s32 $0xFFFFE003, lr  }
0x1b: {  	s9 =	sadd.s32 $0xFFFFFEF7, lr;
	s5 =	simm.s32 $0xFFFFFFFF;
	p2 =	slt.u32 s8, $0xFFFFF086  }
0x1c: {  	p1 =	slt.u32 s9, $0xF7A;
	s5 =	simm.s32 @!p2 $0x0  }
0x1d: {  	s5 =	simm.s32 @p1 $0x1;
	p0 =	seq.s32 s7, s2  }
0x1e: {  	s7 =	smul.u32 @!p0 $0xF7A, s2;
	p2 =	seq.s32 @!p0 s5, $0x0  }
0x1f: {  	s9 =	smul.u32 $0xF7A, s1;
	s8 =	simm.s32 @!p0 $0x1BF5;
	p2 =	por !p2, p0  }
0x20: {  	[sflag:s8] =	ssyncset.s32 @!p0 $0xFFFFF086;
	s6 =	sadd.s32 @!p0 s3, s7;
	s7 =	simm.s32 @!p0 $0x108  }
0x21: {  	s3 =	sadd.s32 s3, s9;
	s6 =	sadd.s32 @!p0 $0x88, s6;
	s7 =	simm.s32 @p2 $0x1082  }
0x22: {  	[simem:s7], [sflag:s8] =	dma.local @!p0 [hbm:s6], $0xF7A  }
0x23: {  	s9 =	sor.u32 $0xD0000000, s2;
	s6 =	simm.s32 $0x108;
	_ =	swait.ge @!p0 [sflag:s8], $0x0  }
0x24: {  	s3 =	sadd.s32 $0x88, s3;
	s6 =	simm.s32 @!p1 $0x1082;
	[sflag:s4] =	ssyncset.s32 $0xFFFFF086  }
0x25: {  	[simem:s6], [sflag:s4] =	dma.local [hbm:s3], $0xF7A  }
0x26: {  	[smem:$0x3F9B] =	sst s1;
	(tag) =	ssettag s2;
	_ =	strace s9  }
0x27: {  	s1 =	sld [smem:$0x3FAB]  }
0x28: {  	s2 =	sld [smem:$0x3FAC]  }
0x29: {  	s4 =	sld [smem:$0x3FAE]  }
0x2a: {  	p0 =	seq.s32 s5, $0x0;
	s5 =	sld [smem:$0x3FAF]  }
0x2b: {  	s6 =	sld [smem:$0x3FB0]  }
0x2c: {  	s7 =	sld [smem:$0x3FB1]  }
0x2d: {  	s3 =	simm.s32 $0x108;
	s8 =	sld [smem:$0x3FB2]  }
0x2e: {  	s3 =	simm.s32 @!p0 $0x1082;
	s9 =	sld [smem:$0x3FB3]  }
0x2f: {  	lr =	sadd.s32 s0, s3;
	s0 =	sld [smem:$0x3FAA]  }
0x30: {  	s3 =	sld [smem:$0x3FAD]  }
0x31: {  	[smem:$0x3FB6] =	sst s10  }
0x32: {  	s10 =	sld [smem:$0x3FB4];
	_ =	sdelay $0x3  }
0x33: {  	p0 =	seq.s32 s10, $0x1;
	s10 =	sld [smem:$0x3FB6];
	_ =	sdelay $0x3  }
0x34: {  	[smem:$0x3FB6] =	sst s10  }
0x35: {  	s10 =	sld [smem:$0x3FB5];
	_ =	sdelay $0x3  }
0x36: {  	p1 =	seq.s32 s10, $0x1;
	s10 =	sld [smem:$0x3FB6];
	_ =	sdelay $0x3  }
0x37: {  	[smem:$0x3FB6] =	sst s10  }
0x38: {  	s10 =	sld [smem:$0x3FB7]  }
0x39: {  	_ = 	snop;
	(pc) =	sbr.ind lr, $3  }
0x3a: {  	_ = 	snop  }
0x3b: {  	_ = 	snop  }
0x3c: {  	p2 =	seq.s32 s10, $0x1;
	s10 =	sld [smem:$0x3FB6]  }
0x3d: {  	_ =	shalt  }
0x3e: {  	_ =	shalt  }
0x3f: {  	_ =	shalt  }
0x40: {  	_ =	shalt  }
0x41: {  	_ =	shalt  }
0x42: {  	_ =	shalt  }
0x43: {  	_ =	shalt  }
0x44: {  	_ =	shalt  }
0x45: {  	_ =	shalt  }
0x46: {  	_ =	shalt  }
0x47: {  	_ =	shalt  }
0x48: {  	_ =	shalt  }
0x49: {  	_ =	shalt  }
0x4a: {  	_ =	shalt  }
0x4b: {  	_ =	shalt  }
0x4c: {  	_ =	shalt  }
0x4d: {  	_ =	shalt  }
0x4e: {  	_ =	shalt  }
0x4f: {  	_ =	shalt  }
0x50: {  	_ =	shalt  }
0x51: {  	_ =	shalt  }
0x52: {  	_ =	shalt  }
0x53: {  	_ =	shalt  }
0x54: {  	_ =	shalt  }
0x55: {  	_ =	shalt  }
0x56: {  	_ =	shalt  }
0x57: {  	_ =	shalt  }
0x58: {  	_ =	shalt  }
0x59: {  	_ =	shalt  }
0x5a: {  	_ =	shalt  }
0x5b: {  	_ =	shalt  }
0x5c: {  	_ =	shalt  }
0x5d: {  	_ =	shalt  }
0x5e: {  	_ =	shalt  }
0x5f: {  	_ =	shalt  }
0x60: {  	_ =	shalt  }
0x61: {  	_ =	shalt  }
0x62: {  	_ =	shalt  }
0x63: {  	_ =	shalt  }
0x64: {  	_ =	shalt  }
0x65: {  	_ =	shalt  }
0x66: {  	_ =	shalt  }
0x67: {  	_ =	shalt  }
0x68: {  	_ =	shalt  }
0x69: {  	_ =	shalt  }
0x6a: {  	_ =	shalt  }
0x6b: {  	_ =	shalt  }
0x6c: {  	_ =	shalt  }
0x6d: {  	_ =	shalt  }
0x6e: {  	_ =	shalt  }
0x6f: {  	_ =	shalt  }
0x70: {  	_ =	shalt  }
0x71: {  	_ =	shalt  }
0x72: {  	_ =	shalt  }
0x73: {  	_ =	shalt  }
0x74: {  	_ =	shalt  }
0x75: {  	_ =	shalt  }
0x76: {  	_ =	shalt  }
0x77: {  	_ =	shalt  }
0x78: {  	_ =	shalt  }
0x79: {  	_ =	shalt  }
0x7a: {  	_ =	shalt  }
0x7b: {  	_ =	shalt  }
0x7c: {  	_ =	shalt  }
0x7d: {  	_ =	shalt  }
0x7e: {  	_ =	shalt  }
0x7f: {  	_ =	shalt  }
0x80: {  	_ =	shalt  }
0x81: {  	_ =	shalt  }
0x82: {  	_ =	shalt  }
0x83: {  	_ =	shalt  }
0x84: {  	_ =	shalt  }
0x85: {  	_ =	shalt  }
0x86: {  	_ =	shalt  }
0x87: {  	_ =	shalt  }
.Lfunc_end0:
.L_simem_size_0:
called_computation_lowered:
.L_overlay_start_0:
0x88: {  	s2 =	sld [smem:$0x3FD9]  }
0x89: {  	s3 =	sld [smem:$0x3FFE];
	_ =	sdelay $0x1  }
0x8a: {  	s1 =	srdreg.scid  }
0x8b: {  	s0 =	sand.u32 $0x1, s1  }
0x8c: {  	s17 =	sshll.u32 s0, $0xA;
	s2 =	sadd.s32 s3, s2  }
0x8d: {  	s2 =	sadd.s32 s2, s17  }
0x8e: {  	[smem:$0x3FC2] =	sst s2  }
0x8f: {  	_ = 	snop  }
0x90: {  	s2 =	sld [smem:$0x3FD0];
	(tm) =	ssettm $0x1  }
0x91: {  	s18 =	sld [smem:$0x3FFB];
	_ =	sdelay $0x3  }
0x92: {  	_ =	strace s18  }
0x93: {  	s3 =	sld [smem:$0x3FFC];
	_ =	sdelay $0x3  }
0x94: {  	_ =	strace s3  }
0x95: {  	s3 =	sld [smem:$0x3FFD];
	_ =	sdelay $0x3  }
0x96: {  	_ =	strace s3  }
0x97: {  	_ =	strace $0x8FFFFFFF  }
0x98: {  	s19 =	sld [smem:$0x3FDB];
	_ =	sdelay $0x1  }
0x99: {  	s4 =	simm.s32 $_scs_section_size  }
0x9a: {  	s5 =	simm.s32 $_size__tile_overlayer_lowered;
	s6 =	simm.s32 $_tile_overlayer_lowered  }
0x9b: {  	s22 =	simm.s32 $0x1BFF;
	s21 =	sshll.u32 s6, $0x1;
	s3 =	sadd.s32 s4, s19  }
0x9c: {  	s7 =	simm.s32 $0x0;
	s20 =	sshll.u32 s5, $0x1;
	s5 =	sadd.s32 s21, s3  }
0x9d: {  	[timem:s7], [sflag:s22] =	dma.local [hbm:s5], s20  }
0x9e: {  	_ =	swait.ge [sflag:s22], s20  }
0x9f: {  	s4 =	ssub.s32 $0x0, s20;
	[sflag:s22] =	ssyncset.done $0x0  }
0xa0: {  	[sflag:s22] =	ssyncadd.s32 s4;
	_ =	sdelay $0x1  }
0xa1: {  	s23 =	simm.s32 $0x1B8B  }
0xa2: {  	_ =	swait.ge [sflag:s23], $0x1  }
0xa3: {  	[sflag:s23] =	ssyncset.done $0x0  }
0xa4: {  	s25 =	simm.s32 $0x1B8E;
	s24 =	sld [smem:$0x3FFE];
	[sflag:s23] =	ssyncadd.s32 $0xFFFFFFFF  }
0xa5: {  	s26 =	simm.s32 $execute0_lowered;
	[smem:$0x3FD2] =	sst s25  }
0xa6: {  	s5 =	sshll.u32 s26, $0x1;
	_ =	strace $0x80000046;
	[dreg:$0x1] =	wrdreg $0xFFFFFFFF  }
0xa7: {  	s28 =	simm.s32 $_size_execute0_lowered;
	s3 =	sadd.s32 s3, s5;
	[dreg:$0x0] =	wrdreg $0x0  }
0xa8: {  	s5 =	sshll.u32 s28, $0x1;
	[dreg:$0x2] =	wrdreg s3  }
0xa9: {  	[dreg:$0x3] =	wrdreg s5  }
0xaa: {  	[dreg:$0x4] =	wrdreg $0xC0  }
0xab: {  	_ =	task [dreg:s7], $0x5FFFF  }
0xac: {  	[dreg:$0x1] =	wrdreg $0xFFFFFFFF  }
0xad: {  	[dreg:$0x0] =	wrdreg $0x60  }
0xae: {  	[dreg:$0x2] =	wrdreg s2  }
0xaf: {  	[dreg:$0x3] =	wrdreg s24  }
0xb0: {  	[dreg:$0x4] =	wrdreg $0x68800  }
0xb1: {  	[dreg:$0x5] =	wrdreg $0x9  }
0xb2: {  	_ =	task.clear_ibuf [dreg:s7], $0x6FFFF;
	_ =	strace $0x90000046  }
0xb3: {  	s29 =	simm.s32 $0x9;
	_ =	strace $0x80000048  }
0xb4: {  	_ =	swait.ge [sflag:s29], $0x1  }
0xb5: {  	[sflag:s29] =	ssyncadd.s32 $0xFFFFFFFF  }
0xb6: {  	_ =	strace $0x90000048  }
0xb7: {  	_ =	sfence  }
0xb8: {  	s30 =	sld [smem:$0x0];
	_ =	sdelay $0x2  }
0xb9: {  	s31 =	sshll.u32 s1, $0xD;
	s1 =	sshrl.u32 s1, $0x2  }
0xba: {  	s3 =	sand.u32 $0x4000, s31;
	s1 =	sadd.s32 s1, s30  }
0xbb: {  	s0 =	sor.u32 s3, s0;
	s1 =	sshll.u32 s1, $0x11  }
0xbc: {  	s0 =	sor.u32 s1, s0  }
0xbd: {  	s0 =	sadd.s32 $0x8F2B, s0  }
0xbe: {  	[sflag:s0] =	ssyncadd.remote.s32 $0x1  }
0xbf: {  	_ =	sfence.sel $0xFFFF  }
0xc0: {  	[dreg:$0x0] =	wrdreg $0xFFFFFFFF;
	(pc) =	sbr.abs _section_cstart, $3  }
0xc1: {  	[dreg:$0x1] =	wrdreg $0xFFFFFFFF  }
0xc2: {  	_ =	task.clear_ibuf [dreg:s7], $0x2FFFF;
	_ =	strace $0x9FFFFFFF  }
0xc3: {  	(tm) =	ssettm $0x7FFFFFFF  }
tec
execute0_lowered:
.L_overlay_start_1:
0x0: {  	(tag) =	ssettag $0x1  }
0x1: {  	s5 =	rddreg [dreg:$0x0]  }
0x2: {  	s6 =	rddreg [dreg:$0x1]  }
0x3: {  	s1 =	rddreg [dreg:$0x2]  }
0x4: {  	s0 =	rddreg [dreg:$0x3];
	s2 =	simm.s32 $0x0;
	s7 =	srdreg.scid  }
0x5: {  	s8 =	stileid.u32;
	s13 =	simm.s32 $0x0;
	[smem:$0x7FF] =	sst s2  }
0x6: {  	s3 =	sadd.s32 $0x2000, s6;
	s4 =	sadd.s32 $0x1E00, s6;
	s7 =	sand.u32 $0x1, s7  }
0x7: {  	s11 =	sshll.u32 s8, $0xB;
	p0 =	sne.s32 s8, $0x0;
	s8 =	simm.s32 $0x1  }
0x8: {  	_ =	strace $0x80000047;
	s9 =	smul.u32 $0x500, s7;
	s10 =	ssub.s32 $0x2, s7  }
0x9: {  	s7 =	sshll.u32 s7, $0xF;
	s5 =	sadd.s32 s5, s11;
	s11 =	sshrl.u32 @!p0 s1, $0x3  }
0xa: {  	s12 =	sshrl.u32 s10, $0x1;
	s5 =	sadd.s32 s7, s5;
	s6 =	sadd.s32 s9, s6  }
0xb: {  	s31 =	ssub.s32 s10, s12;
	s9 =	simm.s32 $0x4000;
	s10 =	simm.s32 $0x6800  }
0xc: {  	s12 =	simm.s32 $0x50;
	s6 =	sadd.s32 $0x2A000, s6;
	s7 =	smax.u32 s31, $0x1  }
.LBB2_1:
0xd: {  	[tilespmem:s2], [sflag:$0x1] =	stream.linear.gather [hbm4b:s5+s2], $0x4000, $0x38;
	[tilespmem:$0x6B00] =	vst v63  }
0xe: {  	_ =	swait.ge [sflag:s8], $0x4000  }
0xf: {  	[sflag:s8] =	ssyncset.done $0x0  }
0x10: {  	[sflag:s8] =	ssyncadd.s32 $0xFFFFC000  }
0x11: {  	[tilespmem:s9], [sflag:$0x1] =	stream.linear.gather [hbm4b:s3+s2], $0x2800, $0x38;
	[tilespmem:$0x6B00] =	vst v63  }
0x12: {  	_ =	swait.ge [sflag:s8], $0x2800  }
0x13: {  	[sflag:s8] =	ssyncset.done $0x0  }
0x14: {  	[sflag:s8] =	ssyncadd.s32 $0xFFFFD800  }
0x15: {  	[tilespmem:s10], [sflag:$0x1] =	stream.linear.gather [hbm4b:s4+s2], $0x80, $0x38;
	[tilespmem:$0x6B00] =	vst v63  }
0x16: {  	_ =	swait.ge [sflag:s8], $0x80  }
0x17: {  	[sflag:s8] =	ssyncset.done $0x0  }
0x18: {  	s14 =	simm.s32 @!p0 $0x1C01;
	[sflag:s8] =	ssyncadd.s32 $0xFFFFFF80  }
0x19: {  	[spmem:s11], [sflag:s14] =	dma.local @!p0 [hbm:s3], $0x500  }
0x1a: {  	s14 =	simm.s32 @!p0 $0x1  }
0x1b: {  	_ =	swait.ge @!p0 [sflag:s14], $0x500  }
0x1c: {  	[sflag:s14] =	ssyncset.done @!p0 $0x0  }
0x1d: {  	[sflag:s14] =	ssyncadd.s32 @!p0 $0xFFFFFB00;
	s14 =	simm.s32 $0x0  }
.LBB2_2:
0x1e: {  	s15 =	sshra.s32 s14, $0x2  }
0x1f: {  	v0 =	vld [tilespmem:s15+$0x0];
	_ =	sdelay $0x4  }
0x20: {  	(xrf1) =	vunique.msk.u32 $0xffff, v0;
	_ =	sdelay $0xd  }
0x21: {  	_, v1, vm0 =	vpop (xrf1);
	_ =	sdelay $0x3  }
0x22: {  	v1 =	vcvt.s32.f32 v1;
	_ =	sdelay $0x1  }
0x23: {  	[tilespmem:v0+s9+$0x0] =	vst.idx.add.f32.msk vm0, v1  }
0x24: {  	v0 =	vld [tilespmem:s15+$0x10];
	_ =	sdelay $0x4  }
0x25: {  	(xrf1) =	vunique.msk.u32 $0xffff, v0;
	_ =	sdelay $0xd  }
0x26: {  	_, v1, vm0 =	vpop (xrf1);
	_ =	sdelay $0x3  }
0x27: {  	v1 =	vcvt.s32.f32 v1;
	_ =	sdelay $0x1  }
0x28: {  	[tilespmem:v0+s9+$0x0] =	vst.idx.add.f32.msk vm0, v1  }
0x29: {  	v0 =	vld [tilespmem:s15+$0x20];
	_ =	sdelay $0x4  }
0x2a: {  	(xrf1) =	vunique.msk.u32 $0xffff, v0;
	_ =	sdelay $0xd  }
0x2b: {  	_, v1, vm0 =	vpop (xrf1);
	_ =	sdelay $0x3  }
0x2c: {  	v1 =	vcvt.s32.f32 v1;
	_ =	sdelay $0x1  }
0x2d: {  	[tilespmem:v0+s9+$0x0] =	vst.idx.add.f32.msk vm0, v1  }
0x2e: {  	v0 =	vld [tilespmem:s15+$0x30];
	_ =	sdelay $0x4  }
0x2f: {  	(xrf1) =	vunique.msk.u32 $0xffff, v0;
	_ =	sdelay $0xd  }
0x30: {  	_, v1, vm0 =	vpop (xrf1);
	_ =	sdelay $0x3  }
0x31: {  	v1 =	vcvt.s32.f32 v1;
	_ =	sdelay $0x1  }
0x32: {  	[tilespmem:v0+s9+$0x0] =	vst.idx.add.f32.msk vm0, v1  }
0x33: {  	v0 =	vld [tilespmem:s15+$0x40];
	_ =	sdelay $0x4  }
0x34: {  	(xrf1) =	vunique.msk.u32 $0xffff, v0;
	_ =	sdelay $0xd  }
0x35: {  	_, v1, vm0 =	vpop (xrf1)  }
0x36: {  	p1 =	sne.s32 s14, $0xFE00  }
.Ltmp0:
0x37: {  	_ = 	snop;
	(pc) =	sbr.rel @p1 .LBB2_2-.Ltmp0, $3  }
0x38: {  	_ = 	snop  }
0x39: {  	v1 =	vcvt.s32.f32 v1;
	_ =	sdelay $0x1  }
0x3a: {  	s14 =	sadd.s32 $0x200, s14;
	[tilespmem:v0+s9+$0x0] =	vst.idx.add.f32.msk vm0, v1  }
0x3b: {  	[bflag:$0x0] =	sbarrier.arrive $0xFFFF  }
0x3c: {  	[spmem:s1] =	stream.indirect.scatter.add.f32 [tilespmem:s9], [sflag:$0x1], $0x80, s10, s12, $0xb8;
	[tilespmem:$0x6B00] =	vst v63  }
0x3d: {  	_ =	swait.ge [sflag:s8], $0x2800  }
0x3e: {  	[sflag:s8] =	ssyncset.done $0x0  }
0x3f: {  	s13 =	sadd.s32 $0x1, s13;
	[sflag:s8] =	ssyncadd.s32 $0xFFFFD800  }
0x40: {  	s14 =	simm.s32 @!p0 $0x1C01;
	p1 =	sne.s32 s13, s7;
	[bflag:$0x0] =	sbarrier.arrive $0xFFFF  }
0x41: {  	[hbm:s6], [sflag:s14] =	dma.local @!p0 [spmem:s11], $0x500  }
.Ltmp1:
0x42: {  	_ = 	snop;
	(pc) =	sbr.rel @p1 .LBB2_1-.Ltmp1, $4  }
0x43: {  	s14 =	simm.s32 @!p0 $0x1  }
0x44: {  	_ =	swait.ge @!p0 [sflag:s14], $0x500  }
0x45: {  	[sflag:s14] =	ssyncset.done @!p0 $0x0  }
0x46: {  	[sflag:s14] =	ssyncadd.s32 @!p0 $0xFFFFFB00  }
0x47: {  	_ =	sfence.sel $0x180000  }
0x48: {  	[bflag:$0x0] =	sbarrier.arrive $0xFFFF  }
0x49: {  	_ =	strace $0x90000047  }
0x4a: {  	s0 =	sadd.s32 @!p0 $0x100000, s0;
	[bflag:$0x2] =	sbarrier.arrive $0xFFFF  }
0x4b: {  	[sflag:s0] =	ssyncadd.tile.s32 @!p0 $0x1;
	_ =	shalt  }
.Lfunc_end2:
_tile_overlayer_lowered:
.L_overlay_start_2:
0x4c: {  	(tag) =	ssettag $0x2  }
0x4d: {  	s0 =	rddreg [dreg:$0x0];
	s2 =	stileid.u32  }
0x4e: {  	s1 =	rddreg [dreg:$0x1];
	p0 =	sne.s32 s2, $0x0  }
0x4f: {  	s3 =	rddreg [dreg:$0x2];
	[bflag:$0x3] =	sbarrier.arrive $0xFFFF;
	s2 =	simm.s32 @!p0 $0x1C01  }
0x50: {  	[timem:s3], [sflag:s2] =	dma.local @!p0 [hbm:s0], s1  }
0x51: {  	s0 =	simm.s32 @!p0 $0x1  }
0x52: {  	_ =	swait.ge @!p0 [sflag:s0], s1  }
0x53: {  	s1 =	ssub.s32 @!p0 $0x0, s1;
	[sflag:s0] =	ssyncset.done @!p0 $0x0  }
0x54: {  	[sflag:s0] =	ssyncadd.s32 @!p0 s1  }
0x55: {  	[bflag:$0x3] =	sbarrier.arrive $0xFFFF  }
0x56: {  	_ =	shalt  }

</sc_bundles>
